<compile_context>
chip_gen: v7x
topology: tpu7x:2x2x1
jax: 0.10.2.dev20260603
libtpu: 0.0.44.dev20260713+nightly
codegen_flags: <defaults>
</compile_context>

<pallas_src>
import functools

import jax
import jax.numpy as jnp
from jax import lax
from jax.experimental import pallas as pl
from jax.experimental.pallas import tpu as pltpu
from jax.experimental.pallas import tpu_sc as plsc

SIZE = 2048
N_POINTS = 65536
NC = 2
NS = 16
NW = NC * NS
PTS_PER_S = N_POINTS // NS
BLK = PTS_PER_S // 16
WIN = 32 * SIZE
NB = 32
CAP = 16
L = 16
SEG = NS * CAP * L


def _body(x0_hbm, x1_hbm, x2_hbm, out_hbm, xv0, xv1, xv2, bidx, bval, cnt,
          region, zbuf, sp_bidx, sp_bval, sp_zero, sem_a, sem_b, sem_z,
          sem_x):
    cid = lax.axis_index("c")
    sid = lax.axis_index("s")
    wid = sid * NC + cid
    lanes = lax.iota(jnp.int32, L)

    base = sid * PTS_PER_S
    cpx0 = pltpu.async_copy(x0_hbm.at[pl.ds(base, PTS_PER_S)], xv0, sem_x)
    cpx1 = pltpu.async_copy(x1_hbm.at[pl.ds(base, PTS_PER_S)], xv1, sem_x)
    cpx2 = pltpu.async_copy(x2_hbm.at[pl.ds(base, PTS_PER_S)], xv2, sem_x)

    def xzero(k, carry):
        r = lax.shift_right_logical(k, 7)
        c = lax.bitwise_and(k, 127) * L
        zbuf[r, pl.ds(c, L)] = jnp.zeros((L,), jnp.float32)
        return carry

    lax.fori_loop(0, (2 * SIZE) // L, xzero, 0, unroll=16)
    pltpu.sync_copy(zbuf, sp_zero.at[pl.ds(sid * 2, 2)])
    plsc.subcore_barrier()
    cpz = pltpu.async_copy(sp_zero, region, sem_z)

    cpx0.wait()
    cpx1.wait()
    cpx2.wait()

    def czero(k, carry):
        cnt[pl.ds(k * L, L)] = jnp.zeros((L,), jnp.int32)
        return carry

    lax.fori_loop(0, NB * L // L, czero, 0, unroll=8)

    def sfill(k, carry):
        bidx[pl.ds(k * L, L)] = jnp.full((L,), -1, jnp.int32)
        return carry

    lax.fori_loop(0, (NB * L * CAP + L) // L, sfill, 0, unroll=8)

    gbase = lanes * BLK

    def route(j, carry):
        pts = gbase + j
        x0 = plsc.load_gather(xv0, [pts])
        x1 = plsc.load_gather(xv1, [pts])
        x2 = plsc.load_gather(xv2, [pts])
        xx = jnp.minimum((x0 * float(SIZE)).astype(jnp.int32), SIZE - 1)
        yy = jnp.minimum((x1 * float(SIZE)).astype(jnp.int32), SIZE - 1)
        idx = xx * SIZE + yy
        h = lax.shift_right_logical(idx, 16)
        keep = lax.bitwise_and(lax.shift_right_logical(h, 1), 1) == cid
        lb = lax.shift_right_logical(h, 2) * 2 + lax.bitwise_and(h, 1)
        key = lb * L + lanes
        c = plsc.load_gather(cnt, [key])
        pos = jnp.minimum(c, CAP - 1)
        addr = key * CAP + pos
        plsc.store_scatter(bidx, [addr], idx, mask=keep)
        plsc.store_scatter(bval, [addr], x2, mask=keep)
        plsc.store_scatter(cnt, [key], c + 1, mask=keep)
        return carry

    lax.fori_loop(0, BLK, route, 0, unroll=8)

    cp1 = pltpu.async_copy(bidx.at[pl.ds(0, NB * L * CAP)],
                           sp_bidx.at[pl.ds(sid * NB * L * CAP,
                                            NB * L * CAP)], sem_a)
    cp2 = pltpu.async_copy(bval.at[pl.ds(0, NB * L * CAP)],
                           sp_bval.at[pl.ds(sid * NB * L * CAP,
                                            NB * L * CAP)], sem_a)
    cp1.wait()
    cp2.wait()
    plsc.subcore_barrier()

    my_off = sid * (2 * L * CAP)
    pulls = []
    for src in range(NS):
        sp_off = src * (NB * L * CAP) + my_off
        pulls.append(pltpu.async_copy(
            sp_bidx.at[pl.ds(sp_off, 2 * L * CAP)],
            bidx.at[pl.ds(src * (2 * L * CAP), 2 * L * CAP)], sem_b))
        pulls.append(pltpu.async_copy(
            sp_bval.at[pl.ds(sp_off, 2 * L * CAP)],
            bval.at[pl.ds(src * (2 * L * CAP), 2 * L * CAP)], sem_b))

    def zero_body(k, carry):
        r = lax.shift_right_logical(k, 7)
        c = lax.bitwise_and(k, 127) * L
        region[r, pl.ds(c, L)] = jnp.zeros((L,), jnp.float32)
        return carry

    for hh in range(2):
        if hh == 0:
            cpz.wait()
            for p in pulls:
                p.wait()
        else:
            lax.fori_loop(0, WIN // L, zero_body, 0, unroll=32)

        h_mine = wid * 2 + hh

        def seg_body(seg, carry):
            src = lax.shift_right_logical(seg, 4)
            lane = lax.bitwise_and(seg, 15)
            sbase = (src * 2 + hh) * (L * CAP) + lane * CAP
            iv = bidx[pl.ds(sbase, L)]
            vv = bval[pl.ds(sbase, L)]
            m = lax.shift_right_logical(iv, 16) == h_mine
            loc = lax.bitwise_and(iv, WIN - 1)
            r = lax.shift_right_logical(loc, 11)
            cc = lax.bitwise_and(loc, SIZE - 1)
            plsc.store_scatter(region, [r, cc], vv, mask=m)
            return carry

        lax.fori_loop(0, NS * L, seg_body, 0, unroll=16)
        pltpu.sync_copy(region, out_hbm.at[pl.ds((wid * 2 + hh) * 32, 32)])


@functools.partial(
    pl.kernel,
    out_type=jax.ShapeDtypeStruct((SIZE, SIZE), jnp.float32),
    mesh=plsc.VectorSubcoreMesh(
        core_axis_name="c", subcore_axis_name="s", num_cores=NC,
        num_subcores=NS),
    compiler_params=pltpu.CompilerParams(needs_layout_passes=False),
    scratch_types=[
        pltpu.VMEM((PTS_PER_S,), jnp.float32),
        pltpu.VMEM((PTS_PER_S,), jnp.float32),
        pltpu.VMEM((PTS_PER_S,), jnp.float32),
        pltpu.VMEM((NB * L * CAP + L,), jnp.int32),
        pltpu.VMEM((NB * L * CAP + L,), jnp.float32),
        pltpu.VMEM((NB * L,), jnp.int32),
        pltpu.VMEM((32, SIZE), jnp.float32),
        pltpu.VMEM((2, SIZE), jnp.float32),
        pltpu.VMEM_SHARED((NS * NB * L * CAP,), jnp.int32),
        pltpu.VMEM_SHARED((NS * NB * L * CAP,), jnp.float32),
        pltpu.VMEM_SHARED((32, SIZE), jnp.float32),
        pltpu.SemaphoreType.DMA,
        pltpu.SemaphoreType.DMA,
        pltpu.SemaphoreType.DMA,
        pltpu.SemaphoreType.DMA,
    ],
)
def _scatter_image(x0_hbm, x1_hbm, x2_hbm, out_hbm, xv0, xv1, xv2, bidx,
                   bval, cnt, region, zbuf, sp_bidx, sp_bval, sp_zero,
                   sem_a, sem_b, sem_z, sem_x):
    _body(x0_hbm, x1_hbm, x2_hbm, out_hbm, xv0, xv1, xv2, bidx, bval, cnt,
          region, zbuf, sp_bidx, sp_bval, sp_zero, sem_a, sem_b, sem_z,
          sem_x)


def kernel(x):
    return _scatter_image(x[:, 0], x[:, 1], x[:, 2])

# --- scband reference (transcript-rebuilt; emitter-appended) ---
"""Pipeline reference for scband-visual-imitation-hard-83588653514800 (READ-ONLY COPY).

The authoritative reference and input builder live on the scoring server;
editing this copy changes nothing except your own understanding.
"""

import jax, jax.numpy as jnp
import numpy as np

SIZE = 2048
N_POINTS = 65536


def setup_inputs(seed: int = 0) -> dict:
    key = jax.random.key(seed)
    x = jax.random.uniform(key, (N_POINTS, 3), dtype=jnp.float32)
    return {"x": x}


def reference(x):
    size = SIZE
    # row_idx: xx = min(floor(px*size), size-1); yy = min(floor(py*size), size-1); idx = xx*size + yy
    xx = jnp.minimum(jnp.floor(x[:, 0] * size), size - 1).astype(jnp.int32)
    yy = jnp.minimum(jnp.floor(x[:, 1] * size), size - 1).astype(jnp.int32)
    idx = xx * size + yy
    src = x[:, 2]
    I = jnp.zeros((size * size,), dtype=jnp.float32)
    # torch scatter_ along dim=1 with overwrite semantics -> .at[idx].set
    I1 = I.at[idx].set(src)
    I2 = I1.reshape((size, size))
    return I2

if __name__ == "__main__":
    import jax
    _d = setup_inputs()
    print(jax.jit(kernel)(*tuple(_d.values())))

</pallas_src>

<mosaic_0001>
#map = affine_map<(d0, d1) -> (0)>
#map1 = affine_map<(d0, d1) -> (0, 0)>
module attributes {stable_mosaic.version = 14 : i64} {
  func.func @_scatter_image(%arg0: i32, %arg1: i32, %arg2: memref<65536xf32, #tpu.memory_space<hbm>>, %arg3: memref<65536xf32, #tpu.memory_space<hbm>>, %arg4: memref<65536xf32, #tpu.memory_space<hbm>>, %arg5: memref<2048x2048xf32, #tpu.memory_space<hbm>>, %arg6: memref<4096xf32, #tpu.memory_space<vmem>>, %arg7: memref<4096xf32, #tpu.memory_space<vmem>>, %arg8: memref<4096xf32, #tpu.memory_space<vmem>>, %arg9: memref<8208xi32, #tpu.memory_space<vmem>>, %arg10: memref<8208xf32, #tpu.memory_space<vmem>>, %arg11: memref<512xi32, #tpu.memory_space<vmem>>, %arg12: memref<32x2048xf32, #tpu.memory_space<vmem>>, %arg13: memref<2x2048xf32, #tpu.memory_space<vmem>>, %arg14: memref<131072xi32, #tpu.memory_space<vmem_shared>>, %arg15: memref<131072xf32, #tpu.memory_space<vmem_shared>>, %arg16: memref<32x2048xf32, #tpu.memory_space<vmem_shared>>, %arg17: memref<!tpu.dma_semaphore, #tpu.memory_space<semaphore_mem>>, %arg18: memref<!tpu.dma_semaphore, #tpu.memory_space<semaphore_mem>>, %arg19: memref<!tpu.dma_semaphore, #tpu.memory_space<semaphore_mem>>, %arg20: memref<!tpu.dma_semaphore, #tpu.memory_space<semaphore_mem>>) attributes {dimension_semantics = [#tpu.dimension_semantics<core_parallel>, #tpu.dimension_semantics<subcore_parallel>], iteration_bounds = array<i64: 2, 16>, scalar_prefetch = 0 : i64, scratch_operands = 15 : i64, tpu.core_type = #tpu.core_type<sc_vector_subcore>, window_params = [{transform_indices = #map}, {transform_indices = #map}, {transform_indices = #map}, {transform_indices = #map1}]} {
    %mul3A = arith.constant 2 : i32
    %mul3A_0 = arith.muli %arg1, %mul3A : i32
    %add3A = arith.addi %mul3A_0, %arg0 : i32
    %iota3A = tpu.iota {dimensions = array<i32: 0>} : vector<16xi32>
    %mul3A_1 = arith.constant 4096 : i32
    %mul3A_2 = arith.muli %arg1, %mul3A_1 : i32
    %dma_start3A = tpu.memref_slice %arg2[%mul3A_2] : memref<65536xf32, #tpu.memory_space<hbm>> -> memref<4096xf32, #tpu.memory_space<hbm>>
    %dma_start3A_3 = tpu.memref_slice %arg2[%mul3A_2] : memref<65536xf32, #tpu.memory_space<hbm>> -> memref<4096xf32, #tpu.memory_space<hbm>>
    tpu.enqueue_dma source(%dma_start3A_3 : memref<4096xf32, #tpu.memory_space<hbm>>) target(%arg6 : memref<4096xf32, #tpu.memory_space<vmem>>) target_semaphore(%arg20 : memref<!tpu.dma_semaphore, #tpu.memory_space<semaphore_mem>>)
    %dma_start3A_4 = tpu.memref_slice %arg3[%mul3A_2] : memref<65536xf32, #tpu.memory_space<hbm>> -> memref<4096xf32, #tpu.memory_space<hbm>>
    %dma_start3A_5 = tpu.memref_slice %arg3[%mul3A_2] : memref<65536xf32, #tpu.memory_space<hbm>> -> memref<4096xf32, #tpu.memory_space<hbm>>
    tpu.enqueue_dma source(%dma_start3A_5 : memref<4096xf32, #tpu.memory_space<hbm>>) target(%arg7 : memref<4096xf32, #tpu.memory_space<vmem>>) target_semaphore(%arg20 : memref<!tpu.dma_semaphore, #tpu.memory_space<semaphore_mem>>)
    %dma_start3A_6 = tpu.memref_slice %arg4[%mul3A_2] : memref<65536xf32, #tpu.memory_space<hbm>> -> memref<4096xf32, #tpu.memory_space<hbm>>
    %dma_start3A_7 = tpu.memref_slice %arg4[%mul3A_2] : memref<65536xf32, #tpu.memory_space<hbm>> -> memref<4096xf32, #tpu.memory_space<hbm>>
    tpu.enqueue_dma source(%dma_start3A_7 : memref<4096xf32, #tpu.memory_space<hbm>>) target(%arg8 : memref<4096xf32, #tpu.memory_space<vmem>>) target_semaphore(%arg20 : memref<!tpu.dma_semaphore, #tpu.memory_space<semaphore_mem>>)
    %scan3A = arith.constant 0 : i32
    %scan3A_8 = arith.constant 0 : i32
    %scan3A_9 = arith.constant 256 : i32
    %scan3A_10 = arith.addi %scan3A_8, %scan3A_9 : i32
    %scan3A_11 = arith.constant 16 : i32
    scf.for %scan3A_540 = %scan3A_8 to %scan3A_10 step %scan3A_11  : i32 {
      %shift_right_logical3A = arith.constant 7 : i32
      %shift_right_logical3A_541 = arith.shrui %scan3A_540, %shift_right_logical3A : i32
      %and3A = arith.constant 127 : i32
      %and3A_542 = arith.andi %scan3A_540, %and3A : i32
      %mul3A_543 = arith.constant 16 : i32
      %mul3A_544 = arith.muli %and3A_542, %mul3A_543 : i32
      %broadcast_in_dim3A_545 = arith.constant 0.000000e+00 : f32
      %broadcast_in_dim3A_546 = vector.broadcast %broadcast_in_dim3A_545 : f32 to vector<16xf32>
      %swap3A_547 = arith.index_cast %shift_right_logical3A_541 : i32 to index
      %swap3A_548 = arith.index_cast %mul3A_544 : i32 to index
      %swap3A_549 = tpu.vector_load %arg13[%swap3A_547, %swap3A_548] {strides = array<i32>} : memref<2x2048xf32, #tpu.memory_space<vmem>>, vector<16xf32>,
      tpu.vector_store %arg13[%swap3A_547, %swap3A_548], %broadcast_in_dim3A_546 {strides = array<i32>} : memref<2x2048xf32, #tpu.memory_space<vmem>>, vector<16xf32>,
      %scan3A_550 = arith.constant 1 : i32
      %scan3A_551 = arith.addi %scan3A_540, %scan3A_550 : i32
      %shift_right_logical3A_552 = arith.constant 7 : i32
      %shift_right_logical3A_553 = arith.shrui %scan3A_551, %shift_right_logical3A_552 : i32
      %and3A_554 = arith.constant 127 : i32
      %and3A_555 = arith.andi %scan3A_551, %and3A_554 : i32
      %mul3A_556 = arith.constant 16 : i32
      %mul3A_557 = arith.muli %and3A_555, %mul3A_556 : i32
      %broadcast_in_dim3A_558 = arith.constant 0.000000e+00 : f32
      %broadcast_in_dim3A_559 = vector.broadcast %broadcast_in_dim3A_558 : f32 to vector<16xf32>
      %swap3A_560 = arith.index_cast %shift_right_logical3A_553 : i32 to index
      %swap3A_561 = arith.index_cast %mul3A_557 : i32 to index
      %swap3A_562 = tpu.vector_load %arg13[%swap3A_560, %swap3A_561] {strides = array<i32>} : memref<2x2048xf32, #tpu.memory_space<vmem>>, vector<16xf32>,
      tpu.vector_store %arg13[%swap3A_560, %swap3A_561], %broadcast_in_dim3A_559 {strides = array<i32>} : memref<2x2048xf32, #tpu.memory_space<vmem>>, vector<16xf32>,
      %scan3A_563 = arith.constant 2 : i32
      %scan3A_564 = arith.addi %scan3A_540, %scan3A_563 : i32
      %shift_right_logical3A_565 = arith.constant 7 : i32
      %shift_right_logical3A_566 = arith.shrui %scan3A_564, %shift_right_logical3A_565 : i32
      %and3A_567 = arith.constant 127 : i32
      %and3A_568 = arith.andi %scan3A_564, %and3A_567 : i32
      %mul3A_569 = arith.constant 16 : i32
      %mul3A_570 = arith.muli %and3A_568, %mul3A_569 : i32
      %broadcast_in_dim3A_571 = arith.constant 0.000000e+00 : f32
      %broadcast_in_dim3A_572 = vector.broadcast %broadcast_in_dim3A_571 : f32 to vector<16xf32>
      %swap3A_573 = arith.index_cast %shift_right_logical3A_566 : i32 to index
      %swap3A_574 = arith.index_cast %mul3A_570 : i32 to index
      %swap3A_575 = tpu.vector_load %arg13[%swap3A_573, %swap3A_574] {strides = array<i32>} : memref<2x2048xf32, #tpu.memory_space<vmem>>, vector<16xf32>,
      tpu.vector_store %arg13[%swap3A_573, %swap3A_574], %broadcast_in_dim3A_572 {strides = array<i32>} : memref<2x2048xf32, #tpu.memory_space<vmem>>, vector<16xf32>,
      %scan3A_576 = arith.constant 3 : i32
      %scan3A_577 = arith.addi %scan3A_540, %scan3A_576 : i32
      %shift_right_logical3A_578 = arith.constant 7 : i32
      %shift_right_logical3A_579 = arith.shrui %scan3A_577, %shift_right_logical3A_578 : i32
      %and3A_580 = arith.constant 127 : i32
      %and3A_581 = arith.andi %scan3A_577, %and3A_580 : i32
      %mul3A_582 = arith.constant 16 : i32
      %mul3A_583 = arith.muli %and3A_581, %mul3A_582 : i32
      %broadcast_in_dim3A_584 = arith.constant 0.000000e+00 : f32
      %broadcast_in_dim3A_585 = vector.broadcast %broadcast_in_dim3A_584 : f32 to vector<16xf32>
      %swap3A_586 = arith.index_cast %shift_right_logical3A_579 : i32 to index
      %swap3A_587 = arith.index_cast %mul3A_583 : i32 to index
      %swap3A_588 = tpu.vector_load %arg13[%swap3A_586, %swap3A_587] {strides = array<i32>} : memref<2x2048xf32, #tpu.memory_space<vmem>>, vector<16xf32>,
      tpu.vector_store %arg13[%swap3A_586, %swap3A_587], %broadcast_in_dim3A_585 {strides = array<i32>} : memref<2x2048xf32, #tpu.memory_space<vmem>>, vector<16xf32>,
      %scan3A_589 = arith.constant 4 : i32
      %scan3A_590 = arith.addi %scan3A_540, %scan3A_589 : i32
      %shift_right_logical3A_591 = arith.constant 7 : i32
      %shift_right_logical3A_592 = arith.shrui %scan3A_590, %shift_right_logical3A_591 : i32
      %and3A_593 = arith.constant 127 : i32
      %and3A_594 = arith.andi %scan3A_590, %and3A_593 : i32
      %mul3A_595 = arith.constant 16 : i32
      %mul3A_596 = arith.muli %and3A_594, %mul3A_595 : i32
      %broadcast_in_dim3A_597 = arith.constant 0.000000e+00 : f32
      %broadcast_in_dim3A_598 = vector.broadcast %broadcast_in_dim3A_597 : f32 to vector<16xf32>
      %swap3A_599 = arith.index_cast %shift_right_logical3A_592 : i32 to index
      %swap3A_600 = arith.index_cast %mul3A_596 : i32 to index
      %swap3A_601 = tpu.vector_load %arg13[%swap3A_599, %swap3A_600] {strides = array<i32>} : memref<2x2048xf32, #tpu.memory_space<vmem>>, vector<16xf32>,
      tpu.vector_store %arg13[%swap3A_599, %swap3A_600], %broadcast_in_dim3A_598 {strides = array<i32>} : memref<2x2048xf32, #tpu.memory_space<vmem>>, vector<16xf32>,
      %scan3A_602 = arith.constant 5 : i32
      %scan3A_603 = arith.addi %scan3A_540, %scan3A_602 : i32
      %shift_right_logical3A_604 = arith.constant 7 : i32
      %shift_right_logical3A_605 = arith.shrui %scan3A_603, %shift_right_logical3A_604 : i32
      %and3A_606 = arith.constant 127 : i32
      %and3A_607 = arith.andi %scan3A_603, %and3A_606 : i32
      %mul3A_608 = arith.constant 16 : i32
      %mul3A_609 = arith.muli %and3A_607, %mul3A_608 : i32
      %broadcast_in_dim3A_610 = arith.constant 0.000000e+00 : f32
      %broadcast_in_dim3A_611 = vector.broadcast %broadcast_in_dim3A_610 : f32 to vector<16xf32>
      %swap3A_612 = arith.index_cast %shift_right_logical3A_605 : i32 to index
      %swap3A_613 = arith.index_cast %mul3A_609 : i32 to index
      %swap3A_614 = tpu.vector_load %arg13[%swap3A_612, %swap3A_613] {strides = array<i32>} : memref<2x2048xf32, #tpu.memory_space<vmem>>, vector<16xf32>,
      tpu.vector_store %arg13[%swap3A_612, %swap3A_613], %broadcast_in_dim3A_611 {strides = array<i32>} : memref<2x2048xf32, #tpu.memory_space<vmem>>, vector<16xf32>,
      %scan3A_615 = arith.constant 6 : i32
      %scan3A_616 = arith.addi %scan3A_540, %scan3A_615 : i32
      %shift_right_logical3A_617 = arith.constant 7 : i32
      %shift_right_logical3A_618 = arith.shrui %scan3A_616, %shift_right_logical3A_617 : i32
      %and3A_619 = arith.constant 127 : i32
      %and3A_620 = arith.andi %scan3A_616, %and3A_619 : i32
      %mul3A_621 = arith.constant 16 : i32
      %mul3A_622 = arith.muli %and3A_620, %mul3A_621 : i32
      %broadcast_in_dim3A_623 = arith.constant 0.000000e+00 : f32
      %broadcast_in_dim3A_624 = vector.broadcast %broadcast_in_dim3A_623 : f32 to vector<16xf32>
      %swap3A_625 = arith.index_cast %shift_right_logical3A_618 : i32 to index
      %swap3A_626 = arith.index_cast %mul3A_622 : i32 to index
      %swap3A_627 = tpu.vector_load %arg13[%swap3A_625, %swap3A_626] {strides = array<i32>} : memref<2x2048xf32, #tpu.memory_space<vmem>>, vector<16xf32>,
      tpu.vector_store %arg13[%swap3A_625, %swap3A_626], %broadcast_in_dim3A_624 {strides = array<i32>} : memref<2x2048xf32, #tpu.memory_space<vmem>>, vector<16xf32>,
      %scan3A_628 = arith.constant 7 : i32
      %scan3A_629 = arith.addi %scan3A_540, %scan3A_628 : i32
      %shift_right_logical3A_630 = arith.constant 7 : i32
      %shift_right_logical3A_631 = arith.shrui %scan3A_629, %shift_right_logical3A_630 : i32
      %and3A_632 = arith.constant 127 : i32
      %and3A_633 = arith.andi %scan3A_629, %and3A_632 : i32
      %mul3A_634 = arith.constant 16 : i32
      %mul3A_635 = arith.muli %and3A_633, %mul3A_634 : i32
      %broadcast_in_dim3A_636 = arith.constant 0.000000e+00 : f32
      %broadcast_in_dim3A_637 = vector.broadcast %broadcast_in_dim3A_636 : f32 to vector<16xf32>
      %swap3A_638 = arith.index_cast %shift_right_logical3A_631 : i32 to index
      %swap3A_639 = arith.index_cast %mul3A_635 : i32 to index
      %swap3A_640 = tpu.vector_load %arg13[%swap3A_638, %swap3A_639] {strides = array<i32>} : memref<2x2048xf32, #tpu.memory_space<vmem>>, vector<16xf32>,
      tpu.vector_store %arg13[%swap3A_638, %swap3A_639], %broadcast_in_dim3A_637 {strides = array<i32>} : memref<2x2048xf32, #tpu.memory_space<vmem>>, vector<16xf32>,
      %scan3A_641 = arith.constant 8 : i32
      %scan3A_642 = arith.addi %scan3A_540, %scan3A_641 : i32
      %shift_right_logical3A_643 = arith.constant 7 : i32
      %shift_right_logical3A_644 = arith.shrui %scan3A_642, %shift_right_logical3A_643 : i32
      %and3A_645 = arith.constant 127 : i32
      %and3A_646 = arith.andi %scan3A_642, %and3A_645 : i32
      %mul3A_647 = arith.constant 16 : i32
      %mul3A_648 = arith.muli %and3A_646, %mul3A_647 : i32
      %broadcast_in_dim3A_649 = arith.constant 0.000000e+00 : f32
      %broadcast_in_dim3A_650 = vector.broadcast %broadcast_in_dim3A_649 : f32 to vector<16xf32>
      %swap3A_651 = arith.index_cast %shift_right_logical3A_644 : i32 to index
      %swap3A_652 = arith.index_cast %mul3A_648 : i32 to index
      %swap3A_653 = tpu.vector_load %arg13[%swap3A_651, %swap3A_652] {strides = array<i32>} : memref<2x2048xf32, #tpu.memory_space<vmem>>, vector<16xf32>,
      tpu.vector_store %arg13[%swap3A_651, %swap3A_652], %broadcast_in_dim3A_650 {strides = array<i32>} : memref<2x2048xf32, #tpu.memory_space<vmem>>, vector<16xf32>,
      %scan3A_654 = arith.constant 9 : i32
      %scan3A_655 = arith.addi %scan3A_540, %scan3A_654 : i32
      %shift_right_logical3A_656 = arith.constant 7 : i32
      %shift_right_logical3A_657 = arith.shrui %scan3A_655, %shift_right_logical3A_656 : i32
      %and3A_658 = arith.constant 127 : i32
      %and3A_659 = arith.andi %scan3A_655, %and3A_658 : i32
      %mul3A_660 = arith.constant 16 : i32
      %mul3A_661 = arith.muli %and3A_659, %mul3A_660 : i32
      %broadcast_in_dim3A_662 = arith.constant 0.000000e+00 : f32
      %broadcast_in_dim3A_663 = vector.broadcast %broadcast_in_dim3A_662 : f32 to vector<16xf32>
      %swap3A_664 = arith.index_cast %shift_right_logical3A_657 : i32 to index
      %swap3A_665 = arith.index_cast %mul3A_661 : i32 to index
      %swap3A_666 = tpu.vector_load %arg13[%swap3A_664, %swap3A_665] {strides = array<i32>} : memref<2x2048xf32, #tpu.memory_space<vmem>>, vector<16xf32>,
      tpu.vector_store %arg13[%swap3A_664, %swap3A_665], %broadcast_in_dim3A_663 {strides = array<i32>} : memref<2x2048xf32, #tpu.memory_space<vmem>>, vector<16xf32>,
      %scan3A_667 = arith.constant 10 : i32
      %scan3A_668 = arith.addi %scan3A_540, %scan3A_667 : i32
      %shift_right_logical3A_669 = arith.constant 7 : i32
      %shift_right_logical3A_670 = arith.shrui %scan3A_668, %shift_right_logical3A_669 : i32
      %and3A_671 = arith.constant 127 : i32
      %and3A_672 = arith.andi %scan3A_668, %and3A_671 : i32
      %mul3A_673 = arith.constant 16 : i32
      %mul3A_674 = arith.muli %and3A_672, %mul3A_673 : i32
      %broadcast_in_dim3A_675 = arith.constant 0.000000e+00 : f32
      %broadcast_in_dim3A_676 = vector.broadcast %broadcast_in_dim3A_675 : f32 to vector<16xf32>
      %swap3A_677 = arith.index_cast %shift_right_logical3A_670 : i32 to index
      %swap3A_678 = arith.index_cast %mul3A_674 : i32 to index
      %swap3A_679 = tpu.vector_load %arg13[%swap3A_677, %swap3A_678] {strides = array<i32>} : memref<2x2048xf32, #tpu.memory_space<vmem>>, vector<16xf32>,
      tpu.vector_store %arg13[%swap3A_677, %swap3A_678], %broadcast_in_dim3A_676 {strides = array<i32>} : memref<2x2048xf32, #tpu.memory_space<vmem>>, vector<16xf32>,
      %scan3A_680 = arith.constant 11 : i32
      %scan3A_681 = arith.addi %scan3A_540, %scan3A_680 : i32
      %shift_right_logical3A_682 = arith.constant 7 : i32
      %shift_right_logical3A_683 = arith.shrui %scan3A_681, %shift_right_logical3A_682 : i32
      %and3A_684 = arith.constant 127 : i32
      %and3A_685 = arith.andi %scan3A_681, %and3A_684 : i32
      %mul3A_686 = arith.constant 16 : i32
      %mul3A_687 = arith.muli %and3A_685, %mul3A_686 : i32
      %broadcast_in_dim3A_688 = arith.constant 0.000000e+00 : f32
      %broadcast_in_dim3A_689 = vector.broadcast %broadcast_in_dim3A_688 : f32 to vector<16xf32>
      %swap3A_690 = arith.index_cast %shift_right_logical3A_683 : i32 to index
      %swap3A_691 = arith.index_cast %mul3A_687 : i32 to index
      %swap3A_692 = tpu.vector_load %arg13[%swap3A_690, %swap3A_691] {strides = array<i32>} : memref<2x2048xf32, #tpu.memory_space<vmem>>, vector<16xf32>,
      tpu.vector_store %arg13[%swap3A_690, %swap3A_691], %broadcast_in_dim3A_689 {strides = array<i32>} : memref<2x2048xf32, #tpu.memory_space<vmem>>, vector<16xf32>,
      %scan3A_693 = arith.constant 12 : i32
      %scan3A_694 = arith.addi %scan3A_540, %scan3A_693 : i32
      %shift_right_logical3A_695 = arith.constant 7 : i32
      %shift_right_logical3A_696 = arith.shrui %scan3A_694, %shift_right_logical3A_695 : i32
      %and3A_697 = arith.constant 127 : i32
      %and3A_698 = arith.andi %scan3A_694, %and3A_697 : i32
      %mul3A_699 = arith.constant 16 : i32
      %mul3A_700 = arith.muli %and3A_698, %mul3A_699 : i32
      %broadcast_in_dim3A_701 = arith.constant 0.000000e+00 : f32
      %broadcast_in_dim3A_702 = vector.broadcast %broadcast_in_dim3A_701 : f32 to vector<16xf32>
      %swap3A_703 = arith.index_cast %shift_right_logical3A_696 : i32 to index
      %swap3A_704 = arith.index_cast %mul3A_700 : i32 to index
      %swap3A_705 = tpu.vector_load %arg13[%swap3A_703, %swap3A_704] {strides = array<i32>} : memref<2x2048xf32, #tpu.memory_space<vmem>>, vector<16xf32>,
      tpu.vector_store %arg13[%swap3A_703, %swap3A_704], %broadcast_in_dim3A_702 {strides = array<i32>} : memref<2x2048xf32, #tpu.memory_space<vmem>>, vector<16xf32>,
      %scan3A_706 = arith.constant 13 : i32
      %scan3A_707 = arith.addi %scan3A_540, %scan3A_706 : i32
      %shift_right_logical3A_708 = arith.constant 7 : i32
      %shift_right_logical3A_709 = arith.shrui %scan3A_707, %shift_right_logical3A_708 : i32
      %and3A_710 = arith.constant 127 : i32
      %and3A_711 = arith.andi %scan3A_707, %and3A_710 : i32
      %mul3A_712 = arith.constant 16 : i32
      %mul3A_713 = arith.muli %and3A_711, %mul3A_712 : i32
      %broadcast_in_dim3A_714 = arith.constant 0.000000e+00 : f32
      %broadcast_in_dim3A_715 = vector.broadcast %broadcast_in_dim3A_714 : f32 to vector<16xf32>
      %swap3A_716 = arith.index_cast %shift_right_logical3A_709 : i32 to index
      %swap3A_717 = arith.index_cast %mul3A_713 : i32 to index
      %swap3A_718 = tpu.vector_load %arg13[%swap3A_716, %swap3A_717] {strides = array<i32>} : memref<2x2048xf32, #tpu.memory_space<vmem>>, vector<16xf32>,
      tpu.vector_store %arg13[%swap3A_716, %swap3A_717], %broadcast_in_dim3A_715 {strides = array<i32>} : memref<2x2048xf32, #tpu.memory_space<vmem>>, vector<16xf32>,
      %scan3A_719 = arith.constant 14 : i32
      %scan3A_720 = arith.addi %scan3A_540, %scan3A_719 : i32
      %shift_right_logical3A_721 = arith.constant 7 : i32
      %shift_right_logical3A_722 = arith.shrui %scan3A_720, %shift_right_logical3A_721 : i32
      %and3A_723 = arith.constant 127 : i32
      %and3A_724 = arith.andi %scan3A_720, %and3A_723 : i32
      %mul3A_725 = arith.constant 16 : i32
      %mul3A_726 = arith.muli %and3A_724, %mul3A_725 : i32
      %broadcast_in_dim3A_727 = arith.constant 0.000000e+00 : f32
      %broadcast_in_dim3A_728 = vector.broadcast %broadcast_in_dim3A_727 : f32 to vector<16xf32>
      %swap3A_729 = arith.index_cast %shift_right_logical3A_722 : i32 to index
      %swap3A_730 = arith.index_cast %mul3A_726 : i32 to index
      %swap3A_731 = tpu.vector_load %arg13[%swap3A_729, %swap3A_730] {strides = array<i32>} : memref<2x2048xf32, #tpu.memory_space<vmem>>, vector<16xf32>,
      tpu.vector_store %arg13[%swap3A_729, %swap3A_730], %broadcast_in_dim3A_728 {strides = array<i32>} : memref<2x2048xf32, #tpu.memory_space<vmem>>, vector<16xf32>,
      %scan3A_732 = arith.constant 15 : i32
      %scan3A_733 = arith.addi %scan3A_540, %scan3A_732 : i32
      %shift_right_logical3A_734 = arith.constant 7 : i32
      %shift_right_logical3A_735 = arith.shrui %scan3A_733, %shift_right_logical3A_734 : i32
      %and3A_736 = arith.constant 127 : i32
      %and3A_737 = arith.andi %scan3A_733, %and3A_736 : i32
      %mul3A_738 = arith.constant 16 : i32
      %mul3A_739 = arith.muli %and3A_737, %mul3A_738 : i32
      %broadcast_in_dim3A_740 = arith.constant 0.000000e+00 : f32
      %broadcast_in_dim3A_741 = vector.broadcast %broadcast_in_dim3A_740 : f32 to vector<16xf32>
      %swap3A_742 = arith.index_cast %shift_right_logical3A_735 : i32 to index
      %swap3A_743 = arith.index_cast %mul3A_739 : i32 to index
      %swap3A_744 = tpu.vector_load %arg13[%swap3A_742, %swap3A_743] {strides = array<i32>} : memref<2x2048xf32, #tpu.memory_space<vmem>>, vector<16xf32>,
      tpu.vector_store %arg13[%swap3A_742, %swap3A_743], %broadcast_in_dim3A_741 {strides = array<i32>} : memref<2x2048xf32, #tpu.memory_space<vmem>>, vector<16xf32>,
    }
    %scan3A_12 = arith.constant 256 : i32
    %mul3A_13 = arith.constant 2 : i32
    %mul3A_14 = arith.muli %arg1, %mul3A_13 : i32
    "tpu.region"() ({
      %run_scoped3A = tpu.sem_alloc : memref<!tpu.dma_semaphore, #tpu.memory_space<semaphore_mem>>
      %dma_start3A_540 = arith.constant 0 : i32
      %dma_start3A_541 = tpu.memref_slice %arg16[%mul3A_14, %dma_start3A_540] : memref<32x2048xf32, #tpu.memory_space<vmem_shared>> -> memref<2x2048xf32, #tpu.memory_space<vmem_shared>>
      %dma_start3A_542 = arith.constant 0 : i32
      %dma_start3A_543 = tpu.memref_slice %arg16[%mul3A_14, %dma_start3A_542] : memref<32x2048xf32, #tpu.memory_space<vmem_shared>> -> memref<2x2048xf32, #tpu.memory_space<vmem_shared>>
      tpu.enqueue_dma source(%arg13 : memref<2x2048xf32, #tpu.memory_space<vmem>>) target(%dma_start3A_543 : memref<2x2048xf32, #tpu.memory_space<vmem_shared>>) target_semaphore(%run_scoped3A : memref<!tpu.dma_semaphore, #tpu.memory_space<semaphore_mem>>)
      %dma_wait3A_544 = arith.constant 0 : i32
      %dma_wait3A_545 = tpu.memref_slice %arg16[%mul3A_14, %dma_wait3A_544] : memref<32x2048xf32, #tpu.memory_space<vmem_shared>> -> memref<2x2048xf32, #tpu.memory_space<vmem_shared>>
      %dma_wait3A_546 = arith.constant 0 : i32
      %dma_wait3A_547 = tpu.memref_slice %arg16[%mul3A_14, %dma_wait3A_546] : memref<32x2048xf32, #tpu.memory_space<vmem_shared>> -> memref<2x2048xf32, #tpu.memory_space<vmem_shared>>
      tpu.wait_dma2 semaphore(%run_scoped3A : memref<!tpu.dma_semaphore, #tpu.memory_space<semaphore_mem>>) src(%arg13 : memref<2x2048xf32, #tpu.memory_space<vmem>>) dst(%dma_wait3A_547 : memref<2x2048xf32, #tpu.memory_space<vmem_shared>>)
      tpu.yield
    }) : () -> ()
    %barrier3A = arith.constant 0 : index
    tpu.barrier barrier_id(%barrier3A)
    tpu.enqueue_dma source(%arg16 : memref<32x2048xf32, #tpu.memory_space<vmem_shared>>) target(%arg12 : memref<32x2048xf32, #tpu.memory_space<vmem>>) target_semaphore(%arg19 : memref<!tpu.dma_semaphore, #tpu.memory_space<semaphore_mem>>)
    %dma_wait3A = tpu.memref_slice %arg2[%mul3A_2] : memref<65536xf32, #tpu.memory_space<hbm>> -> memref<4096xf32, #tpu.memory_space<hbm>>
    %dma_wait3A_15 = tpu.memref_slice %arg2[%mul3A_2] : memref<65536xf32, #tpu.memory_space<hbm>> -> memref<4096xf32, #tpu.memory_space<hbm>>
    tpu.wait_dma2 semaphore(%arg20 : memref<!tpu.dma_semaphore, #tpu.memory_space<semaphore_mem>>) src(%dma_wait3A_15 : memref<4096xf32, #tpu.memory_space<hbm>>) dst(%arg6 : memref<4096xf32, #tpu.memory_space<vmem>>)
    %dma_wait3A_16 = tpu.memref_slice %arg3[%mul3A_2] : memref<65536xf32, #tpu.memory_space<hbm>> -> memref<4096xf32, #tpu.memory_space<hbm>>
    %dma_wait3A_17 = tpu.memref_slice %arg3[%mul3A_2] : memref<65536xf32, #tpu.memory_space<hbm>> -> memref<4096xf32, #tpu.memory_space<hbm>>
    tpu.wait_dma2 semaphore(%arg20 : memref<!tpu.dma_semaphore, #tpu.memory_space<semaphore_mem>>) src(%dma_wait3A_17 : memref<4096xf32, #tpu.memory_space<hbm>>) dst(%arg7 : memref<4096xf32, #tpu.memory_space<vmem>>)
    %dma_wait3A_18 = tpu.memref_slice %arg4[%mul3A_2] : memref<65536xf32, #tpu.memory_space<hbm>> -> memref<4096xf32, #tpu.memory_space<hbm>>
    %dma_wait3A_19 = tpu.memref_slice %arg4[%mul3A_2] : memref<65536xf32, #tpu.memory_space<hbm>> -> memref<4096xf32, #tpu.memory_space<hbm>>
    tpu.wait_dma2 semaphore(%arg20 : memref<!tpu.dma_semaphore, #tpu.memory_space<semaphore_mem>>) src(%dma_wait3A_19 : memref<4096xf32, #tpu.memory_space<hbm>>) dst(%arg8 : memref<4096xf32, #tpu.memory_space<vmem>>)
    %scan3A_20 = arith.constant 0 : i32
    %scan3A_21 = arith.constant 0 : i32
    %scan3A_22 = arith.constant 32 : i32
    %scan3A_23 = arith.addi %scan3A_21, %scan3A_22 : i32
    %scan3A_24 = arith.constant 8 : i32
    scf.for %scan3A_540 = %scan3A_21 to %scan3A_23 step %scan3A_24  : i32 {
      %broadcast_in_dim3A_541 = arith.constant 0 : i32
      %broadcast_in_dim3A_542 = vector.broadcast %broadcast_in_dim3A_541 : i32 to vector<16xi32>
      %mul3A_543 = arith.constant 16 : i32
      %mul3A_544 = arith.muli %scan3A_540, %mul3A_543 : i32
      %swap3A_545 = arith.index_cast %mul3A_544 : i32 to index
      %swap3A_546 = tpu.vector_load %arg11[%swap3A_545] {strides = array<i32>} : memref<512xi32, #tpu.memory_space<vmem>>, vector<16xi32>,
      tpu.vector_store %arg11[%swap3A_545], %broadcast_in_dim3A_542 {strides = array<i32>} : memref<512xi32, #tpu.memory_space<vmem>>, vector<16xi32>,
      %scan3A_547 = arith.constant 1 : i32
      %scan3A_548 = arith.addi %scan3A_540, %scan3A_547 : i32
      %broadcast_in_dim3A_549 = arith.constant 0 : i32
      %broadcast_in_dim3A_550 = vector.broadcast %broadcast_in_dim3A_549 : i32 to vector<16xi32>
      %mul3A_551 = arith.constant 16 : i32
      %mul3A_552 = arith.muli %scan3A_548, %mul3A_551 : i32
      %swap3A_553 = arith.index_cast %mul3A_552 : i32 to index
      %swap3A_554 = tpu.vector_load %arg11[%swap3A_553] {strides = array<i32>} : memref<512xi32, #tpu.memory_space<vmem>>, vector<16xi32>,
      tpu.vector_store %arg11[%swap3A_553], %broadcast_in_dim3A_550 {strides = array<i32>} : memref<512xi32, #tpu.memory_space<vmem>>, vector<16xi32>,
      %scan3A_555 = arith.constant 2 : i32
      %scan3A_556 = arith.addi %scan3A_540, %scan3A_555 : i32
      %broadcast_in_dim3A_557 = arith.constant 0 : i32
      %broadcast_in_dim3A_558 = vector.broadcast %broadcast_in_dim3A_557 : i32 to vector<16xi32>
      %mul3A_559 = arith.constant 16 : i32
      %mul3A_560 = arith.muli %scan3A_556, %mul3A_559 : i32
      %swap3A_561 = arith.index_cast %mul3A_560 : i32 to index
      %swap3A_562 = tpu.vector_load %arg11[%swap3A_561] {strides = array<i32>} : memref<512xi32, #tpu.memory_space<vmem>>, vector<16xi32>,
      tpu.vector_store %arg11[%swap3A_561], %broadcast_in_dim3A_558 {strides = array<i32>} : memref<512xi32, #tpu.memory_space<vmem>>, vector<16xi32>,
      %scan3A_563 = arith.constant 3 : i32
      %scan3A_564 = arith.addi %scan3A_540, %scan3A_563 : i32
      %broadcast_in_dim3A_565 = arith.constant 0 : i32
      %broadcast_in_dim3A_566 = vector.broadcast %broadcast_in_dim3A_565 : i32 to vector<16xi32>
      %mul3A_567 = arith.constant 16 : i32
      %mul3A_568 = arith.muli %scan3A_564, %mul3A_567 : i32
      %swap3A_569 = arith.index_cast %mul3A_568 : i32 to index
      %swap3A_570 = tpu.vector_load %arg11[%swap3A_569] {strides = array<i32>} : memref<512xi32, #tpu.memory_space<vmem>>, vector<16xi32>,
      tpu.vector_store %arg11[%swap3A_569], %broadcast_in_dim3A_566 {strides = array<i32>} : memref<512xi32, #tpu.memory_space<vmem>>, vector<16xi32>,
      %scan3A_571 = arith.constant 4 : i32
      %scan3A_572 = arith.addi %scan3A_540, %scan3A_571 : i32
      %broadcast_in_dim3A_573 = arith.constant 0 : i32
      %broadcast_in_dim3A_574 = vector.broadcast %broadcast_in_dim3A_573 : i32 to vector<16xi32>
      %mul3A_575 = arith.constant 16 : i32
      %mul3A_576 = arith.muli %scan3A_572, %mul3A_575 : i32
      %swap3A_577 = arith.index_cast %mul3A_576 : i32 to index
      %swap3A_578 = tpu.vector_load %arg11[%swap3A_577] {strides = array<i32>} : memref<512xi32, #tpu.memory_space<vmem>>, vector<16xi32>,
      tpu.vector_store %arg11[%swap3A_577], %broadcast_in_dim3A_574 {strides = array<i32>} : memref<512xi32, #tpu.memory_space<vmem>>, vector<16xi32>,
      %scan3A_579 = arith.constant 5 : i32
      %scan3A_580 = arith.addi %scan3A_540, %scan3A_579 : i32
      %broadcast_in_dim3A_581 = arith.constant 0 : i32
      %broadcast_in_dim3A_582 = vector.broadcast %broadcast_in_dim3A_581 : i32 to vector<16xi32>
      %mul3A_583 = arith.constant 16 : i32
      %mul3A_584 = arith.muli %scan3A_580, %mul3A_583 : i32
      %swap3A_585 = arith.index_cast %mul3A_584 : i32 to index
      %swap3A_586 = tpu.vector_load %arg11[%swap3A_585] {strides = array<i32>} : memref<512xi32, #tpu.memory_space<vmem>>, vector<16xi32>,
      tpu.vector_store %arg11[%swap3A_585], %broadcast_in_dim3A_582 {strides = array<i32>} : memref<512xi32, #tpu.memory_space<vmem>>, vector<16xi32>,
      %scan3A_587 = arith.constant 6 : i32
      %scan3A_588 = arith.addi %scan3A_540, %scan3A_587 : i32
      %broadcast_in_dim3A_589 = arith.constant 0 : i32
      %broadcast_in_dim3A_590 = vector.broadcast %broadcast_in_dim3A_589 : i32 to vector<16xi32>
      %mul3A_591 = arith.constant 16 : i32
      %mul3A_592 = arith.muli %scan3A_588, %mul3A_591 : i32
      %swap3A_593 = arith.index_cast %mul3A_592 : i32 to index
      %swap3A_594 = tpu.vector_load %arg11[%swap3A_593] {strides = array<i32>} : memref<512xi32, #tpu.memory_space<vmem>>, vector<16xi32>,
      tpu.vector_store %arg11[%swap3A_593], %broadcast_in_dim3A_590 {strides = array<i32>} : memref<512xi32, #tpu.memory_space<vmem>>, vector<16xi32>,
      %scan3A_595 = arith.constant 7 : i32
      %scan3A_596 = arith.addi %scan3A_540, %scan3A_595 : i32
      %broadcast_in_dim3A_597 = arith.constant 0 : i32
      %broadcast_in_dim3A_598 = vector.broadcast %broadcast_in_dim3A_597 : i32 to vector<16xi32>
      %mul3A_599 = arith.constant 16 : i32
      %mul3A_600 = arith.muli %scan3A_596, %mul3A_599 : i32
      %swap3A_601 = arith.index_cast %mul3A_600 : i32 to index
      %swap3A_602 = tpu.vector_load %arg11[%swap3A_601] {strides = array<i32>} : memref<512xi32, #tpu.memory_space<vmem>>, vector<16xi32>,
      tpu.vector_store %arg11[%swap3A_601], %broadcast_in_dim3A_598 {strides = array<i32>} : memref<512xi32, #tpu.memory_space<vmem>>, vector<16xi32>,
    }
    %scan3A_25 = arith.constant 32 : i32
    %scan3A_26 = arith.constant 0 : i32
    %scan3A_27 = arith.constant 0 : i32
    %scan3A_28 = arith.constant 512 : i32
    %scan3A_29 = arith.addi %scan3A_27, %scan3A_28 : i32
    %scan3A_30 = arith.constant 8 : i32
    scf.for %scan3A_540 = %scan3A_27 to %scan3A_29 step %scan3A_30  : i32 {
      %broadcast_in_dim3A_541 = arith.constant -1 : i32
      %broadcast_in_dim3A_542 = vector.broadcast %broadcast_in_dim3A_541 : i32 to vector<16xi32>
      %mul3A_543 = arith.constant 16 : i32
      %mul3A_544 = arith.muli %scan3A_540, %mul3A_543 : i32
      %swap3A_545 = arith.index_cast %mul3A_544 : i32 to index
      %swap3A_546 = tpu.vector_load %arg9[%swap3A_545] {strides = array<i32>} : memref<8208xi32, #tpu.memory_space<vmem>>, vector<16xi32>,
      tpu.vector_store %arg9[%swap3A_545], %broadcast_in_dim3A_542 {strides = array<i32>} : memref<8208xi32, #tpu.memory_space<vmem>>, vector<16xi32>,
      %scan3A_547 = arith.constant 1 : i32
      %scan3A_548 = arith.addi %scan3A_540, %scan3A_547 : i32
      %broadcast_in_dim3A_549 = arith.constant -1 : i32
      %broadcast_in_dim3A_550 = vector.broadcast %broadcast_in_dim3A_549 : i32 to vector<16xi32>
      %mul3A_551 = arith.constant 16 : i32
      %mul3A_552 = arith.muli %scan3A_548, %mul3A_551 : i32
      %swap3A_553 = arith.index_cast %mul3A_552 : i32 to index
      %swap3A_554 = tpu.vector_load %arg9[%swap3A_553] {strides = array<i32>} : memref<8208xi32, #tpu.memory_space<vmem>>, vector<16xi32>,
      tpu.vector_store %arg9[%swap3A_553], %broadcast_in_dim3A_550 {strides = array<i32>} : memref<8208xi32, #tpu.memory_space<vmem>>, vector<16xi32>,
      %scan3A_555 = arith.constant 2 : i32
      %scan3A_556 = arith.addi %scan3A_540, %scan3A_555 : i32
      %broadcast_in_dim3A_557 = arith.constant -1 : i32
      %broadcast_in_dim3A_558 = vector.broadcast %broadcast_in_dim3A_557 : i32 to vector<16xi32>
      %mul3A_559 = arith.constant 16 : i32
      %mul3A_560 = arith.muli %scan3A_556, %mul3A_559 : i32
      %swap3A_561 = arith.index_cast %mul3A_560 : i32 to index
      %swap3A_562 = tpu.vector_load %arg9[%swap3A_561] {strides = array<i32>} : memref<8208xi32, #tpu.memory_space<vmem>>, vector<16xi32>,
      tpu.vector_store %arg9[%swap3A_561], %broadcast_in_dim3A_558 {strides = array<i32>} : memref<8208xi32, #tpu.memory_space<vmem>>, vector<16xi32>,
      %scan3A_563 = arith.constant 3 : i32
      %scan3A_564 = arith.addi %scan3A_540, %scan3A_563 : i32
      %broadcast_in_dim3A_565 = arith.constant -1 : i32
      %broadcast_in_dim3A_566 = vector.broadcast %broadcast_in_dim3A_565 : i32 to vector<16xi32>
      %mul3A_567 = arith.constant 16 : i32
      %mul3A_568 = arith.muli %scan3A_564, %mul3A_567 : i32
      %swap3A_569 = arith.index_cast %mul3A_568 : i32 to index
      %swap3A_570 = tpu.vector_load %arg9[%swap3A_569] {strides = array<i32>} : memref<8208xi32, #tpu.memory_space<vmem>>, vector<16xi32>,
      tpu.vector_store %arg9[%swap3A_569], %broadcast_in_dim3A_566 {strides = array<i32>} : memref<8208xi32, #tpu.memory_space<vmem>>, vector<16xi32>,
      %scan3A_571 = arith.constant 4 : i32
      %scan3A_572 = arith.addi %scan3A_540, %scan3A_571 : i32
      %broadcast_in_dim3A_573 = arith.constant -1 : i32
      %broadcast_in_dim3A_574 = vector.broadcast %broadcast_in_dim3A_573 : i32 to vector<16xi32>
      %mul3A_575 = arith.constant 16 : i32
      %mul3A_576 = arith.muli %scan3A_572, %mul3A_575 : i32
      %swap3A_577 = arith.index_cast %mul3A_576 : i32 to index
      %swap3A_578 = tpu.vector_load %arg9[%swap3A_577] {strides = array<i32>} : memref<8208xi32, #tpu.memory_space<vmem>>, vector<16xi32>,
      tpu.vector_store %arg9[%swap3A_577], %broadcast_in_dim3A_574 {strides = array<i32>} : memref<8208xi32, #tpu.memory_space<vmem>>, vector<16xi32>,
      %scan3A_579 = arith.constant 5 : i32
      %scan3A_580 = arith.addi %scan3A_540, %scan3A_579 : i32
      %broadcast_in_dim3A_581 = arith.constant -1 : i32
      %broadcast_in_dim3A_582 = vector.broadcast %broadcast_in_dim3A_581 : i32 to vector<16xi32>
      %mul3A_583 = arith.constant 16 : i32
      %mul3A_584 = arith.muli %scan3A_580, %mul3A_583 : i32
      %swap3A_585 = arith.index_cast %mul3A_584 : i32 to index
      %swap3A_586 = tpu.vector_load %arg9[%swap3A_585] {strides = array<i32>} : memref<8208xi32, #tpu.memory_space<vmem>>, vector<16xi32>,
      tpu.vector_store %arg9[%swap3A_585], %broadcast_in_dim3A_582 {strides = array<i32>} : memref<8208xi32, #tpu.memory_space<vmem>>, vector<16xi32>,
      %scan3A_587 = arith.constant 6 : i32
      %scan3A_588 = arith.addi %scan3A_540, %scan3A_587 : i32
      %broadcast_in_dim3A_589 = arith.constant -1 : i32
      %broadcast_in_dim3A_590 = vector.broadcast %broadcast_in_dim3A_589 : i32 to vector<16xi32>
      %mul3A_591 = arith.constant 16 : i32
      %mul3A_592 = arith.muli %scan3A_588, %mul3A_591 : i32
      %swap3A_593 = arith.index_cast %mul3A_592 : i32 to index
      %swap3A_594 = tpu.vector_load %arg9[%swap3A_593] {strides = array<i32>} : memref<8208xi32, #tpu.memory_space<vmem>>, vector<16xi32>,
      tpu.vector_store %arg9[%swap3A_593], %broadcast_in_dim3A_590 {strides = array<i32>} : memref<8208xi32, #tpu.memory_space<vmem>>, vector<16xi32>,
      %scan3A_595 = arith.constant 7 : i32
      %scan3A_596 = arith.addi %scan3A_540, %scan3A_595 : i32
      %broadcast_in_dim3A_597 = arith.constant -1 : i32
      %broadcast_in_dim3A_598 = vector.broadcast %broadcast_in_dim3A_597 : i32 to vector<16xi32>
      %mul3A_599 = arith.constant 16 : i32
      %mul3A_600 = arith.muli %scan3A_596, %mul3A_599 : i32
      %swap3A_601 = arith.index_cast %mul3A_600 : i32 to index
      %swap3A_602 = tpu.vector_load %arg9[%swap3A_601] {strides = array<i32>} : memref<8208xi32, #tpu.memory_space<vmem>>, vector<16xi32>,
      tpu.vector_store %arg9[%swap3A_601], %broadcast_in_dim3A_598 {strides = array<i32>} : memref<8208xi32, #tpu.memory_space<vmem>>, vector<16xi32>,
    }
    %scan3A_31 = arith.constant 512 : i32
    %scan3A_32 = arith.addi %scan3A_27, %scan3A_31 : i32
    %broadcast_in_dim3A = arith.constant -1 : i32
    %broadcast_in_dim3A_33 = vector.broadcast %broadcast_in_dim3A : i32 to vector<16xi32>
    %mul3A_34 = arith.constant 16 : i32
    %mul3A_35 = arith.muli %scan3A_32, %mul3A_34 : i32
    %swap3A = arith.index_cast %mul3A_35 : i32 to index
    %swap3A_36 = tpu.vector_load %arg9[%swap3A] {strides = array<i32>} : memref<8208xi32, #tpu.memory_space<vmem>>, vector<16xi32>,
    tpu.vector_store %arg9[%swap3A], %broadcast_in_dim3A_33 {strides = array<i32>} : memref<8208xi32, #tpu.memory_space<vmem>>, vector<16xi32>,
    %scan3A_37 = arith.constant 513 : i32
    %mul3A_38 = arith.constant 256 : i32
    %mul3A_39 = vector.broadcast %mul3A_38 : i32 to vector<16xi32>
    %mul3A_40 = arith.muli %iota3A, %mul3A_39 : vector<16xi32>
    %scan3A_41 = arith.constant 0 : i32
    %scan3A_42 = arith.constant 0 : i32
    %scan3A_43 = arith.constant 256 : i32
    %scan3A_44 = arith.addi %scan3A_42, %scan3A_43 : i32
    %scan3A_45 = arith.constant 8 : i32
    scf.for %scan3A_540 = %scan3A_42 to %scan3A_44 step %scan3A_45  : i32 {
      %add3A_541 = vector.broadcast %scan3A_540 : i32 to vector<16xi32>
      %add3A_542 = arith.addi %mul3A_40, %add3A_541 : vector<16xi32>
      %gather3A = tpu.vector_load_idx %arg6[%add3A_542] : memref<4096xf32, #tpu.memory_space<vmem>>[vector<16xi32>], vector<16xf32>,
      %gather3A_543 = tpu.vector_load_idx %arg7[%add3A_542] : memref<4096xf32, #tpu.memory_space<vmem>>[vector<16xi32>], vector<16xf32>,
      %gather3A_544 = tpu.vector_load_idx %arg8[%add3A_542] : memref<4096xf32, #tpu.memory_space<vmem>>[vector<16xi32>], vector<16xf32>,
      %mul3A_545 = arith.constant 2.048000e+03 : f32
      %mul3A_546 = vector.broadcast %mul3A_545 : f32 to vector<16xf32>
      %mul3A_547 = arith.mulf %gather3A, %mul3A_546 : vector<16xf32>
      %convert_element_type3A = arith.fptosi %mul3A_547 : vector<16xf32> to vector<16xi32>
      %min3A = arith.constant 2047 : i32
      %min3A_548 = vector.broadcast %min3A : i32 to vector<16xi32>
      %min3A_549 = arith.minsi %convert_element_type3A, %min3A_548 : vector<16xi32>
      %mul3A_550 = arith.constant 2.048000e+03 : f32
      %mul3A_551 = vector.broadcast %mul3A_550 : f32 to vector<16xf32>
      %mul3A_552 = arith.mulf %gather3A_543, %mul3A_551 : vector<16xf32>
      %convert_element_type3A_553 = arith.fptosi %mul3A_552 : vector<16xf32> to vector<16xi32>
      %min3A_554 = arith.constant 2047 : i32
      %min3A_555 = vector.broadcast %min3A_554 : i32 to vector<16xi32>
      %min3A_556 = arith.minsi %convert_element_type3A_553, %min3A_555 : vector<16xi32>
      %mul3A_557 = arith.constant 2048 : i32
      %mul3A_558 = vector.broadcast %mul3A_557 : i32 to vector<16xi32>
      %mul3A_559 = arith.muli %min3A_549, %mul3A_558 : vector<16xi32>
      %add3A_560 = arith.addi %mul3A_559, %min3A_556 : vector<16xi32>
      %shift_right_logical3A = arith.constant 16 : i32
      %shift_right_logical3A_561 = vector.broadcast %shift_right_logical3A : i32 to vector<16xi32>
      %shift_right_logical3A_562 = arith.shrui %add3A_560, %shift_right_logical3A_561 : vector<16xi32>
      %shift_right_logical3A_563 = arith.constant 1 : i32
      %shift_right_logical3A_564 = vector.broadcast %shift_right_logical3A_563 : i32 to vector<16xi32>
      %shift_right_logical3A_565 = arith.shrui %shift_right_logical3A_562, %shift_right_logical3A_564 : vector<16xi32>
      %and3A = arith.constant 1 : i32
      %and3A_566 = vector.broadcast %and3A : i32 to vector<16xi32>
      %and3A_567 = arith.andi %shift_right_logical3A_565, %and3A_566 : vector<16xi32>
      %eq3A = vector.broadcast %arg0 : i32 to vector<16xi32>
      %eq3A_568 = arith.cmpi eq, %and3A_567, %eq3A : vector<16xi32>
      %shift_right_logical3A_569 = arith.constant 2 : i32
      %shift_right_logical3A_570 = vector.broadcast %shift_right_logical3A_569 : i32 to vector<16xi32>
      %shift_right_logical3A_571 = arith.shrui %shift_right_logical3A_562, %shift_right_logical3A_570 : vector<16xi32>
      %mul3A_572 = arith.constant 2 : i32
      %mul3A_573 = vector.broadcast %mul3A_572 : i32 to vector<16xi32>
      %mul3A_574 = arith.muli %shift_right_logical3A_571, %mul3A_573 : vector<16xi32>
      %and3A_575 = arith.constant 1 : i32
      %and3A_576 = vector.broadcast %and3A_575 : i32 to vector<16xi32>
      %and3A_577 = arith.andi %shift_right_logical3A_562, %and3A_576 : vector<16xi32>
      %add3A_578 = arith.addi %mul3A_574, %and3A_577 : vector<16xi32>
      %mul3A_579 = arith.constant 16 : i32
      %mul3A_580 = vector.broadcast %mul3A_579 : i32 to vector<16xi32>
      %mul3A_581 = arith.muli %add3A_578, %mul3A_580 : vector<16xi32>
      %add3A_582 = arith.addi %mul3A_581, %iota3A : vector<16xi32>
      %gather3A_583 = tpu.vector_load_idx %arg11[%add3A_582] : memref<512xi32, #tpu.memory_space<vmem>>[vector<16xi32>], vector<16xi32>,
      %min3A_584 = arith.constant 15 : i32
      %min3A_585 = vector.broadcast %min3A_584 : i32 to vector<16xi32>
      %min3A_586 = arith.minsi %gather3A_583, %min3A_585 : vector<16xi32>
      %mul3A_587 = arith.constant 16 : i32
      %mul3A_588 = vector.broadcast %mul3A_587 : i32 to vector<16xi32>
      %mul3A_589 = arith.muli %add3A_582, %mul3A_588 : vector<16xi32>
      %add3A_590 = arith.addi %mul3A_589, %min3A_586 : vector<16xi32>
      tpu.vector_store_idx %arg9[%add3A_590], %add3A_560 masked %eq3A_568 : memref<8208xi32, #tpu.memory_space<vmem>>[vector<16xi32>], vector<16xi32>, vector<16xi1>
      tpu.vector_store_idx %arg10[%add3A_590], %gather3A_544 masked %eq3A_568 : memref<8208xf32, #tpu.memory_space<vmem>>[vector<16xi32>], vector<16xf32>, vector<16xi1>
      %add3A_591 = arith.constant 1 : i32
      %add3A_592 = vector.broadcast %add3A_591 : i32 to vector<16xi32>
      %add3A_593 = arith.addi %gather3A_583, %add3A_592 : vector<16xi32>
      tpu.vector_store_idx %arg11[%add3A_582], %add3A_593 masked %eq3A_568 : memref<512xi32, #tpu.memory_space<vmem>>[vector<16xi32>], vector<16xi32>, vector<16xi1>
      %scan3A_594 = arith.constant 1 : i32
      %scan3A_595 = arith.addi %scan3A_540, %scan3A_594 : i32
      %add3A_596 = vector.broadcast %scan3A_595 : i32 to vector<16xi32>
      %add3A_597 = arith.addi %mul3A_40, %add3A_596 : vector<16xi32>
      %gather3A_598 = tpu.vector_load_idx %arg6[%add3A_597] : memref<4096xf32, #tpu.memory_space<vmem>>[vector<16xi32>], vector<16xf32>,
      %gather3A_599 = tpu.vector_load_idx %arg7[%add3A_597] : memref<4096xf32, #tpu.memory_space<vmem>>[vector<16xi32>], vector<16xf32>,
      %gather3A_600 = tpu.vector_load_idx %arg8[%add3A_597] : memref<4096xf32, #tpu.memory_space<vmem>>[vector<16xi32>], vector<16xf32>,
      %mul3A_601 = arith.constant 2.048000e+03 : f32
      %mul3A_602 = vector.broadcast %mul3A_601 : f32 to vector<16xf32>
      %mul3A_603 = arith.mulf %gather3A_598, %mul3A_602 : vector<16xf32>
      %convert_element_type3A_604 = arith.fptosi %mul3A_603 : vector<16xf32> to vector<16xi32>
      %min3A_605 = arith.constant 2047 : i32
      %min3A_606 = vector.broadcast %min3A_605 : i32 to vector<16xi32>
      %min3A_607 = arith.minsi %convert_element_type3A_604, %min3A_606 : vector<16xi32>
      %mul3A_608 = arith.constant 2.048000e+03 : f32
      %mul3A_609 = vector.broadcast %mul3A_608 : f32 to vector<16xf32>
      %mul3A_610 = arith.mulf %gather3A_599, %mul3A_609 : vector<16xf32>
      %convert_element_type3A_611 = arith.fptosi %mul3A_610 : vector<16xf32> to vector<16xi32>
      %min3A_612 = arith.constant 2047 : i32
      %min3A_613 = vector.broadcast %min3A_612 : i32 to vector<16xi32>
      %min3A_614 = arith.minsi %convert_element_type3A_611, %min3A_613 : vector<16xi32>
      %mul3A_615 = arith.constant 2048 : i32
      %mul3A_616 = vector.broadcast %mul3A_615 : i32 to vector<16xi32>
      %mul3A_617 = arith.muli %min3A_607, %mul3A_616 : vector<16xi32>
      %add3A_618 = arith.addi %mul3A_617, %min3A_614 : vector<16xi32>
      %shift_right_logical3A_619 = arith.constant 16 : i32
      %shift_right_logical3A_620 = vector.broadcast %shift_right_logical3A_619 : i32 to vector<16xi32>
      %shift_right_logical3A_621 = arith.shrui %add3A_618, %shift_right_logical3A_620 : vector<16xi32>
      %shift_right_logical3A_622 = arith.constant 1 : i32
      %shift_right_logical3A_623 = vector.broadcast %shift_right_logical3A_622 : i32 to vector<16xi32>
      %shift_right_logical3A_624 = arith.shrui %shift_right_logical3A_621, %shift_right_logical3A_623 : vector<16xi32>
      %and3A_625 = arith.constant 1 : i32
      %and3A_626 = vector.broadcast %and3A_625 : i32 to vector<16xi32>
      %and3A_627 = arith.andi %shift_right_logical3A_624, %and3A_626 : vector<16xi32>
      %eq3A_628 = vector.broadcast %arg0 : i32 to vector<16xi32>
      %eq3A_629 = arith.cmpi eq, %and3A_627, %eq3A_628 : vector<16xi32>
      %shift_right_logical3A_630 = arith.constant 2 : i32
      %shift_right_logical3A_631 = vector.broadcast %shift_right_logical3A_630 : i32 to vector<16xi32>
      %shift_right_logical3A_632 = arith.shrui %shift_right_logical3A_621, %shift_right_logical3A_631 : vector<16xi32>
      %mul3A_633 = arith.constant 2 : i32
      %mul3A_634 = vector.broadcast %mul3A_633 : i32 to vector<16xi32>
      %mul3A_635 = arith.muli %shift_right_logical3A_632, %mul3A_634 : vector<16xi32>
      %and3A_636 = arith.constant 1 : i32
      %and3A_637 = vector.broadcast %and3A_636 : i32 to vector<16xi32>
      %and3A_638 = arith.andi %shift_right_logical3A_621, %and3A_637 : vector<16xi32>
      %add3A_639 = arith.addi %mul3A_635, %and3A_638 : vector<16xi32>
      %mul3A_640 = arith.constant 16 : i32
      %mul3A_641 = vector.broadcast %mul3A_640 : i32 to vector<16xi32>
      %mul3A_642 = arith.muli %add3A_639, %mul3A_641 : vector<16xi32>
      %add3A_643 = arith.addi %mul3A_642, %iota3A : vector<16xi32>
      %gather3A_644 = tpu.vector_load_idx %arg11[%add3A_643] : memref<512xi32, #tpu.memory_space<vmem>>[vector<16xi32>], vector<16xi32>,
      %min3A_645 = arith.constant 15 : i32
      %min3A_646 = vector.broadcast %min3A_645 : i32 to vector<16xi32>
      %min3A_647 = arith.minsi %gather3A_644, %min3A_646 : vector<16xi32>
      %mul3A_648 = arith.constant 16 : i32
      %mul3A_649 = vector.broadcast %mul3A_648 : i32 to vector<16xi32>
      %mul3A_650 = arith.muli %add3A_643, %mul3A_649 : vector<16xi32>
      %add3A_651 = arith.addi %mul3A_650, %min3A_647 : vector<16xi32>
      tpu.vector_store_idx %arg9[%add3A_651], %add3A_618 masked %eq3A_629 : memref<8208xi32, #tpu.memory_space<vmem>>[vector<16xi32>], vector<16xi32>, vector<16xi1>
      tpu.vector_store_idx %arg10[%add3A_651], %gather3A_600 masked %eq3A_629 : memref<8208xf32, #tpu.memory_space<vmem>>[vector<16xi32>], vector<16xf32>, vector<16xi1>
      %add3A_652 = arith.constant 1 : i32
      %add3A_653 = vector.broadcast %add3A_652 : i32 to vector<16xi32>
      %add3A_654 = arith.addi %gather3A_644, %add3A_653 : vector<16xi32>
      tpu.vector_store_idx %arg11[%add3A_643], %add3A_654 masked %eq3A_629 : memref<512xi32, #tpu.memory_space<vmem>>[vector<16xi32>], vector<16xi32>, vector<16xi1>
      %scan3A_655 = arith.constant 2 : i32
      %scan3A_656 = arith.addi %scan3A_540, %scan3A_655 : i32
      %add3A_657 = vector.broadcast %scan3A_656 : i32 to vector<16xi32>
      %add3A_658 = arith.addi %mul3A_40, %add3A_657 : vector<16xi32>
      %gather3A_659 = tpu.vector_load_idx %arg6[%add3A_658] : memref<4096xf32, #tpu.memory_space<vmem>>[vector<16xi32>], vector<16xf32>,
      %gather3A_660 = tpu.vector_load_idx %arg7[%add3A_658] : memref<4096xf32, #tpu.memory_space<vmem>>[vector<16xi32>], vector<16xf32>,
      %gather3A_661 = tpu.vector_load_idx %arg8[%add3A_658] : memref<4096xf32, #tpu.memory_space<vmem>>[vector<16xi32>], vector<16xf32>,
      %mul3A_662 = arith.constant 2.048000e+03 : f32
      %mul3A_663 = vector.broadcast %mul3A_662 : f32 to vector<16xf32>
      %mul3A_664 = arith.mulf %gather3A_659, %mul3A_663 : vector<16xf32>
      %convert_element_type3A_665 = arith.fptosi %mul3A_664 : vector<16xf32> to vector<16xi32>
      %min3A_666 = arith.constant 2047 : i32
      %min3A_667 = vector.broadcast %min3A_666 : i32 to vector<16xi32>
      %min3A_668 = arith.minsi %convert_element_type3A_665, %min3A_667 : vector<16xi32>
      %mul3A_669 = arith.constant 2.048000e+03 : f32
      %mul3A_670 = vector.broadcast %mul3A_669 : f32 to vector<16xf32>
      %mul3A_671 = arith.mulf %gather3A_660, %mul3A_670 : vector<16xf32>
      %convert_element_type3A_672 = arith.fptosi %mul3A_671 : vector<16xf32> to vector<16xi32>
      %min3A_673 = arith.constant 2047 : i32
      %min3A_674 = vector.broadcast %min3A_673 : i32 to vector<16xi32>
      %min3A_675 = arith.minsi %convert_element_type3A_672, %min3A_674 : vector<16xi32>
      %mul3A_676 = arith.constant 2048 : i32
      %mul3A_677 = vector.broadcast %mul3A_676 : i32 to vector<16xi32>
      %mul3A_678 = arith.muli %min3A_668, %mul3A_677 : vector<16xi32>
      %add3A_679 = arith.addi %mul3A_678, %min3A_675 : vector<16xi32>
      %shift_right_logical3A_680 = arith.constant 16 : i32
      %shift_right_logical3A_681 = vector.broadcast %shift_right_logical3A_680 : i32 to vector<16xi32>
      %shift_right_logical3A_682 = arith.shrui %add3A_679, %shift_right_logical3A_681 : vector<16xi32>
      %shift_right_logical3A_683 = arith.constant 1 : i32
      %shift_right_logical3A_684 = vector.broadcast %shift_right_logical3A_683 : i32 to vector<16xi32>
      %shift_right_logical3A_685 = arith.shrui %shift_right_logical3A_682, %shift_right_logical3A_684 : vector<16xi32>
      %and3A_686 = arith.constant 1 : i32
      %and3A_687 = vector.broadcast %and3A_686 : i32 to vector<16xi32>
      %and3A_688 = arith.andi %shift_right_logical3A_685, %and3A_687 : vector<16xi32>
      %eq3A_689 = vector.broadcast %arg0 : i32 to vector<16xi32>
      %eq3A_690 = arith.cmpi eq, %and3A_688, %eq3A_689 : vector<16xi32>
      %shift_right_logical3A_691 = arith.constant 2 : i32
      %shift_right_logical3A_692 = vector.broadcast %shift_right_logical3A_691 : i32 to vector<16xi32>
      %shift_right_logical3A_693 = arith.shrui %shift_right_logical3A_682, %shift_right_logical3A_692 : vector<16xi32>
      %mul3A_694 = arith.constant 2 : i32
      %mul3A_695 = vector.broadcast %mul3A_694 : i32 to vector<16xi32>
      %mul3A_696 = arith.muli %shift_right_logical3A_693, %mul3A_695 : vector<16xi32>
      %and3A_697 = arith.constant 1 : i32
      %and3A_698 = vector.broadcast %and3A_697 : i32 to vector<16xi32>
      %and3A_699 = arith.andi %shift_right_logical3A_682, %and3A_698 : vector<16xi32>
      %add3A_700 = arith.addi %mul3A_696, %and3A_699 : vector<16xi32>
      %mul3A_701 = arith.constant 16 : i32
      %mul3A_702 = vector.broadcast %mul3A_701 : i32 to vector<16xi32>
      %mul3A_703 = arith.muli %add3A_700, %mul3A_702 : vector<16xi32>
      %add3A_704 = arith.addi %mul3A_703, %iota3A : vector<16xi32>
      %gather3A_705 = tpu.vector_load_idx %arg11[%add3A_704] : memref<512xi32, #tpu.memory_space<vmem>>[vector<16xi32>], vector<16xi32>,
      %min3A_706 = arith.constant 15 : i32
      %min3A_707 = vector.broadcast %min3A_706 : i32 to vector<16xi32>
      %min3A_708 = arith.minsi %gather3A_705, %min3A_707 : vector<16xi32>
      %mul3A_709 = arith.constant 16 : i32
      %mul3A_710 = vector.broadcast %mul3A_709 : i32 to vector<16xi32>
      %mul3A_711 = arith.muli %add3A_704, %mul3A_710 : vector<16xi32>
      %add3A_712 = arith.addi %mul3A_711, %min3A_708 : vector<16xi32>
      tpu.vector_store_idx %arg9[%add3A_712], %add3A_679 masked %eq3A_690 : memref<8208xi32, #tpu.memory_space<vmem>>[vector<16xi32>], vector<16xi32>, vector<16xi1>
      tpu.vector_store_idx %arg10[%add3A_712], %gather3A_661 masked %eq3A_690 : memref<8208xf32, #tpu.memory_space<vmem>>[vector<16xi32>], vector<16xf32>, vector<16xi1>
      %add3A_713 = arith.constant 1 : i32
      %add3A_714 = vector.broadcast %add3A_713 : i32 to vector<16xi32>
      %add3A_715 = arith.addi %gather3A_705, %add3A_714 : vector<16xi32>
      tpu.vector_store_idx %arg11[%add3A_704], %add3A_715 masked %eq3A_690 : memref<512xi32, #tpu.memory_space<vmem>>[vector<16xi32>], vector<16xi32>, vector<16xi1>
      %scan3A_716 = arith.constant 3 : i32
      %scan3A_717 = arith.addi %scan3A_540, %scan3A_716 : i32
      %add3A_718 = vector.broadcast %scan3A_717 : i32 to vector<16xi32>
      %add3A_719 = arith.addi %mul3A_40, %add3A_718 : vector<16xi32>
      %gather3A_720 = tpu.vector_load_idx %arg6[%add3A_719] : memref<4096xf32, #tpu.memory_space<vmem>>[vector<16xi32>], vector<16xf32>,
      %gather3A_721 = tpu.vector_load_idx %arg7[%add3A_719] : memref<4096xf32, #tpu.memory_space<vmem>>[vector<16xi32>], vector<16xf32>,
      %gather3A_722 = tpu.vector_load_idx %arg8[%add3A_719] : memref<4096xf32, #tpu.memory_space<vmem>>[vector<16xi32>], vector<16xf32>,
      %mul3A_723 = arith.constant 2.048000e+03 : f32
      %mul3A_724 = vector.broadcast %mul3A_723 : f32 to vector<16xf32>
      %mul3A_725 = arith.mulf %gather3A_720, %mul3A_724 : vector<16xf32>
      %convert_element_type3A_726 = arith.fptosi %mul3A_725 : vector<16xf32> to vector<16xi32>
      %min3A_727 = arith.constant 2047 : i32
      %min3A_728 = vector.broadcast %min3A_727 : i32 to vector<16xi32>
      %min3A_729 = arith.minsi %convert_element_type3A_726, %min3A_728 : vector<16xi32>
      %mul3A_730 = arith.constant 2.048000e+03 : f32
      %mul3A_731 = vector.broadcast %mul3A_730 : f32 to vector<16xf32>
      %mul3A_732 = arith.mulf %gather3A_721, %mul3A_731 : vector<16xf32>
      %convert_element_type3A_733 = arith.fptosi %mul3A_732 : vector<16xf32> to vector<16xi32>
      %min3A_734 = arith.constant 2047 : i32
      %min3A_735 = vector.broadcast %min3A_734 : i32 to vector<16xi32>
      %min3A_736 = arith.minsi %convert_element_type3A_733, %min3A_735 : vector<16xi32>
      %mul3A_737 = arith.constant 2048 : i32
      %mul3A_738 = vector.broadcast %mul3A_737 : i32 to vector<16xi32>
      %mul3A_739 = arith.muli %min3A_729, %mul3A_738 : vector<16xi32>
      %add3A_740 = arith.addi %mul3A_739, %min3A_736 : vector<16xi32>
      %shift_right_logical3A_741 = arith.constant 16 : i32
      %shift_right_logical3A_742 = vector.broadcast %shift_right_logical3A_741 : i32 to vector<16xi32>
      %shift_right_logical3A_743 = arith.shrui %add3A_740, %shift_right_logical3A_742 : vector<16xi32>
      %shift_right_logical3A_744 = arith.constant 1 : i32
      %shift_right_logical3A_745 = vector.broadcast %shift_right_logical3A_744 : i32 to vector<16xi32>
      %shift_right_logical3A_746 = arith.shrui %shift_right_logical3A_743, %shift_right_logical3A_745 : vector<16xi32>
      %and3A_747 = arith.constant 1 : i32
      %and3A_748 = vector.broadcast %and3A_747 : i32 to vector<16xi32>
      %and3A_749 = arith.andi %shift_right_logical3A_746, %and3A_748 : vector<16xi32>
      %eq3A_750 = vector.broadcast %arg0 : i32 to vector<16xi32>
      %eq3A_751 = arith.cmpi eq, %and3A_749, %eq3A_750 : vector<16xi32>
      %shift_right_logical3A_752 = arith.constant 2 : i32
      %shift_right_logical3A_753 = vector.broadcast %shift_right_logical3A_752 : i32 to vector<16xi32>
      %shift_right_logical3A_754 = arith.shrui %shift_right_logical3A_743, %shift_right_logical3A_753 : vector<16xi32>
      %mul3A_755 = arith.constant 2 : i32
      %mul3A_756 = vector.broadcast %mul3A_755 : i32 to vector<16xi32>
      %mul3A_757 = arith.muli %shift_right_logical3A_754, %mul3A_756 : vector<16xi32>
      %and3A_758 = arith.constant 1 : i32
      %and3A_759 = vector.broadcast %and3A_758 : i32 to vector<16xi32>
      %and3A_760 = arith.andi %shift_right_logical3A_743, %and3A_759 : vector<16xi32>
      %add3A_761 = arith.addi %mul3A_757, %and3A_760 : vector<16xi32>
      %mul3A_762 = arith.constant 16 : i32
      %mul3A_763 = vector.broadcast %mul3A_762 : i32 to vector<16xi32>
      %mul3A_764 = arith.muli %add3A_761, %mul3A_763 : vector<16xi32>
      %add3A_765 = arith.addi %mul3A_764, %iota3A : vector<16xi32>
      %gather3A_766 = tpu.vector_load_idx %arg11[%add3A_765] : memref<512xi32, #tpu.memory_space<vmem>>[vector<16xi32>], vector<16xi32>,
      %min3A_767 = arith.constant 15 : i32
      %min3A_768 = vector.broadcast %min3A_767 : i32 to vector<16xi32>
      %min3A_769 = arith.minsi %gather3A_766, %min3A_768 : vector<16xi32>
      %mul3A_770 = arith.constant 16 : i32
      %mul3A_771 = vector.broadcast %mul3A_770 : i32 to vector<16xi32>
      %mul3A_772 = arith.muli %add3A_765, %mul3A_771 : vector<16xi32>
      %add3A_773 = arith.addi %mul3A_772, %min3A_769 : vector<16xi32>
      tpu.vector_store_idx %arg9[%add3A_773], %add3A_740 masked %eq3A_751 : memref<8208xi32, #tpu.memory_space<vmem>>[vector<16xi32>], vector<16xi32>, vector<16xi1>
      tpu.vector_store_idx %arg10[%add3A_773], %gather3A_722 masked %eq3A_751 : memref<8208xf32, #tpu.memory_space<vmem>>[vector<16xi32>], vector<16xf32>, vector<16xi1>
      %add3A_774 = arith.constant 1 : i32
      %add3A_775 = vector.broadcast %add3A_774 : i32 to vector<16xi32>
      %add3A_776 = arith.addi %gather3A_766, %add3A_775 : vector<16xi32>
      tpu.vector_store_idx %arg11[%add3A_765], %add3A_776 masked %eq3A_751 : memref<512xi32, #tpu.memory_space<vmem>>[vector<16xi32>], vector<16xi32>, vector<16xi1>
      %scan3A_777 = arith.constant 4 : i32
      %scan3A_778 = arith.addi %scan3A_540, %scan3A_777 : i32
      %add3A_779 = vector.broadcast %scan3A_778 : i32 to vector<16xi32>
      %add3A_780 = arith.addi %mul3A_40, %add3A_779 : vector<16xi32>
      %gather3A_781 = tpu.vector_load_idx %arg6[%add3A_780] : memref<4096xf32, #tpu.memory_space<vmem>>[vector<16xi32>], vector<16xf32>,
      %gather3A_782 = tpu.vector_load_idx %arg7[%add3A_780] : memref<4096xf32, #tpu.memory_space<vmem>>[vector<16xi32>], vector<16xf32>,
      %gather3A_783 = tpu.vector_load_idx %arg8[%add3A_780] : memref<4096xf32, #tpu.memory_space<vmem>>[vector<16xi32>], vector<16xf32>,
      %mul3A_784 = arith.constant 2.048000e+03 : f32
      %mul3A_785 = vector.broadcast %mul3A_784 : f32 to vector<16xf32>
      %mul3A_786 = arith.mulf %gather3A_781, %mul3A_785 : vector<16xf32>
      %convert_element_type3A_787 = arith.fptosi %mul3A_786 : vector<16xf32> to vector<16xi32>
      %min3A_788 = arith.constant 2047 : i32
      %min3A_789 = vector.broadcast %min3A_788 : i32 to vector<16xi32>
      %min3A_790 = arith.minsi %convert_element_type3A_787, %min3A_789 : vector<16xi32>
      %mul3A_791 = arith.constant 2.048000e+03 : f32
      %mul3A_792 = vector.broadcast %mul3A_791 : f32 to vector<16xf32>
      %mul3A_793 = arith.mulf %gather3A_782, %mul3A_792 : vector<16xf32>
      %convert_element_type3A_794 = arith.fptosi %mul3A_793 : vector<16xf32> to vector<16xi32>
      %min3A_795 = arith.constant 2047 : i32
      %min3A_796 = vector.broadcast %min3A_795 : i32 to vector<16xi32>
      %min3A_797 = arith.minsi %convert_element_type3A_794, %min3A_796 : vector<16xi32>
      %mul3A_798 = arith.constant 2048 : i32
      %mul3A_799 = vector.broadcast %mul3A_798 : i32 to vector<16xi32>
      %mul3A_800 = arith.muli %min3A_790, %mul3A_799 : vector<16xi32>
      %add3A_801 = arith.addi %mul3A_800, %min3A_797 : vector<16xi32>
      %shift_right_logical3A_802 = arith.constant 16 : i32
      %shift_right_logical3A_803 = vector.broadcast %shift_right_logical3A_802 : i32 to vector<16xi32>
      %shift_right_logical3A_804 = arith.shrui %add3A_801, %shift_right_logical3A_803 : vector<16xi32>
      %shift_right_logical3A_805 = arith.constant 1 : i32
      %shift_right_logical3A_806 = vector.broadcast %shift_right_logical3A_805 : i32 to vector<16xi32>
      %shift_right_logical3A_807 = arith.shrui %shift_right_logical3A_804, %shift_right_logical3A_806 : vector<16xi32>
      %and3A_808 = arith.constant 1 : i32
      %and3A_809 = vector.broadcast %and3A_808 : i32 to vector<16xi32>
      %and3A_810 = arith.andi %shift_right_logical3A_807, %and3A_809 : vector<16xi32>
      %eq3A_811 = vector.broadcast %arg0 : i32 to vector<16xi32>
      %eq3A_812 = arith.cmpi eq, %and3A_810, %eq3A_811 : vector<16xi32>
      %shift_right_logical3A_813 = arith.constant 2 : i32
      %shift_right_logical3A_814 = vector.broadcast %shift_right_logical3A_813 : i32 to vector<16xi32>
      %shift_right_logical3A_815 = arith.shrui %shift_right_logical3A_804, %shift_right_logical3A_814 : vector<16xi32>
      %mul3A_816 = arith.constant 2 : i32
      %mul3A_817 = vector.broadcast %mul3A_816 : i32 to vector<16xi32>
      %mul3A_818 = arith.muli %shift_right_logical3A_815, %mul3A_817 : vector<16xi32>
      %and3A_819 = arith.constant 1 : i32
      %and3A_820 = vector.broadcast %and3A_819 : i32 to vector<16xi32>
      %and3A_821 = arith.andi %shift_right_logical3A_804, %and3A_820 : vector<16xi32>
      %add3A_822 = arith.addi %mul3A_818, %and3A_821 : vector<16xi32>
      %mul3A_823 = arith.constant 16 : i32
      %mul3A_824 = vector.broadcast %mul3A_823 : i32 to vector<16xi32>
      %mul3A_825 = arith.muli %add3A_822, %mul3A_824 : vector<16xi32>
      %add3A_826 = arith.addi %mul3A_825, %iota3A : vector<16xi32>
      %gather3A_827 = tpu.vector_load_idx %arg11[%add3A_826] : memref<512xi32, #tpu.memory_space<vmem>>[vector<16xi32>], vector<16xi32>,
      %min3A_828 = arith.constant 15 : i32
      %min3A_829 = vector.broadcast %min3A_828 : i32 to vector<16xi32>
      %min3A_830 = arith.minsi %gather3A_827, %min3A_829 : vector<16xi32>
      %mul3A_831 = arith.constant 16 : i32
      %mul3A_832 = vector.broadcast %mul3A_831 : i32 to vector<16xi32>
      %mul3A_833 = arith.muli %add3A_826, %mul3A_832 : vector<16xi32>
      %add3A_834 = arith.addi %mul3A_833, %min3A_830 : vector<16xi32>
      tpu.vector_store_idx %arg9[%add3A_834], %add3A_801 masked %eq3A_812 : memref<8208xi32, #tpu.memory_space<vmem>>[vector<16xi32>], vector<16xi32>, vector<16xi1>
      tpu.vector_store_idx %arg10[%add3A_834], %gather3A_783 masked %eq3A_812 : memref<8208xf32, #tpu.memory_space<vmem>>[vector<16xi32>], vector<16xf32>, vector<16xi1>
      %add3A_835 = arith.constant 1 : i32
      %add3A_836 = vector.broadcast %add3A_835 : i32 to vector<16xi32>
      %add3A_837 = arith.addi %gather3A_827, %add3A_836 : vector<16xi32>
      tpu.vector_store_idx %arg11[%add3A_826], %add3A_837 masked %eq3A_812 : memref<512xi32, #tpu.memory_space<vmem>>[vector<16xi32>], vector<16xi32>, vector<16xi1>
      %scan3A_838 = arith.constant 5 : i32
      %scan3A_839 = arith.addi %scan3A_540, %scan3A_838 : i32
      %add3A_840 = vector.broadcast %scan3A_839 : i32 to vector<16xi32>
      %add3A_841 = arith.addi %mul3A_40, %add3A_840 : vector<16xi32>
      %gather3A_842 = tpu.vector_load_idx %arg6[%add3A_841] : memref<4096xf32, #tpu.memory_space<vmem>>[vector<16xi32>], vector<16xf32>,
      %gather3A_843 = tpu.vector_load_idx %arg7[%add3A_841] : memref<4096xf32, #tpu.memory_space<vmem>>[vector<16xi32>], vector<16xf32>,
      %gather3A_844 = tpu.vector_load_idx %arg8[%add3A_841] : memref<4096xf32, #tpu.memory_space<vmem>>[vector<16xi32>], vector<16xf32>,
      %mul3A_845 = arith.constant 2.048000e+03 : f32
      %mul3A_846 = vector.broadcast %mul3A_845 : f32 to vector<16xf32>
      %mul3A_847 = arith.mulf %gather3A_842, %mul3A_846 : vector<16xf32>
      %convert_element_type3A_848 = arith.fptosi %mul3A_847 : vector<16xf32> to vector<16xi32>
      %min3A_849 = arith.constant 2047 : i32
      %min3A_850 = vector.broadcast %min3A_849 : i32 to vector<16xi32>
      %min3A_851 = arith.minsi %convert_element_type3A_848, %min3A_850 : vector<16xi32>
      %mul3A_852 = arith.constant 2.048000e+03 : f32
      %mul3A_853 = vector.broadcast %mul3A_852 : f32 to vector<16xf32>
      %mul3A_854 = arith.mulf %gather3A_843, %mul3A_853 : vector<16xf32>
      %convert_element_type3A_855 = arith.fptosi %mul3A_854 : vector<16xf32> to vector<16xi32>
      %min3A_856 = arith.constant 2047 : i32
      %min3A_857 = vector.broadcast %min3A_856 : i32 to vector<16xi32>
      %min3A_858 = arith.minsi %convert_element_type3A_855, %min3A_857 : vector<16xi32>
      %mul3A_859 = arith.constant 2048 : i32
      %mul3A_860 = vector.broadcast %mul3A_859 : i32 to vector<16xi32>
      %mul3A_861 = arith.muli %min3A_851, %mul3A_860 : vector<16xi32>
      %add3A_862 = arith.addi %mul3A_861, %min3A_858 : vector<16xi32>
      %shift_right_logical3A_863 = arith.constant 16 : i32
      %shift_right_logical3A_864 = vector.broadcast %shift_right_logical3A_863 : i32 to vector<16xi32>
      %shift_right_logical3A_865 = arith.shrui %add3A_862, %shift_right_logical3A_864 : vector<16xi32>
      %shift_right_logical3A_866 = arith.constant 1 : i32
      %shift_right_logical3A_867 = vector.broadcast %shift_right_logical3A_866 : i32 to vector<16xi32>
      %shift_right_logical3A_868 = arith.shrui %shift_right_logical3A_865, %shift_right_logical3A_867 : vector<16xi32>
      %and3A_869 = arith.constant 1 : i32
      %and3A_870 = vector.broadcast %and3A_869 : i32 to vector<16xi32>
      %and3A_871 = arith.andi %shift_right_logical3A_868, %and3A_870 : vector<16xi32>
      %eq3A_872 = vector.broadcast %arg0 : i32 to vector<16xi32>
      %eq3A_873 = arith.cmpi eq, %and3A_871, %eq3A_872 : vector<16xi32>
      %shift_right_logical3A_874 = arith.constant 2 : i32
      %shift_right_logical3A_875 = vector.broadcast %shift_right_logical3A_874 : i32 to vector<16xi32>
      %shift_right_logical3A_876 = arith.shrui %shift_right_logical3A_865, %shift_right_logical3A_875 : vector<16xi32>
      %mul3A_877 = arith.constant 2 : i32
      %mul3A_878 = vector.broadcast %mul3A_877 : i32 to vector<16xi32>
      %mul3A_879 = arith.muli %shift_right_logical3A_876, %mul3A_878 : vector<16xi32>
      %and3A_880 = arith.constant 1 : i32
      %and3A_881 = vector.broadcast %and3A_880 : i32 to vector<16xi32>
      %and3A_882 = arith.andi %shift_right_logical3A_865, %and3A_881 : vector<16xi32>
      %add3A_883 = arith.addi %mul3A_879, %and3A_882 : vector<16xi32>
      %mul3A_884 = arith.constant 16 : i32
      %mul3A_885 = vector.broadcast %mul3A_884 : i32 to vector<16xi32>
      %mul3A_886 = arith.muli %add3A_883, %mul3A_885 : vector<16xi32>
      %add3A_887 = arith.addi %mul3A_886, %iota3A : vector<16xi32>
      %gather3A_888 = tpu.vector_load_idx %arg11[%add3A_887] : memref<512xi32, #tpu.memory_space<vmem>>[vector<16xi32>], vector<16xi32>,
      %min3A_889 = arith.constant 15 : i32
      %min3A_890 = vector.broadcast %min3A_889 : i32 to vector<16xi32>
      %min3A_891 = arith.minsi %gather3A_888, %min3A_890 : vector<16xi32>
      %mul3A_892 = arith.constant 16 : i32
      %mul3A_893 = vector.broadcast %mul3A_892 : i32 to vector<16xi32>
      %mul3A_894 = arith.muli %add3A_887, %mul3A_893 : vector<16xi32>
      %add3A_895 = arith.addi %mul3A_894, %min3A_891 : vector<16xi32>
      tpu.vector_store_idx %arg9[%add3A_895], %add3A_862 masked %eq3A_873 : memref<8208xi32, #tpu.memory_space<vmem>>[vector<16xi32>], vector<16xi32>, vector<16xi1>
      tpu.vector_store_idx %arg10[%add3A_895], %gather3A_844 masked %eq3A_873 : memref<8208xf32, #tpu.memory_space<vmem>>[vector<16xi32>], vector<16xf32>, vector<16xi1>
      %add3A_896 = arith.constant 1 : i32
      %add3A_897 = vector.broadcast %add3A_896 : i32 to vector<16xi32>
      %add3A_898 = arith.addi %gather3A_888, %add3A_897 : vector<16xi32>
      tpu.vector_store_idx %arg11[%add3A_887], %add3A_898 masked %eq3A_873 : memref<512xi32, #tpu.memory_space<vmem>>[vector<16xi32>], vector<16xi32>, vector<16xi1>
      %scan3A_899 = arith.constant 6 : i32
      %scan3A_900 = arith.addi %scan3A_540, %scan3A_899 : i32
      %add3A_901 = vector.broadcast %scan3A_900 : i32 to vector<16xi32>
      %add3A_902 = arith.addi %mul3A_40, %add3A_901 : vector<16xi32>
      %gather3A_903 = tpu.vector_load_idx %arg6[%add3A_902] : memref<4096xf32, #tpu.memory_space<vmem>>[vector<16xi32>], vector<16xf32>,
      %gather3A_904 = tpu.vector_load_idx %arg7[%add3A_902] : memref<4096xf32, #tpu.memory_space<vmem>>[vector<16xi32>], vector<16xf32>,
      %gather3A_905 = tpu.vector_load_idx %arg8[%add3A_902] : memref<4096xf32, #tpu.memory_space<vmem>>[vector<16xi32>], vector<16xf32>,
      %mul3A_906 = arith.constant 2.048000e+03 : f32
      %mul3A_907 = vector.broadcast %mul3A_906 : f32 to vector<16xf32>
      %mul3A_908 = arith.mulf %gather3A_903, %mul3A_907 : vector<16xf32>
      %convert_element_type3A_909 = arith.fptosi %mul3A_908 : vector<16xf32> to vector<16xi32>
      %min3A_910 = arith.constant 2047 : i32
      %min3A_911 = vector.broadcast %min3A_910 : i32 to vector<16xi32>
      %min3A_912 = arith.minsi %convert_element_type3A_909, %min3A_911 : vector<16xi32>
      %mul3A_913 = arith.constant 2.048000e+03 : f32
      %mul3A_914 = vector.broadcast %mul3A_913 : f32 to vector<16xf32>
      %mul3A_915 = arith.mulf %gather3A_904, %mul3A_914 : vector<16xf32>
      %convert_element_type3A_916 = arith.fptosi %mul3A_915 : vector<16xf32> to vector<16xi32>
      %min3A_917 = arith.constant 2047 : i32
      %min3A_918 = vector.broadcast %min3A_917 : i32 to vector<16xi32>
      %min3A_919 = arith.minsi %convert_element_type3A_916, %min3A_918 : vector<16xi32>
      %mul3A_920 = arith.constant 2048 : i32
      %mul3A_921 = vector.broadcast %mul3A_920 : i32 to vector<16xi32>
      %mul3A_922 = arith.muli %min3A_912, %mul3A_921 : vector<16xi32>
      %add3A_923 = arith.addi %mul3A_922, %min3A_919 : vector<16xi32>
      %shift_right_logical3A_924 = arith.constant 16 : i32
      %shift_right_logical3A_925 = vector.broadcast %shift_right_logical3A_924 : i32 to vector<16xi32>
      %shift_right_logical3A_926 = arith.shrui %add3A_923, %shift_right_logical3A_925 : vector<16xi32>
      %shift_right_logical3A_927 = arith.constant 1 : i32
      %shift_right_logical3A_928 = vector.broadcast %shift_right_logical3A_927 : i32 to vector<16xi32>
      %shift_right_logical3A_929 = arith.shrui %shift_right_logical3A_926, %shift_right_logical3A_928 : vector<16xi32>
      %and3A_930 = arith.constant 1 : i32
      %and3A_931 = vector.broadcast %and3A_930 : i32 to vector<16xi32>
      %and3A_932 = arith.andi %shift_right_logical3A_929, %and3A_931 : vector<16xi32>
      %eq3A_933 = vector.broadcast %arg0 : i32 to vector<16xi32>
      %eq3A_934 = arith.cmpi eq, %and3A_932, %eq3A_933 : vector<16xi32>
      %shift_right_logical3A_935 = arith.constant 2 : i32
      %shift_right_logical3A_936 = vector.broadcast %shift_right_logical3A_935 : i32 to vector<16xi32>
      %shift_right_logical3A_937 = arith.shrui %shift_right_logical3A_926, %shift_right_logical3A_936 : vector<16xi32>
      %mul3A_938 = arith.constant 2 : i32
      %mul3A_939 = vector.broadcast %mul3A_938 : i32 to vector<16xi32>
      %mul3A_940 = arith.muli %shift_right_logical3A_937, %mul3A_939 : vector<16xi32>
      %and3A_941 = arith.constant 1 : i32
      %and3A_942 = vector.broadcast %and3A_941 : i32 to vector<16xi32>
      %and3A_943 = arith.andi %shift_right_logical3A_926, %and3A_942 : vector<16xi32>
      %add3A_944 = arith.addi %mul3A_940, %and3A_943 : vector<16xi32>
      %mul3A_945 = arith.constant 16 : i32
      %mul3A_946 = vector.broadcast %mul3A_945 : i32 to vector<16xi32>
      %mul3A_947 = arith.muli %add3A_944, %mul3A_946 : vector<16xi32>
      %add3A_948 = arith.addi %mul3A_947, %iota3A : vector<16xi32>
      %gather3A_949 = tpu.vector_load_idx %arg11[%add3A_948] : memref<512xi32, #tpu.memory_space<vmem>>[vector<16xi32>], vector<16xi32>,
      %min3A_950 = arith.constant 15 : i32
      %min3A_951 = vector.broadcast %min3A_950 : i32 to vector<16xi32>
      %min3A_952 = arith.minsi %gather3A_949, %min3A_951 : vector<16xi32>
      %mul3A_953 = arith.constant 16 : i32
      %mul3A_954 = vector.broadcast %mul3A_953 : i32 to vector<16xi32>
      %mul3A_955 = arith.muli %add3A_948, %mul3A_954 : vector<16xi32>
      %add3A_956 = arith.addi %mul3A_955, %min3A_952 : vector<16xi32>
      tpu.vector_store_idx %arg9[%add3A_956], %add3A_923 masked %eq3A_934 : memref<8208xi32, #tpu.memory_space<vmem>>[vector<16xi32>], vector<16xi32>, vector<16xi1>
      tpu.vector_store_idx %arg10[%add3A_956], %gather3A_905 masked %eq3A_934 : memref<8208xf32, #tpu.memory_space<vmem>>[vector<16xi32>], vector<16xf32>, vector<16xi1>
      %add3A_957 = arith.constant 1 : i32
      %add3A_958 = vector.broadcast %add3A_957 : i32 to vector<16xi32>
      %add3A_959 = arith.addi %gather3A_949, %add3A_958 : vector<16xi32>
      tpu.vector_store_idx %arg11[%add3A_948], %add3A_959 masked %eq3A_934 : memref<512xi32, #tpu.memory_space<vmem>>[vector<16xi32>], vector<16xi32>, vector<16xi1>
      %scan3A_960 = arith.constant 7 : i32
      %scan3A_961 = arith.addi %scan3A_540, %scan3A_960 : i32
      %add3A_962 = vector.broadcast %scan3A_961 : i32 to vector<16xi32>
      %add3A_963 = arith.addi %mul3A_40, %add3A_962 : vector<16xi32>
      %gather3A_964 = tpu.vector_load_idx %arg6[%add3A_963] : memref<4096xf32, #tpu.memory_space<vmem>>[vector<16xi32>], vector<16xf32>,
      %gather3A_965 = tpu.vector_load_idx %arg7[%add3A_963] : memref<4096xf32, #tpu.memory_space<vmem>>[vector<16xi32>], vector<16xf32>,
      %gather3A_966 = tpu.vector_load_idx %arg8[%add3A_963] : memref<4096xf32, #tpu.memory_space<vmem>>[vector<16xi32>], vector<16xf32>,
      %mul3A_967 = arith.constant 2.048000e+03 : f32
      %mul3A_968 = vector.broadcast %mul3A_967 : f32 to vector<16xf32>
      %mul3A_969 = arith.mulf %gather3A_964, %mul3A_968 : vector<16xf32>
      %convert_element_type3A_970 = arith.fptosi %mul3A_969 : vector<16xf32> to vector<16xi32>
      %min3A_971 = arith.constant 2047 : i32
      %min3A_972 = vector.broadcast %min3A_971 : i32 to vector<16xi32>
      %min3A_973 = arith.minsi %convert_element_type3A_970, %min3A_972 : vector<16xi32>
      %mul3A_974 = arith.constant 2.048000e+03 : f32
      %mul3A_975 = vector.broadcast %mul3A_974 : f32 to vector<16xf32>
      %mul3A_976 = arith.mulf %gather3A_965, %mul3A_975 : vector<16xf32>
      %convert_element_type3A_977 = arith.fptosi %mul3A_976 : vector<16xf32> to vector<16xi32>
      %min3A_978 = arith.constant 2047 : i32
      %min3A_979 = vector.broadcast %min3A_978 : i32 to vector<16xi32>
      %min3A_980 = arith.minsi %convert_element_type3A_977, %min3A_979 : vector<16xi32>
      %mul3A_981 = arith.constant 2048 : i32
      %mul3A_982 = vector.broadcast %mul3A_981 : i32 to vector<16xi32>
      %mul3A_983 = arith.muli %min3A_973, %mul3A_982 : vector<16xi32>
      %add3A_984 = arith.addi %mul3A_983, %min3A_980 : vector<16xi32>
      %shift_right_logical3A_985 = arith.constant 16 : i32
      %shift_right_logical3A_986 = vector.broadcast %shift_right_logical3A_985 : i32 to vector<16xi32>
      %shift_right_logical3A_987 = arith.shrui %add3A_984, %shift_right_logical3A_986 : vector<16xi32>
      %shift_right_logical3A_988 = arith.constant 1 : i32
      %shift_right_logical3A_989 = vector.broadcast %shift_right_logical3A_988 : i32 to vector<16xi32>
      %shift_right_logical3A_990 = arith.shrui %shift_right_logical3A_987, %shift_right_logical3A_989 : vector<16xi32>
      %and3A_991 = arith.constant 1 : i32
      %and3A_992 = vector.broadcast %and3A_991 : i32 to vector<16xi32>
      %and3A_993 = arith.andi %shift_right_logical3A_990, %and3A_992 : vector<16xi32>
      %eq3A_994 = vector.broadcast %arg0 : i32 to vector<16xi32>
      %eq3A_995 = arith.cmpi eq, %and3A_993, %eq3A_994 : vector<16xi32>
      %shift_right_logical3A_996 = arith.constant 2 : i32
      %shift_right_logical3A_997 = vector.broadcast %shift_right_logical3A_996 : i32 to vector<16xi32>
      %shift_right_logical3A_998 = arith.shrui %shift_right_logical3A_987, %shift_right_logical3A_997 : vector<16xi32>
      %mul3A_999 = arith.constant 2 : i32
      %mul3A_1000 = vector.broadcast %mul3A_999 : i32 to vector<16xi32>
      %mul3A_1001 = arith.muli %shift_right_logical3A_998, %mul3A_1000 : vector<16xi32>
      %and3A_1002 = arith.constant 1 : i32
      %and3A_1003 = vector.broadcast %and3A_1002 : i32 to vector<16xi32>
      %and3A_1004 = arith.andi %shift_right_logical3A_987, %and3A_1003 : vector<16xi32>
      %add3A_1005 = arith.addi %mul3A_1001, %and3A_1004 : vector<16xi32>
      %mul3A_1006 = arith.constant 16 : i32
      %mul3A_1007 = vector.broadcast %mul3A_1006 : i32 to vector<16xi32>
      %mul3A_1008 = arith.muli %add3A_1005, %mul3A_1007 : vector<16xi32>
      %add3A_1009 = arith.addi %mul3A_1008, %iota3A : vector<16xi32>
      %gather3A_1010 = tpu.vector_load_idx %arg11[%add3A_1009] : memref<512xi32, #tpu.memory_space<vmem>>[vector<16xi32>], vector<16xi32>,
      %min3A_1011 = arith.constant 15 : i32
      %min3A_1012 = vector.broadcast %min3A_1011 : i32 to vector<16xi32>
      %min3A_1013 = arith.minsi %gather3A_1010, %min3A_1012 : vector<16xi32>
      %mul3A_1014 = arith.constant 16 : i32
      %mul3A_1015 = vector.broadcast %mul3A_1014 : i32 to vector<16xi32>
      %mul3A_1016 = arith.muli %add3A_1009, %mul3A_1015 : vector<16xi32>
      %add3A_1017 = arith.addi %mul3A_1016, %min3A_1013 : vector<16xi32>
      tpu.vector_store_idx %arg9[%add3A_1017], %add3A_984 masked %eq3A_995 : memref<8208xi32, #tpu.memory_space<vmem>>[vector<16xi32>], vector<16xi32>, vector<16xi1>
      tpu.vector_store_idx %arg10[%add3A_1017], %gather3A_966 masked %eq3A_995 : memref<8208xf32, #tpu.memory_space<vmem>>[vector<16xi32>], vector<16xf32>, vector<16xi1>
      %add3A_1018 = arith.constant 1 : i32
      %add3A_1019 = vector.broadcast %add3A_1018 : i32 to vector<16xi32>
      %add3A_1020 = arith.addi %gather3A_1010, %add3A_1019 : vector<16xi32>
      tpu.vector_store_idx %arg11[%add3A_1009], %add3A_1020 masked %eq3A_995 : memref<512xi32, #tpu.memory_space<vmem>>[vector<16xi32>], vector<16xi32>, vector<16xi1>
    }
    %scan3A_46 = arith.constant 256 : i32
    %mul3A_47 = arith.constant 32 : i32
    %mul3A_48 = arith.muli %arg1, %mul3A_47 : i32
    %mul3A_49 = arith.constant 16 : i32
    %mul3A_50 = arith.muli %mul3A_48, %mul3A_49 : i32
    %mul3A_51 = arith.constant 16 : i32
    %mul3A_52 = arith.muli %mul3A_50, %mul3A_51 : i32
    %dma_start3A_53 = arith.constant 0 : i32
    %dma_start3A_54 = tpu.memref_slice %arg9[%dma_start3A_53] : memref<8208xi32, #tpu.memory_space<vmem>> -> memref<8192xi32, #tpu.memory_space<vmem>>
    %dma_start3A_55 = tpu.memref_slice %arg14[%mul3A_52] : memref<131072xi32, #tpu.memory_space<vmem_shared>> -> memref<8192xi32, #tpu.memory_space<vmem_shared>>
    %dma_start3A_56 = tpu.memref_slice %arg14[%mul3A_52] : memref<131072xi32, #tpu.memory_space<vmem_shared>> -> memref<8192xi32, #tpu.memory_space<vmem_shared>>
    %dma_start3A_57 = arith.constant 0 : i32
    %dma_start3A_58 = tpu.memref_slice %arg9[%dma_start3A_57] : memref<8208xi32, #tpu.memory_space<vmem>> -> memref<8192xi32, #tpu.memory_space<vmem>>
    tpu.enqueue_dma source(%dma_start3A_58 : memref<8192xi32, #tpu.memory_space<vmem>>) target(%dma_start3A_56 : memref<8192xi32, #tpu.memory_space<vmem_shared>>) target_semaphore(%arg17 : memref<!tpu.dma_semaphore, #tpu.memory_space<semaphore_mem>>)
    %mul3A_59 = arith.constant 32 : i32
    %mul3A_60 = arith.muli %arg1, %mul3A_59 : i32
    %mul3A_61 = arith.constant 16 : i32
    %mul3A_62 = arith.muli %mul3A_60, %mul3A_61 : i32
    %mul3A_63 = arith.constant 16 : i32
    %mul3A_64 = arith.muli %mul3A_62, %mul3A_63 : i32
    %dma_start3A_65 = arith.constant 0 : i32
    %dma_start3A_66 = tpu.memref_slice %arg10[%dma_start3A_65] : memref<8208xf32, #tpu.memory_space<vmem>> -> memref<8192xf32, #tpu.memory_space<vmem>>
    %dma_start3A_67 = tpu.memref_slice %arg15[%mul3A_64] : memref<131072xf32, #tpu.memory_space<vmem_shared>> -> memref<8192xf32, #tpu.memory_space<vmem_shared>>
    %dma_start3A_68 = tpu.memref_slice %arg15[%mul3A_64] : memref<131072xf32, #tpu.memory_space<vmem_shared>> -> memref<8192xf32, #tpu.memory_space<vmem_shared>>
    %dma_start3A_69 = arith.constant 0 : i32
    %dma_start3A_70 = tpu.memref_slice %arg10[%dma_start3A_69] : memref<8208xf32, #tpu.memory_space<vmem>> -> memref<8192xf32, #tpu.memory_space<vmem>>
    tpu.enqueue_dma source(%dma_start3A_70 : memref<8192xf32, #tpu.memory_space<vmem>>) target(%dma_start3A_68 : memref<8192xf32, #tpu.memory_space<vmem_shared>>) target_semaphore(%arg17 : memref<!tpu.dma_semaphore, #tpu.memory_space<semaphore_mem>>)
    %dma_wait3A_71 = arith.constant 0 : i32
    %dma_wait3A_72 = tpu.memref_slice %arg9[%dma_wait3A_71] : memref<8208xi32, #tpu.memory_space<vmem>> -> memref<8192xi32, #tpu.memory_space<vmem>>
    %dma_wait3A_73 = tpu.memref_slice %arg14[%mul3A_52] : memref<131072xi32, #tpu.memory_space<vmem_shared>> -> memref<8192xi32, #tpu.memory_space<vmem_shared>>
    %dma_wait3A_74 = tpu.memref_slice %arg14[%mul3A_52] : memref<131072xi32, #tpu.memory_space<vmem_shared>> -> memref<8192xi32, #tpu.memory_space<vmem_shared>>
    %dma_wait3A_75 = arith.constant 0 : i32
    %dma_wait3A_76 = tpu.memref_slice %arg9[%dma_wait3A_75] : memref<8208xi32, #tpu.memory_space<vmem>> -> memref<8192xi32, #tpu.memory_space<vmem>>
    tpu.wait_dma2 semaphore(%arg17 : memref<!tpu.dma_semaphore, #tpu.memory_space<semaphore_mem>>) src(%dma_wait3A_76 : memref<8192xi32, #tpu.memory_space<vmem>>) dst(%dma_wait3A_74 : memref<8192xi32, #tpu.memory_space<vmem_shared>>)
    %dma_wait3A_77 = arith.constant 0 : i32
    %dma_wait3A_78 = tpu.memref_slice %arg10[%dma_wait3A_77] : memref<8208xf32, #tpu.memory_space<vmem>> -> memref<8192xf32, #tpu.memory_space<vmem>>
    %dma_wait3A_79 = tpu.memref_slice %arg15[%mul3A_64] : memref<131072xf32, #tpu.memory_space<vmem_shared>> -> memref<8192xf32, #tpu.memory_space<vmem_shared>>
    %dma_wait3A_80 = tpu.memref_slice %arg15[%mul3A_64] : memref<131072xf32, #tpu.memory_space<vmem_shared>> -> memref<8192xf32, #tpu.memory_space<vmem_shared>>
    %dma_wait3A_81 = arith.constant 0 : i32
    %dma_wait3A_82 = tpu.memref_slice %arg10[%dma_wait3A_81] : memref<8208xf32, #tpu.memory_space<vmem>> -> memref<8192xf32, #tpu.memory_space<vmem>>
    tpu.wait_dma2 semaphore(%arg17 : memref<!tpu.dma_semaphore, #tpu.memory_space<semaphore_mem>>) src(%dma_wait3A_82 : memref<8192xf32, #tpu.memory_space<vmem>>) dst(%dma_wait3A_80 : memref<8192xf32, #tpu.memory_space<vmem_shared>>)
    %barrier3A_83 = arith.constant 0 : index
    tpu.barrier barrier_id(%barrier3A_83)
    %mul3A_84 = arith.constant 512 : i32
    %mul3A_85 = arith.muli %arg1, %mul3A_84 : i32
    %add3A_86 = arith.constant 0 : i32
    %add3A_87 = arith.addi %add3A_86, %mul3A_85 : i32
    %dma_start3A_88 = arith.constant 0 : i32
    %dma_start3A_89 = tpu.memref_slice %arg9[%dma_start3A_88] : memref<8208xi32, #tpu.memory_space<vmem>> -> memref<512xi32, #tpu.memory_space<vmem>>
    %dma_start3A_90 = tpu.memref_slice %arg14[%add3A_87] : memref<131072xi32, #tpu.memory_space<vmem_shared>> -> memref<512xi32, #tpu.memory_space<vmem_shared>>
    %dma_start3A_91 = arith.constant 0 : i32
    %dma_start3A_92 = tpu.memref_slice %arg9[%dma_start3A_91] : memref<8208xi32, #tpu.memory_space<vmem>> -> memref<512xi32, #tpu.memory_space<vmem>>
    %dma_start3A_93 = tpu.memref_slice %arg14[%add3A_87] : memref<131072xi32, #tpu.memory_space<vmem_shared>> -> memref<512xi32, #tpu.memory_space<vmem_shared>>
    tpu.enqueue_dma source(%dma_start3A_93 : memref<512xi32, #tpu.memory_space<vmem_shared>>) target(%dma_start3A_92 : memref<512xi32, #tpu.memory_space<vmem>>) target_semaphore(%arg18 : memref<!tpu.dma_semaphore, #tpu.memory_space<semaphore_mem>>)
    %dma_start3A_94 = arith.constant 0 : i32
    %dma_start3A_95 = tpu.memref_slice %arg10[%dma_start3A_94] : memref<8208xf32, #tpu.memory_space<vmem>> -> memref<512xf32, #tpu.memory_space<vmem>>
    %dma_start3A_96 = tpu.memref_slice %arg15[%add3A_87] : memref<131072xf32, #tpu.memory_space<vmem_shared>> -> memref<512xf32, #tpu.memory_space<vmem_shared>>
    %dma_start3A_97 = arith.constant 0 : i32
    %dma_start3A_98 = tpu.memref_slice %arg10[%dma_start3A_97] : memref<8208xf32, #tpu.memory_space<vmem>> -> memref<512xf32, #tpu.memory_space<vmem>>
    %dma_start3A_99 = tpu.memref_slice %arg15[%add3A_87] : memref<131072xf32, #tpu.memory_space<vmem_shared>> -> memref<512xf32, #tpu.memory_space<vmem_shared>>
    tpu.enqueue_dma source(%dma_start3A_99 : memref<512xf32, #tpu.memory_space<vmem_shared>>) target(%dma_start3A_98 : memref<512xf32, #tpu.memory_space<vmem>>) target_semaphore(%arg18 : memref<!tpu.dma_semaphore, #tpu.memory_space<semaphore_mem>>)
    %add3A_100 = arith.constant 8192 : i32
    %add3A_101 = arith.addi %add3A_100, %mul3A_85 : i32
    %dma_start3A_102 = arith.constant 512 : i32
    %dma_start3A_103 = tpu.memref_slice %arg9[%dma_start3A_102] : memref<8208xi32, #tpu.memory_space<vmem>> -> memref<512xi32, #tpu.memory_space<vmem>>
    %dma_start3A_104 = tpu.memref_slice %arg14[%add3A_101] : memref<131072xi32, #tpu.memory_space<vmem_shared>> -> memref<512xi32, #tpu.memory_space<vmem_shared>>
    %dma_start3A_105 = arith.constant 512 : i32
    %dma_start3A_106 = tpu.memref_slice %arg9[%dma_start3A_105] : memref<8208xi32, #tpu.memory_space<vmem>> -> memref<512xi32, #tpu.memory_space<vmem>>
    %dma_start3A_107 = tpu.memref_slice %arg14[%add3A_101] : memref<131072xi32, #tpu.memory_space<vmem_shared>> -> memref<512xi32, #tpu.memory_space<vmem_shared>>
    tpu.enqueue_dma source(%dma_start3A_107 : memref<512xi32, #tpu.memory_space<vmem_shared>>) target(%dma_start3A_106 : memref<512xi32, #tpu.memory_space<vmem>>) target_semaphore(%arg18 : memref<!tpu.dma_semaphore, #tpu.memory_space<semaphore_mem>>)
    %dma_start3A_108 = arith.constant 512 : i32
    %dma_start3A_109 = tpu.memref_slice %arg10[%dma_start3A_108] : memref<8208xf32, #tpu.memory_space<vmem>> -> memref<512xf32, #tpu.memory_space<vmem>>
    %dma_start3A_110 = tpu.memref_slice %arg15[%add3A_101] : memref<131072xf32, #tpu.memory_space<vmem_shared>> -> memref<512xf32, #tpu.memory_space<vmem_shared>>
    %dma_start3A_111 = arith.constant 512 : i32
    %dma_start3A_112 = tpu.memref_slice %arg10[%dma_start3A_111] : memref<8208xf32, #tpu.memory_space<vmem>> -> memref<512xf32, #tpu.memory_space<vmem>>
    %dma_start3A_113 = tpu.memref_slice %arg15[%add3A_101] : memref<131072xf32, #tpu.memory_space<vmem_shared>> -> memref<512xf32, #tpu.memory_space<vmem_shared>>
    tpu.enqueue_dma source(%dma_start3A_113 : memref<512xf32, #tpu.memory_space<vmem_shared>>) target(%dma_start3A_112 : memref<512xf32, #tpu.memory_space<vmem>>) target_semaphore(%arg18 : memref<!tpu.dma_semaphore, #tpu.memory_space<semaphore_mem>>)
    %add3A_114 = arith.constant 16384 : i32
    %add3A_115 = arith.addi %add3A_114, %mul3A_85 : i32
    %dma_start3A_116 = arith.constant 1024 : i32
    %dma_start3A_117 = tpu.memref_slice %arg9[%dma_start3A_116] : memref<8208xi32, #tpu.memory_space<vmem>> -> memref<512xi32, #tpu.memory_space<vmem>>
    %dma_start3A_118 = tpu.memref_slice %arg14[%add3A_115] : memref<131072xi32, #tpu.memory_space<vmem_shared>> -> memref<512xi32, #tpu.memory_space<vmem_shared>>
    %dma_start3A_119 = arith.constant 1024 : i32
    %dma_start3A_120 = tpu.memref_slice %arg9[%dma_start3A_119] : memref<8208xi32, #tpu.memory_space<vmem>> -> memref<512xi32, #tpu.memory_space<vmem>>
    %dma_start3A_121 = tpu.memref_slice %arg14[%add3A_115] : memref<131072xi32, #tpu.memory_space<vmem_shared>> -> memref<512xi32, #tpu.memory_space<vmem_shared>>
    tpu.enqueue_dma source(%dma_start3A_121 : memref<512xi32, #tpu.memory_space<vmem_shared>>) target(%dma_start3A_120 : memref<512xi32, #tpu.memory_space<vmem>>) target_semaphore(%arg18 : memref<!tpu.dma_semaphore, #tpu.memory_space<semaphore_mem>>)
    %dma_start3A_122 = arith.constant 1024 : i32
    %dma_start3A_123 = tpu.memref_slice %arg10[%dma_start3A_122] : memref<8208xf32, #tpu.memory_space<vmem>> -> memref<512xf32, #tpu.memory_space<vmem>>
    %dma_start3A_124 = tpu.memref_slice %arg15[%add3A_115] : memref<131072xf32, #tpu.memory_space<vmem_shared>> -> memref<512xf32, #tpu.memory_space<vmem_shared>>
    %dma_start3A_125 = arith.constant 1024 : i32
    %dma_start3A_126 = tpu.memref_slice %arg10[%dma_start3A_125] : memref<8208xf32, #tpu.memory_space<vmem>> -> memref<512xf32, #tpu.memory_space<vmem>>
    %dma_start3A_127 = tpu.memref_slice %arg15[%add3A_115] : memref<131072xf32, #tpu.memory_space<vmem_shared>> -> memref<512xf32, #tpu.memory_space<vmem_shared>>
    tpu.enqueue_dma source(%dma_start3A_127 : memref<512xf32, #tpu.memory_space<vmem_shared>>) target(%dma_start3A_126 : memref<512xf32, #tpu.memory_space<vmem>>) target_semaphore(%arg18 : memref<!tpu.dma_semaphore, #tpu.memory_space<semaphore_mem>>)
    %add3A_128 = arith.constant 24576 : i32
    %add3A_129 = arith.addi %add3A_128, %mul3A_85 : i32
    %dma_start3A_130 = arith.constant 1536 : i32
    %dma_start3A_131 = tpu.memref_slice %arg9[%dma_start3A_130] : memref<8208xi32, #tpu.memory_space<vmem>> -> memref<512xi32, #tpu.memory_space<vmem>>
    %dma_start3A_132 = tpu.memref_slice %arg14[%add3A_129] : memref<131072xi32, #tpu.memory_space<vmem_shared>> -> memref<512xi32, #tpu.memory_space<vmem_shared>>
    %dma_start3A_133 = arith.constant 1536 : i32
    %dma_start3A_134 = tpu.memref_slice %arg9[%dma_start3A_133] : memref<8208xi32, #tpu.memory_space<vmem>> -> memref<512xi32, #tpu.memory_space<vmem>>
    %dma_start3A_135 = tpu.memref_slice %arg14[%add3A_129] : memref<131072xi32, #tpu.memory_space<vmem_shared>> -> memref<512xi32, #tpu.memory_space<vmem_shared>>
    tpu.enqueue_dma source(%dma_start3A_135 : memref<512xi32, #tpu.memory_space<vmem_shared>>) target(%dma_start3A_134 : memref<512xi32, #tpu.memory_space<vmem>>) target_semaphore(%arg18 : memref<!tpu.dma_semaphore, #tpu.memory_space<semaphore_mem>>)
    %dma_start3A_136 = arith.constant 1536 : i32
    %dma_start3A_137 = tpu.memref_slice %arg10[%dma_start3A_136] : memref<8208xf32, #tpu.memory_space<vmem>> -> memref<512xf32, #tpu.memory_space<vmem>>
    %dma_start3A_138 = tpu.memref_slice %arg15[%add3A_129] : memref<131072xf32, #tpu.memory_space<vmem_shared>> -> memref<512xf32, #tpu.memory_space<vmem_shared>>
    %dma_start3A_139 = arith.constant 1536 : i32
    %dma_start3A_140 = tpu.memref_slice %arg10[%dma_start3A_139] : memref<8208xf32, #tpu.memory_space<vmem>> -> memref<512xf32, #tpu.memory_space<vmem>>
    %dma_start3A_141 = tpu.memref_slice %arg15[%add3A_129] : memref<131072xf32, #tpu.memory_space<vmem_shared>> -> memref<512xf32, #tpu.memory_space<vmem_shared>>
    tpu.enqueue_dma source(%dma_start3A_141 : memref<512xf32, #tpu.memory_space<vmem_shared>>) target(%dma_start3A_140 : memref<512xf32, #tpu.memory_space<vmem>>) target_semaphore(%arg18 : memref<!tpu.dma_semaphore, #tpu.memory_space<semaphore_mem>>)
    %add3A_142 = arith.constant 32768 : i32
    %add3A_143 = arith.addi %add3A_142, %mul3A_85 : i32
    %dma_start3A_144 = arith.constant 2048 : i32
    %dma_start3A_145 = tpu.memref_slice %arg9[%dma_start3A_144] : memref<8208xi32, #tpu.memory_space<vmem>> -> memref<512xi32, #tpu.memory_space<vmem>>
    %dma_start3A_146 = tpu.memref_slice %arg14[%add3A_143] : memref<131072xi32, #tpu.memory_space<vmem_shared>> -> memref<512xi32, #tpu.memory_space<vmem_shared>>
    %dma_start3A_147 = arith.constant 2048 : i32
    %dma_start3A_148 = tpu.memref_slice %arg9[%dma_start3A_147] : memref<8208xi32, #tpu.memory_space<vmem>> -> memref<512xi32, #tpu.memory_space<vmem>>
    %dma_start3A_149 = tpu.memref_slice %arg14[%add3A_143] : memref<131072xi32, #tpu.memory_space<vmem_shared>> -> memref<512xi32, #tpu.memory_space<vmem_shared>>
    tpu.enqueue_dma source(%dma_start3A_149 : memref<512xi32, #tpu.memory_space<vmem_shared>>) target(%dma_start3A_148 : memref<512xi32, #tpu.memory_space<vmem>>) target_semaphore(%arg18 : memref<!tpu.dma_semaphore, #tpu.memory_space<semaphore_mem>>)
    %dma_start3A_150 = arith.constant 2048 : i32
    %dma_start3A_151 = tpu.memref_slice %arg10[%dma_start3A_150] : memref<8208xf32, #tpu.memory_space<vmem>> -> memref<512xf32, #tpu.memory_space<vmem>>
    %dma_start3A_152 = tpu.memref_slice %arg15[%add3A_143] : memref<131072xf32, #tpu.memory_space<vmem_shared>> -> memref<512xf32, #tpu.memory_space<vmem_shared>>
    %dma_start3A_153 = arith.constant 2048 : i32
    %dma_start3A_154 = tpu.memref_slice %arg10[%dma_start3A_153] : memref<8208xf32, #tpu.memory_space<vmem>> -> memref<512xf32, #tpu.memory_space<vmem>>
    %dma_start3A_155 = tpu.memref_slice %arg15[%add3A_143] : memref<131072xf32, #tpu.memory_space<vmem_shared>> -> memref<512xf32, #tpu.memory_space<vmem_shared>>
    tpu.enqueue_dma source(%dma_start3A_155 : memref<512xf32, #tpu.memory_space<vmem_shared>>) target(%dma_start3A_154 : memref<512xf32, #tpu.memory_space<vmem>>) target_semaphore(%arg18 : memref<!tpu.dma_semaphore, #tpu.memory_space<semaphore_mem>>)
    %add3A_156 = arith.constant 40960 : i32
    %add3A_157 = arith.addi %add3A_156, %mul3A_85 : i32
    %dma_start3A_158 = arith.constant 2560 : i32
    %dma_start3A_159 = tpu.memref_slice %arg9[%dma_start3A_158] : memref<8208xi32, #tpu.memory_space<vmem>> -> memref<512xi32, #tpu.memory_space<vmem>>
    %dma_start3A_160 = tpu.memref_slice %arg14[%add3A_157] : memref<131072xi32, #tpu.memory_space<vmem_shared>> -> memref<512xi32, #tpu.memory_space<vmem_shared>>
    %dma_start3A_161 = arith.constant 2560 : i32
    %dma_start3A_162 = tpu.memref_slice %arg9[%dma_start3A_161] : memref<8208xi32, #tpu.memory_space<vmem>> -> memref<512xi32, #tpu.memory_space<vmem>>
    %dma_start3A_163 = tpu.memref_slice %arg14[%add3A_157] : memref<131072xi32, #tpu.memory_space<vmem_shared>> -> memref<512xi32, #tpu.memory_space<vmem_shared>>
    tpu.enqueue_dma source(%dma_start3A_163 : memref<512xi32, #tpu.memory_space<vmem_shared>>) target(%dma_start3A_162 : memref<512xi32, #tpu.memory_space<vmem>>) target_semaphore(%arg18 : memref<!tpu.dma_semaphore, #tpu.memory_space<semaphore_mem>>)
    %dma_start3A_164 = arith.constant 2560 : i32
    %dma_start3A_165 = tpu.memref_slice %arg10[%dma_start3A_164] : memref<8208xf32, #tpu.memory_space<vmem>> -> memref<512xf32, #tpu.memory_space<vmem>>
    %dma_start3A_166 = tpu.memref_slice %arg15[%add3A_157] : memref<131072xf32, #tpu.memory_space<vmem_shared>> -> memref<512xf32, #tpu.memory_space<vmem_shared>>
    %dma_start3A_167 = arith.constant 2560 : i32
    %dma_start3A_168 = tpu.memref_slice %arg10[%dma_start3A_167] : memref<8208xf32, #tpu.memory_space<vmem>> -> memref<512xf32, #tpu.memory_space<vmem>>
    %dma_start3A_169 = tpu.memref_slice %arg15[%add3A_157] : memref<131072xf32, #tpu.memory_space<vmem_shared>> -> memref<512xf32, #tpu.memory_space<vmem_shared>>
    tpu.enqueue_dma source(%dma_start3A_169 : memref<512xf32, #tpu.memory_space<vmem_shared>>) target(%dma_start3A_168 : memref<512xf32, #tpu.memory_space<vmem>>) target_semaphore(%arg18 : memref<!tpu.dma_semaphore, #tpu.memory_space<semaphore_mem>>)
    %add3A_170 = arith.constant 49152 : i32
    %add3A_171 = arith.addi %add3A_170, %mul3A_85 : i32
    %dma_start3A_172 = arith.constant 3072 : i32
    %dma_start3A_173 = tpu.memref_slice %arg9[%dma_start3A_172] : memref<8208xi32, #tpu.memory_space<vmem>> -> memref<512xi32, #tpu.memory_space<vmem>>
    %dma_start3A_174 = tpu.memref_slice %arg14[%add3A_171] : memref<131072xi32, #tpu.memory_space<vmem_shared>> -> memref<512xi32, #tpu.memory_space<vmem_shared>>
    %dma_start3A_175 = arith.constant 3072 : i32
    %dma_start3A_176 = tpu.memref_slice %arg9[%dma_start3A_175] : memref<8208xi32, #tpu.memory_space<vmem>> -> memref<512xi32, #tpu.memory_space<vmem>>
    %dma_start3A_177 = tpu.memref_slice %arg14[%add3A_171] : memref<131072xi32, #tpu.memory_space<vmem_shared>> -> memref<512xi32, #tpu.memory_space<vmem_shared>>
    tpu.enqueue_dma source(%dma_start3A_177 : memref<512xi32, #tpu.memory_space<vmem_shared>>) target(%dma_start3A_176 : memref<512xi32, #tpu.memory_space<vmem>>) target_semaphore(%arg18 : memref<!tpu.dma_semaphore, #tpu.memory_space<semaphore_mem>>)
    %dma_start3A_178 = arith.constant 3072 : i32
    %dma_start3A_179 = tpu.memref_slice %arg10[%dma_start3A_178] : memref<8208xf32, #tpu.memory_space<vmem>> -> memref<512xf32, #tpu.memory_space<vmem>>
    %dma_start3A_180 = tpu.memref_slice %arg15[%add3A_171] : memref<131072xf32, #tpu.memory_space<vmem_shared>> -> memref<512xf32, #tpu.memory_space<vmem_shared>>
    %dma_start3A_181 = arith.constant 3072 : i32
    %dma_start3A_182 = tpu.memref_slice %arg10[%dma_start3A_181] : memref<8208xf32, #tpu.memory_space<vmem>> -> memref<512xf32, #tpu.memory_space<vmem>>
    %dma_start3A_183 = tpu.memref_slice %arg15[%add3A_171] : memref<131072xf32, #tpu.memory_space<vmem_shared>> -> memref<512xf32, #tpu.memory_space<vmem_shared>>
    tpu.enqueue_dma source(%dma_start3A_183 : memref<512xf32, #tpu.memory_space<vmem_shared>>) target(%dma_start3A_182 : memref<512xf32, #tpu.memory_space<vmem>>) target_semaphore(%arg18 : memref<!tpu.dma_semaphore, #tpu.memory_space<semaphore_mem>>)
    %add3A_184 = arith.constant 57344 : i32
    %add3A_185 = arith.addi %add3A_184, %mul3A_85 : i32
    %dma_start3A_186 = arith.constant 3584 : i32
    %dma_start3A_187 = tpu.memref_slice %arg9[%dma_start3A_186] : memref<8208xi32, #tpu.memory_space<vmem>> -> memref<512xi32, #tpu.memory_space<vmem>>
    %dma_start3A_188 = tpu.memref_slice %arg14[%add3A_185] : memref<131072xi32, #tpu.memory_space<vmem_shared>> -> memref<512xi32, #tpu.memory_space<vmem_shared>>
    %dma_start3A_189 = arith.constant 3584 : i32
    %dma_start3A_190 = tpu.memref_slice %arg9[%dma_start3A_189] : memref<8208xi32, #tpu.memory_space<vmem>> -> memref<512xi32, #tpu.memory_space<vmem>>
    %dma_start3A_191 = tpu.memref_slice %arg14[%add3A_185] : memref<131072xi32, #tpu.memory_space<vmem_shared>> -> memref<512xi32, #tpu.memory_space<vmem_shared>>
    tpu.enqueue_dma source(%dma_start3A_191 : memref<512xi32, #tpu.memory_space<vmem_shared>>) target(%dma_start3A_190 : memref<512xi32, #tpu.memory_space<vmem>>) target_semaphore(%arg18 : memref<!tpu.dma_semaphore, #tpu.memory_space<semaphore_mem>>)
    %dma_start3A_192 = arith.constant 3584 : i32
    %dma_start3A_193 = tpu.memref_slice %arg10[%dma_start3A_192] : memref<8208xf32, #tpu.memory_space<vmem>> -> memref<512xf32, #tpu.memory_space<vmem>>
    %dma_start3A_194 = tpu.memref_slice %arg15[%add3A_185] : memref<131072xf32, #tpu.memory_space<vmem_shared>> -> memref<512xf32, #tpu.memory_space<vmem_shared>>
    %dma_start3A_195 = arith.constant 3584 : i32
    %dma_start3A_196 = tpu.memref_slice %arg10[%dma_start3A_195] : memref<8208xf32, #tpu.memory_space<vmem>> -> memref<512xf32, #tpu.memory_space<vmem>>
    %dma_start3A_197 = tpu.memref_slice %arg15[%add3A_185] : memref<131072xf32, #tpu.memory_space<vmem_shared>> -> memref<512xf32, #tpu.memory_space<vmem_shared>>
    tpu.enqueue_dma source(%dma_start3A_197 : memref<512xf32, #tpu.memory_space<vmem_shared>>) target(%dma_start3A_196 : memref<512xf32, #tpu.memory_space<vmem>>) target_semaphore(%arg18 : memref<!tpu.dma_semaphore, #tpu.memory_space<semaphore_mem>>)
    %add3A_198 = arith.constant 65536 : i32
    %add3A_199 = arith.addi %add3A_198, %mul3A_85 : i32
    %dma_start3A_200 = arith.constant 4096 : i32
    %dma_start3A_201 = tpu.memref_slice %arg9[%dma_start3A_200] : memref<8208xi32, #tpu.memory_space<vmem>> -> memref<512xi32, #tpu.memory_space<vmem>>
    %dma_start3A_202 = tpu.memref_slice %arg14[%add3A_199] : memref<131072xi32, #tpu.memory_space<vmem_shared>> -> memref<512xi32, #tpu.memory_space<vmem_shared>>
    %dma_start3A_203 = arith.constant 4096 : i32
    %dma_start3A_204 = tpu.memref_slice %arg9[%dma_start3A_203] : memref<8208xi32, #tpu.memory_space<vmem>> -> memref<512xi32, #tpu.memory_space<vmem>>
    %dma_start3A_205 = tpu.memref_slice %arg14[%add3A_199] : memref<131072xi32, #tpu.memory_space<vmem_shared>> -> memref<512xi32, #tpu.memory_space<vmem_shared>>
    tpu.enqueue_dma source(%dma_start3A_205 : memref<512xi32, #tpu.memory_space<vmem_shared>>) target(%dma_start3A_204 : memref<512xi32, #tpu.memory_space<vmem>>) target_semaphore(%arg18 : memref<!tpu.dma_semaphore, #tpu.memory_space<semaphore_mem>>)
    %dma_start3A_206 = arith.constant 4096 : i32
    %dma_start3A_207 = tpu.memref_slice %arg10[%dma_start3A_206] : memref<8208xf32, #tpu.memory_space<vmem>> -> memref<512xf32, #tpu.memory_space<vmem>>
    %dma_start3A_208 = tpu.memref_slice %arg15[%add3A_199] : memref<131072xf32, #tpu.memory_space<vmem_shared>> -> memref<512xf32, #tpu.memory_space<vmem_shared>>
    %dma_start3A_209 = arith.constant 4096 : i32
    %dma_start3A_210 = tpu.memref_slice %arg10[%dma_start3A_209] : memref<8208xf32, #tpu.memory_space<vmem>> -> memref<512xf32, #tpu.memory_space<vmem>>
    %dma_start3A_211 = tpu.memref_slice %arg15[%add3A_199] : memref<131072xf32, #tpu.memory_space<vmem_shared>> -> memref<512xf32, #tpu.memory_space<vmem_shared>>
    tpu.enqueue_dma source(%dma_start3A_211 : memref<512xf32, #tpu.memory_space<vmem_shared>>) target(%dma_start3A_210 : memref<512xf32, #tpu.memory_space<vmem>>) target_semaphore(%arg18 : memref<!tpu.dma_semaphore, #tpu.memory_space<semaphore_mem>>)
    %add3A_212 = arith.constant 73728 : i32
    %add3A_213 = arith.addi %add3A_212, %mul3A_85 : i32
    %dma_start3A_214 = arith.constant 4608 : i32
    %dma_start3A_215 = tpu.memref_slice %arg9[%dma_start3A_214] : memref<8208xi32, #tpu.memory_space<vmem>> -> memref<512xi32, #tpu.memory_space<vmem>>
    %dma_start3A_216 = tpu.memref_slice %arg14[%add3A_213] : memref<131072xi32, #tpu.memory_space<vmem_shared>> -> memref<512xi32, #tpu.memory_space<vmem_shared>>
    %dma_start3A_217 = arith.constant 4608 : i32
    %dma_start3A_218 = tpu.memref_slice %arg9[%dma_start3A_217] : memref<8208xi32, #tpu.memory_space<vmem>> -> memref<512xi32, #tpu.memory_space<vmem>>
    %dma_start3A_219 = tpu.memref_slice %arg14[%add3A_213] : memref<131072xi32, #tpu.memory_space<vmem_shared>> -> memref<512xi32, #tpu.memory_space<vmem_shared>>
    tpu.enqueue_dma source(%dma_start3A_219 : memref<512xi32, #tpu.memory_space<vmem_shared>>) target(%dma_start3A_218 : memref<512xi32, #tpu.memory_space<vmem>>) target_semaphore(%arg18 : memref<!tpu.dma_semaphore, #tpu.memory_space<semaphore_mem>>)
    %dma_start3A_220 = arith.constant 4608 : i32
    %dma_start3A_221 = tpu.memref_slice %arg10[%dma_start3A_220] : memref<8208xf32, #tpu.memory_space<vmem>> -> memref<512xf32, #tpu.memory_space<vmem>>
    %dma_start3A_222 = tpu.memref_slice %arg15[%add3A_213] : memref<131072xf32, #tpu.memory_space<vmem_shared>> -> memref<512xf32, #tpu.memory_space<vmem_shared>>
    %dma_start3A_223 = arith.constant 4608 : i32
    %dma_start3A_224 = tpu.memref_slice %arg10[%dma_start3A_223] : memref<8208xf32, #tpu.memory_space<vmem>> -> memref<512xf32, #tpu.memory_space<vmem>>
    %dma_start3A_225 = tpu.memref_slice %arg15[%add3A_213] : memref<131072xf32, #tpu.memory_space<vmem_shared>> -> memref<512xf32, #tpu.memory_space<vmem_shared>>
    tpu.enqueue_dma source(%dma_start3A_225 : memref<512xf32, #tpu.memory_space<vmem_shared>>) target(%dma_start3A_224 : memref<512xf32, #tpu.memory_space<vmem>>) target_semaphore(%arg18 : memref<!tpu.dma_semaphore, #tpu.memory_space<semaphore_mem>>)
    %add3A_226 = arith.constant 81920 : i32
    %add3A_227 = arith.addi %add3A_226, %mul3A_85 : i32
    %dma_start3A_228 = arith.constant 5120 : i32
    %dma_start3A_229 = tpu.memref_slice %arg9[%dma_start3A_228] : memref<8208xi32, #tpu.memory_space<vmem>> -> memref<512xi32, #tpu.memory_space<vmem>>
    %dma_start3A_230 = tpu.memref_slice %arg14[%add3A_227] : memref<131072xi32, #tpu.memory_space<vmem_shared>> -> memref<512xi32, #tpu.memory_space<vmem_shared>>
    %dma_start3A_231 = arith.constant 5120 : i32
    %dma_start3A_232 = tpu.memref_slice %arg9[%dma_start3A_231] : memref<8208xi32, #tpu.memory_space<vmem>> -> memref<512xi32, #tpu.memory_space<vmem>>
    %dma_start3A_233 = tpu.memref_slice %arg14[%add3A_227] : memref<131072xi32, #tpu.memory_space<vmem_shared>> -> memref<512xi32, #tpu.memory_space<vmem_shared>>
    tpu.enqueue_dma source(%dma_start3A_233 : memref<512xi32, #tpu.memory_space<vmem_shared>>) target(%dma_start3A_232 : memref<512xi32, #tpu.memory_space<vmem>>) target_semaphore(%arg18 : memref<!tpu.dma_semaphore, #tpu.memory_space<semaphore_mem>>)
    %dma_start3A_234 = arith.constant 5120 : i32
    %dma_start3A_235 = tpu.memref_slice %arg10[%dma_start3A_234] : memref<8208xf32, #tpu.memory_space<vmem>> -> memref<512xf32, #tpu.memory_space<vmem>>
    %dma_start3A_236 = tpu.memref_slice %arg15[%add3A_227] : memref<131072xf32, #tpu.memory_space<vmem_shared>> -> memref<512xf32, #tpu.memory_space<vmem_shared>>
    %dma_start3A_237 = arith.constant 5120 : i32
    %dma_start3A_238 = tpu.memref_slice %arg10[%dma_start3A_237] : memref<8208xf32, #tpu.memory_space<vmem>> -> memref<512xf32, #tpu.memory_space<vmem>>
    %dma_start3A_239 = tpu.memref_slice %arg15[%add3A_227] : memref<131072xf32, #tpu.memory_space<vmem_shared>> -> memref<512xf32, #tpu.memory_space<vmem_shared>>
    tpu.enqueue_dma source(%dma_start3A_239 : memref<512xf32, #tpu.memory_space<vmem_shared>>) target(%dma_start3A_238 : memref<512xf32, #tpu.memory_space<vmem>>) target_semaphore(%arg18 : memref<!tpu.dma_semaphore, #tpu.memory_space<semaphore_mem>>)
    %add3A_240 = arith.constant 90112 : i32
    %add3A_241 = arith.addi %add3A_240, %mul3A_85 : i32
    %dma_start3A_242 = arith.constant 5632 : i32
    %dma_start3A_243 = tpu.memref_slice %arg9[%dma_start3A_242] : memref<8208xi32, #tpu.memory_space<vmem>> -> memref<512xi32, #tpu.memory_space<vmem>>
    %dma_start3A_244 = tpu.memref_slice %arg14[%add3A_241] : memref<131072xi32, #tpu.memory_space<vmem_shared>> -> memref<512xi32, #tpu.memory_space<vmem_shared>>
    %dma_start3A_245 = arith.constant 5632 : i32
    %dma_start3A_246 = tpu.memref_slice %arg9[%dma_start3A_245] : memref<8208xi32, #tpu.memory_space<vmem>> -> memref<512xi32, #tpu.memory_space<vmem>>
    %dma_start3A_247 = tpu.memref_slice %arg14[%add3A_241] : memref<131072xi32, #tpu.memory_space<vmem_shared>> -> memref<512xi32, #tpu.memory_space<vmem_shared>>
    tpu.enqueue_dma source(%dma_start3A_247 : memref<512xi32, #tpu.memory_space<vmem_shared>>) target(%dma_start3A_246 : memref<512xi32, #tpu.memory_space<vmem>>) target_semaphore(%arg18 : memref<!tpu.dma_semaphore, #tpu.memory_space<semaphore_mem>>)
    %dma_start3A_248 = arith.constant 5632 : i32
    %dma_start3A_249 = tpu.memref_slice %arg10[%dma_start3A_248] : memref<8208xf32, #tpu.memory_space<vmem>> -> memref<512xf32, #tpu.memory_space<vmem>>
    %dma_start3A_250 = tpu.memref_slice %arg15[%add3A_241] : memref<131072xf32, #tpu.memory_space<vmem_shared>> -> memref<512xf32, #tpu.memory_space<vmem_shared>>
    %dma_start3A_251 = arith.constant 5632 : i32
    %dma_start3A_252 = tpu.memref_slice %arg10[%dma_start3A_251] : memref<8208xf32, #tpu.memory_space<vmem>> -> memref<512xf32, #tpu.memory_space<vmem>>
    %dma_start3A_253 = tpu.memref_slice %arg15[%add3A_241] : memref<131072xf32, #tpu.memory_space<vmem_shared>> -> memref<512xf32, #tpu.memory_space<vmem_shared>>
    tpu.enqueue_dma source(%dma_start3A_253 : memref<512xf32, #tpu.memory_space<vmem_shared>>) target(%dma_start3A_252 : memref<512xf32, #tpu.memory_space<vmem>>) target_semaphore(%arg18 : memref<!tpu.dma_semaphore, #tpu.memory_space<semaphore_mem>>)
    %add3A_254 = arith.constant 98304 : i32
    %add3A_255 = arith.addi %add3A_254, %mul3A_85 : i32
    %dma_start3A_256 = arith.constant 6144 : i32
    %dma_start3A_257 = tpu.memref_slice %arg9[%dma_start3A_256] : memref<8208xi32, #tpu.memory_space<vmem>> -> memref<512xi32, #tpu.memory_space<vmem>>
    %dma_start3A_258 = tpu.memref_slice %arg14[%add3A_255] : memref<131072xi32, #tpu.memory_space<vmem_shared>> -> memref<512xi32, #tpu.memory_space<vmem_shared>>
    %dma_start3A_259 = arith.constant 6144 : i32
    %dma_start3A_260 = tpu.memref_slice %arg9[%dma_start3A_259] : memref<8208xi32, #tpu.memory_space<vmem>> -> memref<512xi32, #tpu.memory_space<vmem>>
    %dma_start3A_261 = tpu.memref_slice %arg14[%add3A_255] : memref<131072xi32, #tpu.memory_space<vmem_shared>> -> memref<512xi32, #tpu.memory_space<vmem_shared>>
    tpu.enqueue_dma source(%dma_start3A_261 : memref<512xi32, #tpu.memory_space<vmem_shared>>) target(%dma_start3A_260 : memref<512xi32, #tpu.memory_space<vmem>>) target_semaphore(%arg18 : memref<!tpu.dma_semaphore, #tpu.memory_space<semaphore_mem>>)
    %dma_start3A_262 = arith.constant 6144 : i32
    %dma_start3A_263 = tpu.memref_slice %arg10[%dma_start3A_262] : memref<8208xf32, #tpu.memory_space<vmem>> -> memref<512xf32, #tpu.memory_space<vmem>>
    %dma_start3A_264 = tpu.memref_slice %arg15[%add3A_255] : memref<131072xf32, #tpu.memory_space<vmem_shared>> -> memref<512xf32, #tpu.memory_space<vmem_shared>>
    %dma_start3A_265 = arith.constant 6144 : i32
    %dma_start3A_266 = tpu.memref_slice %arg10[%dma_start3A_265] : memref<8208xf32, #tpu.memory_space<vmem>> -> memref<512xf32, #tpu.memory_space<vmem>>
    %dma_start3A_267 = tpu.memref_slice %arg15[%add3A_255] : memref<131072xf32, #tpu.memory_space<vmem_shared>> -> memref<512xf32, #tpu.memory_space<vmem_shared>>
    tpu.enqueue_dma source(%dma_start3A_267 : memref<512xf32, #tpu.memory_space<vmem_shared>>) target(%dma_start3A_266 : memref<512xf32, #tpu.memory_space<vmem>>) target_semaphore(%arg18 : memref<!tpu.dma_semaphore, #tpu.memory_space<semaphore_mem>>)
    %add3A_268 = arith.constant 106496 : i32
    %add3A_269 = arith.addi %add3A_268, %mul3A_85 : i32
    %dma_start3A_270 = arith.constant 6656 : i32
    %dma_start3A_271 = tpu.memref_slice %arg9[%dma_start3A_270] : memref<8208xi32, #tpu.memory_space<vmem>> -> memref<512xi32, #tpu.memory_space<vmem>>
    %dma_start3A_272 = tpu.memref_slice %arg14[%add3A_269] : memref<131072xi32, #tpu.memory_space<vmem_shared>> -> memref<512xi32, #tpu.memory_space<vmem_shared>>
    %dma_start3A_273 = arith.constant 6656 : i32
    %dma_start3A_274 = tpu.memref_slice %arg9[%dma_start3A_273] : memref<8208xi32, #tpu.memory_space<vmem>> -> memref<512xi32, #tpu.memory_space<vmem>>
    %dma_start3A_275 = tpu.memref_slice %arg14[%add3A_269] : memref<131072xi32, #tpu.memory_space<vmem_shared>> -> memref<512xi32, #tpu.memory_space<vmem_shared>>
    tpu.enqueue_dma source(%dma_start3A_275 : memref<512xi32, #tpu.memory_space<vmem_shared>>) target(%dma_start3A_274 : memref<512xi32, #tpu.memory_space<vmem>>) target_semaphore(%arg18 : memref<!tpu.dma_semaphore, #tpu.memory_space<semaphore_mem>>)
    %dma_start3A_276 = arith.constant 6656 : i32
    %dma_start3A_277 = tpu.memref_slice %arg10[%dma_start3A_276] : memref<8208xf32, #tpu.memory_space<vmem>> -> memref<512xf32, #tpu.memory_space<vmem>>
    %dma_start3A_278 = tpu.memref_slice %arg15[%add3A_269] : memref<131072xf32, #tpu.memory_space<vmem_shared>> -> memref<512xf32, #tpu.memory_space<vmem_shared>>
    %dma_start3A_279 = arith.constant 6656 : i32
    %dma_start3A_280 = tpu.memref_slice %arg10[%dma_start3A_279] : memref<8208xf32, #tpu.memory_space<vmem>> -> memref<512xf32, #tpu.memory_space<vmem>>
    %dma_start3A_281 = tpu.memref_slice %arg15[%add3A_269] : memref<131072xf32, #tpu.memory_space<vmem_shared>> -> memref<512xf32, #tpu.memory_space<vmem_shared>>
    tpu.enqueue_dma source(%dma_start3A_281 : memref<512xf32, #tpu.memory_space<vmem_shared>>) target(%dma_start3A_280 : memref<512xf32, #tpu.memory_space<vmem>>) target_semaphore(%arg18 : memref<!tpu.dma_semaphore, #tpu.memory_space<semaphore_mem>>)
    %add3A_282 = arith.constant 114688 : i32
    %add3A_283 = arith.addi %add3A_282, %mul3A_85 : i32
    %dma_start3A_284 = arith.constant 7168 : i32
    %dma_start3A_285 = tpu.memref_slice %arg9[%dma_start3A_284] : memref<8208xi32, #tpu.memory_space<vmem>> -> memref<512xi32, #tpu.memory_space<vmem>>
    %dma_start3A_286 = tpu.memref_slice %arg14[%add3A_283] : memref<131072xi32, #tpu.memory_space<vmem_shared>> -> memref<512xi32, #tpu.memory_space<vmem_shared>>
    %dma_start3A_287 = arith.constant 7168 : i32
    %dma_start3A_288 = tpu.memref_slice %arg9[%dma_start3A_287] : memref<8208xi32, #tpu.memory_space<vmem>> -> memref<512xi32, #tpu.memory_space<vmem>>
    %dma_start3A_289 = tpu.memref_slice %arg14[%add3A_283] : memref<131072xi32, #tpu.memory_space<vmem_shared>> -> memref<512xi32, #tpu.memory_space<vmem_shared>>
    tpu.enqueue_dma source(%dma_start3A_289 : memref<512xi32, #tpu.memory_space<vmem_shared>>) target(%dma_start3A_288 : memref<512xi32, #tpu.memory_space<vmem>>) target_semaphore(%arg18 : memref<!tpu.dma_semaphore, #tpu.memory_space<semaphore_mem>>)
    %dma_start3A_290 = arith.constant 7168 : i32
    %dma_start3A_291 = tpu.memref_slice %arg10[%dma_start3A_290] : memref<8208xf32, #tpu.memory_space<vmem>> -> memref<512xf32, #tpu.memory_space<vmem>>
    %dma_start3A_292 = tpu.memref_slice %arg15[%add3A_283] : memref<131072xf32, #tpu.memory_space<vmem_shared>> -> memref<512xf32, #tpu.memory_space<vmem_shared>>
    %dma_start3A_293 = arith.constant 7168 : i32
    %dma_start3A_294 = tpu.memref_slice %arg10[%dma_start3A_293] : memref<8208xf32, #tpu.memory_space<vmem>> -> memref<512xf32, #tpu.memory_space<vmem>>
    %dma_start3A_295 = tpu.memref_slice %arg15[%add3A_283] : memref<131072xf32, #tpu.memory_space<vmem_shared>> -> memref<512xf32, #tpu.memory_space<vmem_shared>>
    tpu.enqueue_dma source(%dma_start3A_295 : memref<512xf32, #tpu.memory_space<vmem_shared>>) target(%dma_start3A_294 : memref<512xf32, #tpu.memory_space<vmem>>) target_semaphore(%arg18 : memref<!tpu.dma_semaphore, #tpu.memory_space<semaphore_mem>>)
    %add3A_296 = arith.constant 122880 : i32
    %add3A_297 = arith.addi %add3A_296, %mul3A_85 : i32
    %dma_start3A_298 = arith.constant 7680 : i32
    %dma_start3A_299 = tpu.memref_slice %arg9[%dma_start3A_298] : memref<8208xi32, #tpu.memory_space<vmem>> -> memref<512xi32, #tpu.memory_space<vmem>>
    %dma_start3A_300 = tpu.memref_slice %arg14[%add3A_297] : memref<131072xi32, #tpu.memory_space<vmem_shared>> -> memref<512xi32, #tpu.memory_space<vmem_shared>>
    %dma_start3A_301 = arith.constant 7680 : i32
    %dma_start3A_302 = tpu.memref_slice %arg9[%dma_start3A_301] : memref<8208xi32, #tpu.memory_space<vmem>> -> memref<512xi32, #tpu.memory_space<vmem>>
    %dma_start3A_303 = tpu.memref_slice %arg14[%add3A_297] : memref<131072xi32, #tpu.memory_space<vmem_shared>> -> memref<512xi32, #tpu.memory_space<vmem_shared>>
    tpu.enqueue_dma source(%dma_start3A_303 : memref<512xi32, #tpu.memory_space<vmem_shared>>) target(%dma_start3A_302 : memref<512xi32, #tpu.memory_space<vmem>>) target_semaphore(%arg18 : memref<!tpu.dma_semaphore, #tpu.memory_space<semaphore_mem>>)
    %dma_start3A_304 = arith.constant 7680 : i32
    %dma_start3A_305 = tpu.memref_slice %arg10[%dma_start3A_304] : memref<8208xf32, #tpu.memory_space<vmem>> -> memref<512xf32, #tpu.memory_space<vmem>>
    %dma_start3A_306 = tpu.memref_slice %arg15[%add3A_297] : memref<131072xf32, #tpu.memory_space<vmem_shared>> -> memref<512xf32, #tpu.memory_space<vmem_shared>>
    %dma_start3A_307 = arith.constant 7680 : i32
    %dma_start3A_308 = tpu.memref_slice %arg10[%dma_start3A_307] : memref<8208xf32, #tpu.memory_space<vmem>> -> memref<512xf32, #tpu.memory_space<vmem>>
    %dma_start3A_309 = tpu.memref_slice %arg15[%add3A_297] : memref<131072xf32, #tpu.memory_space<vmem_shared>> -> memref<512xf32, #tpu.memory_space<vmem_shared>>
    tpu.enqueue_dma source(%dma_start3A_309 : memref<512xf32, #tpu.memory_space<vmem_shared>>) target(%dma_start3A_308 : memref<512xf32, #tpu.memory_space<vmem>>) target_semaphore(%arg18 : memref<!tpu.dma_semaphore, #tpu.memory_space<semaphore_mem>>)
    tpu.wait_dma2 semaphore(%arg19 : memref<!tpu.dma_semaphore, #tpu.memory_space<semaphore_mem>>) src(%arg16 : memref<32x2048xf32, #tpu.memory_space<vmem_shared>>) dst(%arg12 : memref<32x2048xf32, #tpu.memory_space<vmem>>)
    %dma_wait3A_310 = arith.constant 0 : i32
    %dma_wait3A_311 = tpu.memref_slice %arg9[%dma_wait3A_310] : memref<8208xi32, #tpu.memory_space<vmem>> -> memref<512xi32, #tpu.memory_space<vmem>>
    %dma_wait3A_312 = tpu.memref_slice %arg14[%add3A_87] : memref<131072xi32, #tpu.memory_space<vmem_shared>> -> memref<512xi32, #tpu.memory_space<vmem_shared>>
    %dma_wait3A_313 = arith.constant 0 : i32
    %dma_wait3A_314 = tpu.memref_slice %arg9[%dma_wait3A_313] : memref<8208xi32, #tpu.memory_space<vmem>> -> memref<512xi32, #tpu.memory_space<vmem>>
    %dma_wait3A_315 = tpu.memref_slice %arg14[%add3A_87] : memref<131072xi32, #tpu.memory_space<vmem_shared>> -> memref<512xi32, #tpu.memory_space<vmem_shared>>
    tpu.wait_dma2 semaphore(%arg18 : memref<!tpu.dma_semaphore, #tpu.memory_space<semaphore_mem>>) src(%dma_wait3A_315 : memref<512xi32, #tpu.memory_space<vmem_shared>>) dst(%dma_wait3A_314 : memref<512xi32, #tpu.memory_space<vmem>>)
    %dma_wait3A_316 = arith.constant 0 : i32
    %dma_wait3A_317 = tpu.memref_slice %arg10[%dma_wait3A_316] : memref<8208xf32, #tpu.memory_space<vmem>> -> memref<512xf32, #tpu.memory_space<vmem>>
    %dma_wait3A_318 = tpu.memref_slice %arg15[%add3A_87] : memref<131072xf32, #tpu.memory_space<vmem_shared>> -> memref<512xf32, #tpu.memory_space<vmem_shared>>
    %dma_wait3A_319 = arith.constant 0 : i32
    %dma_wait3A_320 = tpu.memref_slice %arg10[%dma_wait3A_319] : memref<8208xf32, #tpu.memory_space<vmem>> -> memref<512xf32, #tpu.memory_space<vmem>>
    %dma_wait3A_321 = tpu.memref_slice %arg15[%add3A_87] : memref<131072xf32, #tpu.memory_space<vmem_shared>> -> memref<512xf32, #tpu.memory_space<vmem_shared>>
    tpu.wait_dma2 semaphore(%arg18 : memref<!tpu.dma_semaphore, #tpu.memory_space<semaphore_mem>>) src(%dma_wait3A_321 : memref<512xf32, #tpu.memory_space<vmem_shared>>) dst(%dma_wait3A_320 : memref<512xf32, #tpu.memory_space<vmem>>)
    %dma_wait3A_322 = arith.constant 512 : i32
    %dma_wait3A_323 = tpu.memref_slice %arg9[%dma_wait3A_322] : memref<8208xi32, #tpu.memory_space<vmem>> -> memref<512xi32, #tpu.memory_space<vmem>>
    %dma_wait3A_324 = tpu.memref_slice %arg14[%add3A_101] : memref<131072xi32, #tpu.memory_space<vmem_shared>> -> memref<512xi32, #tpu.memory_space<vmem_shared>>
    %dma_wait3A_325 = arith.constant 512 : i32
    %dma_wait3A_326 = tpu.memref_slice %arg9[%dma_wait3A_325] : memref<8208xi32, #tpu.memory_space<vmem>> -> memref<512xi32, #tpu.memory_space<vmem>>
    %dma_wait3A_327 = tpu.memref_slice %arg14[%add3A_101] : memref<131072xi32, #tpu.memory_space<vmem_shared>> -> memref<512xi32, #tpu.memory_space<vmem_shared>>
    tpu.wait_dma2 semaphore(%arg18 : memref<!tpu.dma_semaphore, #tpu.memory_space<semaphore_mem>>) src(%dma_wait3A_327 : memref<512xi32, #tpu.memory_space<vmem_shared>>) dst(%dma_wait3A_326 : memref<512xi32, #tpu.memory_space<vmem>>)
    %dma_wait3A_328 = arith.constant 512 : i32
    %dma_wait3A_329 = tpu.memref_slice %arg10[%dma_wait3A_328] : memref<8208xf32, #tpu.memory_space<vmem>> -> memref<512xf32, #tpu.memory_space<vmem>>
    %dma_wait3A_330 = tpu.memref_slice %arg15[%add3A_101] : memref<131072xf32, #tpu.memory_space<vmem_shared>> -> memref<512xf32, #tpu.memory_space<vmem_shared>>
    %dma_wait3A_331 = arith.constant 512 : i32
    %dma_wait3A_332 = tpu.memref_slice %arg10[%dma_wait3A_331] : memref<8208xf32, #tpu.memory_space<vmem>> -> memref<512xf32, #tpu.memory_space<vmem>>
    %dma_wait3A_333 = tpu.memref_slice %arg15[%add3A_101] : memref<131072xf32, #tpu.memory_space<vmem_shared>> -> memref<512xf32, #tpu.memory_space<vmem_shared>>
    tpu.wait_dma2 semaphore(%arg18 : memref<!tpu.dma_semaphore, #tpu.memory_space<semaphore_mem>>) src(%dma_wait3A_333 : memref<512xf32, #tpu.memory_space<vmem_shared>>) dst(%dma_wait3A_332 : memref<512xf32, #tpu.memory_space<vmem>>)
    %dma_wait3A_334 = arith.constant 1024 : i32
    %dma_wait3A_335 = tpu.memref_slice %arg9[%dma_wait3A_334] : memref<8208xi32, #tpu.memory_space<vmem>> -> memref<512xi32, #tpu.memory_space<vmem>>
    %dma_wait3A_336 = tpu.memref_slice %arg14[%add3A_115] : memref<131072xi32, #tpu.memory_space<vmem_shared>> -> memref<512xi32, #tpu.memory_space<vmem_shared>>
    %dma_wait3A_337 = arith.constant 1024 : i32
    %dma_wait3A_338 = tpu.memref_slice %arg9[%dma_wait3A_337] : memref<8208xi32, #tpu.memory_space<vmem>> -> memref<512xi32, #tpu.memory_space<vmem>>
    %dma_wait3A_339 = tpu.memref_slice %arg14[%add3A_115] : memref<131072xi32, #tpu.memory_space<vmem_shared>> -> memref<512xi32, #tpu.memory_space<vmem_shared>>
    tpu.wait_dma2 semaphore(%arg18 : memref<!tpu.dma_semaphore, #tpu.memory_space<semaphore_mem>>) src(%dma_wait3A_339 : memref<512xi32, #tpu.memory_space<vmem_shared>>) dst(%dma_wait3A_338 : memref<512xi32, #tpu.memory_space<vmem>>)
    %dma_wait3A_340 = arith.constant 1024 : i32
    %dma_wait3A_341 = tpu.memref_slice %arg10[%dma_wait3A_340] : memref<8208xf32, #tpu.memory_space<vmem>> -> memref<512xf32, #tpu.memory_space<vmem>>
    %dma_wait3A_342 = tpu.memref_slice %arg15[%add3A_115] : memref<131072xf32, #tpu.memory_space<vmem_shared>> -> memref<512xf32, #tpu.memory_space<vmem_shared>>
    %dma_wait3A_343 = arith.constant 1024 : i32
    %dma_wait3A_344 = tpu.memref_slice %arg10[%dma_wait3A_343] : memref<8208xf32, #tpu.memory_space<vmem>> -> memref<512xf32, #tpu.memory_space<vmem>>
    %dma_wait3A_345 = tpu.memref_slice %arg15[%add3A_115] : memref<131072xf32, #tpu.memory_space<vmem_shared>> -> memref<512xf32, #tpu.memory_space<vmem_shared>>
    tpu.wait_dma2 semaphore(%arg18 : memref<!tpu.dma_semaphore, #tpu.memory_space<semaphore_mem>>) src(%dma_wait3A_345 : memref<512xf32, #tpu.memory_space<vmem_shared>>) dst(%dma_wait3A_344 : memref<512xf32, #tpu.memory_space<vmem>>)
    %dma_wait3A_346 = arith.constant 1536 : i32
    %dma_wait3A_347 = tpu.memref_slice %arg9[%dma_wait3A_346] : memref<8208xi32, #tpu.memory_space<vmem>> -> memref<512xi32, #tpu.memory_space<vmem>>
    %dma_wait3A_348 = tpu.memref_slice %arg14[%add3A_129] : memref<131072xi32, #tpu.memory_space<vmem_shared>> -> memref<512xi32, #tpu.memory_space<vmem_shared>>
    %dma_wait3A_349 = arith.constant 1536 : i32
    %dma_wait3A_350 = tpu.memref_slice %arg9[%dma_wait3A_349] : memref<8208xi32, #tpu.memory_space<vmem>> -> memref<512xi32, #tpu.memory_space<vmem>>
    %dma_wait3A_351 = tpu.memref_slice %arg14[%add3A_129] : memref<131072xi32, #tpu.memory_space<vmem_shared>> -> memref<512xi32, #tpu.memory_space<vmem_shared>>
    tpu.wait_dma2 semaphore(%arg18 : memref<!tpu.dma_semaphore, #tpu.memory_space<semaphore_mem>>) src(%dma_wait3A_351 : memref<512xi32, #tpu.memory_space<vmem_shared>>) dst(%dma_wait3A_350 : memref<512xi32, #tpu.memory_space<vmem>>)
    %dma_wait3A_352 = arith.constant 1536 : i32
    %dma_wait3A_353 = tpu.memref_slice %arg10[%dma_wait3A_352] : memref<8208xf32, #tpu.memory_space<vmem>> -> memref<512xf32, #tpu.memory_space<vmem>>
    %dma_wait3A_354 = tpu.memref_slice %arg15[%add3A_129] : memref<131072xf32, #tpu.memory_space<vmem_shared>> -> memref<512xf32, #tpu.memory_space<vmem_shared>>
    %dma_wait3A_355 = arith.constant 1536 : i32
    %dma_wait3A_356 = tpu.memref_slice %arg10[%dma_wait3A_355] : memref<8208xf32, #tpu.memory_space<vmem>> -> memref<512xf32, #tpu.memory_space<vmem>>
    %dma_wait3A_357 = tpu.memref_slice %arg15[%add3A_129] : memref<131072xf32, #tpu.memory_space<vmem_shared>> -> memref<512xf32, #tpu.memory_space<vmem_shared>>
    tpu.wait_dma2 semaphore(%arg18 : memref<!tpu.dma_semaphore, #tpu.memory_space<semaphore_mem>>) src(%dma_wait3A_357 : memref<512xf32, #tpu.memory_space<vmem_shared>>) dst(%dma_wait3A_356 : memref<512xf32, #tpu.memory_space<vmem>>)
    %dma_wait3A_358 = arith.constant 2048 : i32
    %dma_wait3A_359 = tpu.memref_slice %arg9[%dma_wait3A_358] : memref<8208xi32, #tpu.memory_space<vmem>> -> memref<512xi32, #tpu.memory_space<vmem>>
    %dma_wait3A_360 = tpu.memref_slice %arg14[%add3A_143] : memref<131072xi32, #tpu.memory_space<vmem_shared>> -> memref<512xi32, #tpu.memory_space<vmem_shared>>
    %dma_wait3A_361 = arith.constant 2048 : i32
    %dma_wait3A_362 = tpu.memref_slice %arg9[%dma_wait3A_361] : memref<8208xi32, #tpu.memory_space<vmem>> -> memref<512xi32, #tpu.memory_space<vmem>>
    %dma_wait3A_363 = tpu.memref_slice %arg14[%add3A_143] : memref<131072xi32, #tpu.memory_space<vmem_shared>> -> memref<512xi32, #tpu.memory_space<vmem_shared>>
    tpu.wait_dma2 semaphore(%arg18 : memref<!tpu.dma_semaphore, #tpu.memory_space<semaphore_mem>>) src(%dma_wait3A_363 : memref<512xi32, #tpu.memory_space<vmem_shared>>) dst(%dma_wait3A_362 : memref<512xi32, #tpu.memory_space<vmem>>)
    %dma_wait3A_364 = arith.constant 2048 : i32
    %dma_wait3A_365 = tpu.memref_slice %arg10[%dma_wait3A_364] : memref<8208xf32, #tpu.memory_space<vmem>> -> memref<512xf32, #tpu.memory_space<vmem>>
    %dma_wait3A_366 = tpu.memref_slice %arg15[%add3A_143] : memref<131072xf32, #tpu.memory_space<vmem_shared>> -> memref<512xf32, #tpu.memory_space<vmem_shared>>
    %dma_wait3A_367 = arith.constant 2048 : i32
    %dma_wait3A_368 = tpu.memref_slice %arg10[%dma_wait3A_367] : memref<8208xf32, #tpu.memory_space<vmem>> -> memref<512xf32, #tpu.memory_space<vmem>>
    %dma_wait3A_369 = tpu.memref_slice %arg15[%add3A_143] : memref<131072xf32, #tpu.memory_space<vmem_shared>> -> memref<512xf32, #tpu.memory_space<vmem_shared>>
    tpu.wait_dma2 semaphore(%arg18 : memref<!tpu.dma_semaphore, #tpu.memory_space<semaphore_mem>>) src(%dma_wait3A_369 : memref<512xf32, #tpu.memory_space<vmem_shared>>) dst(%dma_wait3A_368 : memref<512xf32, #tpu.memory_space<vmem>>)
    %dma_wait3A_370 = arith.constant 2560 : i32
    %dma_wait3A_371 = tpu.memref_slice %arg9[%dma_wait3A_370] : memref<8208xi32, #tpu.memory_space<vmem>> -> memref<512xi32, #tpu.memory_space<vmem>>
    %dma_wait3A_372 = tpu.memref_slice %arg14[%add3A_157] : memref<131072xi32, #tpu.memory_space<vmem_shared>> -> memref<512xi32, #tpu.memory_space<vmem_shared>>
    %dma_wait3A_373 = arith.constant 2560 : i32
    %dma_wait3A_374 = tpu.memref_slice %arg9[%dma_wait3A_373] : memref<8208xi32, #tpu.memory_space<vmem>> -> memref<512xi32, #tpu.memory_space<vmem>>
    %dma_wait3A_375 = tpu.memref_slice %arg14[%add3A_157] : memref<131072xi32, #tpu.memory_space<vmem_shared>> -> memref<512xi32, #tpu.memory_space<vmem_shared>>
    tpu.wait_dma2 semaphore(%arg18 : memref<!tpu.dma_semaphore, #tpu.memory_space<semaphore_mem>>) src(%dma_wait3A_375 : memref<512xi32, #tpu.memory_space<vmem_shared>>) dst(%dma_wait3A_374 : memref<512xi32, #tpu.memory_space<vmem>>)
    %dma_wait3A_376 = arith.constant 2560 : i32
    %dma_wait3A_377 = tpu.memref_slice %arg10[%dma_wait3A_376] : memref<8208xf32, #tpu.memory_space<vmem>> -> memref<512xf32, #tpu.memory_space<vmem>>
    %dma_wait3A_378 = tpu.memref_slice %arg15[%add3A_157] : memref<131072xf32, #tpu.memory_space<vmem_shared>> -> memref<512xf32, #tpu.memory_space<vmem_shared>>
    %dma_wait3A_379 = arith.constant 2560 : i32
    %dma_wait3A_380 = tpu.memref_slice %arg10[%dma_wait3A_379] : memref<8208xf32, #tpu.memory_space<vmem>> -> memref<512xf32, #tpu.memory_space<vmem>>
    %dma_wait3A_381 = tpu.memref_slice %arg15[%add3A_157] : memref<131072xf32, #tpu.memory_space<vmem_shared>> -> memref<512xf32, #tpu.memory_space<vmem_shared>>
    tpu.wait_dma2 semaphore(%arg18 : memref<!tpu.dma_semaphore, #tpu.memory_space<semaphore_mem>>) src(%dma_wait3A_381 : memref<512xf32, #tpu.memory_space<vmem_shared>>) dst(%dma_wait3A_380 : memref<512xf32, #tpu.memory_space<vmem>>)
    %dma_wait3A_382 = arith.constant 3072 : i32
    %dma_wait3A_383 = tpu.memref_slice %arg9[%dma_wait3A_382] : memref<8208xi32, #tpu.memory_space<vmem>> -> memref<512xi32, #tpu.memory_space<vmem>>
    %dma_wait3A_384 = tpu.memref_slice %arg14[%add3A_171] : memref<131072xi32, #tpu.memory_space<vmem_shared>> -> memref<512xi32, #tpu.memory_space<vmem_shared>>
    %dma_wait3A_385 = arith.constant 3072 : i32
    %dma_wait3A_386 = tpu.memref_slice %arg9[%dma_wait3A_385] : memref<8208xi32, #tpu.memory_space<vmem>> -> memref<512xi32, #tpu.memory_space<vmem>>
    %dma_wait3A_387 = tpu.memref_slice %arg14[%add3A_171] : memref<131072xi32, #tpu.memory_space<vmem_shared>> -> memref<512xi32, #tpu.memory_space<vmem_shared>>
    tpu.wait_dma2 semaphore(%arg18 : memref<!tpu.dma_semaphore, #tpu.memory_space<semaphore_mem>>) src(%dma_wait3A_387 : memref<512xi32, #tpu.memory_space<vmem_shared>>) dst(%dma_wait3A_386 : memref<512xi32, #tpu.memory_space<vmem>>)
    %dma_wait3A_388 = arith.constant 3072 : i32
    %dma_wait3A_389 = tpu.memref_slice %arg10[%dma_wait3A_388] : memref<8208xf32, #tpu.memory_space<vmem>> -> memref<512xf32, #tpu.memory_space<vmem>>
    %dma_wait3A_390 = tpu.memref_slice %arg15[%add3A_171] : memref<131072xf32, #tpu.memory_space<vmem_shared>> -> memref<512xf32, #tpu.memory_space<vmem_shared>>
    %dma_wait3A_391 = arith.constant 3072 : i32
    %dma_wait3A_392 = tpu.memref_slice %arg10[%dma_wait3A_391] : memref<8208xf32, #tpu.memory_space<vmem>> -> memref<512xf32, #tpu.memory_space<vmem>>
    %dma_wait3A_393 = tpu.memref_slice %arg15[%add3A_171] : memref<131072xf32, #tpu.memory_space<vmem_shared>> -> memref<512xf32, #tpu.memory_space<vmem_shared>>
    tpu.wait_dma2 semaphore(%arg18 : memref<!tpu.dma_semaphore, #tpu.memory_space<semaphore_mem>>) src(%dma_wait3A_393 : memref<512xf32, #tpu.memory_space<vmem_shared>>) dst(%dma_wait3A_392 : memref<512xf32, #tpu.memory_space<vmem>>)
    %dma_wait3A_394 = arith.constant 3584 : i32
    %dma_wait3A_395 = tpu.memref_slice %arg9[%dma_wait3A_394] : memref<8208xi32, #tpu.memory_space<vmem>> -> memref<512xi32, #tpu.memory_space<vmem>>
    %dma_wait3A_396 = tpu.memref_slice %arg14[%add3A_185] : memref<131072xi32, #tpu.memory_space<vmem_shared>> -> memref<512xi32, #tpu.memory_space<vmem_shared>>
    %dma_wait3A_397 = arith.constant 3584 : i32
    %dma_wait3A_398 = tpu.memref_slice %arg9[%dma_wait3A_397] : memref<8208xi32, #tpu.memory_space<vmem>> -> memref<512xi32, #tpu.memory_space<vmem>>
    %dma_wait3A_399 = tpu.memref_slice %arg14[%add3A_185] : memref<131072xi32, #tpu.memory_space<vmem_shared>> -> memref<512xi32, #tpu.memory_space<vmem_shared>>
    tpu.wait_dma2 semaphore(%arg18 : memref<!tpu.dma_semaphore, #tpu.memory_space<semaphore_mem>>) src(%dma_wait3A_399 : memref<512xi32, #tpu.memory_space<vmem_shared>>) dst(%dma_wait3A_398 : memref<512xi32, #tpu.memory_space<vmem>>)
    %dma_wait3A_400 = arith.constant 3584 : i32
    %dma_wait3A_401 = tpu.memref_slice %arg10[%dma_wait3A_400] : memref<8208xf32, #tpu.memory_space<vmem>> -> memref<512xf32, #tpu.memory_space<vmem>>
    %dma_wait3A_402 = tpu.memref_slice %arg15[%add3A_185] : memref<131072xf32, #tpu.memory_space<vmem_shared>> -> memref<512xf32, #tpu.memory_space<vmem_shared>>
    %dma_wait3A_403 = arith.constant 3584 : i32
    %dma_wait3A_404 = tpu.memref_slice %arg10[%dma_wait3A_403] : memref<8208xf32, #tpu.memory_space<vmem>> -> memref<512xf32, #tpu.memory_space<vmem>>
    %dma_wait3A_405 = tpu.memref_slice %arg15[%add3A_185] : memref<131072xf32, #tpu.memory_space<vmem_shared>> -> memref<512xf32, #tpu.memory_space<vmem_shared>>
    tpu.wait_dma2 semaphore(%arg18 : memref<!tpu.dma_semaphore, #tpu.memory_space<semaphore_mem>>) src(%dma_wait3A_405 : memref<512xf32, #tpu.memory_space<vmem_shared>>) dst(%dma_wait3A_404 : memref<512xf32, #tpu.memory_space<vmem>>)
    %dma_wait3A_406 = arith.constant 4096 : i32
    %dma_wait3A_407 = tpu.memref_slice %arg9[%dma_wait3A_406] : memref<8208xi32, #tpu.memory_space<vmem>> -> memref<512xi32, #tpu.memory_space<vmem>>
    %dma_wait3A_408 = tpu.memref_slice %arg14[%add3A_199] : memref<131072xi32, #tpu.memory_space<vmem_shared>> -> memref<512xi32, #tpu.memory_space<vmem_shared>>
    %dma_wait3A_409 = arith.constant 4096 : i32
    %dma_wait3A_410 = tpu.memref_slice %arg9[%dma_wait3A_409] : memref<8208xi32, #tpu.memory_space<vmem>> -> memref<512xi32, #tpu.memory_space<vmem>>
    %dma_wait3A_411 = tpu.memref_slice %arg14[%add3A_199] : memref<131072xi32, #tpu.memory_space<vmem_shared>> -> memref<512xi32, #tpu.memory_space<vmem_shared>>
    tpu.wait_dma2 semaphore(%arg18 : memref<!tpu.dma_semaphore, #tpu.memory_space<semaphore_mem>>) src(%dma_wait3A_411 : memref<512xi32, #tpu.memory_space<vmem_shared>>) dst(%dma_wait3A_410 : memref<512xi32, #tpu.memory_space<vmem>>)
    %dma_wait3A_412 = arith.constant 4096 : i32
    %dma_wait3A_413 = tpu.memref_slice %arg10[%dma_wait3A_412] : memref<8208xf32, #tpu.memory_space<vmem>> -> memref<512xf32, #tpu.memory_space<vmem>>
    %dma_wait3A_414 = tpu.memref_slice %arg15[%add3A_199] : memref<131072xf32, #tpu.memory_space<vmem_shared>> -> memref<512xf32, #tpu.memory_space<vmem_shared>>
    %dma_wait3A_415 = arith.constant 4096 : i32
    %dma_wait3A_416 = tpu.memref_slice %arg10[%dma_wait3A_415] : memref<8208xf32, #tpu.memory_space<vmem>> -> memref<512xf32, #tpu.memory_space<vmem>>
    %dma_wait3A_417 = tpu.memref_slice %arg15[%add3A_199] : memref<131072xf32, #tpu.memory_space<vmem_shared>> -> memref<512xf32, #tpu.memory_space<vmem_shared>>
    tpu.wait_dma2 semaphore(%arg18 : memref<!tpu.dma_semaphore, #tpu.memory_space<semaphore_mem>>) src(%dma_wait3A_417 : memref<512xf32, #tpu.memory_space<vmem_shared>>) dst(%dma_wait3A_416 : memref<512xf32, #tpu.memory_space<vmem>>)
    %dma_wait3A_418 = arith.constant 4608 : i32
    %dma_wait3A_419 = tpu.memref_slice %arg9[%dma_wait3A_418] : memref<8208xi32, #tpu.memory_space<vmem>> -> memref<512xi32, #tpu.memory_space<vmem>>
    %dma_wait3A_420 = tpu.memref_slice %arg14[%add3A_213] : memref<131072xi32, #tpu.memory_space<vmem_shared>> -> memref<512xi32, #tpu.memory_space<vmem_shared>>
    %dma_wait3A_421 = arith.constant 4608 : i32
    %dma_wait3A_422 = tpu.memref_slice %arg9[%dma_wait3A_421] : memref<8208xi32, #tpu.memory_space<vmem>> -> memref<512xi32, #tpu.memory_space<vmem>>
    %dma_wait3A_423 = tpu.memref_slice %arg14[%add3A_213] : memref<131072xi32, #tpu.memory_space<vmem_shared>> -> memref<512xi32, #tpu.memory_space<vmem_shared>>
    tpu.wait_dma2 semaphore(%arg18 : memref<!tpu.dma_semaphore, #tpu.memory_space<semaphore_mem>>) src(%dma_wait3A_423 : memref<512xi32, #tpu.memory_space<vmem_shared>>) dst(%dma_wait3A_422 : memref<512xi32, #tpu.memory_space<vmem>>)
    %dma_wait3A_424 = arith.constant 4608 : i32
    %dma_wait3A_425 = tpu.memref_slice %arg10[%dma_wait3A_424] : memref<8208xf32, #tpu.memory_space<vmem>> -> memref<512xf32, #tpu.memory_space<vmem>>
    %dma_wait3A_426 = tpu.memref_slice %arg15[%add3A_213] : memref<131072xf32, #tpu.memory_space<vmem_shared>> -> memref<512xf32, #tpu.memory_space<vmem_shared>>
    %dma_wait3A_427 = arith.constant 4608 : i32
    %dma_wait3A_428 = tpu.memref_slice %arg10[%dma_wait3A_427] : memref<8208xf32, #tpu.memory_space<vmem>> -> memref<512xf32, #tpu.memory_space<vmem>>
    %dma_wait3A_429 = tpu.memref_slice %arg15[%add3A_213] : memref<131072xf32, #tpu.memory_space<vmem_shared>> -> memref<512xf32, #tpu.memory_space<vmem_shared>>
    tpu.wait_dma2 semaphore(%arg18 : memref<!tpu.dma_semaphore, #tpu.memory_space<semaphore_mem>>) src(%dma_wait3A_429 : memref<512xf32, #tpu.memory_space<vmem_shared>>) dst(%dma_wait3A_428 : memref<512xf32, #tpu.memory_space<vmem>>)
    %dma_wait3A_430 = arith.constant 5120 : i32
    %dma_wait3A_431 = tpu.memref_slice %arg9[%dma_wait3A_430] : memref<8208xi32, #tpu.memory_space<vmem>> -> memref<512xi32, #tpu.memory_space<vmem>>
    %dma_wait3A_432 = tpu.memref_slice %arg14[%add3A_227] : memref<131072xi32, #tpu.memory_space<vmem_shared>> -> memref<512xi32, #tpu.memory_space<vmem_shared>>
    %dma_wait3A_433 = arith.constant 5120 : i32
    %dma_wait3A_434 = tpu.memref_slice %arg9[%dma_wait3A_433] : memref<8208xi32, #tpu.memory_space<vmem>> -> memref<512xi32, #tpu.memory_space<vmem>>
    %dma_wait3A_435 = tpu.memref_slice %arg14[%add3A_227] : memref<131072xi32, #tpu.memory_space<vmem_shared>> -> memref<512xi32, #tpu.memory_space<vmem_shared>>
    tpu.wait_dma2 semaphore(%arg18 : memref<!tpu.dma_semaphore, #tpu.memory_space<semaphore_mem>>) src(%dma_wait3A_435 : memref<512xi32, #tpu.memory_space<vmem_shared>>) dst(%dma_wait3A_434 : memref<512xi32, #tpu.memory_space<vmem>>)
    %dma_wait3A_436 = arith.constant 5120 : i32
    %dma_wait3A_437 = tpu.memref_slice %arg10[%dma_wait3A_436] : memref<8208xf32, #tpu.memory_space<vmem>> -> memref<512xf32, #tpu.memory_space<vmem>>
    %dma_wait3A_438 = tpu.memref_slice %arg15[%add3A_227] : memref<131072xf32, #tpu.memory_space<vmem_shared>> -> memref<512xf32, #tpu.memory_space<vmem_shared>>
    %dma_wait3A_439 = arith.constant 5120 : i32
    %dma_wait3A_440 = tpu.memref_slice %arg10[%dma_wait3A_439] : memref<8208xf32, #tpu.memory_space<vmem>> -> memref<512xf32, #tpu.memory_space<vmem>>
    %dma_wait3A_441 = tpu.memref_slice %arg15[%add3A_227] : memref<131072xf32, #tpu.memory_space<vmem_shared>> -> memref<512xf32, #tpu.memory_space<vmem_shared>>
    tpu.wait_dma2 semaphore(%arg18 : memref<!tpu.dma_semaphore, #tpu.memory_space<semaphore_mem>>) src(%dma_wait3A_441 : memref<512xf32, #tpu.memory_space<vmem_shared>>) dst(%dma_wait3A_440 : memref<512xf32, #tpu.memory_space<vmem>>)
    %dma_wait3A_442 = arith.constant 5632 : i32
    %dma_wait3A_443 = tpu.memref_slice %arg9[%dma_wait3A_442] : memref<8208xi32, #tpu.memory_space<vmem>> -> memref<512xi32, #tpu.memory_space<vmem>>
    %dma_wait3A_444 = tpu.memref_slice %arg14[%add3A_241] : memref<131072xi32, #tpu.memory_space<vmem_shared>> -> memref<512xi32, #tpu.memory_space<vmem_shared>>
    %dma_wait3A_445 = arith.constant 5632 : i32
    %dma_wait3A_446 = tpu.memref_slice %arg9[%dma_wait3A_445] : memref<8208xi32, #tpu.memory_space<vmem>> -> memref<512xi32, #tpu.memory_space<vmem>>
    %dma_wait3A_447 = tpu.memref_slice %arg14[%add3A_241] : memref<131072xi32, #tpu.memory_space<vmem_shared>> -> memref<512xi32, #tpu.memory_space<vmem_shared>>
    tpu.wait_dma2 semaphore(%arg18 : memref<!tpu.dma_semaphore, #tpu.memory_space<semaphore_mem>>) src(%dma_wait3A_447 : memref<512xi32, #tpu.memory_space<vmem_shared>>) dst(%dma_wait3A_446 : memref<512xi32, #tpu.memory_space<vmem>>)
    %dma_wait3A_448 = arith.constant 5632 : i32
    %dma_wait3A_449 = tpu.memref_slice %arg10[%dma_wait3A_448] : memref<8208xf32, #tpu.memory_space<vmem>> -> memref<512xf32, #tpu.memory_space<vmem>>
    %dma_wait3A_450 = tpu.memref_slice %arg15[%add3A_241] : memref<131072xf32, #tpu.memory_space<vmem_shared>> -> memref<512xf32, #tpu.memory_space<vmem_shared>>
    %dma_wait3A_451 = arith.constant 5632 : i32
    %dma_wait3A_452 = tpu.memref_slice %arg10[%dma_wait3A_451] : memref<8208xf32, #tpu.memory_space<vmem>> -> memref<512xf32, #tpu.memory_space<vmem>>
    %dma_wait3A_453 = tpu.memref_slice %arg15[%add3A_241] : memref<131072xf32, #tpu.memory_space<vmem_shared>> -> memref<512xf32, #tpu.memory_space<vmem_shared>>
    tpu.wait_dma2 semaphore(%arg18 : memref<!tpu.dma_semaphore, #tpu.memory_space<semaphore_mem>>) src(%dma_wait3A_453 : memref<512xf32, #tpu.memory_space<vmem_shared>>) dst(%dma_wait3A_452 : memref<512xf32, #tpu.memory_space<vmem>>)
    %dma_wait3A_454 = arith.constant 6144 : i32
    %dma_wait3A_455 = tpu.memref_slice %arg9[%dma_wait3A_454] : memref<8208xi32, #tpu.memory_space<vmem>> -> memref<512xi32, #tpu.memory_space<vmem>>
    %dma_wait3A_456 = tpu.memref_slice %arg14[%add3A_255] : memref<131072xi32, #tpu.memory_space<vmem_shared>> -> memref<512xi32, #tpu.memory_space<vmem_shared>>
    %dma_wait3A_457 = arith.constant 6144 : i32
    %dma_wait3A_458 = tpu.memref_slice %arg9[%dma_wait3A_457] : memref<8208xi32, #tpu.memory_space<vmem>> -> memref<512xi32, #tpu.memory_space<vmem>>
    %dma_wait3A_459 = tpu.memref_slice %arg14[%add3A_255] : memref<131072xi32, #tpu.memory_space<vmem_shared>> -> memref<512xi32, #tpu.memory_space<vmem_shared>>
    tpu.wait_dma2 semaphore(%arg18 : memref<!tpu.dma_semaphore, #tpu.memory_space<semaphore_mem>>) src(%dma_wait3A_459 : memref<512xi32, #tpu.memory_space<vmem_shared>>) dst(%dma_wait3A_458 : memref<512xi32, #tpu.memory_space<vmem>>)
    %dma_wait3A_460 = arith.constant 6144 : i32
    %dma_wait3A_461 = tpu.memref_slice %arg10[%dma_wait3A_460] : memref<8208xf32, #tpu.memory_space<vmem>> -> memref<512xf32, #tpu.memory_space<vmem>>
    %dma_wait3A_462 = tpu.memref_slice %arg15[%add3A_255] : memref<131072xf32, #tpu.memory_space<vmem_shared>> -> memref<512xf32, #tpu.memory_space<vmem_shared>>
    %dma_wait3A_463 = arith.constant 6144 : i32
    %dma_wait3A_464 = tpu.memref_slice %arg10[%dma_wait3A_463] : memref<8208xf32, #tpu.memory_space<vmem>> -> memref<512xf32, #tpu.memory_space<vmem>>
    %dma_wait3A_465 = tpu.memref_slice %arg15[%add3A_255] : memref<131072xf32, #tpu.memory_space<vmem_shared>> -> memref<512xf32, #tpu.memory_space<vmem_shared>>
    tpu.wait_dma2 semaphore(%arg18 : memref<!tpu.dma_semaphore, #tpu.memory_space<semaphore_mem>>) src(%dma_wait3A_465 : memref<512xf32, #tpu.memory_space<vmem_shared>>) dst(%dma_wait3A_464 : memref<512xf32, #tpu.memory_space<vmem>>)
    %dma_wait3A_466 = arith.constant 6656 : i32
    %dma_wait3A_467 = tpu.memref_slice %arg9[%dma_wait3A_466] : memref<8208xi32, #tpu.memory_space<vmem>> -> memref<512xi32, #tpu.memory_space<vmem>>
    %dma_wait3A_468 = tpu.memref_slice %arg14[%add3A_269] : memref<131072xi32, #tpu.memory_space<vmem_shared>> -> memref<512xi32, #tpu.memory_space<vmem_shared>>
    %dma_wait3A_469 = arith.constant 6656 : i32
    %dma_wait3A_470 = tpu.memref_slice %arg9[%dma_wait3A_469] : memref<8208xi32, #tpu.memory_space<vmem>> -> memref<512xi32, #tpu.memory_space<vmem>>
    %dma_wait3A_471 = tpu.memref_slice %arg14[%add3A_269] : memref<131072xi32, #tpu.memory_space<vmem_shared>> -> memref<512xi32, #tpu.memory_space<vmem_shared>>
    tpu.wait_dma2 semaphore(%arg18 : memref<!tpu.dma_semaphore, #tpu.memory_space<semaphore_mem>>) src(%dma_wait3A_471 : memref<512xi32, #tpu.memory_space<vmem_shared>>) dst(%dma_wait3A_470 : memref<512xi32, #tpu.memory_space<vmem>>)
    %dma_wait3A_472 = arith.constant 6656 : i32
    %dma_wait3A_473 = tpu.memref_slice %arg10[%dma_wait3A_472] : memref<8208xf32, #tpu.memory_space<vmem>> -> memref<512xf32, #tpu.memory_space<vmem>>
    %dma_wait3A_474 = tpu.memref_slice %arg15[%add3A_269] : memref<131072xf32, #tpu.memory_space<vmem_shared>> -> memref<512xf32, #tpu.memory_space<vmem_shared>>
    %dma_wait3A_475 = arith.constant 6656 : i32
    %dma_wait3A_476 = tpu.memref_slice %arg10[%dma_wait3A_475] : memref<8208xf32, #tpu.memory_space<vmem>> -> memref<512xf32, #tpu.memory_space<vmem>>
    %dma_wait3A_477 = tpu.memref_slice %arg15[%add3A_269] : memref<131072xf32, #tpu.memory_space<vmem_shared>> -> memref<512xf32, #tpu.memory_space<vmem_shared>>
    tpu.wait_dma2 semaphore(%arg18 : memref<!tpu.dma_semaphore, #tpu.memory_space<semaphore_mem>>) src(%dma_wait3A_477 : memref<512xf32, #tpu.memory_space<vmem_shared>>) dst(%dma_wait3A_476 : memref<512xf32, #tpu.memory_space<vmem>>)
    %dma_wait3A_478 = arith.constant 7168 : i32
    %dma_wait3A_479 = tpu.memref_slice %arg9[%dma_wait3A_478] : memref<8208xi32, #tpu.memory_space<vmem>> -> memref<512xi32, #tpu.memory_space<vmem>>
    %dma_wait3A_480 = tpu.memref_slice %arg14[%add3A_283] : memref<131072xi32, #tpu.memory_space<vmem_shared>> -> memref<512xi32, #tpu.memory_space<vmem_shared>>
    %dma_wait3A_481 = arith.constant 7168 : i32
    %dma_wait3A_482 = tpu.memref_slice %arg9[%dma_wait3A_481] : memref<8208xi32, #tpu.memory_space<vmem>> -> memref<512xi32, #tpu.memory_space<vmem>>
    %dma_wait3A_483 = tpu.memref_slice %arg14[%add3A_283] : memref<131072xi32, #tpu.memory_space<vmem_shared>> -> memref<512xi32, #tpu.memory_space<vmem_shared>>
    tpu.wait_dma2 semaphore(%arg18 : memref<!tpu.dma_semaphore, #tpu.memory_space<semaphore_mem>>) src(%dma_wait3A_483 : memref<512xi32, #tpu.memory_space<vmem_shared>>) dst(%dma_wait3A_482 : memref<512xi32, #tpu.memory_space<vmem>>)
    %dma_wait3A_484 = arith.constant 7168 : i32
    %dma_wait3A_485 = tpu.memref_slice %arg10[%dma_wait3A_484] : memref<8208xf32, #tpu.memory_space<vmem>> -> memref<512xf32, #tpu.memory_space<vmem>>
    %dma_wait3A_486 = tpu.memref_slice %arg15[%add3A_283] : memref<131072xf32, #tpu.memory_space<vmem_shared>> -> memref<512xf32, #tpu.memory_space<vmem_shared>>
    %dma_wait3A_487 = arith.constant 7168 : i32
    %dma_wait3A_488 = tpu.memref_slice %arg10[%dma_wait3A_487] : memref<8208xf32, #tpu.memory_space<vmem>> -> memref<512xf32, #tpu.memory_space<vmem>>
    %dma_wait3A_489 = tpu.memref_slice %arg15[%add3A_283] : memref<131072xf32, #tpu.memory_space<vmem_shared>> -> memref<512xf32, #tpu.memory_space<vmem_shared>>
    tpu.wait_dma2 semaphore(%arg18 : memref<!tpu.dma_semaphore, #tpu.memory_space<semaphore_mem>>) src(%dma_wait3A_489 : memref<512xf32, #tpu.memory_space<vmem_shared>>) dst(%dma_wait3A_488 : memref<512xf32, #tpu.memory_space<vmem>>)
    %dma_wait3A_490 = arith.constant 7680 : i32
    %dma_wait3A_491 = tpu.memref_slice %arg9[%dma_wait3A_490] : memref<8208xi32, #tpu.memory_space<vmem>> -> memref<512xi32, #tpu.memory_space<vmem>>
    %dma_wait3A_492 = tpu.memref_slice %arg14[%add3A_297] : memref<131072xi32, #tpu.memory_space<vmem_shared>> -> memref<512xi32, #tpu.memory_space<vmem_shared>>
    %dma_wait3A_493 = arith.constant 7680 : i32
    %dma_wait3A_494 = tpu.memref_slice %arg9[%dma_wait3A_493] : memref<8208xi32, #tpu.memory_space<vmem>> -> memref<512xi32, #tpu.memory_space<vmem>>
    %dma_wait3A_495 = tpu.memref_slice %arg14[%add3A_297] : memref<131072xi32, #tpu.memory_space<vmem_shared>> -> memref<512xi32, #tpu.memory_space<vmem_shared>>
    tpu.wait_dma2 semaphore(%arg18 : memref<!tpu.dma_semaphore, #tpu.memory_space<semaphore_mem>>) src(%dma_wait3A_495 : memref<512xi32, #tpu.memory_space<vmem_shared>>) dst(%dma_wait3A_494 : memref<512xi32, #tpu.memory_space<vmem>>)
    %dma_wait3A_496 = arith.constant 7680 : i32
    %dma_wait3A_497 = tpu.memref_slice %arg10[%dma_wait3A_496] : memref<8208xf32, #tpu.memory_space<vmem>> -> memref<512xf32, #tpu.memory_space<vmem>>
    %dma_wait3A_498 = tpu.memref_slice %arg15[%add3A_297] : memref<131072xf32, #tpu.memory_space<vmem_shared>> -> memref<512xf32, #tpu.memory_space<vmem_shared>>
    %dma_wait3A_499 = arith.constant 7680 : i32
    %dma_wait3A_500 = tpu.memref_slice %arg10[%dma_wait3A_499] : memref<8208xf32, #tpu.memory_space<vmem>> -> memref<512xf32, #tpu.memory_space<vmem>>
    %dma_wait3A_501 = tpu.memref_slice %arg15[%add3A_297] : memref<131072xf32, #tpu.memory_space<vmem_shared>> -> memref<512xf32, #tpu.memory_space<vmem_shared>>
    tpu.wait_dma2 semaphore(%arg18 : memref<!tpu.dma_semaphore, #tpu.memory_space<semaphore_mem>>) src(%dma_wait3A_501 : memref<512xf32, #tpu.memory_space<vmem_shared>>) dst(%dma_wait3A_500 : memref<512xf32, #tpu.memory_space<vmem>>)
    %mul3A_502 = arith.constant 2 : i32
    %mul3A_503 = arith.muli %add3A, %mul3A_502 : i32
    %add3A_504 = arith.constant 0 : i32
    %add3A_505 = arith.addi %mul3A_503, %add3A_504 : i32
    %scan3A_506 = arith.constant 0 : i32
    %scan3A_507 = arith.constant 0 : i32
    %scan3A_508 = arith.constant 256 : i32
    %scan3A_509 = arith.addi %scan3A_507, %scan3A_508 : i32
    %scan3A_510 = arith.constant 16 : i32
    scf.for %scan3A_540 = %scan3A_507 to %scan3A_509 step %scan3A_510  : i32 {
      %shift_right_logical3A = arith.constant 4 : i32
      %shift_right_logical3A_541 = arith.shrui %scan3A_540, %shift_right_logical3A : i32
      %and3A = arith.constant 15 : i32
      %and3A_542 = arith.andi %scan3A_540, %and3A : i32
      %mul3A_543 = arith.constant 2 : i32
      %mul3A_544 = arith.muli %shift_right_logical3A_541, %mul3A_543 : i32
      %add3A_545 = arith.constant 0 : i32
      %add3A_546 = arith.addi %mul3A_544, %add3A_545 : i32
      %mul3A_547 = arith.constant 256 : i32
      %mul3A_548 = arith.muli %add3A_546, %mul3A_547 : i32
      %mul3A_549 = arith.constant 16 : i32
      %mul3A_550 = arith.muli %and3A_542, %mul3A_549 : i32
      %add3A_551 = arith.addi %mul3A_548, %mul3A_550 : i32
      %get3A = arith.index_cast %add3A_551 : i32 to index
      %get3A_552 = tpu.vector_load %arg9[%get3A] {strides = array<i32>} : memref<8208xi32, #tpu.memory_space<vmem>>, vector<16xi32>,
      %get3A_553 = arith.index_cast %add3A_551 : i32 to index
      %get3A_554 = tpu.vector_load %arg10[%get3A_553] {strides = array<i32>} : memref<8208xf32, #tpu.memory_space<vmem>>, vector<16xf32>,
      %shift_right_logical3A_555 = arith.constant 16 : i32
      %shift_right_logical3A_556 = vector.broadcast %shift_right_logical3A_555 : i32 to vector<16xi32>
      %shift_right_logical3A_557 = arith.shrui %get3A_552, %shift_right_logical3A_556 : vector<16xi32>
      %eq3A = vector.broadcast %add3A_505 : i32 to vector<16xi32>
      %eq3A_558 = arith.cmpi eq, %shift_right_logical3A_557, %eq3A : vector<16xi32>
      %and3A_559 = arith.constant 65535 : i32
      %and3A_560 = vector.broadcast %and3A_559 : i32 to vector<16xi32>
      %and3A_561 = arith.andi %get3A_552, %and3A_560 : vector<16xi32>
      %shift_right_logical3A_562 = arith.constant 11 : i32
      %shift_right_logical3A_563 = vector.broadcast %shift_right_logical3A_562 : i32 to vector<16xi32>
      %shift_right_logical3A_564 = arith.shrui %and3A_561, %shift_right_logical3A_563 : vector<16xi32>
      %and3A_565 = arith.constant 2047 : i32
      %and3A_566 = vector.broadcast %and3A_565 : i32 to vector<16xi32>
      %and3A_567 = arith.andi %and3A_561, %and3A_566 : vector<16xi32>
      tpu.vector_store_idx %arg12[%shift_right_logical3A_564, %and3A_567], %get3A_554 masked %eq3A_558 : memref<32x2048xf32, #tpu.memory_space<vmem>>[vector<16xi32>, vector<16xi32>], vector<16xf32>, vector<16xi1>
      %scan3A_568 = arith.constant 1 : i32
      %scan3A_569 = arith.addi %scan3A_540, %scan3A_568 : i32
      %shift_right_logical3A_570 = arith.constant 4 : i32
      %shift_right_logical3A_571 = arith.shrui %scan3A_569, %shift_right_logical3A_570 : i32
      %and3A_572 = arith.constant 15 : i32
      %and3A_573 = arith.andi %scan3A_569, %and3A_572 : i32
      %mul3A_574 = arith.constant 2 : i32
      %mul3A_575 = arith.muli %shift_right_logical3A_571, %mul3A_574 : i32
      %add3A_576 = arith.constant 0 : i32
      %add3A_577 = arith.addi %mul3A_575, %add3A_576 : i32
      %mul3A_578 = arith.constant 256 : i32
      %mul3A_579 = arith.muli %add3A_577, %mul3A_578 : i32
      %mul3A_580 = arith.constant 16 : i32
      %mul3A_581 = arith.muli %and3A_573, %mul3A_580 : i32
      %add3A_582 = arith.addi %mul3A_579, %mul3A_581 : i32
      %get3A_583 = arith.index_cast %add3A_582 : i32 to index
      %get3A_584 = tpu.vector_load %arg9[%get3A_583] {strides = array<i32>} : memref<8208xi32, #tpu.memory_space<vmem>>, vector<16xi32>,
      %get3A_585 = arith.index_cast %add3A_582 : i32 to index
      %get3A_586 = tpu.vector_load %arg10[%get3A_585] {strides = array<i32>} : memref<8208xf32, #tpu.memory_space<vmem>>, vector<16xf32>,
      %shift_right_logical3A_587 = arith.constant 16 : i32
      %shift_right_logical3A_588 = vector.broadcast %shift_right_logical3A_587 : i32 to vector<16xi32>
      %shift_right_logical3A_589 = arith.shrui %get3A_584, %shift_right_logical3A_588 : vector<16xi32>
      %eq3A_590 = vector.broadcast %add3A_505 : i32 to vector<16xi32>
      %eq3A_591 = arith.cmpi eq, %shift_right_logical3A_589, %eq3A_590 : vector<16xi32>
      %and3A_592 = arith.constant 65535 : i32
      %and3A_593 = vector.broadcast %and3A_592 : i32 to vector<16xi32>
      %and3A_594 = arith.andi %get3A_584, %and3A_593 : vector<16xi32>
      %shift_right_logical3A_595 = arith.constant 11 : i32
      %shift_right_logical3A_596 = vector.broadcast %shift_right_logical3A_595 : i32 to vector<16xi32>
      %shift_right_logical3A_597 = arith.shrui %and3A_594, %shift_right_logical3A_596 : vector<16xi32>
      %and3A_598 = arith.constant 2047 : i32
      %and3A_599 = vector.broadcast %and3A_598 : i32 to vector<16xi32>
      %and3A_600 = arith.andi %and3A_594, %and3A_599 : vector<16xi32>
      tpu.vector_store_idx %arg12[%shift_right_logical3A_597, %and3A_600], %get3A_586 masked %eq3A_591 : memref<32x2048xf32, #tpu.memory_space<vmem>>[vector<16xi32>, vector<16xi32>], vector<16xf32>, vector<16xi1>
      %scan3A_601 = arith.constant 2 : i32
      %scan3A_602 = arith.addi %scan3A_540, %scan3A_601 : i32
      %shift_right_logical3A_603 = arith.constant 4 : i32
      %shift_right_logical3A_604 = arith.shrui %scan3A_602, %shift_right_logical3A_603 : i32
      %and3A_605 = arith.constant 15 : i32
      %and3A_606 = arith.andi %scan3A_602, %and3A_605 : i32
      %mul3A_607 = arith.constant 2 : i32
      %mul3A_608 = arith.muli %shift_right_logical3A_604, %mul3A_607 : i32
      %add3A_609 = arith.constant 0 : i32
      %add3A_610 = arith.addi %mul3A_608, %add3A_609 : i32
      %mul3A_611 = arith.constant 256 : i32
      %mul3A_612 = arith.muli %add3A_610, %mul3A_611 : i32
      %mul3A_613 = arith.constant 16 : i32
      %mul3A_614 = arith.muli %and3A_606, %mul3A_613 : i32
      %add3A_615 = arith.addi %mul3A_612, %mul3A_614 : i32
      %get3A_616 = arith.index_cast %add3A_615 : i32 to index
      %get3A_617 = tpu.vector_load %arg9[%get3A_616] {strides = array<i32>} : memref<8208xi32, #tpu.memory_space<vmem>>, vector<16xi32>,
      %get3A_618 = arith.index_cast %add3A_615 : i32 to index
      %get3A_619 = tpu.vector_load %arg10[%get3A_618] {strides = array<i32>} : memref<8208xf32, #tpu.memory_space<vmem>>, vector<16xf32>,
      %shift_right_logical3A_620 = arith.constant 16 : i32
      %shift_right_logical3A_621 = vector.broadcast %shift_right_logical3A_620 : i32 to vector<16xi32>
      %shift_right_logical3A_622 = arith.shrui %get3A_617, %shift_right_logical3A_621 : vector<16xi32>
      %eq3A_623 = vector.broadcast %add3A_505 : i32 to vector<16xi32>
      %eq3A_624 = arith.cmpi eq, %shift_right_logical3A_622, %eq3A_623 : vector<16xi32>
      %and3A_625 = arith.constant 65535 : i32
      %and3A_626 = vector.broadcast %and3A_625 : i32 to vector<16xi32>
      %and3A_627 = arith.andi %get3A_617, %and3A_626 : vector<16xi32>
      %shift_right_logical3A_628 = arith.constant 11 : i32
      %shift_right_logical3A_629 = vector.broadcast %shift_right_logical3A_628 : i32 to vector<16xi32>
      %shift_right_logical3A_630 = arith.shrui %and3A_627, %shift_right_logical3A_629 : vector<16xi32>
      %and3A_631 = arith.constant 2047 : i32
      %and3A_632 = vector.broadcast %and3A_631 : i32 to vector<16xi32>
      %and3A_633 = arith.andi %and3A_627, %and3A_632 : vector<16xi32>
      tpu.vector_store_idx %arg12[%shift_right_logical3A_630, %and3A_633], %get3A_619 masked %eq3A_624 : memref<32x2048xf32, #tpu.memory_space<vmem>>[vector<16xi32>, vector<16xi32>], vector<16xf32>, vector<16xi1>
      %scan3A_634 = arith.constant 3 : i32
      %scan3A_635 = arith.addi %scan3A_540, %scan3A_634 : i32
      %shift_right_logical3A_636 = arith.constant 4 : i32
      %shift_right_logical3A_637 = arith.shrui %scan3A_635, %shift_right_logical3A_636 : i32
      %and3A_638 = arith.constant 15 : i32
      %and3A_639 = arith.andi %scan3A_635, %and3A_638 : i32
      %mul3A_640 = arith.constant 2 : i32
      %mul3A_641 = arith.muli %shift_right_logical3A_637, %mul3A_640 : i32
      %add3A_642 = arith.constant 0 : i32
      %add3A_643 = arith.addi %mul3A_641, %add3A_642 : i32
      %mul3A_644 = arith.constant 256 : i32
      %mul3A_645 = arith.muli %add3A_643, %mul3A_644 : i32
      %mul3A_646 = arith.constant 16 : i32
      %mul3A_647 = arith.muli %and3A_639, %mul3A_646 : i32
      %add3A_648 = arith.addi %mul3A_645, %mul3A_647 : i32
      %get3A_649 = arith.index_cast %add3A_648 : i32 to index
      %get3A_650 = tpu.vector_load %arg9[%get3A_649] {strides = array<i32>} : memref<8208xi32, #tpu.memory_space<vmem>>, vector<16xi32>,
      %get3A_651 = arith.index_cast %add3A_648 : i32 to index
      %get3A_652 = tpu.vector_load %arg10[%get3A_651] {strides = array<i32>} : memref<8208xf32, #tpu.memory_space<vmem>>, vector<16xf32>,
      %shift_right_logical3A_653 = arith.constant 16 : i32
      %shift_right_logical3A_654 = vector.broadcast %shift_right_logical3A_653 : i32 to vector<16xi32>
      %shift_right_logical3A_655 = arith.shrui %get3A_650, %shift_right_logical3A_654 : vector<16xi32>
      %eq3A_656 = vector.broadcast %add3A_505 : i32 to vector<16xi32>
      %eq3A_657 = arith.cmpi eq, %shift_right_logical3A_655, %eq3A_656 : vector<16xi32>
      %and3A_658 = arith.constant 65535 : i32
      %and3A_659 = vector.broadcast %and3A_658 : i32 to vector<16xi32>
      %and3A_660 = arith.andi %get3A_650, %and3A_659 : vector<16xi32>
      %shift_right_logical3A_661 = arith.constant 11 : i32
      %shift_right_logical3A_662 = vector.broadcast %shift_right_logical3A_661 : i32 to vector<16xi32>
      %shift_right_logical3A_663 = arith.shrui %and3A_660, %shift_right_logical3A_662 : vector<16xi32>
      %and3A_664 = arith.constant 2047 : i32
      %and3A_665 = vector.broadcast %and3A_664 : i32 to vector<16xi32>
      %and3A_666 = arith.andi %and3A_660, %and3A_665 : vector<16xi32>
      tpu.vector_store_idx %arg12[%shift_right_logical3A_663, %and3A_666], %get3A_652 masked %eq3A_657 : memref<32x2048xf32, #tpu.memory_space<vmem>>[vector<16xi32>, vector<16xi32>], vector<16xf32>, vector<16xi1>
      %scan3A_667 = arith.constant 4 : i32
      %scan3A_668 = arith.addi %scan3A_540, %scan3A_667 : i32
      %shift_right_logical3A_669 = arith.constant 4 : i32
      %shift_right_logical3A_670 = arith.shrui %scan3A_668, %shift_right_logical3A_669 : i32
      %and3A_671 = arith.constant 15 : i32
      %and3A_672 = arith.andi %scan3A_668, %and3A_671 : i32
      %mul3A_673 = arith.constant 2 : i32
      %mul3A_674 = arith.muli %shift_right_logical3A_670, %mul3A_673 : i32
      %add3A_675 = arith.constant 0 : i32
      %add3A_676 = arith.addi %mul3A_674, %add3A_675 : i32
      %mul3A_677 = arith.constant 256 : i32
      %mul3A_678 = arith.muli %add3A_676, %mul3A_677 : i32
      %mul3A_679 = arith.constant 16 : i32
      %mul3A_680 = arith.muli %and3A_672, %mul3A_679 : i32
      %add3A_681 = arith.addi %mul3A_678, %mul3A_680 : i32
      %get3A_682 = arith.index_cast %add3A_681 : i32 to index
      %get3A_683 = tpu.vector_load %arg9[%get3A_682] {strides = array<i32>} : memref<8208xi32, #tpu.memory_space<vmem>>, vector<16xi32>,
      %get3A_684 = arith.index_cast %add3A_681 : i32 to index
      %get3A_685 = tpu.vector_load %arg10[%get3A_684] {strides = array<i32>} : memref<8208xf32, #tpu.memory_space<vmem>>, vector<16xf32>,
      %shift_right_logical3A_686 = arith.constant 16 : i32
      %shift_right_logical3A_687 = vector.broadcast %shift_right_logical3A_686 : i32 to vector<16xi32>
      %shift_right_logical3A_688 = arith.shrui %get3A_683, %shift_right_logical3A_687 : vector<16xi32>
      %eq3A_689 = vector.broadcast %add3A_505 : i32 to vector<16xi32>
      %eq3A_690 = arith.cmpi eq, %shift_right_logical3A_688, %eq3A_689 : vector<16xi32>
      %and3A_691 = arith.constant 65535 : i32
      %and3A_692 = vector.broadcast %and3A_691 : i32 to vector<16xi32>
      %and3A_693 = arith.andi %get3A_683, %and3A_692 : vector<16xi32>
      %shift_right_logical3A_694 = arith.constant 11 : i32
      %shift_right_logical3A_695 = vector.broadcast %shift_right_logical3A_694 : i32 to vector<16xi32>
      %shift_right_logical3A_696 = arith.shrui %and3A_693, %shift_right_logical3A_695 : vector<16xi32>
      %and3A_697 = arith.constant 2047 : i32
      %and3A_698 = vector.broadcast %and3A_697 : i32 to vector<16xi32>
      %and3A_699 = arith.andi %and3A_693, %and3A_698 : vector<16xi32>
      tpu.vector_store_idx %arg12[%shift_right_logical3A_696, %and3A_699], %get3A_685 masked %eq3A_690 : memref<32x2048xf32, #tpu.memory_space<vmem>>[vector<16xi32>, vector<16xi32>], vector<16xf32>, vector<16xi1>
      %scan3A_700 = arith.constant 5 : i32
      %scan3A_701 = arith.addi %scan3A_540, %scan3A_700 : i32
      %shift_right_logical3A_702 = arith.constant 4 : i32
      %shift_right_logical3A_703 = arith.shrui %scan3A_701, %shift_right_logical3A_702 : i32
      %and3A_704 = arith.constant 15 : i32
      %and3A_705 = arith.andi %scan3A_701, %and3A_704 : i32
      %mul3A_706 = arith.constant 2 : i32
      %mul3A_707 = arith.muli %shift_right_logical3A_703, %mul3A_706 : i32
      %add3A_708 = arith.constant 0 : i32
      %add3A_709 = arith.addi %mul3A_707, %add3A_708 : i32
      %mul3A_710 = arith.constant 256 : i32
      %mul3A_711 = arith.muli %add3A_709, %mul3A_710 : i32
      %mul3A_712 = arith.constant 16 : i32
      %mul3A_713 = arith.muli %and3A_705, %mul3A_712 : i32
      %add3A_714 = arith.addi %mul3A_711, %mul3A_713 : i32
      %get3A_715 = arith.index_cast %add3A_714 : i32 to index
      %get3A_716 = tpu.vector_load %arg9[%get3A_715] {strides = array<i32>} : memref<8208xi32, #tpu.memory_space<vmem>>, vector<16xi32>,
      %get3A_717 = arith.index_cast %add3A_714 : i32 to index
      %get3A_718 = tpu.vector_load %arg10[%get3A_717] {strides = array<i32>} : memref<8208xf32, #tpu.memory_space<vmem>>, vector<16xf32>,
      %shift_right_logical3A_719 = arith.constant 16 : i32
      %shift_right_logical3A_720 = vector.broadcast %shift_right_logical3A_719 : i32 to vector<16xi32>
      %shift_right_logical3A_721 = arith.shrui %get3A_716, %shift_right_logical3A_720 : vector<16xi32>
      %eq3A_722 = vector.broadcast %add3A_505 : i32 to vector<16xi32>
      %eq3A_723 = arith.cmpi eq, %shift_right_logical3A_721, %eq3A_722 : vector<16xi32>
      %and3A_724 = arith.constant 65535 : i32
      %and3A_725 = vector.broadcast %and3A_724 : i32 to vector<16xi32>
      %and3A_726 = arith.andi %get3A_716, %and3A_725 : vector<16xi32>
      %shift_right_logical3A_727 = arith.constant 11 : i32
      %shift_right_logical3A_728 = vector.broadcast %shift_right_logical3A_727 : i32 to vector<16xi32>
      %shift_right_logical3A_729 = arith.shrui %and3A_726, %shift_right_logical3A_728 : vector<16xi32>
      %and3A_730 = arith.constant 2047 : i32
      %and3A_731 = vector.broadcast %and3A_730 : i32 to vector<16xi32>
      %and3A_732 = arith.andi %and3A_726, %and3A_731 : vector<16xi32>
      tpu.vector_store_idx %arg12[%shift_right_logical3A_729, %and3A_732], %get3A_718 masked %eq3A_723 : memref<32x2048xf32, #tpu.memory_space<vmem>>[vector<16xi32>, vector<16xi32>], vector<16xf32>, vector<16xi1>
      %scan3A_733 = arith.constant 6 : i32
      %scan3A_734 = arith.addi %scan3A_540, %scan3A_733 : i32
      %shift_right_logical3A_735 = arith.constant 4 : i32
      %shift_right_logical3A_736 = arith.shrui %scan3A_734, %shift_right_logical3A_735 : i32
      %and3A_737 = arith.constant 15 : i32
      %and3A_738 = arith.andi %scan3A_734, %and3A_737 : i32
      %mul3A_739 = arith.constant 2 : i32
      %mul3A_740 = arith.muli %shift_right_logical3A_736, %mul3A_739 : i32
      %add3A_741 = arith.constant 0 : i32
      %add3A_742 = arith.addi %mul3A_740, %add3A_741 : i32
      %mul3A_743 = arith.constant 256 : i32
      %mul3A_744 = arith.muli %add3A_742, %mul3A_743 : i32
      %mul3A_745 = arith.constant 16 : i32
      %mul3A_746 = arith.muli %and3A_738, %mul3A_745 : i32
      %add3A_747 = arith.addi %mul3A_744, %mul3A_746 : i32
      %get3A_748 = arith.index_cast %add3A_747 : i32 to index
      %get3A_749 = tpu.vector_load %arg9[%get3A_748] {strides = array<i32>} : memref<8208xi32, #tpu.memory_space<vmem>>, vector<16xi32>,
      %get3A_750 = arith.index_cast %add3A_747 : i32 to index
      %get3A_751 = tpu.vector_load %arg10[%get3A_750] {strides = array<i32>} : memref<8208xf32, #tpu.memory_space<vmem>>, vector<16xf32>,
      %shift_right_logical3A_752 = arith.constant 16 : i32
      %shift_right_logical3A_753 = vector.broadcast %shift_right_logical3A_752 : i32 to vector<16xi32>
      %shift_right_logical3A_754 = arith.shrui %get3A_749, %shift_right_logical3A_753 : vector<16xi32>
      %eq3A_755 = vector.broadcast %add3A_505 : i32 to vector<16xi32>
      %eq3A_756 = arith.cmpi eq, %shift_right_logical3A_754, %eq3A_755 : vector<16xi32>
      %and3A_757 = arith.constant 65535 : i32
      %and3A_758 = vector.broadcast %and3A_757 : i32 to vector<16xi32>
      %and3A_759 = arith.andi %get3A_749, %and3A_758 : vector<16xi32>
      %shift_right_logical3A_760 = arith.constant 11 : i32
      %shift_right_logical3A_761 = vector.broadcast %shift_right_logical3A_760 : i32 to vector<16xi32>
      %shift_right_logical3A_762 = arith.shrui %and3A_759, %shift_right_logical3A_761 : vector<16xi32>
      %and3A_763 = arith.constant 2047 : i32
      %and3A_764 = vector.broadcast %and3A_763 : i32 to vector<16xi32>
      %and3A_765 = arith.andi %and3A_759, %and3A_764 : vector<16xi32>
      tpu.vector_store_idx %arg12[%shift_right_logical3A_762, %and3A_765], %get3A_751 masked %eq3A_756 : memref<32x2048xf32, #tpu.memory_space<vmem>>[vector<16xi32>, vector<16xi32>], vector<16xf32>, vector<16xi1>
      %scan3A_766 = arith.constant 7 : i32
      %scan3A_767 = arith.addi %scan3A_540, %scan3A_766 : i32
      %shift_right_logical3A_768 = arith.constant 4 : i32
      %shift_right_logical3A_769 = arith.shrui %scan3A_767, %shift_right_logical3A_768 : i32
      %and3A_770 = arith.constant 15 : i32
      %and3A_771 = arith.andi %scan3A_767, %and3A_770 : i32
      %mul3A_772 = arith.constant 2 : i32
      %mul3A_773 = arith.muli %shift_right_logical3A_769, %mul3A_772 : i32
      %add3A_774 = arith.constant 0 : i32
      %add3A_775 = arith.addi %mul3A_773, %add3A_774 : i32
      %mul3A_776 = arith.constant 256 : i32
      %mul3A_777 = arith.muli %add3A_775, %mul3A_776 : i32
      %mul3A_778 = arith.constant 16 : i32
      %mul3A_779 = arith.muli %and3A_771, %mul3A_778 : i32
      %add3A_780 = arith.addi %mul3A_777, %mul3A_779 : i32
      %get3A_781 = arith.index_cast %add3A_780 : i32 to index
      %get3A_782 = tpu.vector_load %arg9[%get3A_781] {strides = array<i32>} : memref<8208xi32, #tpu.memory_space<vmem>>, vector<16xi32>,
      %get3A_783 = arith.index_cast %add3A_780 : i32 to index
      %get3A_784 = tpu.vector_load %arg10[%get3A_783] {strides = array<i32>} : memref<8208xf32, #tpu.memory_space<vmem>>, vector<16xf32>,
      %shift_right_logical3A_785 = arith.constant 16 : i32
      %shift_right_logical3A_786 = vector.broadcast %shift_right_logical3A_785 : i32 to vector<16xi32>
      %shift_right_logical3A_787 = arith.shrui %get3A_782, %shift_right_logical3A_786 : vector<16xi32>
      %eq3A_788 = vector.broadcast %add3A_505 : i32 to vector<16xi32>
      %eq3A_789 = arith.cmpi eq, %shift_right_logical3A_787, %eq3A_788 : vector<16xi32>
      %and3A_790 = arith.constant 65535 : i32
      %and3A_791 = vector.broadcast %and3A_790 : i32 to vector<16xi32>
      %and3A_792 = arith.andi %get3A_782, %and3A_791 : vector<16xi32>
      %shift_right_logical3A_793 = arith.constant 11 : i32
      %shift_right_logical3A_794 = vector.broadcast %shift_right_logical3A_793 : i32 to vector<16xi32>
      %shift_right_logical3A_795 = arith.shrui %and3A_792, %shift_right_logical3A_794 : vector<16xi32>
      %and3A_796 = arith.constant 2047 : i32
      %and3A_797 = vector.broadcast %and3A_796 : i32 to vector<16xi32>
      %and3A_798 = arith.andi %and3A_792, %and3A_797 : vector<16xi32>
      tpu.vector_store_idx %arg12[%shift_right_logical3A_795, %and3A_798], %get3A_784 masked %eq3A_789 : memref<32x2048xf32, #tpu.memory_space<vmem>>[vector<16xi32>, vector<16xi32>], vector<16xf32>, vector<16xi1>
      %scan3A_799 = arith.constant 8 : i32
      %scan3A_800 = arith.addi %scan3A_540, %scan3A_799 : i32
      %shift_right_logical3A_801 = arith.constant 4 : i32
      %shift_right_logical3A_802 = arith.shrui %scan3A_800, %shift_right_logical3A_801 : i32
      %and3A_803 = arith.constant 15 : i32
      %and3A_804 = arith.andi %scan3A_800, %and3A_803 : i32
      %mul3A_805 = arith.constant 2 : i32
      %mul3A_806 = arith.muli %shift_right_logical3A_802, %mul3A_805 : i32
      %add3A_807 = arith.constant 0 : i32
      %add3A_808 = arith.addi %mul3A_806, %add3A_807 : i32
      %mul3A_809 = arith.constant 256 : i32
      %mul3A_810 = arith.muli %add3A_808, %mul3A_809 : i32
      %mul3A_811 = arith.constant 16 : i32
      %mul3A_812 = arith.muli %and3A_804, %mul3A_811 : i32
      %add3A_813 = arith.addi %mul3A_810, %mul3A_812 : i32
      %get3A_814 = arith.index_cast %add3A_813 : i32 to index
      %get3A_815 = tpu.vector_load %arg9[%get3A_814] {strides = array<i32>} : memref<8208xi32, #tpu.memory_space<vmem>>, vector<16xi32>,
      %get3A_816 = arith.index_cast %add3A_813 : i32 to index
      %get3A_817 = tpu.vector_load %arg10[%get3A_816] {strides = array<i32>} : memref<8208xf32, #tpu.memory_space<vmem>>, vector<16xf32>,
      %shift_right_logical3A_818 = arith.constant 16 : i32
      %shift_right_logical3A_819 = vector.broadcast %shift_right_logical3A_818 : i32 to vector<16xi32>
      %shift_right_logical3A_820 = arith.shrui %get3A_815, %shift_right_logical3A_819 : vector<16xi32>
      %eq3A_821 = vector.broadcast %add3A_505 : i32 to vector<16xi32>
      %eq3A_822 = arith.cmpi eq, %shift_right_logical3A_820, %eq3A_821 : vector<16xi32>
      %and3A_823 = arith.constant 65535 : i32
      %and3A_824 = vector.broadcast %and3A_823 : i32 to vector<16xi32>
      %and3A_825 = arith.andi %get3A_815, %and3A_824 : vector<16xi32>
      %shift_right_logical3A_826 = arith.constant 11 : i32
      %shift_right_logical3A_827 = vector.broadcast %shift_right_logical3A_826 : i32 to vector<16xi32>
      %shift_right_logical3A_828 = arith.shrui %and3A_825, %shift_right_logical3A_827 : vector<16xi32>
      %and3A_829 = arith.constant 2047 : i32
      %and3A_830 = vector.broadcast %and3A_829 : i32 to vector<16xi32>
      %and3A_831 = arith.andi %and3A_825, %and3A_830 : vector<16xi32>
      tpu.vector_store_idx %arg12[%shift_right_logical3A_828, %and3A_831], %get3A_817 masked %eq3A_822 : memref<32x2048xf32, #tpu.memory_space<vmem>>[vector<16xi32>, vector<16xi32>], vector<16xf32>, vector<16xi1>
      %scan3A_832 = arith.constant 9 : i32
      %scan3A_833 = arith.addi %scan3A_540, %scan3A_832 : i32
      %shift_right_logical3A_834 = arith.constant 4 : i32
      %shift_right_logical3A_835 = arith.shrui %scan3A_833, %shift_right_logical3A_834 : i32
      %and3A_836 = arith.constant 15 : i32
      %and3A_837 = arith.andi %scan3A_833, %and3A_836 : i32
      %mul3A_838 = arith.constant 2 : i32
      %mul3A_839 = arith.muli %shift_right_logical3A_835, %mul3A_838 : i32
      %add3A_840 = arith.constant 0 : i32
      %add3A_841 = arith.addi %mul3A_839, %add3A_840 : i32
      %mul3A_842 = arith.constant 256 : i32
      %mul3A_843 = arith.muli %add3A_841, %mul3A_842 : i32
      %mul3A_844 = arith.constant 16 : i32
      %mul3A_845 = arith.muli %and3A_837, %mul3A_844 : i32
      %add3A_846 = arith.addi %mul3A_843, %mul3A_845 : i32
      %get3A_847 = arith.index_cast %add3A_846 : i32 to index
      %get3A_848 = tpu.vector_load %arg9[%get3A_847] {strides = array<i32>} : memref<8208xi32, #tpu.memory_space<vmem>>, vector<16xi32>,
      %get3A_849 = arith.index_cast %add3A_846 : i32 to index
      %get3A_850 = tpu.vector_load %arg10[%get3A_849] {strides = array<i32>} : memref<8208xf32, #tpu.memory_space<vmem>>, vector<16xf32>,
      %shift_right_logical3A_851 = arith.constant 16 : i32
      %shift_right_logical3A_852 = vector.broadcast %shift_right_logical3A_851 : i32 to vector<16xi32>
      %shift_right_logical3A_853 = arith.shrui %get3A_848, %shift_right_logical3A_852 : vector<16xi32>
      %eq3A_854 = vector.broadcast %add3A_505 : i32 to vector<16xi32>
      %eq3A_855 = arith.cmpi eq, %shift_right_logical3A_853, %eq3A_854 : vector<16xi32>
      %and3A_856 = arith.constant 65535 : i32
      %and3A_857 = vector.broadcast %and3A_856 : i32 to vector<16xi32>
      %and3A_858 = arith.andi %get3A_848, %and3A_857 : vector<16xi32>
      %shift_right_logical3A_859 = arith.constant 11 : i32
      %shift_right_logical3A_860 = vector.broadcast %shift_right_logical3A_859 : i32 to vector<16xi32>
      %shift_right_logical3A_861 = arith.shrui %and3A_858, %shift_right_logical3A_860 : vector<16xi32>
      %and3A_862 = arith.constant 2047 : i32
      %and3A_863 = vector.broadcast %and3A_862 : i32 to vector<16xi32>
      %and3A_864 = arith.andi %and3A_858, %and3A_863 : vector<16xi32>
      tpu.vector_store_idx %arg12[%shift_right_logical3A_861, %and3A_864], %get3A_850 masked %eq3A_855 : memref<32x2048xf32, #tpu.memory_space<vmem>>[vector<16xi32>, vector<16xi32>], vector<16xf32>, vector<16xi1>
      %scan3A_865 = arith.constant 10 : i32
      %scan3A_866 = arith.addi %scan3A_540, %scan3A_865 : i32
      %shift_right_logical3A_867 = arith.constant 4 : i32
      %shift_right_logical3A_868 = arith.shrui %scan3A_866, %shift_right_logical3A_867 : i32
      %and3A_869 = arith.constant 15 : i32
      %and3A_870 = arith.andi %scan3A_866, %and3A_869 : i32
      %mul3A_871 = arith.constant 2 : i32
      %mul3A_872 = arith.muli %shift_right_logical3A_868, %mul3A_871 : i32
      %add3A_873 = arith.constant 0 : i32
      %add3A_874 = arith.addi %mul3A_872, %add3A_873 : i32
      %mul3A_875 = arith.constant 256 : i32
      %mul3A_876 = arith.muli %add3A_874, %mul3A_875 : i32
      %mul3A_877 = arith.constant 16 : i32
      %mul3A_878 = arith.muli %and3A_870, %mul3A_877 : i32
      %add3A_879 = arith.addi %mul3A_876, %mul3A_878 : i32
      %get3A_880 = arith.index_cast %add3A_879 : i32 to index
      %get3A_881 = tpu.vector_load %arg9[%get3A_880] {strides = array<i32>} : memref<8208xi32, #tpu.memory_space<vmem>>, vector<16xi32>,
      %get3A_882 = arith.index_cast %add3A_879 : i32 to index
      %get3A_883 = tpu.vector_load %arg10[%get3A_882] {strides = array<i32>} : memref<8208xf32, #tpu.memory_space<vmem>>, vector<16xf32>,
      %shift_right_logical3A_884 = arith.constant 16 : i32
      %shift_right_logical3A_885 = vector.broadcast %shift_right_logical3A_884 : i32 to vector<16xi32>
      %shift_right_logical3A_886 = arith.shrui %get3A_881, %shift_right_logical3A_885 : vector<16xi32>
      %eq3A_887 = vector.broadcast %add3A_505 : i32 to vector<16xi32>
      %eq3A_888 = arith.cmpi eq, %shift_right_logical3A_886, %eq3A_887 : vector<16xi32>
      %and3A_889 = arith.constant 65535 : i32
      %and3A_890 = vector.broadcast %and3A_889 : i32 to vector<16xi32>
      %and3A_891 = arith.andi %get3A_881, %and3A_890 : vector<16xi32>
      %shift_right_logical3A_892 = arith.constant 11 : i32
      %shift_right_logical3A_893 = vector.broadcast %shift_right_logical3A_892 : i32 to vector<16xi32>
      %shift_right_logical3A_894 = arith.shrui %and3A_891, %shift_right_logical3A_893 : vector<16xi32>
      %and3A_895 = arith.constant 2047 : i32
      %and3A_896 = vector.broadcast %and3A_895 : i32 to vector<16xi32>
      %and3A_897 = arith.andi %and3A_891, %and3A_896 : vector<16xi32>
      tpu.vector_store_idx %arg12[%shift_right_logical3A_894, %and3A_897], %get3A_883 masked %eq3A_888 : memref<32x2048xf32, #tpu.memory_space<vmem>>[vector<16xi32>, vector<16xi32>], vector<16xf32>, vector<16xi1>
      %scan3A_898 = arith.constant 11 : i32
      %scan3A_899 = arith.addi %scan3A_540, %scan3A_898 : i32
      %shift_right_logical3A_900 = arith.constant 4 : i32
      %shift_right_logical3A_901 = arith.shrui %scan3A_899, %shift_right_logical3A_900 : i32
      %and3A_902 = arith.constant 15 : i32
      %and3A_903 = arith.andi %scan3A_899, %and3A_902 : i32
      %mul3A_904 = arith.constant 2 : i32
      %mul3A_905 = arith.muli %shift_right_logical3A_901, %mul3A_904 : i32
      %add3A_906 = arith.constant 0 : i32
      %add3A_907 = arith.addi %mul3A_905, %add3A_906 : i32
      %mul3A_908 = arith.constant 256 : i32
      %mul3A_909 = arith.muli %add3A_907, %mul3A_908 : i32
      %mul3A_910 = arith.constant 16 : i32
      %mul3A_911 = arith.muli %and3A_903, %mul3A_910 : i32
      %add3A_912 = arith.addi %mul3A_909, %mul3A_911 : i32
      %get3A_913 = arith.index_cast %add3A_912 : i32 to index
      %get3A_914 = tpu.vector_load %arg9[%get3A_913] {strides = array<i32>} : memref<8208xi32, #tpu.memory_space<vmem>>, vector<16xi32>,
      %get3A_915 = arith.index_cast %add3A_912 : i32 to index
      %get3A_916 = tpu.vector_load %arg10[%get3A_915] {strides = array<i32>} : memref<8208xf32, #tpu.memory_space<vmem>>, vector<16xf32>,
      %shift_right_logical3A_917 = arith.constant 16 : i32
      %shift_right_logical3A_918 = vector.broadcast %shift_right_logical3A_917 : i32 to vector<16xi32>
      %shift_right_logical3A_919 = arith.shrui %get3A_914, %shift_right_logical3A_918 : vector<16xi32>
      %eq3A_920 = vector.broadcast %add3A_505 : i32 to vector<16xi32>
      %eq3A_921 = arith.cmpi eq, %shift_right_logical3A_919, %eq3A_920 : vector<16xi32>
      %and3A_922 = arith.constant 65535 : i32
      %and3A_923 = vector.broadcast %and3A_922 : i32 to vector<16xi32>
      %and3A_924 = arith.andi %get3A_914, %and3A_923 : vector<16xi32>
      %shift_right_logical3A_925 = arith.constant 11 : i32
      %shift_right_logical3A_926 = vector.broadcast %shift_right_logical3A_925 : i32 to vector<16xi32>
      %shift_right_logical3A_927 = arith.shrui %and3A_924, %shift_right_logical3A_926 : vector<16xi32>
      %and3A_928 = arith.constant 2047 : i32
      %and3A_929 = vector.broadcast %and3A_928 : i32 to vector<16xi32>
      %and3A_930 = arith.andi %and3A_924, %and3A_929 : vector<16xi32>
      tpu.vector_store_idx %arg12[%shift_right_logical3A_927, %and3A_930], %get3A_916 masked %eq3A_921 : memref<32x2048xf32, #tpu.memory_space<vmem>>[vector<16xi32>, vector<16xi32>], vector<16xf32>, vector<16xi1>
      %scan3A_931 = arith.constant 12 : i32
      %scan3A_932 = arith.addi %scan3A_540, %scan3A_931 : i32
      %shift_right_logical3A_933 = arith.constant 4 : i32
      %shift_right_logical3A_934 = arith.shrui %scan3A_932, %shift_right_logical3A_933 : i32
      %and3A_935 = arith.constant 15 : i32
      %and3A_936 = arith.andi %scan3A_932, %and3A_935 : i32
      %mul3A_937 = arith.constant 2 : i32
      %mul3A_938 = arith.muli %shift_right_logical3A_934, %mul3A_937 : i32
      %add3A_939 = arith.constant 0 : i32
      %add3A_940 = arith.addi %mul3A_938, %add3A_939 : i32
      %mul3A_941 = arith.constant 256 : i32
      %mul3A_942 = arith.muli %add3A_940, %mul3A_941 : i32
      %mul3A_943 = arith.constant 16 : i32
      %mul3A_944 = arith.muli %and3A_936, %mul3A_943 : i32
      %add3A_945 = arith.addi %mul3A_942, %mul3A_944 : i32
      %get3A_946 = arith.index_cast %add3A_945 : i32 to index
      %get3A_947 = tpu.vector_load %arg9[%get3A_946] {strides = array<i32>} : memref<8208xi32, #tpu.memory_space<vmem>>, vector<16xi32>,
      %get3A_948 = arith.index_cast %add3A_945 : i32 to index
      %get3A_949 = tpu.vector_load %arg10[%get3A_948] {strides = array<i32>} : memref<8208xf32, #tpu.memory_space<vmem>>, vector<16xf32>,
      %shift_right_logical3A_950 = arith.constant 16 : i32
      %shift_right_logical3A_951 = vector.broadcast %shift_right_logical3A_950 : i32 to vector<16xi32>
      %shift_right_logical3A_952 = arith.shrui %get3A_947, %shift_right_logical3A_951 : vector<16xi32>
      %eq3A_953 = vector.broadcast %add3A_505 : i32 to vector<16xi32>
      %eq3A_954 = arith.cmpi eq, %shift_right_logical3A_952, %eq3A_953 : vector<16xi32>
      %and3A_955 = arith.constant 65535 : i32
      %and3A_956 = vector.broadcast %and3A_955 : i32 to vector<16xi32>
      %and3A_957 = arith.andi %get3A_947, %and3A_956 : vector<16xi32>
      %shift_right_logical3A_958 = arith.constant 11 : i32
      %shift_right_logical3A_959 = vector.broadcast %shift_right_logical3A_958 : i32 to vector<16xi32>
      %shift_right_logical3A_960 = arith.shrui %and3A_957, %shift_right_logical3A_959 : vector<16xi32>
      %and3A_961 = arith.constant 2047 : i32
      %and3A_962 = vector.broadcast %and3A_961 : i32 to vector<16xi32>
      %and3A_963 = arith.andi %and3A_957, %and3A_962 : vector<16xi32>
      tpu.vector_store_idx %arg12[%shift_right_logical3A_960, %and3A_963], %get3A_949 masked %eq3A_954 : memref<32x2048xf32, #tpu.memory_space<vmem>>[vector<16xi32>, vector<16xi32>], vector<16xf32>, vector<16xi1>
      %scan3A_964 = arith.constant 13 : i32
      %scan3A_965 = arith.addi %scan3A_540, %scan3A_964 : i32
      %shift_right_logical3A_966 = arith.constant 4 : i32
      %shift_right_logical3A_967 = arith.shrui %scan3A_965, %shift_right_logical3A_966 : i32
      %and3A_968 = arith.constant 15 : i32
      %and3A_969 = arith.andi %scan3A_965, %and3A_968 : i32
      %mul3A_970 = arith.constant 2 : i32
      %mul3A_971 = arith.muli %shift_right_logical3A_967, %mul3A_970 : i32
      %add3A_972 = arith.constant 0 : i32
      %add3A_973 = arith.addi %mul3A_971, %add3A_972 : i32
      %mul3A_974 = arith.constant 256 : i32
      %mul3A_975 = arith.muli %add3A_973, %mul3A_974 : i32
      %mul3A_976 = arith.constant 16 : i32
      %mul3A_977 = arith.muli %and3A_969, %mul3A_976 : i32
      %add3A_978 = arith.addi %mul3A_975, %mul3A_977 : i32
      %get3A_979 = arith.index_cast %add3A_978 : i32 to index
      %get3A_980 = tpu.vector_load %arg9[%get3A_979] {strides = array<i32>} : memref<8208xi32, #tpu.memory_space<vmem>>, vector<16xi32>,
      %get3A_981 = arith.index_cast %add3A_978 : i32 to index
      %get3A_982 = tpu.vector_load %arg10[%get3A_981] {strides = array<i32>} : memref<8208xf32, #tpu.memory_space<vmem>>, vector<16xf32>,
      %shift_right_logical3A_983 = arith.constant 16 : i32
      %shift_right_logical3A_984 = vector.broadcast %shift_right_logical3A_983 : i32 to vector<16xi32>
      %shift_right_logical3A_985 = arith.shrui %get3A_980, %shift_right_logical3A_984 : vector<16xi32>
      %eq3A_986 = vector.broadcast %add3A_505 : i32 to vector<16xi32>
      %eq3A_987 = arith.cmpi eq, %shift_right_logical3A_985, %eq3A_986 : vector<16xi32>
      %and3A_988 = arith.constant 65535 : i32
      %and3A_989 = vector.broadcast %and3A_988 : i32 to vector<16xi32>
      %and3A_990 = arith.andi %get3A_980, %and3A_989 : vector<16xi32>
      %shift_right_logical3A_991 = arith.constant 11 : i32
      %shift_right_logical3A_992 = vector.broadcast %shift_right_logical3A_991 : i32 to vector<16xi32>
      %shift_right_logical3A_993 = arith.shrui %and3A_990, %shift_right_logical3A_992 : vector<16xi32>
      %and3A_994 = arith.constant 2047 : i32
      %and3A_995 = vector.broadcast %and3A_994 : i32 to vector<16xi32>
      %and3A_996 = arith.andi %and3A_990, %and3A_995 : vector<16xi32>
      tpu.vector_store_idx %arg12[%shift_right_logical3A_993, %and3A_996], %get3A_982 masked %eq3A_987 : memref<32x2048xf32, #tpu.memory_space<vmem>>[vector<16xi32>, vector<16xi32>], vector<16xf32>, vector<16xi1>
      %scan3A_997 = arith.constant 14 : i32
      %scan3A_998 = arith.addi %scan3A_540, %scan3A_997 : i32
      %shift_right_logical3A_999 = arith.constant 4 : i32
      %shift_right_logical3A_1000 = arith.shrui %scan3A_998, %shift_right_logical3A_999 : i32
      %and3A_1001 = arith.constant 15 : i32
      %and3A_1002 = arith.andi %scan3A_998, %and3A_1001 : i32
      %mul3A_1003 = arith.constant 2 : i32
      %mul3A_1004 = arith.muli %shift_right_logical3A_1000, %mul3A_1003 : i32
      %add3A_1005 = arith.constant 0 : i32
      %add3A_1006 = arith.addi %mul3A_1004, %add3A_1005 : i32
      %mul3A_1007 = arith.constant 256 : i32
      %mul3A_1008 = arith.muli %add3A_1006, %mul3A_1007 : i32
      %mul3A_1009 = arith.constant 16 : i32
      %mul3A_1010 = arith.muli %and3A_1002, %mul3A_1009 : i32
      %add3A_1011 = arith.addi %mul3A_1008, %mul3A_1010 : i32
      %get3A_1012 = arith.index_cast %add3A_1011 : i32 to index
      %get3A_1013 = tpu.vector_load %arg9[%get3A_1012] {strides = array<i32>} : memref<8208xi32, #tpu.memory_space<vmem>>, vector<16xi32>,
      %get3A_1014 = arith.index_cast %add3A_1011 : i32 to index
      %get3A_1015 = tpu.vector_load %arg10[%get3A_1014] {strides = array<i32>} : memref<8208xf32, #tpu.memory_space<vmem>>, vector<16xf32>,
      %shift_right_logical3A_1016 = arith.constant 16 : i32
      %shift_right_logical3A_1017 = vector.broadcast %shift_right_logical3A_1016 : i32 to vector<16xi32>
      %shift_right_logical3A_1018 = arith.shrui %get3A_1013, %shift_right_logical3A_1017 : vector<16xi32>
      %eq3A_1019 = vector.broadcast %add3A_505 : i32 to vector<16xi32>
      %eq3A_1020 = arith.cmpi eq, %shift_right_logical3A_1018, %eq3A_1019 : vector<16xi32>
      %and3A_1021 = arith.constant 65535 : i32
      %and3A_1022 = vector.broadcast %and3A_1021 : i32 to vector<16xi32>
      %and3A_1023 = arith.andi %get3A_1013, %and3A_1022 : vector<16xi32>
      %shift_right_logical3A_1024 = arith.constant 11 : i32
      %shift_right_logical3A_1025 = vector.broadcast %shift_right_logical3A_1024 : i32 to vector<16xi32>
      %shift_right_logical3A_1026 = arith.shrui %and3A_1023, %shift_right_logical3A_1025 : vector<16xi32>
      %and3A_1027 = arith.constant 2047 : i32
      %and3A_1028 = vector.broadcast %and3A_1027 : i32 to vector<16xi32>
      %and3A_1029 = arith.andi %and3A_1023, %and3A_1028 : vector<16xi32>
      tpu.vector_store_idx %arg12[%shift_right_logical3A_1026, %and3A_1029], %get3A_1015 masked %eq3A_1020 : memref<32x2048xf32, #tpu.memory_space<vmem>>[vector<16xi32>, vector<16xi32>], vector<16xf32>, vector<16xi1>
      %scan3A_1030 = arith.constant 15 : i32
      %scan3A_1031 = arith.addi %scan3A_540, %scan3A_1030 : i32
      %shift_right_logical3A_1032 = arith.constant 4 : i32
      %shift_right_logical3A_1033 = arith.shrui %scan3A_1031, %shift_right_logical3A_1032 : i32
      %and3A_1034 = arith.constant 15 : i32
      %and3A_1035 = arith.andi %scan3A_1031, %and3A_1034 : i32
      %mul3A_1036 = arith.constant 2 : i32
      %mul3A_1037 = arith.muli %shift_right_logical3A_1033, %mul3A_1036 : i32
      %add3A_1038 = arith.constant 0 : i32
      %add3A_1039 = arith.addi %mul3A_1037, %add3A_1038 : i32
      %mul3A_1040 = arith.constant 256 : i32
      %mul3A_1041 = arith.muli %add3A_1039, %mul3A_1040 : i32
      %mul3A_1042 = arith.constant 16 : i32
      %mul3A_1043 = arith.muli %and3A_1035, %mul3A_1042 : i32
      %add3A_1044 = arith.addi %mul3A_1041, %mul3A_1043 : i32
      %get3A_1045 = arith.index_cast %add3A_1044 : i32 to index
      %get3A_1046 = tpu.vector_load %arg9[%get3A_1045] {strides = array<i32>} : memref<8208xi32, #tpu.memory_space<vmem>>, vector<16xi32>,
      %get3A_1047 = arith.index_cast %add3A_1044 : i32 to index
      %get3A_1048 = tpu.vector_load %arg10[%get3A_1047] {strides = array<i32>} : memref<8208xf32, #tpu.memory_space<vmem>>, vector<16xf32>,
      %shift_right_logical3A_1049 = arith.constant 16 : i32
      %shift_right_logical3A_1050 = vector.broadcast %shift_right_logical3A_1049 : i32 to vector<16xi32>
      %shift_right_logical3A_1051 = arith.shrui %get3A_1046, %shift_right_logical3A_1050 : vector<16xi32>
      %eq3A_1052 = vector.broadcast %add3A_505 : i32 to vector<16xi32>
      %eq3A_1053 = arith.cmpi eq, %shift_right_logical3A_1051, %eq3A_1052 : vector<16xi32>
      %and3A_1054 = arith.constant 65535 : i32
      %and3A_1055 = vector.broadcast %and3A_1054 : i32 to vector<16xi32>
      %and3A_1056 = arith.andi %get3A_1046, %and3A_1055 : vector<16xi32>
      %shift_right_logical3A_1057 = arith.constant 11 : i32
      %shift_right_logical3A_1058 = vector.broadcast %shift_right_logical3A_1057 : i32 to vector<16xi32>
      %shift_right_logical3A_1059 = arith.shrui %and3A_1056, %shift_right_logical3A_1058 : vector<16xi32>
      %and3A_1060 = arith.constant 2047 : i32
      %and3A_1061 = vector.broadcast %and3A_1060 : i32 to vector<16xi32>
      %and3A_1062 = arith.andi %and3A_1056, %and3A_1061 : vector<16xi32>
      tpu.vector_store_idx %arg12[%shift_right_logical3A_1059, %and3A_1062], %get3A_1048 masked %eq3A_1053 : memref<32x2048xf32, #tpu.memory_space<vmem>>[vector<16xi32>, vector<16xi32>], vector<16xf32>, vector<16xi1>
    }
    %scan3A_511 = arith.constant 256 : i32
    %mul3A_512 = arith.constant 2 : i32
    %mul3A_513 = arith.muli %add3A, %mul3A_512 : i32
    %add3A_514 = arith.constant 0 : i32
    %add3A_515 = arith.addi %mul3A_513, %add3A_514 : i32
    %mul3A_516 = arith.constant 32 : i32
    %mul3A_517 = arith.muli %add3A_515, %mul3A_516 : i32
    "tpu.region"() ({
      %run_scoped3A = tpu.sem_alloc : memref<!tpu.dma_semaphore, #tpu.memory_space<semaphore_mem>>
      %dma_start3A_540 = arith.constant 0 : i32
      %dma_start3A_541 = tpu.memref_slice %arg5[%mul3A_517, %dma_start3A_540] : memref<2048x2048xf32, #tpu.memory_space<hbm>> -> memref<32x2048xf32, #tpu.memory_space<hbm>>
      %dma_start3A_542 = arith.constant 0 : i32
      %dma_start3A_543 = tpu.memref_slice %arg5[%mul3A_517, %dma_start3A_542] : memref<2048x2048xf32, #tpu.memory_space<hbm>> -> memref<32x2048xf32, #tpu.memory_space<hbm>>
      tpu.enqueue_dma source(%arg12 : memref<32x2048xf32, #tpu.memory_space<vmem>>) target(%dma_start3A_543 : memref<32x2048xf32, #tpu.memory_space<hbm>>) target_semaphore(%run_scoped3A : memref<!tpu.dma_semaphore, #tpu.memory_space<semaphore_mem>>)
      %dma_wait3A_544 = arith.constant 0 : i32
      %dma_wait3A_545 = tpu.memref_slice %arg5[%mul3A_517, %dma_wait3A_544] : memref<2048x2048xf32, #tpu.memory_space<hbm>> -> memref<32x2048xf32, #tpu.memory_space<hbm>>
      %dma_wait3A_546 = arith.constant 0 : i32
      %dma_wait3A_547 = tpu.memref_slice %arg5[%mul3A_517, %dma_wait3A_546] : memref<2048x2048xf32, #tpu.memory_space<hbm>> -> memref<32x2048xf32, #tpu.memory_space<hbm>>
      tpu.wait_dma2 semaphore(%run_scoped3A : memref<!tpu.dma_semaphore, #tpu.memory_space<semaphore_mem>>) src(%arg12 : memref<32x2048xf32, #tpu.memory_space<vmem>>) dst(%dma_wait3A_547 : memref<32x2048xf32, #tpu.memory_space<hbm>>)
      tpu.yield
    }) : () -> ()
    %scan3A_518 = arith.constant 0 : i32
    %scan3A_519 = arith.constant 0 : i32
    %scan3A_520 = arith.constant 4096 : i32
    %scan3A_521 = arith.addi %scan3A_519, %scan3A_520 : i32
    %scan3A_522 = arith.constant 32 : i32
    scf.for %scan3A_540 = %scan3A_519 to %scan3A_521 step %scan3A_522  : i32 {
      %shift_right_logical3A = arith.constant 7 : i32
      %shift_right_logical3A_541 = arith.shrui %scan3A_540, %shift_right_logical3A : i32
      %and3A = arith.constant 127 : i32
      %and3A_542 = arith.andi %scan3A_540, %and3A : i32
      %mul3A_543 = arith.constant 16 : i32
      %mul3A_544 = arith.muli %and3A_542, %mul3A_543 : i32
      %broadcast_in_dim3A_545 = arith.constant 0.000000e+00 : f32
      %broadcast_in_dim3A_546 = vector.broadcast %broadcast_in_dim3A_545 : f32 to vector<16xf32>
      %swap3A_547 = arith.index_cast %shift_right_logical3A_541 : i32 to index
      %swap3A_548 = arith.index_cast %mul3A_544 : i32 to index
      %swap3A_549 = tpu.vector_load %arg12[%swap3A_547, %swap3A_548] {strides = array<i32>} : memref<32x2048xf32, #tpu.memory_space<vmem>>, vector<16xf32>,
      tpu.vector_store %arg12[%swap3A_547, %swap3A_548], %broadcast_in_dim3A_546 {strides = array<i32>} : memref<32x2048xf32, #tpu.memory_space<vmem>>, vector<16xf32>,
      %scan3A_550 = arith.constant 1 : i32
      %scan3A_551 = arith.addi %scan3A_540, %scan3A_550 : i32
      %shift_right_logical3A_552 = arith.constant 7 : i32
      %shift_right_logical3A_553 = arith.shrui %scan3A_551, %shift_right_logical3A_552 : i32
      %and3A_554 = arith.constant 127 : i32
      %and3A_555 = arith.andi %scan3A_551, %and3A_554 : i32
      %mul3A_556 = arith.constant 16 : i32
      %mul3A_557 = arith.muli %and3A_555, %mul3A_556 : i32
      %broadcast_in_dim3A_558 = arith.constant 0.000000e+00 : f32
      %broadcast_in_dim3A_559 = vector.broadcast %broadcast_in_dim3A_558 : f32 to vector<16xf32>
      %swap3A_560 = arith.index_cast %shift_right_logical3A_553 : i32 to index
      %swap3A_561 = arith.index_cast %mul3A_557 : i32 to index
      %swap3A_562 = tpu.vector_load %arg12[%swap3A_560, %swap3A_561] {strides = array<i32>} : memref<32x2048xf32, #tpu.memory_space<vmem>>, vector<16xf32>,
      tpu.vector_store %arg12[%swap3A_560, %swap3A_561], %broadcast_in_dim3A_559 {strides = array<i32>} : memref<32x2048xf32, #tpu.memory_space<vmem>>, vector<16xf32>,
      %scan3A_563 = arith.constant 2 : i32
      %scan3A_564 = arith.addi %scan3A_540, %scan3A_563 : i32
      %shift_right_logical3A_565 = arith.constant 7 : i32
      %shift_right_logical3A_566 = arith.shrui %scan3A_564, %shift_right_logical3A_565 : i32
      %and3A_567 = arith.constant 127 : i32
      %and3A_568 = arith.andi %scan3A_564, %and3A_567 : i32
      %mul3A_569 = arith.constant 16 : i32
      %mul3A_570 = arith.muli %and3A_568, %mul3A_569 : i32
      %broadcast_in_dim3A_571 = arith.constant 0.000000e+00 : f32
      %broadcast_in_dim3A_572 = vector.broadcast %broadcast_in_dim3A_571 : f32 to vector<16xf32>
      %swap3A_573 = arith.index_cast %shift_right_logical3A_566 : i32 to index
      %swap3A_574 = arith.index_cast %mul3A_570 : i32 to index
      %swap3A_575 = tpu.vector_load %arg12[%swap3A_573, %swap3A_574] {strides = array<i32>} : memref<32x2048xf32, #tpu.memory_space<vmem>>, vector<16xf32>,
      tpu.vector_store %arg12[%swap3A_573, %swap3A_574], %broadcast_in_dim3A_572 {strides = array<i32>} : memref<32x2048xf32, #tpu.memory_space<vmem>>, vector<16xf32>,
      %scan3A_576 = arith.constant 3 : i32
      %scan3A_577 = arith.addi %scan3A_540, %scan3A_576 : i32
      %shift_right_logical3A_578 = arith.constant 7 : i32
      %shift_right_logical3A_579 = arith.shrui %scan3A_577, %shift_right_logical3A_578 : i32
      %and3A_580 = arith.constant 127 : i32
      %and3A_581 = arith.andi %scan3A_577, %and3A_580 : i32
      %mul3A_582 = arith.constant 16 : i32
      %mul3A_583 = arith.muli %and3A_581, %mul3A_582 : i32
      %broadcast_in_dim3A_584 = arith.constant 0.000000e+00 : f32
      %broadcast_in_dim3A_585 = vector.broadcast %broadcast_in_dim3A_584 : f32 to vector<16xf32>
      %swap3A_586 = arith.index_cast %shift_right_logical3A_579 : i32 to index
      %swap3A_587 = arith.index_cast %mul3A_583 : i32 to index
      %swap3A_588 = tpu.vector_load %arg12[%swap3A_586, %swap3A_587] {strides = array<i32>} : memref<32x2048xf32, #tpu.memory_space<vmem>>, vector<16xf32>,
      tpu.vector_store %arg12[%swap3A_586, %swap3A_587], %broadcast_in_dim3A_585 {strides = array<i32>} : memref<32x2048xf32, #tpu.memory_space<vmem>>, vector<16xf32>,
      %scan3A_589 = arith.constant 4 : i32
      %scan3A_590 = arith.addi %scan3A_540, %scan3A_589 : i32
      %shift_right_logical3A_591 = arith.constant 7 : i32
      %shift_right_logical3A_592 = arith.shrui %scan3A_590, %shift_right_logical3A_591 : i32
      %and3A_593 = arith.constant 127 : i32
      %and3A_594 = arith.andi %scan3A_590, %and3A_593 : i32
      %mul3A_595 = arith.constant 16 : i32
      %mul3A_596 = arith.muli %and3A_594, %mul3A_595 : i32
      %broadcast_in_dim3A_597 = arith.constant 0.000000e+00 : f32
      %broadcast_in_dim3A_598 = vector.broadcast %broadcast_in_dim3A_597 : f32 to vector<16xf32>
      %swap3A_599 = arith.index_cast %shift_right_logical3A_592 : i32 to index
      %swap3A_600 = arith.index_cast %mul3A_596 : i32 to index
      %swap3A_601 = tpu.vector_load %arg12[%swap3A_599, %swap3A_600] {strides = array<i32>} : memref<32x2048xf32, #tpu.memory_space<vmem>>, vector<16xf32>,
      tpu.vector_store %arg12[%swap3A_599, %swap3A_600], %broadcast_in_dim3A_598 {strides = array<i32>} : memref<32x2048xf32, #tpu.memory_space<vmem>>, vector<16xf32>,
      %scan3A_602 = arith.constant 5 : i32
      %scan3A_603 = arith.addi %scan3A_540, %scan3A_602 : i32
      %shift_right_logical3A_604 = arith.constant 7 : i32
      %shift_right_logical3A_605 = arith.shrui %scan3A_603, %shift_right_logical3A_604 : i32
      %and3A_606 = arith.constant 127 : i32
      %and3A_607 = arith.andi %scan3A_603, %and3A_606 : i32
      %mul3A_608 = arith.constant 16 : i32
      %mul3A_609 = arith.muli %and3A_607, %mul3A_608 : i32
      %broadcast_in_dim3A_610 = arith.constant 0.000000e+00 : f32
      %broadcast_in_dim3A_611 = vector.broadcast %broadcast_in_dim3A_610 : f32 to vector<16xf32>
      %swap3A_612 = arith.index_cast %shift_right_logical3A_605 : i32 to index
      %swap3A_613 = arith.index_cast %mul3A_609 : i32 to index
      %swap3A_614 = tpu.vector_load %arg12[%swap3A_612, %swap3A_613] {strides = array<i32>} : memref<32x2048xf32, #tpu.memory_space<vmem>>, vector<16xf32>,
      tpu.vector_store %arg12[%swap3A_612, %swap3A_613], %broadcast_in_dim3A_611 {strides = array<i32>} : memref<32x2048xf32, #tpu.memory_space<vmem>>, vector<16xf32>,
      %scan3A_615 = arith.constant 6 : i32
      %scan3A_616 = arith.addi %scan3A_540, %scan3A_615 : i32
      %shift_right_logical3A_617 = arith.constant 7 : i32
      %shift_right_logical3A_618 = arith.shrui %scan3A_616, %shift_right_logical3A_617 : i32
      %and3A_619 = arith.constant 127 : i32
      %and3A_620 = arith.andi %scan3A_616, %and3A_619 : i32
      %mul3A_621 = arith.constant 16 : i32
      %mul3A_622 = arith.muli %and3A_620, %mul3A_621 : i32
      %broadcast_in_dim3A_623 = arith.constant 0.000000e+00 : f32
      %broadcast_in_dim3A_624 = vector.broadcast %broadcast_in_dim3A_623 : f32 to vector<16xf32>
      %swap3A_625 = arith.index_cast %shift_right_logical3A_618 : i32 to index
      %swap3A_626 = arith.index_cast %mul3A_622 : i32 to index
      %swap3A_627 = tpu.vector_load %arg12[%swap3A_625, %swap3A_626] {strides = array<i32>} : memref<32x2048xf32, #tpu.memory_space<vmem>>, vector<16xf32>,
      tpu.vector_store %arg12[%swap3A_625, %swap3A_626], %broadcast_in_dim3A_624 {strides = array<i32>} : memref<32x2048xf32, #tpu.memory_space<vmem>>, vector<16xf32>,
      %scan3A_628 = arith.constant 7 : i32
      %scan3A_629 = arith.addi %scan3A_540, %scan3A_628 : i32
      %shift_right_logical3A_630 = arith.constant 7 : i32
      %shift_right_logical3A_631 = arith.shrui %scan3A_629, %shift_right_logical3A_630 : i32
      %and3A_632 = arith.constant 127 : i32
      %and3A_633 = arith.andi %scan3A_629, %and3A_632 : i32
      %mul3A_634 = arith.constant 16 : i32
      %mul3A_635 = arith.muli %and3A_633, %mul3A_634 : i32
      %broadcast_in_dim3A_636 = arith.constant 0.000000e+00 : f32
      %broadcast_in_dim3A_637 = vector.broadcast %broadcast_in_dim3A_636 : f32 to vector<16xf32>
      %swap3A_638 = arith.index_cast %shift_right_logical3A_631 : i32 to index
      %swap3A_639 = arith.index_cast %mul3A_635 : i32 to index
      %swap3A_640 = tpu.vector_load %arg12[%swap3A_638, %swap3A_639] {strides = array<i32>} : memref<32x2048xf32, #tpu.memory_space<vmem>>, vector<16xf32>,
      tpu.vector_store %arg12[%swap3A_638, %swap3A_639], %broadcast_in_dim3A_637 {strides = array<i32>} : memref<32x2048xf32, #tpu.memory_space<vmem>>, vector<16xf32>,
      %scan3A_641 = arith.constant 8 : i32
      %scan3A_642 = arith.addi %scan3A_540, %scan3A_641 : i32
      %shift_right_logical3A_643 = arith.constant 7 : i32
      %shift_right_logical3A_644 = arith.shrui %scan3A_642, %shift_right_logical3A_643 : i32
      %and3A_645 = arith.constant 127 : i32
      %and3A_646 = arith.andi %scan3A_642, %and3A_645 : i32
      %mul3A_647 = arith.constant 16 : i32
      %mul3A_648 = arith.muli %and3A_646, %mul3A_647 : i32
      %broadcast_in_dim3A_649 = arith.constant 0.000000e+00 : f32
      %broadcast_in_dim3A_650 = vector.broadcast %broadcast_in_dim3A_649 : f32 to vector<16xf32>
      %swap3A_651 = arith.index_cast %shift_right_logical3A_644 : i32 to index
      %swap3A_652 = arith.index_cast %mul3A_648 : i32 to index
      %swap3A_653 = tpu.vector_load %arg12[%swap3A_651, %swap3A_652] {strides = array<i32>} : memref<32x2048xf32, #tpu.memory_space<vmem>>, vector<16xf32>,
      tpu.vector_store %arg12[%swap3A_651, %swap3A_652], %broadcast_in_dim3A_650 {strides = array<i32>} : memref<32x2048xf32, #tpu.memory_space<vmem>>, vector<16xf32>,
      %scan3A_654 = arith.constant 9 : i32
      %scan3A_655 = arith.addi %scan3A_540, %scan3A_654 : i32
      %shift_right_logical3A_656 = arith.constant 7 : i32
      %shift_right_logical3A_657 = arith.shrui %scan3A_655, %shift_right_logical3A_656 : i32
      %and3A_658 = arith.constant 127 : i32
      %and3A_659 = arith.andi %scan3A_655, %and3A_658 : i32
      %mul3A_660 = arith.constant 16 : i32
      %mul3A_661 = arith.muli %and3A_659, %mul3A_660 : i32
      %broadcast_in_dim3A_662 = arith.constant 0.000000e+00 : f32
      %broadcast_in_dim3A_663 = vector.broadcast %broadcast_in_dim3A_662 : f32 to vector<16xf32>
      %swap3A_664 = arith.index_cast %shift_right_logical3A_657 : i32 to index
      %swap3A_665 = arith.index_cast %mul3A_661 : i32 to index
      %swap3A_666 = tpu.vector_load %arg12[%swap3A_664, %swap3A_665] {strides = array<i32>} : memref<32x2048xf32, #tpu.memory_space<vmem>>, vector<16xf32>,
      tpu.vector_store %arg12[%swap3A_664, %swap3A_665], %broadcast_in_dim3A_663 {strides = array<i32>} : memref<32x2048xf32, #tpu.memory_space<vmem>>, vector<16xf32>,
      %scan3A_667 = arith.constant 10 : i32
      %scan3A_668 = arith.addi %scan3A_540, %scan3A_667 : i32
      %shift_right_logical3A_669 = arith.constant 7 : i32
      %shift_right_logical3A_670 = arith.shrui %scan3A_668, %shift_right_logical3A_669 : i32
      %and3A_671 = arith.constant 127 : i32
      %and3A_672 = arith.andi %scan3A_668, %and3A_671 : i32
      %mul3A_673 = arith.constant 16 : i32
      %mul3A_674 = arith.muli %and3A_672, %mul3A_673 : i32
      %broadcast_in_dim3A_675 = arith.constant 0.000000e+00 : f32
      %broadcast_in_dim3A_676 = vector.broadcast %broadcast_in_dim3A_675 : f32 to vector<16xf32>
      %swap3A_677 = arith.index_cast %shift_right_logical3A_670 : i32 to index
      %swap3A_678 = arith.index_cast %mul3A_674 : i32 to index
      %swap3A_679 = tpu.vector_load %arg12[%swap3A_677, %swap3A_678] {strides = array<i32>} : memref<32x2048xf32, #tpu.memory_space<vmem>>, vector<16xf32>,
      tpu.vector_store %arg12[%swap3A_677, %swap3A_678], %broadcast_in_dim3A_676 {strides = array<i32>} : memref<32x2048xf32, #tpu.memory_space<vmem>>, vector<16xf32>,
      %scan3A_680 = arith.constant 11 : i32
      %scan3A_681 = arith.addi %scan3A_540, %scan3A_680 : i32
      %shift_right_logical3A_682 = arith.constant 7 : i32
      %shift_right_logical3A_683 = arith.shrui %scan3A_681, %shift_right_logical3A_682 : i32
      %and3A_684 = arith.constant 127 : i32
      %and3A_685 = arith.andi %scan3A_681, %and3A_684 : i32
      %mul3A_686 = arith.constant 16 : i32
      %mul3A_687 = arith.muli %and3A_685, %mul3A_686 : i32
      %broadcast_in_dim3A_688 = arith.constant 0.000000e+00 : f32
      %broadcast_in_dim3A_689 = vector.broadcast %broadcast_in_dim3A_688 : f32 to vector<16xf32>
      %swap3A_690 = arith.index_cast %shift_right_logical3A_683 : i32 to index
      %swap3A_691 = arith.index_cast %mul3A_687 : i32 to index
      %swap3A_692 = tpu.vector_load %arg12[%swap3A_690, %swap3A_691] {strides = array<i32>} : memref<32x2048xf32, #tpu.memory_space<vmem>>, vector<16xf32>,
      tpu.vector_store %arg12[%swap3A_690, %swap3A_691], %broadcast_in_dim3A_689 {strides = array<i32>} : memref<32x2048xf32, #tpu.memory_space<vmem>>, vector<16xf32>,
      %scan3A_693 = arith.constant 12 : i32
      %scan3A_694 = arith.addi %scan3A_540, %scan3A_693 : i32
      %shift_right_logical3A_695 = arith.constant 7 : i32
      %shift_right_logical3A_696 = arith.shrui %scan3A_694, %shift_right_logical3A_695 : i32
      %and3A_697 = arith.constant 127 : i32
      %and3A_698 = arith.andi %scan3A_694, %and3A_697 : i32
      %mul3A_699 = arith.constant 16 : i32
      %mul3A_700 = arith.muli %and3A_698, %mul3A_699 : i32
      %broadcast_in_dim3A_701 = arith.constant 0.000000e+00 : f32
      %broadcast_in_dim3A_702 = vector.broadcast %broadcast_in_dim3A_701 : f32 to vector<16xf32>
      %swap3A_703 = arith.index_cast %shift_right_logical3A_696 : i32 to index
      %swap3A_704 = arith.index_cast %mul3A_700 : i32 to index
      %swap3A_705 = tpu.vector_load %arg12[%swap3A_703, %swap3A_704] {strides = array<i32>} : memref<32x2048xf32, #tpu.memory_space<vmem>>, vector<16xf32>,
      tpu.vector_store %arg12[%swap3A_703, %swap3A_704], %broadcast_in_dim3A_702 {strides = array<i32>} : memref<32x2048xf32, #tpu.memory_space<vmem>>, vector<16xf32>,
      %scan3A_706 = arith.constant 13 : i32
      %scan3A_707 = arith.addi %scan3A_540, %scan3A_706 : i32
      %shift_right_logical3A_708 = arith.constant 7 : i32
      %shift_right_logical3A_709 = arith.shrui %scan3A_707, %shift_right_logical3A_708 : i32
      %and3A_710 = arith.constant 127 : i32
      %and3A_711 = arith.andi %scan3A_707, %and3A_710 : i32
      %mul3A_712 = arith.constant 16 : i32
      %mul3A_713 = arith.muli %and3A_711, %mul3A_712 : i32
      %broadcast_in_dim3A_714 = arith.constant 0.000000e+00 : f32
      %broadcast_in_dim3A_715 = vector.broadcast %broadcast_in_dim3A_714 : f32 to vector<16xf32>
      %swap3A_716 = arith.index_cast %shift_right_logical3A_709 : i32 to index
      %swap3A_717 = arith.index_cast %mul3A_713 : i32 to index
      %swap3A_718 = tpu.vector_load %arg12[%swap3A_716, %swap3A_717] {strides = array<i32>} : memref<32x2048xf32, #tpu.memory_space<vmem>>, vector<16xf32>,
      tpu.vector_store %arg12[%swap3A_716, %swap3A_717], %broadcast_in_dim3A_715 {strides = array<i32>} : memref<32x2048xf32, #tpu.memory_space<vmem>>, vector<16xf32>,
      %scan3A_719 = arith.constant 14 : i32
      %scan3A_720 = arith.addi %scan3A_540, %scan3A_719 : i32
      %shift_right_logical3A_721 = arith.constant 7 : i32
      %shift_right_logical3A_722 = arith.shrui %scan3A_720, %shift_right_logical3A_721 : i32
      %and3A_723 = arith.constant 127 : i32
      %and3A_724 = arith.andi %scan3A_720, %and3A_723 : i32
      %mul3A_725 = arith.constant 16 : i32
      %mul3A_726 = arith.muli %and3A_724, %mul3A_725 : i32
      %broadcast_in_dim3A_727 = arith.constant 0.000000e+00 : f32
      %broadcast_in_dim3A_728 = vector.broadcast %broadcast_in_dim3A_727 : f32 to vector<16xf32>
      %swap3A_729 = arith.index_cast %shift_right_logical3A_722 : i32 to index
      %swap3A_730 = arith.index_cast %mul3A_726 : i32 to index
      %swap3A_731 = tpu.vector_load %arg12[%swap3A_729, %swap3A_730] {strides = array<i32>} : memref<32x2048xf32, #tpu.memory_space<vmem>>, vector<16xf32>,
      tpu.vector_store %arg12[%swap3A_729, %swap3A_730], %broadcast_in_dim3A_728 {strides = array<i32>} : memref<32x2048xf32, #tpu.memory_space<vmem>>, vector<16xf32>,
      %scan3A_732 = arith.constant 15 : i32
      %scan3A_733 = arith.addi %scan3A_540, %scan3A_732 : i32
      %shift_right_logical3A_734 = arith.constant 7 : i32
      %shift_right_logical3A_735 = arith.shrui %scan3A_733, %shift_right_logical3A_734 : i32
      %and3A_736 = arith.constant 127 : i32
      %and3A_737 = arith.andi %scan3A_733, %and3A_736 : i32
      %mul3A_738 = arith.constant 16 : i32
      %mul3A_739 = arith.muli %and3A_737, %mul3A_738 : i32
      %broadcast_in_dim3A_740 = arith.constant 0.000000e+00 : f32
      %broadcast_in_dim3A_741 = vector.broadcast %broadcast_in_dim3A_740 : f32 to vector<16xf32>
      %swap3A_742 = arith.index_cast %shift_right_logical3A_735 : i32 to index
      %swap3A_743 = arith.index_cast %mul3A_739 : i32 to index
      %swap3A_744 = tpu.vector_load %arg12[%swap3A_742, %swap3A_743] {strides = array<i32>} : memref<32x2048xf32, #tpu.memory_space<vmem>>, vector<16xf32>,
      tpu.vector_store %arg12[%swap3A_742, %swap3A_743], %broadcast_in_dim3A_741 {strides = array<i32>} : memref<32x2048xf32, #tpu.memory_space<vmem>>, vector<16xf32>,
      %scan3A_745 = arith.constant 16 : i32
      %scan3A_746 = arith.addi %scan3A_540, %scan3A_745 : i32
      %shift_right_logical3A_747 = arith.constant 7 : i32
      %shift_right_logical3A_748 = arith.shrui %scan3A_746, %shift_right_logical3A_747 : i32
      %and3A_749 = arith.constant 127 : i32
      %and3A_750 = arith.andi %scan3A_746, %and3A_749 : i32
      %mul3A_751 = arith.constant 16 : i32
      %mul3A_752 = arith.muli %and3A_750, %mul3A_751 : i32
      %broadcast_in_dim3A_753 = arith.constant 0.000000e+00 : f32
      %broadcast_in_dim3A_754 = vector.broadcast %broadcast_in_dim3A_753 : f32 to vector<16xf32>
      %swap3A_755 = arith.index_cast %shift_right_logical3A_748 : i32 to index
      %swap3A_756 = arith.index_cast %mul3A_752 : i32 to index
      %swap3A_757 = tpu.vector_load %arg12[%swap3A_755, %swap3A_756] {strides = array<i32>} : memref<32x2048xf32, #tpu.memory_space<vmem>>, vector<16xf32>,
      tpu.vector_store %arg12[%swap3A_755, %swap3A_756], %broadcast_in_dim3A_754 {strides = array<i32>} : memref<32x2048xf32, #tpu.memory_space<vmem>>, vector<16xf32>,
      %scan3A_758 = arith.constant 17 : i32
      %scan3A_759 = arith.addi %scan3A_540, %scan3A_758 : i32
      %shift_right_logical3A_760 = arith.constant 7 : i32
      %shift_right_logical3A_761 = arith.shrui %scan3A_759, %shift_right_logical3A_760 : i32
      %and3A_762 = arith.constant 127 : i32
      %and3A_763 = arith.andi %scan3A_759, %and3A_762 : i32
      %mul3A_764 = arith.constant 16 : i32
      %mul3A_765 = arith.muli %and3A_763, %mul3A_764 : i32
      %broadcast_in_dim3A_766 = arith.constant 0.000000e+00 : f32
      %broadcast_in_dim3A_767 = vector.broadcast %broadcast_in_dim3A_766 : f32 to vector<16xf32>
      %swap3A_768 = arith.index_cast %shift_right_logical3A_761 : i32 to index
      %swap3A_769 = arith.index_cast %mul3A_765 : i32 to index
      %swap3A_770 = tpu.vector_load %arg12[%swap3A_768, %swap3A_769] {strides = array<i32>} : memref<32x2048xf32, #tpu.memory_space<vmem>>, vector<16xf32>,
      tpu.vector_store %arg12[%swap3A_768, %swap3A_769], %broadcast_in_dim3A_767 {strides = array<i32>} : memref<32x2048xf32, #tpu.memory_space<vmem>>, vector<16xf32>,
      %scan3A_771 = arith.constant 18 : i32
      %scan3A_772 = arith.addi %scan3A_540, %scan3A_771 : i32
      %shift_right_logical3A_773 = arith.constant 7 : i32
      %shift_right_logical3A_774 = arith.shrui %scan3A_772, %shift_right_logical3A_773 : i32
      %and3A_775 = arith.constant 127 : i32
      %and3A_776 = arith.andi %scan3A_772, %and3A_775 : i32
      %mul3A_777 = arith.constant 16 : i32
      %mul3A_778 = arith.muli %and3A_776, %mul3A_777 : i32
      %broadcast_in_dim3A_779 = arith.constant 0.000000e+00 : f32
      %broadcast_in_dim3A_780 = vector.broadcast %broadcast_in_dim3A_779 : f32 to vector<16xf32>
      %swap3A_781 = arith.index_cast %shift_right_logical3A_774 : i32 to index
      %swap3A_782 = arith.index_cast %mul3A_778 : i32 to index
      %swap3A_783 = tpu.vector_load %arg12[%swap3A_781, %swap3A_782] {strides = array<i32>} : memref<32x2048xf32, #tpu.memory_space<vmem>>, vector<16xf32>,
      tpu.vector_store %arg12[%swap3A_781, %swap3A_782], %broadcast_in_dim3A_780 {strides = array<i32>} : memref<32x2048xf32, #tpu.memory_space<vmem>>, vector<16xf32>,
      %scan3A_784 = arith.constant 19 : i32
      %scan3A_785 = arith.addi %scan3A_540, %scan3A_784 : i32
      %shift_right_logical3A_786 = arith.constant 7 : i32
      %shift_right_logical3A_787 = arith.shrui %scan3A_785, %shift_right_logical3A_786 : i32
      %and3A_788 = arith.constant 127 : i32
      %and3A_789 = arith.andi %scan3A_785, %and3A_788 : i32
      %mul3A_790 = arith.constant 16 : i32
      %mul3A_791 = arith.muli %and3A_789, %mul3A_790 : i32
      %broadcast_in_dim3A_792 = arith.constant 0.000000e+00 : f32
      %broadcast_in_dim3A_793 = vector.broadcast %broadcast_in_dim3A_792 : f32 to vector<16xf32>
      %swap3A_794 = arith.index_cast %shift_right_logical3A_787 : i32 to index
      %swap3A_795 = arith.index_cast %mul3A_791 : i32 to index
      %swap3A_796 = tpu.vector_load %arg12[%swap3A_794, %swap3A_795] {strides = array<i32>} : memref<32x2048xf32, #tpu.memory_space<vmem>>, vector<16xf32>,
      tpu.vector_store %arg12[%swap3A_794, %swap3A_795], %broadcast_in_dim3A_793 {strides = array<i32>} : memref<32x2048xf32, #tpu.memory_space<vmem>>, vector<16xf32>,
      %scan3A_797 = arith.constant 20 : i32
      %scan3A_798 = arith.addi %scan3A_540, %scan3A_797 : i32
      %shift_right_logical3A_799 = arith.constant 7 : i32
      %shift_right_logical3A_800 = arith.shrui %scan3A_798, %shift_right_logical3A_799 : i32
      %and3A_801 = arith.constant 127 : i32
      %and3A_802 = arith.andi %scan3A_798, %and3A_801 : i32
      %mul3A_803 = arith.constant 16 : i32
      %mul3A_804 = arith.muli %and3A_802, %mul3A_803 : i32
      %broadcast_in_dim3A_805 = arith.constant 0.000000e+00 : f32
      %broadcast_in_dim3A_806 = vector.broadcast %broadcast_in_dim3A_805 : f32 to vector<16xf32>
      %swap3A_807 = arith.index_cast %shift_right_logical3A_800 : i32 to index
      %swap3A_808 = arith.index_cast %mul3A_804 : i32 to index
      %swap3A_809 = tpu.vector_load %arg12[%swap3A_807, %swap3A_808] {strides = array<i32>} : memref<32x2048xf32, #tpu.memory_space<vmem>>, vector<16xf32>,
      tpu.vector_store %arg12[%swap3A_807, %swap3A_808], %broadcast_in_dim3A_806 {strides = array<i32>} : memref<32x2048xf32, #tpu.memory_space<vmem>>, vector<16xf32>,
      %scan3A_810 = arith.constant 21 : i32
      %scan3A_811 = arith.addi %scan3A_540, %scan3A_810 : i32
      %shift_right_logical3A_812 = arith.constant 7 : i32
      %shift_right_logical3A_813 = arith.shrui %scan3A_811, %shift_right_logical3A_812 : i32
      %and3A_814 = arith.constant 127 : i32
      %and3A_815 = arith.andi %scan3A_811, %and3A_814 : i32
      %mul3A_816 = arith.constant 16 : i32
      %mul3A_817 = arith.muli %and3A_815, %mul3A_816 : i32
      %broadcast_in_dim3A_818 = arith.constant 0.000000e+00 : f32
      %broadcast_in_dim3A_819 = vector.broadcast %broadcast_in_dim3A_818 : f32 to vector<16xf32>
      %swap3A_820 = arith.index_cast %shift_right_logical3A_813 : i32 to index
      %swap3A_821 = arith.index_cast %mul3A_817 : i32 to index
      %swap3A_822 = tpu.vector_load %arg12[%swap3A_820, %swap3A_821] {strides = array<i32>} : memref<32x2048xf32, #tpu.memory_space<vmem>>, vector<16xf32>,
      tpu.vector_store %arg12[%swap3A_820, %swap3A_821], %broadcast_in_dim3A_819 {strides = array<i32>} : memref<32x2048xf32, #tpu.memory_space<vmem>>, vector<16xf32>,
      %scan3A_823 = arith.constant 22 : i32
      %scan3A_824 = arith.addi %scan3A_540, %scan3A_823 : i32
      %shift_right_logical3A_825 = arith.constant 7 : i32
      %shift_right_logical3A_826 = arith.shrui %scan3A_824, %shift_right_logical3A_825 : i32
      %and3A_827 = arith.constant 127 : i32
      %and3A_828 = arith.andi %scan3A_824, %and3A_827 : i32
      %mul3A_829 = arith.constant 16 : i32
      %mul3A_830 = arith.muli %and3A_828, %mul3A_829 : i32
      %broadcast_in_dim3A_831 = arith.constant 0.000000e+00 : f32
      %broadcast_in_dim3A_832 = vector.broadcast %broadcast_in_dim3A_831 : f32 to vector<16xf32>
      %swap3A_833 = arith.index_cast %shift_right_logical3A_826 : i32 to index
      %swap3A_834 = arith.index_cast %mul3A_830 : i32 to index
      %swap3A_835 = tpu.vector_load %arg12[%swap3A_833, %swap3A_834] {strides = array<i32>} : memref<32x2048xf32, #tpu.memory_space<vmem>>, vector<16xf32>,
      tpu.vector_store %arg12[%swap3A_833, %swap3A_834], %broadcast_in_dim3A_832 {strides = array<i32>} : memref<32x2048xf32, #tpu.memory_space<vmem>>, vector<16xf32>,
      %scan3A_836 = arith.constant 23 : i32
      %scan3A_837 = arith.addi %scan3A_540, %scan3A_836 : i32
      %shift_right_logical3A_838 = arith.constant 7 : i32
      %shift_right_logical3A_839 = arith.shrui %scan3A_837, %shift_right_logical3A_838 : i32
      %and3A_840 = arith.constant 127 : i32
      %and3A_841 = arith.andi %scan3A_837, %and3A_840 : i32
      %mul3A_842 = arith.constant 16 : i32
      %mul3A_843 = arith.muli %and3A_841, %mul3A_842 : i32
      %broadcast_in_dim3A_844 = arith.constant 0.000000e+00 : f32
      %broadcast_in_dim3A_845 = vector.broadcast %broadcast_in_dim3A_844 : f32 to vector<16xf32>
      %swap3A_846 = arith.index_cast %shift_right_logical3A_839 : i32 to index
      %swap3A_847 = arith.index_cast %mul3A_843 : i32 to index
      %swap3A_848 = tpu.vector_load %arg12[%swap3A_846, %swap3A_847] {strides = array<i32>} : memref<32x2048xf32, #tpu.memory_space<vmem>>, vector<16xf32>,
      tpu.vector_store %arg12[%swap3A_846, %swap3A_847], %broadcast_in_dim3A_845 {strides = array<i32>} : memref<32x2048xf32, #tpu.memory_space<vmem>>, vector<16xf32>,
      %scan3A_849 = arith.constant 24 : i32
      %scan3A_850 = arith.addi %scan3A_540, %scan3A_849 : i32
      %shift_right_logical3A_851 = arith.constant 7 : i32
      %shift_right_logical3A_852 = arith.shrui %scan3A_850, %shift_right_logical3A_851 : i32
      %and3A_853 = arith.constant 127 : i32
      %and3A_854 = arith.andi %scan3A_850, %and3A_853 : i32
      %mul3A_855 = arith.constant 16 : i32
      %mul3A_856 = arith.muli %and3A_854, %mul3A_855 : i32
      %broadcast_in_dim3A_857 = arith.constant 0.000000e+00 : f32
      %broadcast_in_dim3A_858 = vector.broadcast %broadcast_in_dim3A_857 : f32 to vector<16xf32>
      %swap3A_859 = arith.index_cast %shift_right_logical3A_852 : i32 to index
      %swap3A_860 = arith.index_cast %mul3A_856 : i32 to index
      %swap3A_861 = tpu.vector_load %arg12[%swap3A_859, %swap3A_860] {strides = array<i32>} : memref<32x2048xf32, #tpu.memory_space<vmem>>, vector<16xf32>,
      tpu.vector_store %arg12[%swap3A_859, %swap3A_860], %broadcast_in_dim3A_858 {strides = array<i32>} : memref<32x2048xf32, #tpu.memory_space<vmem>>, vector<16xf32>,
      %scan3A_862 = arith.constant 25 : i32
      %scan3A_863 = arith.addi %scan3A_540, %scan3A_862 : i32
      %shift_right_logical3A_864 = arith.constant 7 : i32
      %shift_right_logical3A_865 = arith.shrui %scan3A_863, %shift_right_logical3A_864 : i32
      %and3A_866 = arith.constant 127 : i32
      %and3A_867 = arith.andi %scan3A_863, %and3A_866 : i32
      %mul3A_868 = arith.constant 16 : i32
      %mul3A_869 = arith.muli %and3A_867, %mul3A_868 : i32
      %broadcast_in_dim3A_870 = arith.constant 0.000000e+00 : f32
      %broadcast_in_dim3A_871 = vector.broadcast %broadcast_in_dim3A_870 : f32 to vector<16xf32>
      %swap3A_872 = arith.index_cast %shift_right_logical3A_865 : i32 to index
      %swap3A_873 = arith.index_cast %mul3A_869 : i32 to index
      %swap3A_874 = tpu.vector_load %arg12[%swap3A_872, %swap3A_873] {strides = array<i32>} : memref<32x2048xf32, #tpu.memory_space<vmem>>, vector<16xf32>,
      tpu.vector_store %arg12[%swap3A_872, %swap3A_873], %broadcast_in_dim3A_871 {strides = array<i32>} : memref<32x2048xf32, #tpu.memory_space<vmem>>, vector<16xf32>,
      %scan3A_875 = arith.constant 26 : i32
      %scan3A_876 = arith.addi %scan3A_540, %scan3A_875 : i32
      %shift_right_logical3A_877 = arith.constant 7 : i32
      %shift_right_logical3A_878 = arith.shrui %scan3A_876, %shift_right_logical3A_877 : i32
      %and3A_879 = arith.constant 127 : i32
      %and3A_880 = arith.andi %scan3A_876, %and3A_879 : i32
      %mul3A_881 = arith.constant 16 : i32
      %mul3A_882 = arith.muli %and3A_880, %mul3A_881 : i32
      %broadcast_in_dim3A_883 = arith.constant 0.000000e+00 : f32
      %broadcast_in_dim3A_884 = vector.broadcast %broadcast_in_dim3A_883 : f32 to vector<16xf32>
      %swap3A_885 = arith.index_cast %shift_right_logical3A_878 : i32 to index
      %swap3A_886 = arith.index_cast %mul3A_882 : i32 to index
      %swap3A_887 = tpu.vector_load %arg12[%swap3A_885, %swap3A_886] {strides = array<i32>} : memref<32x2048xf32, #tpu.memory_space<vmem>>, vector<16xf32>,
      tpu.vector_store %arg12[%swap3A_885, %swap3A_886], %broadcast_in_dim3A_884 {strides = array<i32>} : memref<32x2048xf32, #tpu.memory_space<vmem>>, vector<16xf32>,
      %scan3A_888 = arith.constant 27 : i32
      %scan3A_889 = arith.addi %scan3A_540, %scan3A_888 : i32
      %shift_right_logical3A_890 = arith.constant 7 : i32
      %shift_right_logical3A_891 = arith.shrui %scan3A_889, %shift_right_logical3A_890 : i32
      %and3A_892 = arith.constant 127 : i32
      %and3A_893 = arith.andi %scan3A_889, %and3A_892 : i32
      %mul3A_894 = arith.constant 16 : i32
      %mul3A_895 = arith.muli %and3A_893, %mul3A_894 : i32
      %broadcast_in_dim3A_896 = arith.constant 0.000000e+00 : f32
      %broadcast_in_dim3A_897 = vector.broadcast %broadcast_in_dim3A_896 : f32 to vector<16xf32>
      %swap3A_898 = arith.index_cast %shift_right_logical3A_891 : i32 to index
      %swap3A_899 = arith.index_cast %mul3A_895 : i32 to index
      %swap3A_900 = tpu.vector_load %arg12[%swap3A_898, %swap3A_899] {strides = array<i32>} : memref<32x2048xf32, #tpu.memory_space<vmem>>, vector<16xf32>,
      tpu.vector_store %arg12[%swap3A_898, %swap3A_899], %broadcast_in_dim3A_897 {strides = array<i32>} : memref<32x2048xf32, #tpu.memory_space<vmem>>, vector<16xf32>,
      %scan3A_901 = arith.constant 28 : i32
      %scan3A_902 = arith.addi %scan3A_540, %scan3A_901 : i32
      %shift_right_logical3A_903 = arith.constant 7 : i32
      %shift_right_logical3A_904 = arith.shrui %scan3A_902, %shift_right_logical3A_903 : i32
      %and3A_905 = arith.constant 127 : i32
      %and3A_906 = arith.andi %scan3A_902, %and3A_905 : i32
      %mul3A_907 = arith.constant 16 : i32
      %mul3A_908 = arith.muli %and3A_906, %mul3A_907 : i32
      %broadcast_in_dim3A_909 = arith.constant 0.000000e+00 : f32
      %broadcast_in_dim3A_910 = vector.broadcast %broadcast_in_dim3A_909 : f32 to vector<16xf32>
      %swap3A_911 = arith.index_cast %shift_right_logical3A_904 : i32 to index
      %swap3A_912 = arith.index_cast %mul3A_908 : i32 to index
      %swap3A_913 = tpu.vector_load %arg12[%swap3A_911, %swap3A_912] {strides = array<i32>} : memref<32x2048xf32, #tpu.memory_space<vmem>>, vector<16xf32>,
      tpu.vector_store %arg12[%swap3A_911, %swap3A_912], %broadcast_in_dim3A_910 {strides = array<i32>} : memref<32x2048xf32, #tpu.memory_space<vmem>>, vector<16xf32>,
      %scan3A_914 = arith.constant 29 : i32
      %scan3A_915 = arith.addi %scan3A_540, %scan3A_914 : i32
      %shift_right_logical3A_916 = arith.constant 7 : i32
      %shift_right_logical3A_917 = arith.shrui %scan3A_915, %shift_right_logical3A_916 : i32
      %and3A_918 = arith.constant 127 : i32
      %and3A_919 = arith.andi %scan3A_915, %and3A_918 : i32
      %mul3A_920 = arith.constant 16 : i32
      %mul3A_921 = arith.muli %and3A_919, %mul3A_920 : i32
      %broadcast_in_dim3A_922 = arith.constant 0.000000e+00 : f32
      %broadcast_in_dim3A_923 = vector.broadcast %broadcast_in_dim3A_922 : f32 to vector<16xf32>
      %swap3A_924 = arith.index_cast %shift_right_logical3A_917 : i32 to index
      %swap3A_925 = arith.index_cast %mul3A_921 : i32 to index
      %swap3A_926 = tpu.vector_load %arg12[%swap3A_924, %swap3A_925] {strides = array<i32>} : memref<32x2048xf32, #tpu.memory_space<vmem>>, vector<16xf32>,
      tpu.vector_store %arg12[%swap3A_924, %swap3A_925], %broadcast_in_dim3A_923 {strides = array<i32>} : memref<32x2048xf32, #tpu.memory_space<vmem>>, vector<16xf32>,
      %scan3A_927 = arith.constant 30 : i32
      %scan3A_928 = arith.addi %scan3A_540, %scan3A_927 : i32
      %shift_right_logical3A_929 = arith.constant 7 : i32
      %shift_right_logical3A_930 = arith.shrui %scan3A_928, %shift_right_logical3A_929 : i32
      %and3A_931 = arith.constant 127 : i32
      %and3A_932 = arith.andi %scan3A_928, %and3A_931 : i32
      %mul3A_933 = arith.constant 16 : i32
      %mul3A_934 = arith.muli %and3A_932, %mul3A_933 : i32
      %broadcast_in_dim3A_935 = arith.constant 0.000000e+00 : f32
      %broadcast_in_dim3A_936 = vector.broadcast %broadcast_in_dim3A_935 : f32 to vector<16xf32>
      %swap3A_937 = arith.index_cast %shift_right_logical3A_930 : i32 to index
      %swap3A_938 = arith.index_cast %mul3A_934 : i32 to index
      %swap3A_939 = tpu.vector_load %arg12[%swap3A_937, %swap3A_938] {strides = array<i32>} : memref<32x2048xf32, #tpu.memory_space<vmem>>, vector<16xf32>,
      tpu.vector_store %arg12[%swap3A_937, %swap3A_938], %broadcast_in_dim3A_936 {strides = array<i32>} : memref<32x2048xf32, #tpu.memory_space<vmem>>, vector<16xf32>,
      %scan3A_940 = arith.constant 31 : i32
      %scan3A_941 = arith.addi %scan3A_540, %scan3A_940 : i32
      %shift_right_logical3A_942 = arith.constant 7 : i32
      %shift_right_logical3A_943 = arith.shrui %scan3A_941, %shift_right_logical3A_942 : i32
      %and3A_944 = arith.constant 127 : i32
      %and3A_945 = arith.andi %scan3A_941, %and3A_944 : i32
      %mul3A_946 = arith.constant 16 : i32
      %mul3A_947 = arith.muli %and3A_945, %mul3A_946 : i32
      %broadcast_in_dim3A_948 = arith.constant 0.000000e+00 : f32
      %broadcast_in_dim3A_949 = vector.broadcast %broadcast_in_dim3A_948 : f32 to vector<16xf32>
      %swap3A_950 = arith.index_cast %shift_right_logical3A_943 : i32 to index
      %swap3A_951 = arith.index_cast %mul3A_947 : i32 to index
      %swap3A_952 = tpu.vector_load %arg12[%swap3A_950, %swap3A_951] {strides = array<i32>} : memref<32x2048xf32, #tpu.memory_space<vmem>>, vector<16xf32>,
      tpu.vector_store %arg12[%swap3A_950, %swap3A_951], %broadcast_in_dim3A_949 {strides = array<i32>} : memref<32x2048xf32, #tpu.memory_space<vmem>>, vector<16xf32>,
    }
    %scan3A_523 = arith.constant 4096 : i32
    %mul3A_524 = arith.constant 2 : i32
    %mul3A_525 = arith.muli %add3A, %mul3A_524 : i32
    %add3A_526 = arith.constant 1 : i32
    %add3A_527 = arith.addi %mul3A_525, %add3A_526 : i32
    %scan3A_528 = arith.constant 0 : i32
    %scan3A_529 = arith.constant 0 : i32
    %scan3A_530 = arith.constant 256 : i32
    %scan3A_531 = arith.addi %scan3A_529, %scan3A_530 : i32
    %scan3A_532 = arith.constant 16 : i32
    scf.for %scan3A_540 = %scan3A_529 to %scan3A_531 step %scan3A_532  : i32 {
      %shift_right_logical3A = arith.constant 4 : i32
      %shift_right_logical3A_541 = arith.shrui %scan3A_540, %shift_right_logical3A : i32
      %and3A = arith.constant 15 : i32
      %and3A_542 = arith.andi %scan3A_540, %and3A : i32
      %mul3A_543 = arith.constant 2 : i32
      %mul3A_544 = arith.muli %shift_right_logical3A_541, %mul3A_543 : i32
      %add3A_545 = arith.constant 1 : i32
      %add3A_546 = arith.addi %mul3A_544, %add3A_545 : i32
      %mul3A_547 = arith.constant 256 : i32
      %mul3A_548 = arith.muli %add3A_546, %mul3A_547 : i32
      %mul3A_549 = arith.constant 16 : i32
      %mul3A_550 = arith.muli %and3A_542, %mul3A_549 : i32
      %add3A_551 = arith.addi %mul3A_548, %mul3A_550 : i32
      %get3A = arith.index_cast %add3A_551 : i32 to index
      %get3A_552 = tpu.vector_load %arg9[%get3A] {strides = array<i32>} : memref<8208xi32, #tpu.memory_space<vmem>>, vector<16xi32>,
      %get3A_553 = arith.index_cast %add3A_551 : i32 to index
      %get3A_554 = tpu.vector_load %arg10[%get3A_553] {strides = array<i32>} : memref<8208xf32, #tpu.memory_space<vmem>>, vector<16xf32>,
      %shift_right_logical3A_555 = arith.constant 16 : i32
      %shift_right_logical3A_556 = vector.broadcast %shift_right_logical3A_555 : i32 to vector<16xi32>
      %shift_right_logical3A_557 = arith.shrui %get3A_552, %shift_right_logical3A_556 : vector<16xi32>
      %eq3A = vector.broadcast %add3A_527 : i32 to vector<16xi32>
      %eq3A_558 = arith.cmpi eq, %shift_right_logical3A_557, %eq3A : vector<16xi32>
      %and3A_559 = arith.constant 65535 : i32
      %and3A_560 = vector.broadcast %and3A_559 : i32 to vector<16xi32>
      %and3A_561 = arith.andi %get3A_552, %and3A_560 : vector<16xi32>
      %shift_right_logical3A_562 = arith.constant 11 : i32
      %shift_right_logical3A_563 = vector.broadcast %shift_right_logical3A_562 : i32 to vector<16xi32>
      %shift_right_logical3A_564 = arith.shrui %and3A_561, %shift_right_logical3A_563 : vector<16xi32>
      %and3A_565 = arith.constant 2047 : i32
      %and3A_566 = vector.broadcast %and3A_565 : i32 to vector<16xi32>
      %and3A_567 = arith.andi %and3A_561, %and3A_566 : vector<16xi32>
      tpu.vector_store_idx %arg12[%shift_right_logical3A_564, %and3A_567], %get3A_554 masked %eq3A_558 : memref<32x2048xf32, #tpu.memory_space<vmem>>[vector<16xi32>, vector<16xi32>], vector<16xf32>, vector<16xi1>
      %scan3A_568 = arith.constant 1 : i32
      %scan3A_569 = arith.addi %scan3A_540, %scan3A_568 : i32
      %shift_right_logical3A_570 = arith.constant 4 : i32
      %shift_right_logical3A_571 = arith.shrui %scan3A_569, %shift_right_logical3A_570 : i32
      %and3A_572 = arith.constant 15 : i32
      %and3A_573 = arith.andi %scan3A_569, %and3A_572 : i32
      %mul3A_574 = arith.constant 2 : i32
      %mul3A_575 = arith.muli %shift_right_logical3A_571, %mul3A_574 : i32
      %add3A_576 = arith.constant 1 : i32
      %add3A_577 = arith.addi %mul3A_575, %add3A_576 : i32
      %mul3A_578 = arith.constant 256 : i32
      %mul3A_579 = arith.muli %add3A_577, %mul3A_578 : i32
      %mul3A_580 = arith.constant 16 : i32
      %mul3A_581 = arith.muli %and3A_573, %mul3A_580 : i32
      %add3A_582 = arith.addi %mul3A_579, %mul3A_581 : i32
      %get3A_583 = arith.index_cast %add3A_582 : i32 to index
      %get3A_584 = tpu.vector_load %arg9[%get3A_583] {strides = array<i32>} : memref<8208xi32, #tpu.memory_space<vmem>>, vector<16xi32>,
      %get3A_585 = arith.index_cast %add3A_582 : i32 to index
      %get3A_586 = tpu.vector_load %arg10[%get3A_585] {strides = array<i32>} : memref<8208xf32, #tpu.memory_space<vmem>>, vector<16xf32>,
      %shift_right_logical3A_587 = arith.constant 16 : i32
      %shift_right_logical3A_588 = vector.broadcast %shift_right_logical3A_587 : i32 to vector<16xi32>
      %shift_right_logical3A_589 = arith.shrui %get3A_584, %shift_right_logical3A_588 : vector<16xi32>
      %eq3A_590 = vector.broadcast %add3A_527 : i32 to vector<16xi32>
      %eq3A_591 = arith.cmpi eq, %shift_right_logical3A_589, %eq3A_590 : vector<16xi32>
      %and3A_592 = arith.constant 65535 : i32
      %and3A_593 = vector.broadcast %and3A_592 : i32 to vector<16xi32>
      %and3A_594 = arith.andi %get3A_584, %and3A_593 : vector<16xi32>
      %shift_right_logical3A_595 = arith.constant 11 : i32
      %shift_right_logical3A_596 = vector.broadcast %shift_right_logical3A_595 : i32 to vector<16xi32>
      %shift_right_logical3A_597 = arith.shrui %and3A_594, %shift_right_logical3A_596 : vector<16xi32>
      %and3A_598 = arith.constant 2047 : i32
      %and3A_599 = vector.broadcast %and3A_598 : i32 to vector<16xi32>
      %and3A_600 = arith.andi %and3A_594, %and3A_599 : vector<16xi32>
      tpu.vector_store_idx %arg12[%shift_right_logical3A_597, %and3A_600], %get3A_586 masked %eq3A_591 : memref<32x2048xf32, #tpu.memory_space<vmem>>[vector<16xi32>, vector<16xi32>], vector<16xf32>, vector<16xi1>
      %scan3A_601 = arith.constant 2 : i32
      %scan3A_602 = arith.addi %scan3A_540, %scan3A_601 : i32
      %shift_right_logical3A_603 = arith.constant 4 : i32
      %shift_right_logical3A_604 = arith.shrui %scan3A_602, %shift_right_logical3A_603 : i32
      %and3A_605 = arith.constant 15 : i32
      %and3A_606 = arith.andi %scan3A_602, %and3A_605 : i32
      %mul3A_607 = arith.constant 2 : i32
      %mul3A_608 = arith.muli %shift_right_logical3A_604, %mul3A_607 : i32
      %add3A_609 = arith.constant 1 : i32
      %add3A_610 = arith.addi %mul3A_608, %add3A_609 : i32
      %mul3A_611 = arith.constant 256 : i32
      %mul3A_612 = arith.muli %add3A_610, %mul3A_611 : i32
      %mul3A_613 = arith.constant 16 : i32
      %mul3A_614 = arith.muli %and3A_606, %mul3A_613 : i32
      %add3A_615 = arith.addi %mul3A_612, %mul3A_614 : i32
      %get3A_616 = arith.index_cast %add3A_615 : i32 to index
      %get3A_617 = tpu.vector_load %arg9[%get3A_616] {strides = array<i32>} : memref<8208xi32, #tpu.memory_space<vmem>>, vector<16xi32>,
      %get3A_618 = arith.index_cast %add3A_615 : i32 to index
      %get3A_619 = tpu.vector_load %arg10[%get3A_618] {strides = array<i32>} : memref<8208xf32, #tpu.memory_space<vmem>>, vector<16xf32>,
      %shift_right_logical3A_620 = arith.constant 16 : i32
      %shift_right_logical3A_621 = vector.broadcast %shift_right_logical3A_620 : i32 to vector<16xi32>
      %shift_right_logical3A_622 = arith.shrui %get3A_617, %shift_right_logical3A_621 : vector<16xi32>
      %eq3A_623 = vector.broadcast %add3A_527 : i32 to vector<16xi32>
      %eq3A_624 = arith.cmpi eq, %shift_right_logical3A_622, %eq3A_623 : vector<16xi32>
      %and3A_625 = arith.constant 65535 : i32
      %and3A_626 = vector.broadcast %and3A_625 : i32 to vector<16xi32>
      %and3A_627 = arith.andi %get3A_617, %and3A_626 : vector<16xi32>
      %shift_right_logical3A_628 = arith.constant 11 : i32
      %shift_right_logical3A_629 = vector.broadcast %shift_right_logical3A_628 : i32 to vector<16xi32>
      %shift_right_logical3A_630 = arith.shrui %and3A_627, %shift_right_logical3A_629 : vector<16xi32>
      %and3A_631 = arith.constant 2047 : i32
      %and3A_632 = vector.broadcast %and3A_631 : i32 to vector<16xi32>
      %and3A_633 = arith.andi %and3A_627, %and3A_632 : vector<16xi32>
      tpu.vector_store_idx %arg12[%shift_right_logical3A_630, %and3A_633], %get3A_619 masked %eq3A_624 : memref<32x2048xf32, #tpu.memory_space<vmem>>[vector<16xi32>, vector<16xi32>], vector<16xf32>, vector<16xi1>
      %scan3A_634 = arith.constant 3 : i32
      %scan3A_635 = arith.addi %scan3A_540, %scan3A_634 : i32
      %shift_right_logical3A_636 = arith.constant 4 : i32
      %shift_right_logical3A_637 = arith.shrui %scan3A_635, %shift_right_logical3A_636 : i32
      %and3A_638 = arith.constant 15 : i32
      %and3A_639 = arith.andi %scan3A_635, %and3A_638 : i32
      %mul3A_640 = arith.constant 2 : i32
      %mul3A_641 = arith.muli %shift_right_logical3A_637, %mul3A_640 : i32
      %add3A_642 = arith.constant 1 : i32
      %add3A_643 = arith.addi %mul3A_641, %add3A_642 : i32
      %mul3A_644 = arith.constant 256 : i32
      %mul3A_645 = arith.muli %add3A_643, %mul3A_644 : i32
      %mul3A_646 = arith.constant 16 : i32
      %mul3A_647 = arith.muli %and3A_639, %mul3A_646 : i32
      %add3A_648 = arith.addi %mul3A_645, %mul3A_647 : i32
      %get3A_649 = arith.index_cast %add3A_648 : i32 to index
      %get3A_650 = tpu.vector_load %arg9[%get3A_649] {strides = array<i32>} : memref<8208xi32, #tpu.memory_space<vmem>>, vector<16xi32>,
      %get3A_651 = arith.index_cast %add3A_648 : i32 to index
      %get3A_652 = tpu.vector_load %arg10[%get3A_651] {strides = array<i32>} : memref<8208xf32, #tpu.memory_space<vmem>>, vector<16xf32>,
      %shift_right_logical3A_653 = arith.constant 16 : i32
      %shift_right_logical3A_654 = vector.broadcast %shift_right_logical3A_653 : i32 to vector<16xi32>
      %shift_right_logical3A_655 = arith.shrui %get3A_650, %shift_right_logical3A_654 : vector<16xi32>
      %eq3A_656 = vector.broadcast %add3A_527 : i32 to vector<16xi32>
      %eq3A_657 = arith.cmpi eq, %shift_right_logical3A_655, %eq3A_656 : vector<16xi32>
      %and3A_658 = arith.constant 65535 : i32
      %and3A_659 = vector.broadcast %and3A_658 : i32 to vector<16xi32>
      %and3A_660 = arith.andi %get3A_650, %and3A_659 : vector<16xi32>
      %shift_right_logical3A_661 = arith.constant 11 : i32
      %shift_right_logical3A_662 = vector.broadcast %shift_right_logical3A_661 : i32 to vector<16xi32>
      %shift_right_logical3A_663 = arith.shrui %and3A_660, %shift_right_logical3A_662 : vector<16xi32>
      %and3A_664 = arith.constant 2047 : i32
      %and3A_665 = vector.broadcast %and3A_664 : i32 to vector<16xi32>
      %and3A_666 = arith.andi %and3A_660, %and3A_665 : vector<16xi32>
      tpu.vector_store_idx %arg12[%shift_right_logical3A_663, %and3A_666], %get3A_652 masked %eq3A_657 : memref<32x2048xf32, #tpu.memory_space<vmem>>[vector<16xi32>, vector<16xi32>], vector<16xf32>, vector<16xi1>
      %scan3A_667 = arith.constant 4 : i32
      %scan3A_668 = arith.addi %scan3A_540, %scan3A_667 : i32
      %shift_right_logical3A_669 = arith.constant 4 : i32
      %shift_right_logical3A_670 = arith.shrui %scan3A_668, %shift_right_logical3A_669 : i32
      %and3A_671 = arith.constant 15 : i32
      %and3A_672 = arith.andi %scan3A_668, %and3A_671 : i32
      %mul3A_673 = arith.constant 2 : i32
      %mul3A_674 = arith.muli %shift_right_logical3A_670, %mul3A_673 : i32
      %add3A_675 = arith.constant 1 : i32
      %add3A_676 = arith.addi %mul3A_674, %add3A_675 : i32
      %mul3A_677 = arith.constant 256 : i32
      %mul3A_678 = arith.muli %add3A_676, %mul3A_677 : i32
      %mul3A_679 = arith.constant 16 : i32
      %mul3A_680 = arith.muli %and3A_672, %mul3A_679 : i32
      %add3A_681 = arith.addi %mul3A_678, %mul3A_680 : i32
      %get3A_682 = arith.index_cast %add3A_681 : i32 to index
      %get3A_683 = tpu.vector_load %arg9[%get3A_682] {strides = array<i32>} : memref<8208xi32, #tpu.memory_space<vmem>>, vector<16xi32>,
      %get3A_684 = arith.index_cast %add3A_681 : i32 to index
      %get3A_685 = tpu.vector_load %arg10[%get3A_684] {strides = array<i32>} : memref<8208xf32, #tpu.memory_space<vmem>>, vector<16xf32>,
      %shift_right_logical3A_686 = arith.constant 16 : i32
      %shift_right_logical3A_687 = vector.broadcast %shift_right_logical3A_686 : i32 to vector<16xi32>
      %shift_right_logical3A_688 = arith.shrui %get3A_683, %shift_right_logical3A_687 : vector<16xi32>
      %eq3A_689 = vector.broadcast %add3A_527 : i32 to vector<16xi32>
      %eq3A_690 = arith.cmpi eq, %shift_right_logical3A_688, %eq3A_689 : vector<16xi32>
      %and3A_691 = arith.constant 65535 : i32
      %and3A_692 = vector.broadcast %and3A_691 : i32 to vector<16xi32>
      %and3A_693 = arith.andi %get3A_683, %and3A_692 : vector<16xi32>
      %shift_right_logical3A_694 = arith.constant 11 : i32
      %shift_right_logical3A_695 = vector.broadcast %shift_right_logical3A_694 : i32 to vector<16xi32>
      %shift_right_logical3A_696 = arith.shrui %and3A_693, %shift_right_logical3A_695 : vector<16xi32>
      %and3A_697 = arith.constant 2047 : i32
      %and3A_698 = vector.broadcast %and3A_697 : i32 to vector<16xi32>
      %and3A_699 = arith.andi %and3A_693, %and3A_698 : vector<16xi32>
      tpu.vector_store_idx %arg12[%shift_right_logical3A_696, %and3A_699], %get3A_685 masked %eq3A_690 : memref<32x2048xf32, #tpu.memory_space<vmem>>[vector<16xi32>, vector<16xi32>], vector<16xf32>, vector<16xi1>
      %scan3A_700 = arith.constant 5 : i32
      %scan3A_701 = arith.addi %scan3A_540, %scan3A_700 : i32
      %shift_right_logical3A_702 = arith.constant 4 : i32
      %shift_right_logical3A_703 = arith.shrui %scan3A_701, %shift_right_logical3A_702 : i32
      %and3A_704 = arith.constant 15 : i32
      %and3A_705 = arith.andi %scan3A_701, %and3A_704 : i32
      %mul3A_706 = arith.constant 2 : i32
      %mul3A_707 = arith.muli %shift_right_logical3A_703, %mul3A_706 : i32
      %add3A_708 = arith.constant 1 : i32
      %add3A_709 = arith.addi %mul3A_707, %add3A_708 : i32
      %mul3A_710 = arith.constant 256 : i32
      %mul3A_711 = arith.muli %add3A_709, %mul3A_710 : i32
      %mul3A_712 = arith.constant 16 : i32
      %mul3A_713 = arith.muli %and3A_705, %mul3A_712 : i32
      %add3A_714 = arith.addi %mul3A_711, %mul3A_713 : i32
      %get3A_715 = arith.index_cast %add3A_714 : i32 to index
      %get3A_716 = tpu.vector_load %arg9[%get3A_715] {strides = array<i32>} : memref<8208xi32, #tpu.memory_space<vmem>>, vector<16xi32>,
      %get3A_717 = arith.index_cast %add3A_714 : i32 to index
      %get3A_718 = tpu.vector_load %arg10[%get3A_717] {strides = array<i32>} : memref<8208xf32, #tpu.memory_space<vmem>>, vector<16xf32>,
      %shift_right_logical3A_719 = arith.constant 16 : i32
      %shift_right_logical3A_720 = vector.broadcast %shift_right_logical3A_719 : i32 to vector<16xi32>
      %shift_right_logical3A_721 = arith.shrui %get3A_716, %shift_right_logical3A_720 : vector<16xi32>
      %eq3A_722 = vector.broadcast %add3A_527 : i32 to vector<16xi32>
      %eq3A_723 = arith.cmpi eq, %shift_right_logical3A_721, %eq3A_722 : vector<16xi32>
      %and3A_724 = arith.constant 65535 : i32
      %and3A_725 = vector.broadcast %and3A_724 : i32 to vector<16xi32>
      %and3A_726 = arith.andi %get3A_716, %and3A_725 : vector<16xi32>
      %shift_right_logical3A_727 = arith.constant 11 : i32
      %shift_right_logical3A_728 = vector.broadcast %shift_right_logical3A_727 : i32 to vector<16xi32>
      %shift_right_logical3A_729 = arith.shrui %and3A_726, %shift_right_logical3A_728 : vector<16xi32>
      %and3A_730 = arith.constant 2047 : i32
      %and3A_731 = vector.broadcast %and3A_730 : i32 to vector<16xi32>
      %and3A_732 = arith.andi %and3A_726, %and3A_731 : vector<16xi32>
      tpu.vector_store_idx %arg12[%shift_right_logical3A_729, %and3A_732], %get3A_718 masked %eq3A_723 : memref<32x2048xf32, #tpu.memory_space<vmem>>[vector<16xi32>, vector<16xi32>], vector<16xf32>, vector<16xi1>
      %scan3A_733 = arith.constant 6 : i32
      %scan3A_734 = arith.addi %scan3A_540, %scan3A_733 : i32
      %shift_right_logical3A_735 = arith.constant 4 : i32
      %shift_right_logical3A_736 = arith.shrui %scan3A_734, %shift_right_logical3A_735 : i32
      %and3A_737 = arith.constant 15 : i32
      %and3A_738 = arith.andi %scan3A_734, %and3A_737 : i32
      %mul3A_739 = arith.constant 2 : i32
      %mul3A_740 = arith.muli %shift_right_logical3A_736, %mul3A_739 : i32
      %add3A_741 = arith.constant 1 : i32
      %add3A_742 = arith.addi %mul3A_740, %add3A_741 : i32
      %mul3A_743 = arith.constant 256 : i32
      %mul3A_744 = arith.muli %add3A_742, %mul3A_743 : i32
      %mul3A_745 = arith.constant 16 : i32
      %mul3A_746 = arith.muli %and3A_738, %mul3A_745 : i32
      %add3A_747 = arith.addi %mul3A_744, %mul3A_746 : i32
      %get3A_748 = arith.index_cast %add3A_747 : i32 to index
      %get3A_749 = tpu.vector_load %arg9[%get3A_748] {strides = array<i32>} : memref<8208xi32, #tpu.memory_space<vmem>>, vector<16xi32>,
      %get3A_750 = arith.index_cast %add3A_747 : i32 to index
      %get3A_751 = tpu.vector_load %arg10[%get3A_750] {strides = array<i32>} : memref<8208xf32, #tpu.memory_space<vmem>>, vector<16xf32>,
      %shift_right_logical3A_752 = arith.constant 16 : i32
      %shift_right_logical3A_753 = vector.broadcast %shift_right_logical3A_752 : i32 to vector<16xi32>
      %shift_right_logical3A_754 = arith.shrui %get3A_749, %shift_right_logical3A_753 : vector<16xi32>
      %eq3A_755 = vector.broadcast %add3A_527 : i32 to vector<16xi32>
      %eq3A_756 = arith.cmpi eq, %shift_right_logical3A_754, %eq3A_755 : vector<16xi32>
      %and3A_757 = arith.constant 65535 : i32
      %and3A_758 = vector.broadcast %and3A_757 : i32 to vector<16xi32>
      %and3A_759 = arith.andi %get3A_749, %and3A_758 : vector<16xi32>
      %shift_right_logical3A_760 = arith.constant 11 : i32
      %shift_right_logical3A_761 = vector.broadcast %shift_right_logical3A_760 : i32 to vector<16xi32>
      %shift_right_logical3A_762 = arith.shrui %and3A_759, %shift_right_logical3A_761 : vector<16xi32>
      %and3A_763 = arith.constant 2047 : i32
      %and3A_764 = vector.broadcast %and3A_763 : i32 to vector<16xi32>
      %and3A_765 = arith.andi %and3A_759, %and3A_764 : vector<16xi32>
      tpu.vector_store_idx %arg12[%shift_right_logical3A_762, %and3A_765], %get3A_751 masked %eq3A_756 : memref<32x2048xf32, #tpu.memory_space<vmem>>[vector<16xi32>, vector<16xi32>], vector<16xf32>, vector<16xi1>
      %scan3A_766 = arith.constant 7 : i32
      %scan3A_767 = arith.addi %scan3A_540, %scan3A_766 : i32
      %shift_right_logical3A_768 = arith.constant 4 : i32
      %shift_right_logical3A_769 = arith.shrui %scan3A_767, %shift_right_logical3A_768 : i32
      %and3A_770 = arith.constant 15 : i32
      %and3A_771 = arith.andi %scan3A_767, %and3A_770 : i32
      %mul3A_772 = arith.constant 2 : i32
      %mul3A_773 = arith.muli %shift_right_logical3A_769, %mul3A_772 : i32
      %add3A_774 = arith.constant 1 : i32
      %add3A_775 = arith.addi %mul3A_773, %add3A_774 : i32
      %mul3A_776 = arith.constant 256 : i32
      %mul3A_777 = arith.muli %add3A_775, %mul3A_776 : i32
      %mul3A_778 = arith.constant 16 : i32
      %mul3A_779 = arith.muli %and3A_771, %mul3A_778 : i32
      %add3A_780 = arith.addi %mul3A_777, %mul3A_779 : i32
      %get3A_781 = arith.index_cast %add3A_780 : i32 to index
      %get3A_782 = tpu.vector_load %arg9[%get3A_781] {strides = array<i32>} : memref<8208xi32, #tpu.memory_space<vmem>>, vector<16xi32>,
      %get3A_783 = arith.index_cast %add3A_780 : i32 to index
      %get3A_784 = tpu.vector_load %arg10[%get3A_783] {strides = array<i32>} : memref<8208xf32, #tpu.memory_space<vmem>>, vector<16xf32>,
      %shift_right_logical3A_785 = arith.constant 16 : i32
      %shift_right_logical3A_786 = vector.broadcast %shift_right_logical3A_785 : i32 to vector<16xi32>
      %shift_right_logical3A_787 = arith.shrui %get3A_782, %shift_right_logical3A_786 : vector<16xi32>
      %eq3A_788 = vector.broadcast %add3A_527 : i32 to vector<16xi32>
      %eq3A_789 = arith.cmpi eq, %shift_right_logical3A_787, %eq3A_788 : vector<16xi32>
      %and3A_790 = arith.constant 65535 : i32
      %and3A_791 = vector.broadcast %and3A_790 : i32 to vector<16xi32>
      %and3A_792 = arith.andi %get3A_782, %and3A_791 : vector<16xi32>
      %shift_right_logical3A_793 = arith.constant 11 : i32
      %shift_right_logical3A_794 = vector.broadcast %shift_right_logical3A_793 : i32 to vector<16xi32>
      %shift_right_logical3A_795 = arith.shrui %and3A_792, %shift_right_logical3A_794 : vector<16xi32>
      %and3A_796 = arith.constant 2047 : i32
      %and3A_797 = vector.broadcast %and3A_796 : i32 to vector<16xi32>
      %and3A_798 = arith.andi %and3A_792, %and3A_797 : vector<16xi32>
      tpu.vector_store_idx %arg12[%shift_right_logical3A_795, %and3A_798], %get3A_784 masked %eq3A_789 : memref<32x2048xf32, #tpu.memory_space<vmem>>[vector<16xi32>, vector<16xi32>], vector<16xf32>, vector<16xi1>
      %scan3A_799 = arith.constant 8 : i32
      %scan3A_800 = arith.addi %scan3A_540, %scan3A_799 : i32
      %shift_right_logical3A_801 = arith.constant 4 : i32
      %shift_right_logical3A_802 = arith.shrui %scan3A_800, %shift_right_logical3A_801 : i32
      %and3A_803 = arith.constant 15 : i32
      %and3A_804 = arith.andi %scan3A_800, %and3A_803 : i32
      %mul3A_805 = arith.constant 2 : i32
      %mul3A_806 = arith.muli %shift_right_logical3A_802, %mul3A_805 : i32
      %add3A_807 = arith.constant 1 : i32
      %add3A_808 = arith.addi %mul3A_806, %add3A_807 : i32
      %mul3A_809 = arith.constant 256 : i32
      %mul3A_810 = arith.muli %add3A_808, %mul3A_809 : i32
      %mul3A_811 = arith.constant 16 : i32
      %mul3A_812 = arith.muli %and3A_804, %mul3A_811 : i32
      %add3A_813 = arith.addi %mul3A_810, %mul3A_812 : i32
      %get3A_814 = arith.index_cast %add3A_813 : i32 to index
      %get3A_815 = tpu.vector_load %arg9[%get3A_814] {strides = array<i32>} : memref<8208xi32, #tpu.memory_space<vmem>>, vector<16xi32>,
      %get3A_816 = arith.index_cast %add3A_813 : i32 to index
      %get3A_817 = tpu.vector_load %arg10[%get3A_816] {strides = array<i32>} : memref<8208xf32, #tpu.memory_space<vmem>>, vector<16xf32>,
      %shift_right_logical3A_818 = arith.constant 16 : i32
      %shift_right_logical3A_819 = vector.broadcast %shift_right_logical3A_818 : i32 to vector<16xi32>
      %shift_right_logical3A_820 = arith.shrui %get3A_815, %shift_right_logical3A_819 : vector<16xi32>
      %eq3A_821 = vector.broadcast %add3A_527 : i32 to vector<16xi32>
      %eq3A_822 = arith.cmpi eq, %shift_right_logical3A_820, %eq3A_821 : vector<16xi32>
      %and3A_823 = arith.constant 65535 : i32
      %and3A_824 = vector.broadcast %and3A_823 : i32 to vector<16xi32>
      %and3A_825 = arith.andi %get3A_815, %and3A_824 : vector<16xi32>
      %shift_right_logical3A_826 = arith.constant 11 : i32
      %shift_right_logical3A_827 = vector.broadcast %shift_right_logical3A_826 : i32 to vector<16xi32>
      %shift_right_logical3A_828 = arith.shrui %and3A_825, %shift_right_logical3A_827 : vector<16xi32>
      %and3A_829 = arith.constant 2047 : i32
      %and3A_830 = vector.broadcast %and3A_829 : i32 to vector<16xi32>
      %and3A_831 = arith.andi %and3A_825, %and3A_830 : vector<16xi32>
      tpu.vector_store_idx %arg12[%shift_right_logical3A_828, %and3A_831], %get3A_817 masked %eq3A_822 : memref<32x2048xf32, #tpu.memory_space<vmem>>[vector<16xi32>, vector<16xi32>], vector<16xf32>, vector<16xi1>
      %scan3A_832 = arith.constant 9 : i32
      %scan3A_833 = arith.addi %scan3A_540, %scan3A_832 : i32
      %shift_right_logical3A_834 = arith.constant 4 : i32
      %shift_right_logical3A_835 = arith.shrui %scan3A_833, %shift_right_logical3A_834 : i32
      %and3A_836 = arith.constant 15 : i32
      %and3A_837 = arith.andi %scan3A_833, %and3A_836 : i32
      %mul3A_838 = arith.constant 2 : i32
      %mul3A_839 = arith.muli %shift_right_logical3A_835, %mul3A_838 : i32
      %add3A_840 = arith.constant 1 : i32
      %add3A_841 = arith.addi %mul3A_839, %add3A_840 : i32
      %mul3A_842 = arith.constant 256 : i32
      %mul3A_843 = arith.muli %add3A_841, %mul3A_842 : i32
      %mul3A_844 = arith.constant 16 : i32
      %mul3A_845 = arith.muli %and3A_837, %mul3A_844 : i32
      %add3A_846 = arith.addi %mul3A_843, %mul3A_845 : i32
      %get3A_847 = arith.index_cast %add3A_846 : i32 to index
      %get3A_848 = tpu.vector_load %arg9[%get3A_847] {strides = array<i32>} : memref<8208xi32, #tpu.memory_space<vmem>>, vector<16xi32>,
      %get3A_849 = arith.index_cast %add3A_846 : i32 to index
      %get3A_850 = tpu.vector_load %arg10[%get3A_849] {strides = array<i32>} : memref<8208xf32, #tpu.memory_space<vmem>>, vector<16xf32>,
      %shift_right_logical3A_851 = arith.constant 16 : i32
      %shift_right_logical3A_852 = vector.broadcast %shift_right_logical3A_851 : i32 to vector<16xi32>
      %shift_right_logical3A_853 = arith.shrui %get3A_848, %shift_right_logical3A_852 : vector<16xi32>
      %eq3A_854 = vector.broadcast %add3A_527 : i32 to vector<16xi32>
      %eq3A_855 = arith.cmpi eq, %shift_right_logical3A_853, %eq3A_854 : vector<16xi32>
      %and3A_856 = arith.constant 65535 : i32
      %and3A_857 = vector.broadcast %and3A_856 : i32 to vector<16xi32>
      %and3A_858 = arith.andi %get3A_848, %and3A_857 : vector<16xi32>
      %shift_right_logical3A_859 = arith.constant 11 : i32
      %shift_right_logical3A_860 = vector.broadcast %shift_right_logical3A_859 : i32 to vector<16xi32>
      %shift_right_logical3A_861 = arith.shrui %and3A_858, %shift_right_logical3A_860 : vector<16xi32>
      %and3A_862 = arith.constant 2047 : i32
      %and3A_863 = vector.broadcast %and3A_862 : i32 to vector<16xi32>
      %and3A_864 = arith.andi %and3A_858, %and3A_863 : vector<16xi32>
      tpu.vector_store_idx %arg12[%shift_right_logical3A_861, %and3A_864], %get3A_850 masked %eq3A_855 : memref<32x2048xf32, #tpu.memory_space<vmem>>[vector<16xi32>, vector<16xi32>], vector<16xf32>, vector<16xi1>
      %scan3A_865 = arith.constant 10 : i32
      %scan3A_866 = arith.addi %scan3A_540, %scan3A_865 : i32
      %shift_right_logical3A_867 = arith.constant 4 : i32
      %shift_right_logical3A_868 = arith.shrui %scan3A_866, %shift_right_logical3A_867 : i32
      %and3A_869 = arith.constant 15 : i32
      %and3A_870 = arith.andi %scan3A_866, %and3A_869 : i32
      %mul3A_871 = arith.constant 2 : i32
      %mul3A_872 = arith.muli %shift_right_logical3A_868, %mul3A_871 : i32
      %add3A_873 = arith.constant 1 : i32
      %add3A_874 = arith.addi %mul3A_872, %add3A_873 : i32
      %mul3A_875 = arith.constant 256 : i32
      %mul3A_876 = arith.muli %add3A_874, %mul3A_875 : i32
      %mul3A_877 = arith.constant 16 : i32
      %mul3A_878 = arith.muli %and3A_870, %mul3A_877 : i32
      %add3A_879 = arith.addi %mul3A_876, %mul3A_878 : i32
      %get3A_880 = arith.index_cast %add3A_879 : i32 to index
      %get3A_881 = tpu.vector_load %arg9[%get3A_880] {strides = array<i32>} : memref<8208xi32, #tpu.memory_space<vmem>>, vector<16xi32>,
      %get3A_882 = arith.index_cast %add3A_879 : i32 to index
      %get3A_883 = tpu.vector_load %arg10[%get3A_882] {strides = array<i32>} : memref<8208xf32, #tpu.memory_space<vmem>>, vector<16xf32>,
      %shift_right_logical3A_884 = arith.constant 16 : i32
      %shift_right_logical3A_885 = vector.broadcast %shift_right_logical3A_884 : i32 to vector<16xi32>
      %shift_right_logical3A_886 = arith.shrui %get3A_881, %shift_right_logical3A_885 : vector<16xi32>
      %eq3A_887 = vector.broadcast %add3A_527 : i32 to vector<16xi32>
      %eq3A_888 = arith.cmpi eq, %shift_right_logical3A_886, %eq3A_887 : vector<16xi32>
      %and3A_889 = arith.constant 65535 : i32
      %and3A_890 = vector.broadcast %and3A_889 : i32 to vector<16xi32>
      %and3A_891 = arith.andi %get3A_881, %and3A_890 : vector<16xi32>
      %shift_right_logical3A_892 = arith.constant 11 : i32
      %shift_right_logical3A_893 = vector.broadcast %shift_right_logical3A_892 : i32 to vector<16xi32>
      %shift_right_logical3A_894 = arith.shrui %and3A_891, %shift_right_logical3A_893 : vector<16xi32>
      %and3A_895 = arith.constant 2047 : i32
      %and3A_896 = vector.broadcast %and3A_895 : i32 to vector<16xi32>
      %and3A_897 = arith.andi %and3A_891, %and3A_896 : vector<16xi32>
      tpu.vector_store_idx %arg12[%shift_right_logical3A_894, %and3A_897], %get3A_883 masked %eq3A_888 : memref<32x2048xf32, #tpu.memory_space<vmem>>[vector<16xi32>, vector<16xi32>], vector<16xf32>, vector<16xi1>
      %scan3A_898 = arith.constant 11 : i32
      %scan3A_899 = arith.addi %scan3A_540, %scan3A_898 : i32
      %shift_right_logical3A_900 = arith.constant 4 : i32
      %shift_right_logical3A_901 = arith.shrui %scan3A_899, %shift_right_logical3A_900 : i32
      %and3A_902 = arith.constant 15 : i32
      %and3A_903 = arith.andi %scan3A_899, %and3A_902 : i32
      %mul3A_904 = arith.constant 2 : i32
      %mul3A_905 = arith.muli %shift_right_logical3A_901, %mul3A_904 : i32
      %add3A_906 = arith.constant 1 : i32
      %add3A_907 = arith.addi %mul3A_905, %add3A_906 : i32
      %mul3A_908 = arith.constant 256 : i32
      %mul3A_909 = arith.muli %add3A_907, %mul3A_908 : i32
      %mul3A_910 = arith.constant 16 : i32
      %mul3A_911 = arith.muli %and3A_903, %mul3A_910 : i32
      %add3A_912 = arith.addi %mul3A_909, %mul3A_911 : i32
      %get3A_913 = arith.index_cast %add3A_912 : i32 to index
      %get3A_914 = tpu.vector_load %arg9[%get3A_913] {strides = array<i32>} : memref<8208xi32, #tpu.memory_space<vmem>>, vector<16xi32>,
      %get3A_915 = arith.index_cast %add3A_912 : i32 to index
      %get3A_916 = tpu.vector_load %arg10[%get3A_915] {strides = array<i32>} : memref<8208xf32, #tpu.memory_space<vmem>>, vector<16xf32>,
      %shift_right_logical3A_917 = arith.constant 16 : i32
      %shift_right_logical3A_918 = vector.broadcast %shift_right_logical3A_917 : i32 to vector<16xi32>
      %shift_right_logical3A_919 = arith.shrui %get3A_914, %shift_right_logical3A_918 : vector<16xi32>
      %eq3A_920 = vector.broadcast %add3A_527 : i32 to vector<16xi32>
      %eq3A_921 = arith.cmpi eq, %shift_right_logical3A_919, %eq3A_920 : vector<16xi32>
      %and3A_922 = arith.constant 65535 : i32
      %and3A_923 = vector.broadcast %and3A_922 : i32 to vector<16xi32>
      %and3A_924 = arith.andi %get3A_914, %and3A_923 : vector<16xi32>
      %shift_right_logical3A_925 = arith.constant 11 : i32
      %shift_right_logical3A_926 = vector.broadcast %shift_right_logical3A_925 : i32 to vector<16xi32>
      %shift_right_logical3A_927 = arith.shrui %and3A_924, %shift_right_logical3A_926 : vector<16xi32>
      %and3A_928 = arith.constant 2047 : i32
      %and3A_929 = vector.broadcast %and3A_928 : i32 to vector<16xi32>
      %and3A_930 = arith.andi %and3A_924, %and3A_929 : vector<16xi32>
      tpu.vector_store_idx %arg12[%shift_right_logical3A_927, %and3A_930], %get3A_916 masked %eq3A_921 : memref<32x2048xf32, #tpu.memory_space<vmem>>[vector<16xi32>, vector<16xi32>], vector<16xf32>, vector<16xi1>
      %scan3A_931 = arith.constant 12 : i32
      %scan3A_932 = arith.addi %scan3A_540, %scan3A_931 : i32
      %shift_right_logical3A_933 = arith.constant 4 : i32
      %shift_right_logical3A_934 = arith.shrui %scan3A_932, %shift_right_logical3A_933 : i32
      %and3A_935 = arith.constant 15 : i32
      %and3A_936 = arith.andi %scan3A_932, %and3A_935 : i32
      %mul3A_937 = arith.constant 2 : i32
      %mul3A_938 = arith.muli %shift_right_logical3A_934, %mul3A_937 : i32
      %add3A_939 = arith.constant 1 : i32
      %add3A_940 = arith.addi %mul3A_938, %add3A_939 : i32
      %mul3A_941 = arith.constant 256 : i32
      %mul3A_942 = arith.muli %add3A_940, %mul3A_941 : i32
      %mul3A_943 = arith.constant 16 : i32
      %mul3A_944 = arith.muli %and3A_936, %mul3A_943 : i32
      %add3A_945 = arith.addi %mul3A_942, %mul3A_944 : i32
      %get3A_946 = arith.index_cast %add3A_945 : i32 to index
      %get3A_947 = tpu.vector_load %arg9[%get3A_946] {strides = array<i32>} : memref<8208xi32, #tpu.memory_space<vmem>>, vector<16xi32>,
      %get3A_948 = arith.index_cast %add3A_945 : i32 to index
      %get3A_949 = tpu.vector_load %arg10[%get3A_948] {strides = array<i32>} : memref<8208xf32, #tpu.memory_space<vmem>>, vector<16xf32>,
      %shift_right_logical3A_950 = arith.constant 16 : i32
      %shift_right_logical3A_951 = vector.broadcast %shift_right_logical3A_950 : i32 to vector<16xi32>
      %shift_right_logical3A_952 = arith.shrui %get3A_947, %shift_right_logical3A_951 : vector<16xi32>
      %eq3A_953 = vector.broadcast %add3A_527 : i32 to vector<16xi32>
      %eq3A_954 = arith.cmpi eq, %shift_right_logical3A_952, %eq3A_953 : vector<16xi32>
      %and3A_955 = arith.constant 65535 : i32
      %and3A_956 = vector.broadcast %and3A_955 : i32 to vector<16xi32>
      %and3A_957 = arith.andi %get3A_947, %and3A_956 : vector<16xi32>
      %shift_right_logical3A_958 = arith.constant 11 : i32
      %shift_right_logical3A_959 = vector.broadcast %shift_right_logical3A_958 : i32 to vector<16xi32>
      %shift_right_logical3A_960 = arith.shrui %and3A_957, %shift_right_logical3A_959 : vector<16xi32>
      %and3A_961 = arith.constant 2047 : i32
      %and3A_962 = vector.broadcast %and3A_961 : i32 to vector<16xi32>
      %and3A_963 = arith.andi %and3A_957, %and3A_962 : vector<16xi32>
      tpu.vector_store_idx %arg12[%shift_right_logical3A_960, %and3A_963], %get3A_949 masked %eq3A_954 : memref<32x2048xf32, #tpu.memory_space<vmem>>[vector<16xi32>, vector<16xi32>], vector<16xf32>, vector<16xi1>
      %scan3A_964 = arith.constant 13 : i32
      %scan3A_965 = arith.addi %scan3A_540, %scan3A_964 : i32
      %shift_right_logical3A_966 = arith.constant 4 : i32
      %shift_right_logical3A_967 = arith.shrui %scan3A_965, %shift_right_logical3A_966 : i32
      %and3A_968 = arith.constant 15 : i32
      %and3A_969 = arith.andi %scan3A_965, %and3A_968 : i32
      %mul3A_970 = arith.constant 2 : i32
      %mul3A_971 = arith.muli %shift_right_logical3A_967, %mul3A_970 : i32
      %add3A_972 = arith.constant 1 : i32
      %add3A_973 = arith.addi %mul3A_971, %add3A_972 : i32
      %mul3A_974 = arith.constant 256 : i32
      %mul3A_975 = arith.muli %add3A_973, %mul3A_974 : i32
      %mul3A_976 = arith.constant 16 : i32
      %mul3A_977 = arith.muli %and3A_969, %mul3A_976 : i32
      %add3A_978 = arith.addi %mul3A_975, %mul3A_977 : i32
      %get3A_979 = arith.index_cast %add3A_978 : i32 to index
      %get3A_980 = tpu.vector_load %arg9[%get3A_979] {strides = array<i32>} : memref<8208xi32, #tpu.memory_space<vmem>>, vector<16xi32>,
      %get3A_981 = arith.index_cast %add3A_978 : i32 to index
      %get3A_982 = tpu.vector_load %arg10[%get3A_981] {strides = array<i32>} : memref<8208xf32, #tpu.memory_space<vmem>>, vector<16xf32>,
      %shift_right_logical3A_983 = arith.constant 16 : i32
      %shift_right_logical3A_984 = vector.broadcast %shift_right_logical3A_983 : i32 to vector<16xi32>
      %shift_right_logical3A_985 = arith.shrui %get3A_980, %shift_right_logical3A_984 : vector<16xi32>
      %eq3A_986 = vector.broadcast %add3A_527 : i32 to vector<16xi32>
      %eq3A_987 = arith.cmpi eq, %shift_right_logical3A_985, %eq3A_986 : vector<16xi32>
      %and3A_988 = arith.constant 65535 : i32
      %and3A_989 = vector.broadcast %and3A_988 : i32 to vector<16xi32>
      %and3A_990 = arith.andi %get3A_980, %and3A_989 : vector<16xi32>
      %shift_right_logical3A_991 = arith.constant 11 : i32
      %shift_right_logical3A_992 = vector.broadcast %shift_right_logical3A_991 : i32 to vector<16xi32>
      %shift_right_logical3A_993 = arith.shrui %and3A_990, %shift_right_logical3A_992 : vector<16xi32>
      %and3A_994 = arith.constant 2047 : i32
      %and3A_995 = vector.broadcast %and3A_994 : i32 to vector<16xi32>
      %and3A_996 = arith.andi %and3A_990, %and3A_995 : vector<16xi32>
      tpu.vector_store_idx %arg12[%shift_right_logical3A_993, %and3A_996], %get3A_982 masked %eq3A_987 : memref<32x2048xf32, #tpu.memory_space<vmem>>[vector<16xi32>, vector<16xi32>], vector<16xf32>, vector<16xi1>
      %scan3A_997 = arith.constant 14 : i32
      %scan3A_998 = arith.addi %scan3A_540, %scan3A_997 : i32
      %shift_right_logical3A_999 = arith.constant 4 : i32
      %shift_right_logical3A_1000 = arith.shrui %scan3A_998, %shift_right_logical3A_999 : i32
      %and3A_1001 = arith.constant 15 : i32
      %and3A_1002 = arith.andi %scan3A_998, %and3A_1001 : i32
      %mul3A_1003 = arith.constant 2 : i32
      %mul3A_1004 = arith.muli %shift_right_logical3A_1000, %mul3A_1003 : i32
      %add3A_1005 = arith.constant 1 : i32
      %add3A_1006 = arith.addi %mul3A_1004, %add3A_1005 : i32
      %mul3A_1007 = arith.constant 256 : i32
      %mul3A_1008 = arith.muli %add3A_1006, %mul3A_1007 : i32
      %mul3A_1009 = arith.constant 16 : i32
      %mul3A_1010 = arith.muli %and3A_1002, %mul3A_1009 : i32
      %add3A_1011 = arith.addi %mul3A_1008, %mul3A_1010 : i32
      %get3A_1012 = arith.index_cast %add3A_1011 : i32 to index
      %get3A_1013 = tpu.vector_load %arg9[%get3A_1012] {strides = array<i32>} : memref<8208xi32, #tpu.memory_space<vmem>>, vector<16xi32>,
      %get3A_1014 = arith.index_cast %add3A_1011 : i32 to index
      %get3A_1015 = tpu.vector_load %arg10[%get3A_1014] {strides = array<i32>} : memref<8208xf32, #tpu.memory_space<vmem>>, vector<16xf32>,
      %shift_right_logical3A_1016 = arith.constant 16 : i32
      %shift_right_logical3A_1017 = vector.broadcast %shift_right_logical3A_1016 : i32 to vector<16xi32>
      %shift_right_logical3A_1018 = arith.shrui %get3A_1013, %shift_right_logical3A_1017 : vector<16xi32>
      %eq3A_1019 = vector.broadcast %add3A_527 : i32 to vector<16xi32>
      %eq3A_1020 = arith.cmpi eq, %shift_right_logical3A_1018, %eq3A_1019 : vector<16xi32>
      %and3A_1021 = arith.constant 65535 : i32
      %and3A_1022 = vector.broadcast %and3A_1021 : i32 to vector<16xi32>
      %and3A_1023 = arith.andi %get3A_1013, %and3A_1022 : vector<16xi32>
      %shift_right_logical3A_1024 = arith.constant 11 : i32
      %shift_right_logical3A_1025 = vector.broadcast %shift_right_logical3A_1024 : i32 to vector<16xi32>
      %shift_right_logical3A_1026 = arith.shrui %and3A_1023, %shift_right_logical3A_1025 : vector<16xi32>
      %and3A_1027 = arith.constant 2047 : i32
      %and3A_1028 = vector.broadcast %and3A_1027 : i32 to vector<16xi32>
      %and3A_1029 = arith.andi %and3A_1023, %and3A_1028 : vector<16xi32>
      tpu.vector_store_idx %arg12[%shift_right_logical3A_1026, %and3A_1029], %get3A_1015 masked %eq3A_1020 : memref<32x2048xf32, #tpu.memory_space<vmem>>[vector<16xi32>, vector<16xi32>], vector<16xf32>, vector<16xi1>
      %scan3A_1030 = arith.constant 15 : i32
      %scan3A_1031 = arith.addi %scan3A_540, %scan3A_1030 : i32
      %shift_right_logical3A_1032 = arith.constant 4 : i32
      %shift_right_logical3A_1033 = arith.shrui %scan3A_1031, %shift_right_logical3A_1032 : i32
      %and3A_1034 = arith.constant 15 : i32
      %and3A_1035 = arith.andi %scan3A_1031, %and3A_1034 : i32
      %mul3A_1036 = arith.constant 2 : i32
      %mul3A_1037 = arith.muli %shift_right_logical3A_1033, %mul3A_1036 : i32
      %add3A_1038 = arith.constant 1 : i32
      %add3A_1039 = arith.addi %mul3A_1037, %add3A_1038 : i32
      %mul3A_1040 = arith.constant 256 : i32
      %mul3A_1041 = arith.muli %add3A_1039, %mul3A_1040 : i32
      %mul3A_1042 = arith.constant 16 : i32
      %mul3A_1043 = arith.muli %and3A_1035, %mul3A_1042 : i32
      %add3A_1044 = arith.addi %mul3A_1041, %mul3A_1043 : i32
      %get3A_1045 = arith.index_cast %add3A_1044 : i32 to index
      %get3A_1046 = tpu.vector_load %arg9[%get3A_1045] {strides = array<i32>} : memref<8208xi32, #tpu.memory_space<vmem>>, vector<16xi32>,
      %get3A_1047 = arith.index_cast %add3A_1044 : i32 to index
      %get3A_1048 = tpu.vector_load %arg10[%get3A_1047] {strides = array<i32>} : memref<8208xf32, #tpu.memory_space<vmem>>, vector<16xf32>,
      %shift_right_logical3A_1049 = arith.constant 16 : i32
      %shift_right_logical3A_1050 = vector.broadcast %shift_right_logical3A_1049 : i32 to vector<16xi32>
      %shift_right_logical3A_1051 = arith.shrui %get3A_1046, %shift_right_logical3A_1050 : vector<16xi32>
      %eq3A_1052 = vector.broadcast %add3A_527 : i32 to vector<16xi32>
      %eq3A_1053 = arith.cmpi eq, %shift_right_logical3A_1051, %eq3A_1052 : vector<16xi32>
      %and3A_1054 = arith.constant 65535 : i32
      %and3A_1055 = vector.broadcast %and3A_1054 : i32 to vector<16xi32>
      %and3A_1056 = arith.andi %get3A_1046, %and3A_1055 : vector<16xi32>
      %shift_right_logical3A_1057 = arith.constant 11 : i32
      %shift_right_logical3A_1058 = vector.broadcast %shift_right_logical3A_1057 : i32 to vector<16xi32>
      %shift_right_logical3A_1059 = arith.shrui %and3A_1056, %shift_right_logical3A_1058 : vector<16xi32>
      %and3A_1060 = arith.constant 2047 : i32
      %and3A_1061 = vector.broadcast %and3A_1060 : i32 to vector<16xi32>
      %and3A_1062 = arith.andi %and3A_1056, %and3A_1061 : vector<16xi32>
      tpu.vector_store_idx %arg12[%shift_right_logical3A_1059, %and3A_1062], %get3A_1048 masked %eq3A_1053 : memref<32x2048xf32, #tpu.memory_space<vmem>>[vector<16xi32>, vector<16xi32>], vector<16xf32>, vector<16xi1>
    }
    %scan3A_533 = arith.constant 256 : i32
    %mul3A_534 = arith.constant 2 : i32
    %mul3A_535 = arith.muli %add3A, %mul3A_534 : i32
    %add3A_536 = arith.constant 1 : i32
    %add3A_537 = arith.addi %mul3A_535, %add3A_536 : i32
    %mul3A_538 = arith.constant 32 : i32
    %mul3A_539 = arith.muli %add3A_537, %mul3A_538 : i32
    "tpu.region"() ({
      %run_scoped3A = tpu.sem_alloc : memref<!tpu.dma_semaphore, #tpu.memory_space<semaphore_mem>>
      %dma_start3A_540 = arith.constant 0 : i32
      %dma_start3A_541 = tpu.memref_slice %arg5[%mul3A_539, %dma_start3A_540] : memref<2048x2048xf32, #tpu.memory_space<hbm>> -> memref<32x2048xf32, #tpu.memory_space<hbm>>
      %dma_start3A_542 = arith.constant 0 : i32
      %dma_start3A_543 = tpu.memref_slice %arg5[%mul3A_539, %dma_start3A_542] : memref<2048x2048xf32, #tpu.memory_space<hbm>> -> memref<32x2048xf32, #tpu.memory_space<hbm>>
      tpu.enqueue_dma source(%arg12 : memref<32x2048xf32, #tpu.memory_space<vmem>>) target(%dma_start3A_543 : memref<32x2048xf32, #tpu.memory_space<hbm>>) target_semaphore(%run_scoped3A : memref<!tpu.dma_semaphore, #tpu.memory_space<semaphore_mem>>)
      %dma_wait3A_544 = arith.constant 0 : i32
      %dma_wait3A_545 = tpu.memref_slice %arg5[%mul3A_539, %dma_wait3A_544] : memref<2048x2048xf32, #tpu.memory_space<hbm>> -> memref<32x2048xf32, #tpu.memory_space<hbm>>
      %dma_wait3A_546 = arith.constant 0 : i32
      %dma_wait3A_547 = tpu.memref_slice %arg5[%mul3A_539, %dma_wait3A_546] : memref<2048x2048xf32, #tpu.memory_space<hbm>> -> memref<32x2048xf32, #tpu.memory_space<hbm>>
      tpu.wait_dma2 semaphore(%run_scoped3A : memref<!tpu.dma_semaphore, #tpu.memory_space<semaphore_mem>>) src(%arg12 : memref<32x2048xf32, #tpu.memory_space<vmem>>) dst(%dma_wait3A_547 : memref<32x2048xf32, #tpu.memory_space<hbm>>)
      tpu.yield
    }) : () -> ()
    return
  }
}

</mosaic_0001>

<sc_bundles>
// kernel: kernel.3.cloned.1.call-start
scs
__scs_entry_jumppad:
0x0: {  	(pc) =	sbr.rel $0x88, $3  }
0x1: {  	(tag) =	ssettag $0x0;
	lr =	simm.s32 $0x1  }
0x2: {  	[smem:$0x3FA0] =	sst lr;
	_ =	strace $0xD0000000  }
0x3: {  	_ = 	snop  }
0x4: {  	_ = 	snop  }
0x5: {  	_ = 	snop  }
0x6: {  	_ = 	snop  }
0x7: {  	_ = 	snop  }
__scs_overlays_trampoline_lowered:
0x8: {  	[smem:$0x3FAF] =	sst s0  }
0x9: {  	[smem:$0x3FB0] =	sst s1  }
0xa: {  	[smem:$0x3FB1] =	sst s2  }
0xb: {  	[smem:$0x3FB2] =	sst s3  }
0xc: {  	[smem:$0x3FB3] =	sst s4  }
0xd: {  	[smem:$0x3FB4] =	sst s5  }
0xe: {  	[smem:$0x3FB5] =	sst s6  }
0xf: {  	[smem:$0x3FB6] =	sst s7  }
0x10: {  	[smem:$0x3FB7] =	sst s8  }
0x11: {  	[smem:$0x3FB8] =	sst s9;
	s0 =	simm.s32 @!p0 $0x0  }
0x12: {  	s1 =	sld [smem:$0x3F9E];
	s0 =	simm.s32 @p0 $0x1  }
0x13: {  	[smem:$0x3FB9] =	sst s0;
	s0 =	simm.s32 @!p1 $0x0  }
0x14: {  	s2 =	sld [smem:$0x3F9D];
	s0 =	simm.s32 @p1 $0x1  }
0x15: {  	[smem:$0x3FBA] =	sst s0;
	s0 =	simm.s32 @!p2 $0x0  }
0x16: {  	s3 =	sld [smem:$0x3FDB];
	s0 =	simm.s32 @p2 $0x1  }
0x17: {  	s4 =	simm.s32 $0x1BF5;
	[smem:$0x3FBC] =	sst s0  }
0x18: {  	s0 =	sld [smem:$0x3F9F];
	_ =	swait.ge [sflag:s4], $0x0  }
0x19: {  	s7 =	sld [smem:$0x3FA0]  }
0x1a: {  	s8 =	sadd.s32 $0xFFFFE003, lr  }
0x1b: {  	s9 =	sadd.s32 $0xFFFFFEF7, lr;
	s5 =	simm.s32 $0xFFFFFFFF;
	p2 =	slt.u32 s8, $0xFFFFF086  }
0x1c: {  	p1 =	slt.u32 s9, $0xF7A;
	s5 =	simm.s32 @!p2 $0x0  }
0x1d: {  	s5 =	simm.s32 @p1 $0x1;
	p0 =	seq.s32 s7, s2  }
0x1e: {  	s7 =	smul.u32 @!p0 $0xF7A, s2;
	p2 =	seq.s32 @!p0 s5, $0x0  }
0x1f: {  	s9 =	smul.u32 $0xF7A, s1;
	s8 =	simm.s32 @!p0 $0x1BF5;
	p2 =	por !p2, p0  }
0x20: {  	[sflag:s8] =	ssyncset.s32 @!p0 $0xFFFFF086;
	s6 =	sadd.s32 @!p0 s3, s7;
	s7 =	simm.s32 @!p0 $0x108  }
0x21: {  	s3 =	sadd.s32 s3, s9;
	s6 =	sadd.s32 @!p0 $0x88, s6;
	s7 =	simm.s32 @p2 $0x1082  }
0x22: {  	[simem:s7], [sflag:s8] =	dma.local @!p0 [hbm:s6], $0xF7A  }
0x23: {  	s9 =	sor.u32 $0xD0000000, s2;
	s6 =	simm.s32 $0x108;
	_ =	swait.ge @!p0 [sflag:s8], $0x0  }
0x24: {  	s3 =	sadd.s32 $0x88, s3;
	s6 =	simm.s32 @!p1 $0x1082;
	[sflag:s4] =	ssyncset.s32 $0xFFFFF086  }
0x25: {  	[simem:s6], [sflag:s4] =	dma.local [hbm:s3], $0xF7A  }
0x26: {  	[smem:$0x3FA0] =	sst s1;
	(tag) =	ssettag s2;
	_ =	strace s9  }
0x27: {  	s1 =	sld [smem:$0x3FB0]  }
0x28: {  	s2 =	sld [smem:$0x3FB1]  }
0x29: {  	s4 =	sld [smem:$0x3FB3]  }
0x2a: {  	p0 =	seq.s32 s5, $0x0;
	s5 =	sld [smem:$0x3FB4]  }
0x2b: {  	s6 =	sld [smem:$0x3FB5]  }
0x2c: {  	s7 =	sld [smem:$0x3FB6]  }
0x2d: {  	s3 =	simm.s32 $0x108;
	s8 =	sld [smem:$0x3FB7]  }
0x2e: {  	s3 =	simm.s32 @!p0 $0x1082;
	s9 =	sld [smem:$0x3FB8]  }
0x2f: {  	lr =	sadd.s32 s0, s3;
	s0 =	sld [smem:$0x3FAF]  }
0x30: {  	s3 =	sld [smem:$0x3FB2]  }
0x31: {  	[smem:$0x3FBB] =	sst s10  }
0x32: {  	s10 =	sld [smem:$0x3FB9];
	_ =	sdelay $0x3  }
0x33: {  	p0 =	seq.s32 s10, $0x1;
	s10 =	sld [smem:$0x3FBB];
	_ =	sdelay $0x3  }
0x34: {  	[smem:$0x3FBB] =	sst s10  }
0x35: {  	s10 =	sld [smem:$0x3FBA];
	_ =	sdelay $0x3  }
0x36: {  	p1 =	seq.s32 s10, $0x1;
	s10 =	sld [smem:$0x3FBB];
	_ =	sdelay $0x3  }
0x37: {  	[smem:$0x3FBB] =	sst s10  }
0x38: {  	s10 =	sld [smem:$0x3FBC]  }
0x39: {  	_ = 	snop;
	(pc) =	sbr.ind lr, $3  }
0x3a: {  	_ = 	snop  }
0x3b: {  	_ = 	snop  }
0x3c: {  	p2 =	seq.s32 s10, $0x1;
	s10 =	sld [smem:$0x3FBB]  }
0x3d: {  	_ =	shalt  }
0x3e: {  	_ =	shalt  }
0x3f: {  	_ =	shalt  }
0x40: {  	_ =	shalt  }
0x41: {  	_ =	shalt  }
0x42: {  	_ =	shalt  }
0x43: {  	_ =	shalt  }
0x44: {  	_ =	shalt  }
0x45: {  	_ =	shalt  }
0x46: {  	_ =	shalt  }
0x47: {  	_ =	shalt  }
0x48: {  	_ =	shalt  }
0x49: {  	_ =	shalt  }
0x4a: {  	_ =	shalt  }
0x4b: {  	_ =	shalt  }
0x4c: {  	_ =	shalt  }
0x4d: {  	_ =	shalt  }
0x4e: {  	_ =	shalt  }
0x4f: {  	_ =	shalt  }
0x50: {  	_ =	shalt  }
0x51: {  	_ =	shalt  }
0x52: {  	_ =	shalt  }
0x53: {  	_ =	shalt  }
0x54: {  	_ =	shalt  }
0x55: {  	_ =	shalt  }
0x56: {  	_ =	shalt  }
0x57: {  	_ =	shalt  }
0x58: {  	_ =	shalt  }
0x59: {  	_ =	shalt  }
0x5a: {  	_ =	shalt  }
0x5b: {  	_ =	shalt  }
0x5c: {  	_ =	shalt  }
0x5d: {  	_ =	shalt  }
0x5e: {  	_ =	shalt  }
0x5f: {  	_ =	shalt  }
0x60: {  	_ =	shalt  }
0x61: {  	_ =	shalt  }
0x62: {  	_ =	shalt  }
0x63: {  	_ =	shalt  }
0x64: {  	_ =	shalt  }
0x65: {  	_ =	shalt  }
0x66: {  	_ =	shalt  }
0x67: {  	_ =	shalt  }
0x68: {  	_ =	shalt  }
0x69: {  	_ =	shalt  }
0x6a: {  	_ =	shalt  }
0x6b: {  	_ =	shalt  }
0x6c: {  	_ =	shalt  }
0x6d: {  	_ =	shalt  }
0x6e: {  	_ =	shalt  }
0x6f: {  	_ =	shalt  }
0x70: {  	_ =	shalt  }
0x71: {  	_ =	shalt  }
0x72: {  	_ =	shalt  }
0x73: {  	_ =	shalt  }
0x74: {  	_ =	shalt  }
0x75: {  	_ =	shalt  }
0x76: {  	_ =	shalt  }
0x77: {  	_ =	shalt  }
0x78: {  	_ =	shalt  }
0x79: {  	_ =	shalt  }
0x7a: {  	_ =	shalt  }
0x7b: {  	_ =	shalt  }
0x7c: {  	_ =	shalt  }
0x7d: {  	_ =	shalt  }
0x7e: {  	_ =	shalt  }
0x7f: {  	_ =	shalt  }
0x80: {  	_ =	shalt  }
0x81: {  	_ =	shalt  }
0x82: {  	_ =	shalt  }
0x83: {  	_ =	shalt  }
0x84: {  	_ =	shalt  }
0x85: {  	_ =	shalt  }
0x86: {  	_ =	shalt  }
0x87: {  	_ =	shalt  }
.Lfunc_end0:
.L_simem_size_0:
called_computation_lowered:
.L_overlay_start_0:
0x88: {  	s2 =	sld [smem:$0x3FD9]  }
0x89: {  	s3 =	sld [smem:$0x3FFE];
	_ =	sdelay $0x1  }
0x8a: {  	s1 =	srdreg.scid  }
0x8b: {  	s0 =	sand.u32 $0x1, s1  }
0x8c: {  	s17 =	sshll.u32 s0, $0xA;
	s2 =	sadd.s32 s3, s2  }
0x8d: {  	s2 =	sadd.s32 s2, s17  }
0x8e: {  	[smem:$0x3FC7] =	sst s2  }
0x8f: {  	_ = 	snop  }
0x90: {  	s2 =	sld [smem:$0x3FD0];
	(tm) =	ssettm $0x1  }
0x91: {  	s18 =	sld [smem:$0x3FFB];
	_ =	sdelay $0x3  }
0x92: {  	_ =	strace s18  }
0x93: {  	s3 =	sld [smem:$0x3FFC];
	_ =	sdelay $0x3  }
0x94: {  	_ =	strace s3  }
0x95: {  	s3 =	sld [smem:$0x3FFD];
	_ =	sdelay $0x3  }
0x96: {  	_ =	strace s3  }
0x97: {  	_ =	strace $0x8FFFFFFF  }
0x98: {  	s19 =	sld [smem:$0x3FDB];
	_ =	sdelay $0x1  }
0x99: {  	s4 =	simm.s32 $_scs_section_size  }
0x9a: {  	s5 =	simm.s32 $_size__tile_overlayer_lowered;
	s6 =	simm.s32 $_tile_overlayer_lowered  }
0x9b: {  	s22 =	simm.s32 $0x1BFF;
	s21 =	sshll.u32 s6, $0x1;
	s3 =	sadd.s32 s4, s19  }
0x9c: {  	s7 =	simm.s32 $0x0;
	s20 =	sshll.u32 s5, $0x1;
	s5 =	sadd.s32 s21, s3  }
0x9d: {  	[timem:s7], [sflag:s22] =	dma.local [hbm:s5], s20  }
0x9e: {  	_ =	swait.ge [sflag:s22], s20  }
0x9f: {  	s4 =	ssub.s32 $0x0, s20;
	[sflag:s22] =	ssyncset.done $0x0  }
0xa0: {  	[sflag:s22] =	ssyncadd.s32 s4;
	_ =	sdelay $0x1  }
0xa1: {  	s23 =	simm.s32 $0x1B8B  }
0xa2: {  	_ =	swait.ge [sflag:s23], $0x1  }
0xa3: {  	[sflag:s23] =	ssyncset.done $0x0  }
0xa4: {  	s25 =	simm.s32 $0x1B8E;
	s24 =	sld [smem:$0x3FFE];
	[sflag:s23] =	ssyncadd.s32 $0xFFFFFFFF  }
0xa5: {  	s26 =	simm.s32 $execute0_lowered;
	[smem:$0x3FD2] =	sst s25  }
0xa6: {  	s5 =	sshll.u32 s26, $0x1;
	_ =	strace $0x80000046;
	[dreg:$0x1] =	wrdreg $0xFFFFFFFF  }
0xa7: {  	s28 =	simm.s32 $_size_execute0_lowered;
	s3 =	sadd.s32 s3, s5;
	[dreg:$0x0] =	wrdreg $0x0  }
0xa8: {  	s5 =	sshll.u32 s28, $0x1;
	[dreg:$0x2] =	wrdreg s3  }
0xa9: {  	[dreg:$0x3] =	wrdreg s5  }
0xaa: {  	[dreg:$0x4] =	wrdreg $0xC0  }
0xab: {  	_ =	task [dreg:s7], $0x5FFFF  }
0xac: {  	[dreg:$0x1] =	wrdreg $0xFFFFFFFF  }
0xad: {  	[dreg:$0x0] =	wrdreg $0x60  }
0xae: {  	[dreg:$0x2] =	wrdreg s24  }
0xaf: {  	[dreg:$0x3] =	wrdreg s2  }
0xb0: {  	[dreg:$0x4] =	wrdreg $0x1C3000  }
0xb1: {  	[dreg:$0x5] =	wrdreg $0x183000  }
0xb2: {  	[dreg:$0x6] =	wrdreg $0x1A3000  }
0xb3: {  	[dreg:$0x7] =	wrdreg $0x9  }
0xb4: {  	_ =	task.clear_ibuf [dreg:s7], $0x8FFFF;
	_ =	strace $0x90000046  }
0xb5: {  	s29 =	simm.s32 $0x9;
	_ =	strace $0x80000048  }
0xb6: {  	_ =	swait.ge [sflag:s29], $0x1  }
0xb7: {  	[sflag:s29] =	ssyncadd.s32 $0xFFFFFFFF  }
0xb8: {  	_ =	strace $0x90000048  }
0xb9: {  	_ =	sfence  }
0xba: {  	s30 =	sld [smem:$0x0];
	_ =	sdelay $0x2  }
0xbb: {  	s31 =	sshll.u32 s1, $0xD;
	s1 =	sshrl.u32 s1, $0x2  }
0xbc: {  	s3 =	sand.u32 $0x4000, s31;
	s1 =	sadd.s32 s1, s30  }
0xbd: {  	s0 =	sor.u32 s3, s0;
	s1 =	sshll.u32 s1, $0x11  }
0xbe: {  	s0 =	sor.u32 s1, s0  }
0xbf: {  	s0 =	sadd.s32 $0x8F2B, s0  }
0xc0: {  	[sflag:s0] =	ssyncadd.remote.s32 $0x1  }
0xc1: {  	_ =	sfence.sel $0xFFFF  }
0xc2: {  	[dreg:$0x0] =	wrdreg $0xFFFFFFFF;
	(pc) =	sbr.abs _section_cstart, $3  }
0xc3: {  	[dreg:$0x1] =	wrdreg $0xFFFFFFFF  }
0xc4: {  	_ =	task.clear_ibuf [dreg:s7], $0x2FFFF;
	_ =	strace $0x9FFFFFFF  }
0xc5: {  	(tm) =	ssettm $0x7FFFFFFF  }
tec
execute0_lowered:
.L_overlay_start_1:
0x0: {  	(tag) =	ssettag $0x1  }
0x1: {  	s0 =	rddreg [dreg:$0x0]  }
0x2: {  	s1 =	srdreg.scid;
	s8 =	rddreg [dreg:$0x2]  }
0x3: {  	s4 =	rddreg [dreg:$0x3];
	s7 =	stileid.u32  }
0x4: {  	s6 =	rddreg [dreg:$0x4];
	s22 =	sand.u32 $0x1, s1;
	s2 =	sshll.u32 s7, $0x9  }
0x5: {  	s30 =	sshll.u32 s7, $0xC;
	s31 =	sshll.u32 s7, $0x1;
	s5 =	sshll.u32 s7, $0x8  }
0x6: {  	s1 =	ssub.s32 $0x2, s22;
	s11 =	sadd.s32 s2, s0;
	s9 =	sor.u32 $0x2000, s2  }
0x7: {  	s12 =	sor.u32 s22, s31;
	s5 =	sand.u32 $0x300, s5;
	s13 =	sadd.s32 s9, s4  }
0x8: {  	s15 =	sor.u32 $0x4000, s2;
	s14 =	sadd.s32 s9, s6;
	[dreg:$0x9] =	wrdreg s13  }
0x9: {  	s16 =	sor.u32 $0x6000, s2;
	s17 =	sadd.s32 s15, s4;
	[dreg:$0xa] =	wrdreg s14  }
0xa: {  	s20 =	sor.u32 $0x8000, s2;
	s18 =	sadd.s32 s16, s4;
	[dreg:$0xb] =	wrdreg s17  }
0xb: {  	s21 =	sor.u32 $0xA000, s2;
	s19 =	sadd.s32 s16, s6;
	[dreg:$0xd] =	wrdreg s18  }
0xc: {  	s26 =	sor.u32 $0xC000, s2;
	s23 =	sadd.s32 s20, s4;
	[dreg:$0xe] =	wrdreg s19  }
0xd: {  	s28 =	sor.u32 $0xE000, s2;
	s24 =	sadd.s32 s21, s4;
	[dreg:$0xf] =	wrdreg s23  }
0xe: {  	v0 =	vmov s22;
	s22 =	simm.s32 $0x3;
	s25 =	sadd.s32 s21, s6;
	[dreg:$0x11] =	wrdreg s24  }
0xf: {  	s3 =	sshrl.u32 s1, $0x1;
	s29 =	sadd.s32 s26, s4;
	[dreg:$0x12] =	wrdreg s25  }
0x10: {  	s31 =	sadd.s32 s28, s6;
	s0 =	ssub.s32 s1, s3;
	[dreg:$0x13] =	wrdreg s29  }
0x11: {  	s1 =	sand.u32 $0xC000, s30;
	s30 =	sadd.s32 s28, s4;
	[dreg:$0x16] =	wrdreg s31  }
0x12: {  	s3 =	sor.u32 $0x10000, s2;
	s13 =	sor.u32 $0x14000, s2;
	s14 =	sor.u32 $0x16000, s2  }
0x13: {  	s18 =	sor.u32 $0x18000, s2;
	s19 =	sor.u32 $0x1A000, s2;
	s24 =	sadd.s32 s2, s4  }
0x14: {  	s25 =	sor.u32 $0x1C000, s2;
	s28 =	sor.u32 $0x1E000, s2;
	[dreg:$0x15] =	wrdreg s30  }
0x15: {  	s31 =	sshll.u32 s12, $0xE;
	s1 =	sadd.s32 s1, s8;
	[smem:$0x7FB] =	sst s24  }
0x16: {  	s8 =	sshll.u32 s7, $0xD;
	s16 =	sadd.s32 s14, s4;
	s30 =	rddreg [dreg:$0x1]  }
0x17: {  	s7 =	sor.u32 $0x12000, s2;
	s17 =	sadd.s32 s14, s6;
	[dreg:$0x1d] =	wrdreg s16  }
0x18: {  	s21 =	sadd.s32 s19, s4;
	s23 =	sadd.s32 s19, s6;
	[dreg:$0x1e] =	wrdreg s17  }
0x19: {  	s29 =	sadd.s32 s25, s4;
	s24 =	sshll.u32 s12, $0x1;
	[smem:$0x7F9] =	sst s21  }
0x1a: {  	s14 =	simm.s32 $0x2000;
	s19 =	simm.s32 $0x3000;
	[smem:$0x7FA] =	sst s23  }
0x1b: {  	s1 =	sadd.s32 s5, s1;
	s10 =	sadd.s32 s8, s4;
	[smem:$0x7FD] =	sst s29  }
0x1c: {  	s9 =	sadd.s32 s7, s4;
	s5 =	simm.s32 $0x0;
	[dreg:$0x6] =	wrdreg s1  }
0x1d: {  	s23 =	sshllo.u32 s12, $0x1;
	s12 =	smax.u32 s0, $0x1;
	[dreg:$0x7] =	wrdreg s10  }
0x1e: {  	s16 =	simm.s32 $0x7300;
	s17 =	simm.s32 $0x4;
	[dreg:$0x19] =	wrdreg s9  }
0x1f: {  	s21 =	simm.s32 $0x1;
	s1 =	sadd.s32 s8, s6;
	[smem:$0x7FF] =	sst s5  }
0x20: {  	v1 =	vmov s24;
	s24 =	simm.s32 $0x0;
	s8 =	sadd.s32 s3, s4;
	[dreg:$0x8] =	wrdreg s1  }
0x21: {  	s10 =	sadd.s32 s7, s6;
	s9 =	sshll.u32 s23, $0xD;
	[dreg:$0x17] =	wrdreg s8  }
0x22: {  	s7 =	sadd.s32 s30, s31;
	s1 =	sadd.s32 s15, s6;
	[dreg:$0x1a] =	wrdreg s10  }
0x23: {  	v2 =	vmov s23;
	s23 =	simm.s32 $0x2;
	s15 =	sadd.s32 s13, s4;
	[dreg:$0xc] =	wrdreg s1  }
0x24: {  	s8 =	sadd.s32 s30, s9;
	s1 =	sadd.s32 s20, s6;
	[dreg:$0x1b] =	wrdreg s15  }
0x25: {  	s9 =	sadd.s32 $0x4600, s11;
	s20 =	sadd.s32 s18, s4;
	[dreg:$0x10] =	wrdreg s1  }
0x26: {  	s10 =	sadd.s32 $0x2600, s11;
	s1 =	sadd.s32 s26, s6;
	[dreg:$0x1f] =	wrdreg s20  }
0x27: {  	s11 =	sadd.s32 $0x600, s11;
	s26 =	sadd.s32 s2, s6;
	[dreg:$0x14] =	wrdreg s1  }
0x28: {  	s4 =	sadd.s32 s28, s4;
	s1 =	sadd.s32 s3, s6;
	[smem:$0x7FC] =	sst s26  }
0x29: {  	s15 =	simm.s32 $0x5;
	[dreg:$0x18] =	wrdreg s1;
	s1 =	sadd.s32 s13, s6  }
0x2a: {  	v4 =	vlaneseq.u32;
	s20 =	simm.s32 $0x5080;
	[dreg:$0x1c] =	wrdreg s1;
	s1 =	sadd.s32 s18, s6  }
0x2b: {  	v7 =	vmul.u32 $0x100, v4;
	s3 =	sadd.s32 s25, s6;
	s13 =	simm.s32 $0x1000;
	[smem:$0x7F8] =	sst s1  }
0x2c: {  	v3 =	vimm.f32 $0.0e+00;
	v5 =	vimm.s32 $0x0;
	v6 =	vimm.s32 $0xFFFFFFFF;
	s6 =	sadd.s32 s28, s6;
	s18 =	simm.s32 $0x7100;
	_ =	strace $0x80000047  }
.LBB2_1:
0x2d: {  	[tilespmem:s5], [sflag:$0x4] =	stream.linear.gather [hbm4b:s9+s5], $0x1000, $0x38;
	[tilespmem:$0x1D300] =	vst v63  }
0x2e: {  	s25 =	simm.s32 $0x0  }
0x2f: {  	s26 =	sand.u32 $0xE00, s5;
	s0 =	sand.u32 $0x80, s25  }
0x30: {  	[tilespmem:s13], [sflag:$0x4] =	stream.linear.gather [hbm4b:s10+s5], $0x1000, $0x38;
	[tilespmem:$0x1D300] =	vst v63  }
0x31: {  	s26 =	sor.u32 s0, s26  }
0x32: {  	[tilespmem:s14], [sflag:$0x4] =	stream.linear.gather [hbm4b:s11+s5], $0x1000, $0x38;
	[tilespmem:$0x1D300] =	vst v63  }
0x33: {  	s0 =	sadd.s32 $0x17300, s26;
	[tilespmem:s26+$0x17300] =	vst v3  }
0x34: {  	[tilespmem:s0+$0x40] =	vst v3  }
0x35: {  	[tilespmem:s0+$0x50] =	vst v3  }
0x36: {  	[tilespmem:s0+$0x60] =	vst v3  }
0x37: {  	[tilespmem:s0+$0x70] =	vst v3  }
0x38: {  	s28 =	simm.s32 $0x0;
	[tilespmem:s0+$0x20] =	vst v3  }
.LBB2_2:
0x39: {  	s25 =	sadd.s32 $0x10, s25;
	[tilespmem:s0+$0x10] =	vst v3;
	s28 =	sadd.s32 $0x200, s28  }
0x3a: {  	s29 =	sand.u32 $0x80, s25;
	s30 =	sand.u32 $0xE00, s28;
	p0 =	slt.u32 s25, $0xF0;
	[tilespmem:s0+$0x30] =	vst v3  }
0x3b: {  	[tilespmem:s26+$0x17400] =	vst v3;
	s26 =	sor.u32 s29, s30  }
0x3c: {  	s29 =	sadd.s32 $0x17300, s26;
	[tilespmem:s26+$0x17300] =	vst v3  }
0x3d: {  	[tilespmem:s29+$0x20] =	vst v3  }
0x3e: {  	[tilespmem:s0+$0x110] =	vst v3  }
0x3f: {  	[tilespmem:s0+$0x120] =	vst v3  }
0x40: {  	[tilespmem:s0+$0x130] =	vst v3  }
0x41: {  	[tilespmem:s0+$0x140] =	vst v3  }
0x42: {  	[tilespmem:s0+$0x150] =	vst v3  }
0x43: {  	[tilespmem:s0+$0x160] =	vst v3  }
.Ltmp0:
0x44: {  	[tilespmem:s0+$0x170] =	vst v3;
	s0 =	smov.u32 s29;
	(pc) =	sbr.rel @p0 .LBB2_2-.Ltmp0, $4  }
0x45: {  	[tilespmem:s0+$0x40] =	vst v3  }
0x46: {  	[tilespmem:s0+$0x50] =	vst v3  }
0x47: {  	[tilespmem:s0+$0x60] =	vst v3  }
0x48: {  	[tilespmem:s0+$0x70] =	vst v3  }
0x49: {  	[tilespmem:s0+$0x10] =	vst v3  }
0x4a: {  	[tilespmem:s0+$0x30] =	vst v3  }
0x4b: {  	[tilespmem:s26+$0x17400] =	vst v3  }
0x4c: {  	[tilespmem:s0+$0x110] =	vst v3  }
0x4d: {  	[tilespmem:s0+$0x120] =	vst v3  }
0x4e: {  	[tilespmem:s0+$0x130] =	vst v3  }
0x4f: {  	[tilespmem:s0+$0x140] =	vst v3  }
0x50: {  	[tilespmem:s0+$0x150] =	vst v3  }
0x51: {  	s30 =	rddreg [dreg:$0x6];
	[tilespmem:s0+$0x160] =	vst v3  }
0x52: {  	s1 =	simm.s32 $0x100;
	s2 =	simm.s32 $0x400;
	s25 =	simm.s32 $0x17300;
	[tilespmem:s0+$0x170] =	vst v3  }
0x53: {  	[spmem:s30] =	stream.strided.scatter [tilespmem:s25], [sflag:$0x5], $0x1000, s2, s1, $0x38;
	[tilespmem:$0x1D300] =	vst v63  }
0x54: {  	_ =	swait.ge [sflag:s15], $0x1000  }
0x55: {  	[sflag:s15] =	ssyncset.done $0x0  }
0x56: {  	[sflag:s15] =	ssyncadd.s32 $0xFFFFF000  }
0x57: {  	[bflag:$0x0] =	sbarrier.arrive $0xFFFF  }
0x58: {  	s31 =	rddreg [dreg:$0x2]  }
0x59: {  	[tilespmem:s16], [sflag:$0x3] =	stream.linear.gather [spmem:s31], $0x10000, $0x38;
	[tilespmem:$0x1D300] =	vst v63  }
0x5a: {  	_ =	swait.ge [sflag:s17], $0x1000  }
0x5b: {  	[sflag:s17] =	ssyncset.done $0x0  }
0x5c: {  	[sflag:s17] =	ssyncadd.s32 $0xFFFFF000  }
0x5d: {  	_ =	swait.ge [sflag:s17], $0x1000  }
0x5e: {  	[sflag:s17] =	ssyncset.done $0x0  }
0x5f: {  	[sflag:s17] =	ssyncadd.s32 $0xFFFFF000  }
0x60: {  	_ =	swait.ge [sflag:s17], $0x1000  }
0x61: {  	[sflag:s17] =	ssyncset.done $0x0  }
0x62: {  	[sflag:s17] =	ssyncadd.s32 $0xFFFFF000  }
0x63: {  	[tilespmem:$0x7100] =	vst v5  }
0x64: {  	[tilespmem:$0x7110] =	vst v5  }
0x65: {  	[tilespmem:$0x7120] =	vst v5  }
0x66: {  	[tilespmem:$0x7130] =	vst v5  }
0x67: {  	[tilespmem:$0x7140] =	vst v5  }
0x68: {  	[tilespmem:$0x7150] =	vst v5  }
0x69: {  	[tilespmem:$0x7160] =	vst v5  }
0x6a: {  	[tilespmem:$0x7170] =	vst v5  }
0x6b: {  	[tilespmem:$0x7180] =	vst v5  }
0x6c: {  	[tilespmem:$0x7190] =	vst v5  }
0x6d: {  	[tilespmem:$0x71A0] =	vst v5  }
0x6e: {  	[tilespmem:$0x71B0] =	vst v5  }
0x6f: {  	[tilespmem:$0x71C0] =	vst v5  }
0x70: {  	[tilespmem:$0x71D0] =	vst v5  }
0x71: {  	[tilespmem:$0x71E0] =	vst v5  }
0x72: {  	[tilespmem:$0x71F0] =	vst v5  }
0x73: {  	[tilespmem:$0x7200] =	vst v5  }
0x74: {  	[tilespmem:$0x7210] =	vst v5  }
0x75: {  	[tilespmem:$0x7220] =	vst v5  }
0x76: {  	[tilespmem:$0x7230] =	vst v5  }
0x77: {  	[tilespmem:$0x7240] =	vst v5  }
0x78: {  	[tilespmem:$0x7250] =	vst v5  }
0x79: {  	[tilespmem:$0x7260] =	vst v5  }
0x7a: {  	[tilespmem:$0x7270] =	vst v5  }
0x7b: {  	[tilespmem:$0x7280] =	vst v5  }
0x7c: {  	[tilespmem:$0x7290] =	vst v5  }
0x7d: {  	[tilespmem:$0x72A0] =	vst v5  }
0x7e: {  	[tilespmem:$0x72B0] =	vst v5  }
0x7f: {  	[tilespmem:$0x72C0] =	vst v5  }
0x80: {  	[tilespmem:$0x72D0] =	vst v5  }
0x81: {  	[tilespmem:$0x72E0] =	vst v5  }
0x82: {  	s0 =	simm.s32 $0x3040;
	[tilespmem:$0x72F0] =	vst v5  }
0x83: {  	[tilespmem:s0+$0xFFFFFFC0] =	vst v6  }
0x84: {  	[tilespmem:s0+$0x30] =	vst v6  }
0x85: {  	[tilespmem:s0+$0x20] =	vst v6  }
0x86: {  	[tilespmem:s0+$0x10] =	vst v6  }
0x87: {  	[tilespmem:s0+$0x0] =	vst v6  }
0x88: {  	[tilespmem:s0+$0xFFFFFFF0] =	vst v6  }
0x89: {  	s25 =	simm.s32 $0x0;
	[tilespmem:s0+$0xFFFFFFE0] =	vst v6  }
.LBB2_4:
0x8a: {  	s25 =	sadd.s32 $0x8, s25;
	[tilespmem:s0+$0xFFFFFFD0] =	vst v6;
	s0 =	sadd.s32 $0x80, s0  }
0x8b: {  	[tilespmem:s0+$0xFFFFFFC0] =	vst v6;
	p0 =	slt.u32 s25, $0x1F8  }
0x8c: {  	[tilespmem:s0+$0x30] =	vst v6  }
.Ltmp1:
0x8d: {  	[tilespmem:s0+$0x20] =	vst v6;
	(pc) =	sbr.rel @p0 .LBB2_4-.Ltmp1, $4  }
0x8e: {  	[tilespmem:s0+$0x10] =	vst v6  }
0x8f: {  	[tilespmem:s0+$0x0] =	vst v6  }
0x90: {  	[tilespmem:s0+$0xFFFFFFF0] =	vst v6  }
0x91: {  	[tilespmem:s0+$0xFFFFFFE0] =	vst v6  }
0x92: {  	[tilespmem:s0+$0xFFFFFFD0] =	vst v6  }
0x93: {  	s25 =	simm.s32 $0x0;
	[tilespmem:$0x5000] =	vst v6  }
.LBB2_6:
0x94: {  	v8 =	vor.u32 s25, v7;
	_ =	sdelay $0x4  }
0x95: {  	v9 =	vld.idx.msk [tilespmem:v8+s5+$0x0], $0xffff  }
0x96: {  	v10 =	vld.idx.msk [tilespmem:v8+s13+$0x0], $0xffff;
	_ =	sdelay $0x3  }
0x97: {  	v9 =	vmul.f32 $2.048000000e+03, v9  }
0x98: {  	v10 =	vmul.f32 $2.048000000e+03, v10  }
0x99: {  	v9 =	vtrunc.f32 v9  }
0x9a: {  	v10 =	vtrunc.f32 v10;
	v9 =	vcvt.f32.s32 v9  }
0x9b: {  	v10 =	vcvt.f32.s32 v10  }
0x9c: {  	vm0 =	vlt.s32 v9, $0x7FF  }
0x9d: {  	vm10 =	vlt.s32 v10, $0x7FF;
	v9 =	vnsel vm0, $0x7FF, v9  }
0x9e: {  	v10 =	vnsel vm10, $0x7FF, v10;
	v9 =	vshll.u32 v9, $0xB  }
0x9f: {  	v9 =	vadd.s32 v10, v9  }
0xa0: {  	v10 =	vshrl.u32 v9, $0x10;
	v11 =	vshrl.u32 v9, $0x11  }
0xa1: {  	v12 =	vand.u32 $0x7FFE, v11;
	v10 =	vand.u32 $0x1, v10  }
0xa2: {  	v10 =	vor.u32 v10, v12  }
0xa3: {  	v10 =	vshll.u32 v10, $0x4  }
0xa4: {  	v61 =	vshrl.u32 v9, $0xD;
	v10 =	vor.u32 v4, v10  }
0xa5: {  	v12 =	vand.u32 $0x7FF80, v61;
	v13 =	vand.u32 $0x7F, v10  }
0xa6: {  	v12 =	vor.u32 v12, v13;
	_ =	sdelay $0x4  }
0xa7: {  	v13 =	vld.idx.msk [tilespmem:v12+s18+$0x0], $0xffff;
	_ =	sdelay $0x4  }
0xa8: {  	v11 =	vand.u32 $0x1, v11;
	vm11 =	vlt.s32 v13, $0xF  }
0xa9: {  	vm1 =	veq.s32 v11, v0;
	v10 =	vshll.u32 v10, $0x4;
	v62 =	vnsel vm11, $0xF, v13  }
0xaa: {  	v10 =	vadd.s32 v62, v10  }
0xab: {  	v8 =	vld.idx.msk [tilespmem:v8+s14+$0x0], $0xffff  }
0xac: {  	s0 =	sadd.s32 $0x1, s25  }
0xad: {  	v63 =	vor.u32 s0, v7;
	_ =	sdelay $0x1  }
0xae: {  	[tilespmem:v10+s19+$0x0] =	vst.idx.msk vm1, v9  }
0xaf: {  	[tilespmem:v10+s20+$0x0] =	vst.idx.msk vm1, v8;
	v8 =	vadd.s32 $0x1, v13  }
0xb0: {  	[tilespmem:v12+s18+$0x0] =	vst.idx.msk vm1, v8  }
0xb1: {  	v8 =	vld.idx.msk [tilespmem:v63+s5+$0x0], $0xffff  }
0xb2: {  	v9 =	vld.idx.msk [tilespmem:v63+s13+$0x0], $0xffff;
	_ =	sdelay $0x3  }
0xb3: {  	v8 =	vmul.f32 $2.048000000e+03, v8  }
0xb4: {  	v9 =	vmul.f32 $2.048000000e+03, v9  }
0xb5: {  	v8 =	vtrunc.f32 v8  }
0xb6: {  	v9 =	vtrunc.f32 v9;
	v8 =	vcvt.f32.s32 v8  }
0xb7: {  	v9 =	vcvt.f32.s32 v9  }
0xb8: {  	vm12 =	vlt.s32 v8, $0x7FF  }
0xb9: {  	vm13 =	vlt.s32 v9, $0x7FF;
	v8 =	vnsel vm12, $0x7FF, v8  }
0xba: {  	v9 =	vnsel vm13, $0x7FF, v9;
	v8 =	vshll.u32 v8, $0xB  }
0xbb: {  	v8 =	vadd.s32 v9, v8  }
0xbc: {  	v9 =	vshrl.u32 v8, $0x10;
	v16 =	vshrl.u32 v8, $0x11  }
0xbd: {  	v17 =	vand.u32 $0x7FFE, v16;
	v9 =	vand.u32 $0x1, v9  }
0xbe: {  	v9 =	vor.u32 v9, v17  }
0xbf: {  	v9 =	vshll.u32 v9, $0x4  }
0xc0: {  	v18 =	vshrl.u32 v8, $0xD;
	v9 =	vor.u32 v4, v9  }
0xc1: {  	v12 =	vand.u32 $0x7FF80, v18;
	v19 =	vand.u32 $0x7F, v9  }
0xc2: {  	v12 =	vor.u32 v12, v19;
	_ =	sdelay $0x4  }
0xc3: {  	v13 =	vld.idx.msk [tilespmem:v12+s18+$0x0], $0xffff;
	_ =	sdelay $0x4  }
0xc4: {  	v10 =	vand.u32 $0x1, v16;
	vm14 =	vlt.s32 v13, $0xF  }
0xc5: {  	vm15 =	veq.s32 v10, v0;
	v9 =	vshll.u32 v9, $0x4;
	v20 =	vnsel vm14, $0xF, v13  }
0xc6: {  	v9 =	vadd.s32 v20, v9  }
0xc7: {  	v21 =	vld.idx.msk [tilespmem:v63+s14+$0x0], $0xffff  }
0xc8: {  	s2 =	sadd.s32 $0x2, s25  }
0xc9: {  	v22 =	vor.u32 s2, v7;
	_ =	sdelay $0x1  }
0xca: {  	[tilespmem:v9+s19+$0x0] =	vst.idx.msk vm15, v8  }
0xcb: {  	v8 =	vadd.s32 $0x1, v13;
	[tilespmem:v9+s20+$0x0] =	vst.idx.msk vm15, v21  }
0xcc: {  	[tilespmem:v12+s18+$0x0] =	vst.idx.msk vm15, v8  }
0xcd: {  	v8 =	vld.idx.msk [tilespmem:v22+s5+$0x0], $0xffff  }
0xce: {  	v9 =	vld.idx.msk [tilespmem:v22+s13+$0x0], $0xffff;
	_ =	sdelay $0x3  }
0xcf: {  	v8 =	vmul.f32 $2.048000000e+03, v8  }
0xd0: {  	v9 =	vmul.f32 $2.048000000e+03, v9  }
0xd1: {  	v8 =	vtrunc.f32 v8  }
0xd2: {  	v9 =	vtrunc.f32 v9;
	v8 =	vcvt.f32.s32 v8  }
0xd3: {  	v9 =	vcvt.f32.s32 v9  }
0xd4: {  	vm4 =	vlt.s32 v8, $0x7FF  }
0xd5: {  	vm5 =	vlt.s32 v9, $0x7FF;
	v8 =	vnsel vm4, $0x7FF, v8  }
0xd6: {  	v9 =	vnsel vm5, $0x7FF, v9;
	v8 =	vshll.u32 v8, $0xB  }
0xd7: {  	v8 =	vadd.s32 v9, v8  }
0xd8: {  	v9 =	vshrl.u32 v8, $0x10;
	v23 =	vshrl.u32 v8, $0x11  }
0xd9: {  	v24 =	vand.u32 $0x7FFE, v23;
	v9 =	vand.u32 $0x1, v9  }
0xda: {  	v9 =	vor.u32 v9, v24  }
0xdb: {  	v9 =	vshll.u32 v9, $0x4  }
0xdc: {  	v25 =	vshrl.u32 v8, $0xD;
	v9 =	vor.u32 v4, v9  }
0xdd: {  	v12 =	vand.u32 $0x7FF80, v25;
	v26 =	vand.u32 $0x7F, v9  }
0xde: {  	v12 =	vor.u32 v12, v26;
	_ =	sdelay $0x4  }
0xdf: {  	v13 =	vld.idx.msk [tilespmem:v12+s18+$0x0], $0xffff;
	_ =	sdelay $0x4  }
0xe0: {  	v10 =	vand.u32 $0x1, v23;
	vm6 =	vlt.s32 v13, $0xF  }
0xe1: {  	vm7 =	veq.s32 v10, v0;
	v9 =	vshll.u32 v9, $0x4;
	v27 =	vnsel vm6, $0xF, v13  }
0xe2: {  	v9 =	vadd.s32 v27, v9  }
0xe3: {  	v28 =	vld.idx.msk [tilespmem:v22+s14+$0x0], $0xffff  }
0xe4: {  	s26 =	sadd.s32 $0x3, s25  }
0xe5: {  	v29 =	vor.u32 s26, v7;
	_ =	sdelay $0x1  }
0xe6: {  	[tilespmem:v9+s19+$0x0] =	vst.idx.msk vm7, v8  }
0xe7: {  	v8 =	vadd.s32 $0x1, v13;
	[tilespmem:v9+s20+$0x0] =	vst.idx.msk vm7, v28  }
0xe8: {  	[tilespmem:v12+s18+$0x0] =	vst.idx.msk vm7, v8  }
0xe9: {  	v8 =	vld.idx.msk [tilespmem:v29+s5+$0x0], $0xffff  }
0xea: {  	v9 =	vld.idx.msk [tilespmem:v29+s13+$0x0], $0xffff;
	_ =	sdelay $0x3  }
0xeb: {  	v8 =	vmul.f32 $2.048000000e+03, v8  }
0xec: {  	v9 =	vmul.f32 $2.048000000e+03, v9  }
0xed: {  	v8 =	vtrunc.f32 v8  }
0xee: {  	v9 =	vtrunc.f32 v9;
	v8 =	vcvt.f32.s32 v8  }
0xef: {  	v9 =	vcvt.f32.s32 v9  }
0xf0: {  	vm8 =	vlt.s32 v8, $0x7FF  }
0xf1: {  	vm9 =	vlt.s32 v9, $0x7FF;
	v8 =	vnsel vm8, $0x7FF, v8  }
0xf2: {  	v9 =	vnsel vm9, $0x7FF, v9;
	v8 =	vshll.u32 v8, $0xB  }
0xf3: {  	v8 =	vadd.s32 v9, v8  }
0xf4: {  	v9 =	vshrl.u32 v8, $0x10;
	v30 =	vshrl.u32 v8, $0x11  }
0xf5: {  	v31 =	vand.u32 $0x7FFE, v30;
	v9 =	vand.u32 $0x1, v9  }
0xf6: {  	v9 =	vor.u32 v9, v31  }
0xf7: {  	v9 =	vshll.u32 v9, $0x4  }
0xf8: {  	v32 =	vshrl.u32 v8, $0xD;
	v9 =	vor.u32 v4, v9  }
0xf9: {  	v12 =	vand.u32 $0x7FF80, v32;
	v33 =	vand.u32 $0x7F, v9  }
0xfa: {  	v12 =	vor.u32 v12, v33;
	_ =	sdelay $0x4  }
0xfb: {  	v13 =	vld.idx.msk [tilespmem:v12+s18+$0x0], $0xffff;
	_ =	sdelay $0x4  }
0xfc: {  	v10 =	vand.u32 $0x1, v30;
	vm10 =	vlt.s32 v13, $0xF  }
0xfd: {  	vm11 =	veq.s32 v10, v0;
	v9 =	vshll.u32 v9, $0x4;
	v34 =	vnsel vm10, $0xF, v13  }
0xfe: {  	v9 =	vadd.s32 v34, v9  }
0xff: {  	v35 =	vld.idx.msk [tilespmem:v29+s14+$0x0], $0xffff  }
0x100: {  	s28 =	sadd.s32 $0x4, s25  }
0x101: {  	v36 =	vor.u32 s28, v7;
	_ =	sdelay $0x1  }
0x102: {  	[tilespmem:v9+s19+$0x0] =	vst.idx.msk vm11, v8  }
0x103: {  	v8 =	vadd.s32 $0x1, v13;
	[tilespmem:v9+s20+$0x0] =	vst.idx.msk vm11, v35  }
0x104: {  	[tilespmem:v12+s18+$0x0] =	vst.idx.msk vm11, v8  }
0x105: {  	v8 =	vld.idx.msk [tilespmem:v36+s5+$0x0], $0xffff  }
0x106: {  	v9 =	vld.idx.msk [tilespmem:v36+s13+$0x0], $0xffff;
	_ =	sdelay $0x3  }
0x107: {  	v8 =	vmul.f32 $2.048000000e+03, v8  }
0x108: {  	v9 =	vmul.f32 $2.048000000e+03, v9  }
0x109: {  	v8 =	vtrunc.f32 v8  }
0x10a: {  	v9 =	vtrunc.f32 v9;
	v8 =	vcvt.f32.s32 v8  }
0x10b: {  	v9 =	vcvt.f32.s32 v9  }
0x10c: {  	vm12 =	vlt.s32 v8, $0x7FF  }
0x10d: {  	vm13 =	vlt.s32 v9, $0x7FF;
	v8 =	vnsel vm12, $0x7FF, v8  }
0x10e: {  	v9 =	vnsel vm13, $0x7FF, v9;
	v8 =	vshll.u32 v8, $0xB  }
0x10f: {  	v8 =	vadd.s32 v9, v8  }
0x110: {  	v9 =	vshrl.u32 v8, $0x10;
	v37 =	vshrl.u32 v8, $0x11  }
0x111: {  	v38 =	vand.u32 $0x7FFE, v37;
	v9 =	vand.u32 $0x1, v9  }
0x112: {  	v9 =	vor.u32 v9, v38  }
0x113: {  	v9 =	vshll.u32 v9, $0x4  }
0x114: {  	v39 =	vshrl.u32 v8, $0xD;
	v9 =	vor.u32 v4, v9  }
0x115: {  	v12 =	vand.u32 $0x7FF80, v39;
	v40 =	vand.u32 $0x7F, v9  }
0x116: {  	v12 =	vor.u32 v12, v40;
	_ =	sdelay $0x4  }
0x117: {  	v13 =	vld.idx.msk [tilespmem:v12+s18+$0x0], $0xffff;
	_ =	sdelay $0x4  }
0x118: {  	v10 =	vand.u32 $0x1, v37;
	vm14 =	vlt.s32 v13, $0xF  }
0x119: {  	vm15 =	veq.s32 v10, v0;
	v9 =	vshll.u32 v9, $0x4;
	v41 =	vnsel vm14, $0xF, v13  }
0x11a: {  	v9 =	vadd.s32 v41, v9  }
0x11b: {  	v42 =	vld.idx.msk [tilespmem:v36+s14+$0x0], $0xffff  }
0x11c: {  	s29 =	sadd.s32 $0x5, s25  }
0x11d: {  	v43 =	vor.u32 s29, v7;
	_ =	sdelay $0x1  }
0x11e: {  	[tilespmem:v9+s19+$0x0] =	vst.idx.msk vm15, v8  }
0x11f: {  	v8 =	vadd.s32 $0x1, v13;
	[tilespmem:v9+s20+$0x0] =	vst.idx.msk vm15, v42  }
0x120: {  	[tilespmem:v12+s18+$0x0] =	vst.idx.msk vm15, v8  }
0x121: {  	v8 =	vld.idx.msk [tilespmem:v43+s5+$0x0], $0xffff  }
0x122: {  	v9 =	vld.idx.msk [tilespmem:v43+s13+$0x0], $0xffff;
	_ =	sdelay $0x3  }
0x123: {  	v8 =	vmul.f32 $2.048000000e+03, v8  }
0x124: {  	v9 =	vmul.f32 $2.048000000e+03, v9  }
0x125: {  	v8 =	vtrunc.f32 v8  }
0x126: {  	v9 =	vtrunc.f32 v9;
	v8 =	vcvt.f32.s32 v8  }
0x127: {  	v9 =	vcvt.f32.s32 v9  }
0x128: {  	vm4 =	vlt.s32 v8, $0x7FF  }
0x129: {  	vm5 =	vlt.s32 v9, $0x7FF;
	v8 =	vnsel vm4, $0x7FF, v8  }
0x12a: {  	v9 =	vnsel vm5, $0x7FF, v9;
	v8 =	vshll.u32 v8, $0xB  }
0x12b: {  	v8 =	vadd.s32 v9, v8  }
0x12c: {  	v9 =	vshrl.u32 v8, $0x10;
	v44 =	vshrl.u32 v8, $0x11  }
0x12d: {  	v45 =	vand.u32 $0x7FFE, v44;
	v9 =	vand.u32 $0x1, v9  }
0x12e: {  	v9 =	vor.u32 v9, v45  }
0x12f: {  	v9 =	vshll.u32 v9, $0x4  }
0x130: {  	v46 =	vshrl.u32 v8, $0xD;
	v9 =	vor.u32 v4, v9  }
0x131: {  	v12 =	vand.u32 $0x7FF80, v46;
	v47 =	vand.u32 $0x7F, v9  }
0x132: {  	v12 =	vor.u32 v12, v47;
	_ =	sdelay $0x4  }
0x133: {  	v13 =	vld.idx.msk [tilespmem:v12+s18+$0x0], $0xffff;
	_ =	sdelay $0x4  }
0x134: {  	v10 =	vand.u32 $0x1, v44;
	vm6 =	vlt.s32 v13, $0xF  }
0x135: {  	vm7 =	veq.s32 v10, v0;
	v9 =	vshll.u32 v9, $0x4;
	v48 =	vnsel vm6, $0xF, v13  }
0x136: {  	v9 =	vadd.s32 v48, v9  }
0x137: {  	v49 =	vld.idx.msk [tilespmem:v43+s14+$0x0], $0xffff  }
0x138: {  	s30 =	sadd.s32 $0x6, s25  }
0x139: {  	v50 =	vor.u32 s30, v7;
	_ =	sdelay $0x1  }
0x13a: {  	[tilespmem:v9+s19+$0x0] =	vst.idx.msk vm7, v8  }
0x13b: {  	v8 =	vadd.s32 $0x1, v13;
	[tilespmem:v9+s20+$0x0] =	vst.idx.msk vm7, v49  }
0x13c: {  	[tilespmem:v12+s18+$0x0] =	vst.idx.msk vm7, v8  }
0x13d: {  	v8 =	vld.idx.msk [tilespmem:v50+s5+$0x0], $0xffff  }
0x13e: {  	v9 =	vld.idx.msk [tilespmem:v50+s13+$0x0], $0xffff;
	_ =	sdelay $0x3  }
0x13f: {  	v8 =	vmul.f32 $2.048000000e+03, v8  }
0x140: {  	v9 =	vmul.f32 $2.048000000e+03, v9  }
0x141: {  	v8 =	vtrunc.f32 v8  }
0x142: {  	v9 =	vtrunc.f32 v9;
	v8 =	vcvt.f32.s32 v8  }
0x143: {  	v9 =	vcvt.f32.s32 v9  }
0x144: {  	vm8 =	vlt.s32 v8, $0x7FF  }
0x145: {  	vm9 =	vlt.s32 v9, $0x7FF;
	v8 =	vnsel vm8, $0x7FF, v8  }
0x146: {  	v9 =	vnsel vm9, $0x7FF, v9;
	v8 =	vshll.u32 v8, $0xB  }
0x147: {  	v8 =	vadd.s32 v9, v8  }
0x148: {  	v9 =	vshrl.u32 v8, $0x10;
	v51 =	vshrl.u32 v8, $0x11  }
0x149: {  	v52 =	vand.u32 $0x7FFE, v51;
	v9 =	vand.u32 $0x1, v9  }
0x14a: {  	v9 =	vor.u32 v9, v52  }
0x14b: {  	v9 =	vshll.u32 v9, $0x4  }
0x14c: {  	v53 =	vshrl.u32 v8, $0xD;
	v9 =	vor.u32 v4, v9  }
0x14d: {  	v12 =	vand.u32 $0x7FF80, v53;
	v54 =	vand.u32 $0x7F, v9  }
0x14e: {  	v12 =	vor.u32 v12, v54;
	_ =	sdelay $0x4  }
0x14f: {  	v13 =	vld.idx.msk [tilespmem:v12+s18+$0x0], $0xffff;
	_ =	sdelay $0x4  }
0x150: {  	v10 =	vand.u32 $0x1, v51;
	vm10 =	vlt.s32 v13, $0xF  }
0x151: {  	vm11 =	veq.s32 v10, v0;
	v9 =	vshll.u32 v9, $0x4;
	v55 =	vnsel vm10, $0xF, v13  }
0x152: {  	v9 =	vadd.s32 v55, v9  }
0x153: {  	v56 =	vld.idx.msk [tilespmem:v50+s14+$0x0], $0xffff  }
0x154: {  	s31 =	sadd.s32 $0x7, s25  }
0x155: {  	v57 =	vor.u32 s31, v7;
	_ =	sdelay $0x1  }
0x156: {  	[tilespmem:v9+s19+$0x0] =	vst.idx.msk vm11, v8  }
0x157: {  	v8 =	vadd.s32 $0x1, v13;
	[tilespmem:v9+s20+$0x0] =	vst.idx.msk vm11, v56  }
0x158: {  	[tilespmem:v12+s18+$0x0] =	vst.idx.msk vm11, v8  }
0x159: {  	v8 =	vld.idx.msk [tilespmem:v57+s5+$0x0], $0xffff  }
0x15a: {  	v9 =	vld.idx.msk [tilespmem:v57+s13+$0x0], $0xffff;
	_ =	sdelay $0x3  }
0x15b: {  	v8 =	vmul.f32 $2.048000000e+03, v8  }
0x15c: {  	v9 =	vmul.f32 $2.048000000e+03, v9  }
0x15d: {  	v8 =	vtrunc.f32 v8  }
0x15e: {  	v9 =	vtrunc.f32 v9;
	v8 =	vcvt.f32.s32 v8  }
0x15f: {  	v9 =	vcvt.f32.s32 v9  }
0x160: {  	vm12 =	vlt.s32 v8, $0x7FF  }
0x161: {  	vm13 =	vlt.s32 v9, $0x7FF;
	v8 =	vnsel vm12, $0x7FF, v8  }
0x162: {  	v9 =	vnsel vm13, $0x7FF, v9;
	v8 =	vshll.u32 v8, $0xB  }
0x163: {  	v8 =	vadd.s32 v9, v8  }
0x164: {  	v9 =	vshrl.u32 v8, $0x10;
	v58 =	vshrl.u32 v8, $0x11  }
0x165: {  	v59 =	vand.u32 $0x7FFE, v58;
	v9 =	vand.u32 $0x1, v9  }
0x166: {  	v9 =	vor.u32 v9, v59  }
0x167: {  	v9 =	vshll.u32 v9, $0x4  }
0x168: {  	v60 =	vshrl.u32 v8, $0xD;
	v9 =	vor.u32 v4, v9  }
0x169: {  	v12 =	vand.u32 $0x7FF80, v60;
	v61 =	vand.u32 $0x7F, v9  }
0x16a: {  	v12 =	vor.u32 v12, v61;
	_ =	sdelay $0x4  }
0x16b: {  	v13 =	vld.idx.msk [tilespmem:v12+s18+$0x0], $0xffff;
	_ =	sdelay $0x4  }
0x16c: {  	v10 =	vand.u32 $0x1, v58;
	vm14 =	vlt.s32 v13, $0xF  }
0x16d: {  	vm15 =	veq.s32 v10, v0;
	v9 =	vshll.u32 v9, $0x4;
	v62 =	vnsel vm14, $0xF, v13  }
0x16e: {  	v9 =	vadd.s32 v62, v9  }
0x16f: {  	v63 =	vld.idx.msk [tilespmem:v57+s14+$0x0], $0xffff  }
0x170: {  	p0 =	slt.u32 s25, $0xF8  }
.Ltmp2:
0x171: {  	_ = 	snop;
	(pc) =	sbr.rel @p0 .LBB2_6-.Ltmp2, $4  }
0x172: {  	_ = 	snop  }
0x173: {  	[tilespmem:v9+s19+$0x0] =	vst.idx.msk vm15, v8  }
0x174: {  	v8 =	vadd.s32 $0x1, v13;
	[tilespmem:v9+s20+$0x0] =	vst.idx.msk vm15, v63  }
0x175: {  	s25 =	sadd.s32 $0x8, s25;
	[tilespmem:v12+s18+$0x0] =	vst.idx.msk vm15, v8  }
0x176: {  	s0 =	rddreg [dreg:$0x7]  }
0x177: {  	[spmem:s0] =	stream.linear.scatter [tilespmem:s19], [sflag:$0x1], $0x2000, $0x38;
	[tilespmem:$0x1D300] =	vst v63  }
0x178: {  	s26 =	rddreg [dreg:$0x8]  }
0x179: {  	[spmem:s26] =	stream.linear.scatter [tilespmem:s20], [sflag:$0x1], $0x2000, $0x38;
	[tilespmem:$0x1D300] =	vst v63  }
0x17a: {  	_ =	swait.ge [sflag:s21], $0x2000  }
0x17b: {  	[sflag:s21] =	ssyncset.done $0x0  }
0x17c: {  	[sflag:s21] =	ssyncadd.s32 $0xFFFFE000  }
0x17d: {  	_ =	swait.ge [sflag:s21], $0x2000  }
0x17e: {  	[sflag:s21] =	ssyncset.done $0x0  }
0x17f: {  	[sflag:s21] =	ssyncadd.s32 $0xFFFFE000  }
0x180: {  	[bflag:$0x0] =	sbarrier.arrive $0xFFFF  }
0x181: {  	s29 =	sld [smem:$0x7FB];
	_ =	sdelay $0x1  }
0x182: {  	s30 =	sld [smem:$0x7FC]  }
0x183: {  	[tilespmem:s19], [sflag:$0x2] =	stream.linear.gather [spmem:s29], $0x200, $0x38;
	[tilespmem:$0x1D300] =	vst v63  }
0x184: {  	s31 =	rddreg [dreg:$0x9]  }
0x185: {  	[tilespmem:s20], [sflag:$0x2] =	stream.linear.gather [spmem:s30], $0x200, $0x38;
	[tilespmem:$0x1D300] =	vst v63  }
0x186: {  	s1 =	simm.s32 $0x3200;
	s2 =	rddreg [dreg:$0xa]  }
0x187: {  	[tilespmem:s1], [sflag:$0x2] =	stream.linear.gather [spmem:s31], $0x200, $0x38;
	[tilespmem:$0x1D300] =	vst v63  }
0x188: {  	s25 =	simm.s32 $0x5280;
	s26 =	rddreg [dreg:$0xb]  }
0x189: {  	[tilespmem:s25], [sflag:$0x2] =	stream.linear.gather [spmem:s2], $0x200, $0x38;
	[tilespmem:$0x1D300] =	vst v63  }
0x18a: {  	s29 =	simm.s32 $0x3400;
	s30 =	rddreg [dreg:$0xc]  }
0x18b: {  	[tilespmem:s29], [sflag:$0x2] =	stream.linear.gather [spmem:s26], $0x200, $0x38;
	[tilespmem:$0x1D300] =	vst v63  }
0x18c: {  	s31 =	simm.s32 $0x5480;
	s2 =	rddreg [dreg:$0xd]  }
0x18d: {  	[tilespmem:s31], [sflag:$0x2] =	stream.linear.gather [spmem:s30], $0x200, $0x38;
	[tilespmem:$0x1D300] =	vst v63  }
0x18e: {  	s25 =	simm.s32 $0x3600;
	s26 =	rddreg [dreg:$0xe]  }
0x18f: {  	[tilespmem:s25], [sflag:$0x2] =	stream.linear.gather [spmem:s2], $0x200, $0x38;
	[tilespmem:$0x1D300] =	vst v63  }
0x190: {  	s29 =	simm.s32 $0x5680;
	s30 =	rddreg [dreg:$0xf]  }
0x191: {  	[tilespmem:s29], [sflag:$0x2] =	stream.linear.gather [spmem:s26], $0x200, $0x38;
	[tilespmem:$0x1D300] =	vst v63  }
0x192: {  	s31 =	simm.s32 $0x3800;
	s2 =	rddreg [dreg:$0x10]  }
0x193: {  	[tilespmem:s31], [sflag:$0x2] =	stream.linear.gather [spmem:s30], $0x200, $0x38;
	[tilespmem:$0x1D300] =	vst v63  }
0x194: {  	s25 =	simm.s32 $0x5880;
	s26 =	rddreg [dreg:$0x11]  }
0x195: {  	[tilespmem:s25], [sflag:$0x2] =	stream.linear.gather [spmem:s2], $0x200, $0x38;
	[tilespmem:$0x1D300] =	vst v63  }
0x196: {  	s29 =	simm.s32 $0x3A00;
	s30 =	rddreg [dreg:$0x12]  }
0x197: {  	[tilespmem:s29], [sflag:$0x2] =	stream.linear.gather [spmem:s26], $0x200, $0x38;
	[tilespmem:$0x1D300] =	vst v63  }
0x198: {  	s31 =	simm.s32 $0x5A80;
	s2 =	rddreg [dreg:$0x13]  }
0x199: {  	[tilespmem:s31], [sflag:$0x2] =	stream.linear.gather [spmem:s30], $0x200, $0x38;
	[tilespmem:$0x1D300] =	vst v63  }
0x19a: {  	s25 =	simm.s32 $0x3C00;
	s26 =	rddreg [dreg:$0x14]  }
0x19b: {  	[tilespmem:s25], [sflag:$0x2] =	stream.linear.gather [spmem:s2], $0x200, $0x38;
	[tilespmem:$0x1D300] =	vst v63  }
0x19c: {  	s29 =	simm.s32 $0x5C80;
	s30 =	rddreg [dreg:$0x15]  }
0x19d: {  	[tilespmem:s29], [sflag:$0x2] =	stream.linear.gather [spmem:s26], $0x200, $0x38;
	[tilespmem:$0x1D300] =	vst v63  }
0x19e: {  	s31 =	simm.s32 $0x3E00;
	s2 =	rddreg [dreg:$0x16]  }
0x19f: {  	[tilespmem:s31], [sflag:$0x2] =	stream.linear.gather [spmem:s30], $0x200, $0x38;
	[tilespmem:$0x1D300] =	vst v63  }
0x1a0: {  	s25 =	simm.s32 $0x5E80;
	s26 =	rddreg [dreg:$0x17]  }
0x1a1: {  	[tilespmem:s25], [sflag:$0x2] =	stream.linear.gather [spmem:s2], $0x200, $0x38;
	[tilespmem:$0x1D300] =	vst v63  }
0x1a2: {  	s29 =	simm.s32 $0x4000;
	s30 =	rddreg [dreg:$0x18]  }
0x1a3: {  	[tilespmem:s29], [sflag:$0x2] =	stream.linear.gather [spmem:s26], $0x200, $0x38;
	[tilespmem:$0x1D300] =	vst v63  }
0x1a4: {  	s31 =	simm.s32 $0x6080;
	s2 =	rddreg [dreg:$0x19]  }
0x1a5: {  	[tilespmem:s31], [sflag:$0x2] =	stream.linear.gather [spmem:s30], $0x200, $0x38;
	[tilespmem:$0x1D300] =	vst v63  }
0x1a6: {  	s25 =	simm.s32 $0x4200;
	s26 =	rddreg [dreg:$0x1a]  }
0x1a7: {  	[tilespmem:s25], [sflag:$0x2] =	stream.linear.gather [spmem:s2], $0x200, $0x38;
	[tilespmem:$0x1D300] =	vst v63  }
0x1a8: {  	s29 =	simm.s32 $0x6280;
	s30 =	rddreg [dreg:$0x1b]  }
0x1a9: {  	[tilespmem:s29], [sflag:$0x2] =	stream.linear.gather [spmem:s26], $0x200, $0x38;
	[tilespmem:$0x1D300] =	vst v63  }
0x1aa: {  	s31 =	simm.s32 $0x4400;
	s2 =	rddreg [dreg:$0x1c]  }
0x1ab: {  	[tilespmem:s31], [sflag:$0x2] =	stream.linear.gather [spmem:s30], $0x200, $0x38;
	[tilespmem:$0x1D300] =	vst v63  }
0x1ac: {  	s25 =	simm.s32 $0x6480;
	s26 =	rddreg [dreg:$0x1d]  }
0x1ad: {  	[tilespmem:s25], [sflag:$0x2] =	stream.linear.gather [spmem:s2], $0x200, $0x38;
	[tilespmem:$0x1D300] =	vst v63  }
0x1ae: {  	s29 =	simm.s32 $0x4600;
	s30 =	rddreg [dreg:$0x1e]  }
0x1af: {  	[tilespmem:s29], [sflag:$0x2] =	stream.linear.gather [spmem:s26], $0x200, $0x38;
	[tilespmem:$0x1D300] =	vst v63  }
0x1b0: {  	s31 =	simm.s32 $0x6680;
	s2 =	rddreg [dreg:$0x1f]  }
0x1b1: {  	[tilespmem:s31], [sflag:$0x2] =	stream.linear.gather [spmem:s30], $0x200, $0x38;
	[tilespmem:$0x1D300] =	vst v63  }
0x1b2: {  	s25 =	simm.s32 $0x4800;
	s26 =	sld [smem:$0x7F8]  }
0x1b3: {  	[tilespmem:s25], [sflag:$0x2] =	stream.linear.gather [spmem:s2], $0x200, $0x38;
	[tilespmem:$0x1D300] =	vst v63  }
0x1b4: {  	s29 =	simm.s32 $0x6880;
	s30 =	sld [smem:$0x7F9]  }
0x1b5: {  	[tilespmem:s29], [sflag:$0x2] =	stream.linear.gather [spmem:s26], $0x200, $0x38;
	[tilespmem:$0x1D300] =	vst v63  }
0x1b6: {  	s1 =	sld [smem:$0x7FA];
	s31 =	simm.s32 $0x4A00  }
0x1b7: {  	[tilespmem:s31], [sflag:$0x2] =	stream.linear.gather [spmem:s30], $0x200, $0x38;
	[tilespmem:$0x1D300] =	vst v63  }
0x1b8: {  	s2 =	simm.s32 $0x6A80;
	s25 =	sld [smem:$0x7FD]  }
0x1b9: {  	[tilespmem:s2], [sflag:$0x2] =	stream.linear.gather [spmem:s1], $0x200, $0x38;
	[tilespmem:$0x1D300] =	vst v63  }
0x1ba: {  	s26 =	simm.s32 $0x4C00  }
0x1bb: {  	[tilespmem:s26], [sflag:$0x2] =	stream.linear.gather [spmem:s25], $0x200, $0x38;
	[tilespmem:$0x1D300] =	vst v63  }
0x1bc: {  	s29 =	simm.s32 $0x6C80  }
0x1bd: {  	[tilespmem:s29], [sflag:$0x2] =	stream.linear.gather [spmem:s3], $0x200, $0x38;
	[tilespmem:$0x1D300] =	vst v63  }
0x1be: {  	s30 =	simm.s32 $0x4E00  }
0x1bf: {  	[tilespmem:s30], [sflag:$0x2] =	stream.linear.gather [spmem:s4], $0x200, $0x38;
	[tilespmem:$0x1D300] =	vst v63  }
0x1c0: {  	s31 =	simm.s32 $0x6E80  }
0x1c1: {  	[tilespmem:s31], [sflag:$0x2] =	stream.linear.gather [spmem:s6], $0x200, $0x38;
	[tilespmem:$0x1D300] =	vst v63  }
0x1c2: {  	_ =	swait.ge [sflag:s22], $0x10000  }
0x1c3: {  	[sflag:s22] =	ssyncset.done $0x0  }
0x1c4: {  	[sflag:s22] =	ssyncadd.s32 $0xFFFF0000  }
0x1c5: {  	_ =	swait.ge [sflag:s23], $0x200  }
0x1c6: {  	[sflag:s23] =	ssyncset.done $0x0  }
0x1c7: {  	[sflag:s23] =	ssyncadd.s32 $0xFFFFFE00  }
0x1c8: {  	_ =	swait.ge [sflag:s23], $0x200  }
0x1c9: {  	[sflag:s23] =	ssyncset.done $0x0  }
0x1ca: {  	[sflag:s23] =	ssyncadd.s32 $0xFFFFFE00  }
0x1cb: {  	_ =	swait.ge [sflag:s23], $0x200  }
0x1cc: {  	[sflag:s23] =	ssyncset.done $0x0  }
0x1cd: {  	[sflag:s23] =	ssyncadd.s32 $0xFFFFFE00  }
0x1ce: {  	_ =	swait.ge [sflag:s23], $0x200  }
0x1cf: {  	[sflag:s23] =	ssyncset.done $0x0  }
0x1d0: {  	[sflag:s23] =	ssyncadd.s32 $0xFFFFFE00  }
0x1d1: {  	_ =	swait.ge [sflag:s23], $0x200  }
0x1d2: {  	[sflag:s23] =	ssyncset.done $0x0  }
0x1d3: {  	[sflag:s23] =	ssyncadd.s32 $0xFFFFFE00  }
0x1d4: {  	_ =	swait.ge [sflag:s23], $0x200  }
0x1d5: {  	[sflag:s23] =	ssyncset.done $0x0  }
0x1d6: {  	[sflag:s23] =	ssyncadd.s32 $0xFFFFFE00  }
0x1d7: {  	_ =	swait.ge [sflag:s23], $0x200  }
0x1d8: {  	[sflag:s23] =	ssyncset.done $0x0  }
0x1d9: {  	[sflag:s23] =	ssyncadd.s32 $0xFFFFFE00  }
0x1da: {  	_ =	swait.ge [sflag:s23], $0x200  }
0x1db: {  	[sflag:s23] =	ssyncset.done $0x0  }
0x1dc: {  	[sflag:s23] =	ssyncadd.s32 $0xFFFFFE00  }
0x1dd: {  	_ =	swait.ge [sflag:s23], $0x200  }
0x1de: {  	[sflag:s23] =	ssyncset.done $0x0  }
0x1df: {  	[sflag:s23] =	ssyncadd.s32 $0xFFFFFE00  }
0x1e0: {  	_ =	swait.ge [sflag:s23], $0x200  }
0x1e1: {  	[sflag:s23] =	ssyncset.done $0x0  }
0x1e2: {  	[sflag:s23] =	ssyncadd.s32 $0xFFFFFE00  }
0x1e3: {  	_ =	swait.ge [sflag:s23], $0x200  }
0x1e4: {  	[sflag:s23] =	ssyncset.done $0x0  }
0x1e5: {  	[sflag:s23] =	ssyncadd.s32 $0xFFFFFE00  }
0x1e6: {  	_ =	swait.ge [sflag:s23], $0x200  }
0x1e7: {  	[sflag:s23] =	ssyncset.done $0x0  }
0x1e8: {  	[sflag:s23] =	ssyncadd.s32 $0xFFFFFE00  }
0x1e9: {  	_ =	swait.ge [sflag:s23], $0x200  }
0x1ea: {  	[sflag:s23] =	ssyncset.done $0x0  }
0x1eb: {  	[sflag:s23] =	ssyncadd.s32 $0xFFFFFE00  }
0x1ec: {  	_ =	swait.ge [sflag:s23], $0x200  }
0x1ed: {  	[sflag:s23] =	ssyncset.done $0x0  }
0x1ee: {  	[sflag:s23] =	ssyncadd.s32 $0xFFFFFE00  }
0x1ef: {  	_ =	swait.ge [sflag:s23], $0x200  }
0x1f0: {  	[sflag:s23] =	ssyncset.done $0x0  }
0x1f1: {  	[sflag:s23] =	ssyncadd.s32 $0xFFFFFE00  }
0x1f2: {  	_ =	swait.ge [sflag:s23], $0x200  }
0x1f3: {  	[sflag:s23] =	ssyncset.done $0x0  }
0x1f4: {  	[sflag:s23] =	ssyncadd.s32 $0xFFFFFE00  }
0x1f5: {  	_ =	swait.ge [sflag:s23], $0x200  }
0x1f6: {  	[sflag:s23] =	ssyncset.done $0x0  }
0x1f7: {  	[sflag:s23] =	ssyncadd.s32 $0xFFFFFE00  }
0x1f8: {  	_ =	swait.ge [sflag:s23], $0x200  }
0x1f9: {  	[sflag:s23] =	ssyncset.done $0x0  }
0x1fa: {  	[sflag:s23] =	ssyncadd.s32 $0xFFFFFE00  }
0x1fb: {  	_ =	swait.ge [sflag:s23], $0x200  }
0x1fc: {  	[sflag:s23] =	ssyncset.done $0x0  }
0x1fd: {  	[sflag:s23] =	ssyncadd.s32 $0xFFFFFE00  }
0x1fe: {  	_ =	swait.ge [sflag:s23], $0x200  }
0x1ff: {  	[sflag:s23] =	ssyncset.done $0x0  }
0x200: {  	[sflag:s23] =	ssyncadd.s32 $0xFFFFFE00  }
0x201: {  	_ =	swait.ge [sflag:s23], $0x200  }
0x202: {  	[sflag:s23] =	ssyncset.done $0x0  }
0x203: {  	[sflag:s23] =	ssyncadd.s32 $0xFFFFFE00  }
0x204: {  	_ =	swait.ge [sflag:s23], $0x200  }
0x205: {  	[sflag:s23] =	ssyncset.done $0x0  }
0x206: {  	[sflag:s23] =	ssyncadd.s32 $0xFFFFFE00  }
0x207: {  	_ =	swait.ge [sflag:s23], $0x200  }
0x208: {  	[sflag:s23] =	ssyncset.done $0x0  }
0x209: {  	[sflag:s23] =	ssyncadd.s32 $0xFFFFFE00  }
0x20a: {  	_ =	swait.ge [sflag:s23], $0x200  }
0x20b: {  	[sflag:s23] =	ssyncset.done $0x0  }
0x20c: {  	[sflag:s23] =	ssyncadd.s32 $0xFFFFFE00  }
0x20d: {  	_ =	swait.ge [sflag:s23], $0x200  }
0x20e: {  	[sflag:s23] =	ssyncset.done $0x0  }
0x20f: {  	[sflag:s23] =	ssyncadd.s32 $0xFFFFFE00  }
0x210: {  	_ =	swait.ge [sflag:s23], $0x200  }
0x211: {  	[sflag:s23] =	ssyncset.done $0x0  }
0x212: {  	[sflag:s23] =	ssyncadd.s32 $0xFFFFFE00  }
0x213: {  	_ =	swait.ge [sflag:s23], $0x200  }
0x214: {  	[sflag:s23] =	ssyncset.done $0x0  }
0x215: {  	[sflag:s23] =	ssyncadd.s32 $0xFFFFFE00  }
0x216: {  	_ =	swait.ge [sflag:s23], $0x200  }
0x217: {  	[sflag:s23] =	ssyncset.done $0x0  }
0x218: {  	[sflag:s23] =	ssyncadd.s32 $0xFFFFFE00  }
0x219: {  	_ =	swait.ge [sflag:s23], $0x200  }
0x21a: {  	[sflag:s23] =	ssyncset.done $0x0  }
0x21b: {  	[sflag:s23] =	ssyncadd.s32 $0xFFFFFE00  }
0x21c: {  	_ =	swait.ge [sflag:s23], $0x200  }
0x21d: {  	[sflag:s23] =	ssyncset.done $0x0  }
0x21e: {  	[sflag:s23] =	ssyncadd.s32 $0xFFFFFE00  }
0x21f: {  	_ =	swait.ge [sflag:s23], $0x200  }
0x220: {  	[sflag:s23] =	ssyncset.done $0x0  }
0x221: {  	[sflag:s23] =	ssyncadd.s32 $0xFFFFFE00  }
0x222: {  	_ =	swait.ge [sflag:s23], $0x200  }
0x223: {  	s28 =	simm.s32 $0x3080;
	[sflag:s23] =	ssyncset.done $0x0  }
0x224: {  	s25 =	simm.s32 $0xFFFFFFF0;
	s26 =	simm.s32 $0x5100;
	[sflag:s23] =	ssyncadd.s32 $0xFFFFFE00  }
.LBB2_8:
0x225: {  	v8 =	vld [tilespmem:s28+$0xFFFFFF80];
	_ =	sdelay $0x4  }
0x226: {  	v9 =	vshrl.u32 v8, $0x10;
	v10 =	vshll.u32 v8, $0x3  }
0x227: {  	v11 =	vshrl.u32 v8, $0x4;
	v8 =	vand.u32 $0xC07F, v8;
	v10 =	vand.u32 $0x3C00, v10  }
0x228: {  	vm0 =	veq.s32 v9, v1;
	v39 =	vand.u32 $0x380, v11;
	v8 =	vor.u32 v10, v8  }
0x229: {  	v40 =	vld [tilespmem:s26+$0xFFFFFF80];
	v8 =	vor.u32 v39, v8;
	_ =	sdelay $0x4  }
0x22a: {  	[tilespmem:v8+s16+$0x0] =	vst.idx.msk vm0, v40  }
0x22b: {  	v8 =	vld [tilespmem:s28+$0xFFFFFF90];
	_ =	sdelay $0x4  }
0x22c: {  	v41 =	vshrl.u32 v8, $0x10;
	v42 =	vshll.u32 v8, $0x3  }
0x22d: {  	v43 =	vshrl.u32 v8, $0x4;
	v8 =	vand.u32 $0xC07F, v8;
	v10 =	vand.u32 $0x3C00, v42  }
0x22e: {  	vm13 =	veq.s32 v41, v1;
	v44 =	vand.u32 $0x380, v43;
	v8 =	vor.u32 v10, v8  }
0x22f: {  	v45 =	vld [tilespmem:s26+$0xFFFFFF90];
	v8 =	vor.u32 v44, v8;
	_ =	sdelay $0x4  }
0x230: {  	[tilespmem:v8+s16+$0x0] =	vst.idx.msk vm13, v45  }
0x231: {  	v8 =	vld [tilespmem:s28+$0xFFFFFFA0];
	_ =	sdelay $0x4  }
0x232: {  	v46 =	vshrl.u32 v8, $0x10;
	v47 =	vshll.u32 v8, $0x3  }
0x233: {  	v48 =	vshrl.u32 v8, $0x4;
	v8 =	vand.u32 $0xC07F, v8;
	v10 =	vand.u32 $0x3C00, v47  }
0x234: {  	vm14 =	veq.s32 v46, v1;
	v49 =	vand.u32 $0x380, v48;
	v8 =	vor.u32 v10, v8  }
0x235: {  	v50 =	vld [tilespmem:s26+$0xFFFFFFA0];
	v8 =	vor.u32 v49, v8;
	_ =	sdelay $0x4  }
0x236: {  	[tilespmem:v8+s16+$0x0] =	vst.idx.msk vm14, v50  }
0x237: {  	v8 =	vld [tilespmem:s28+$0xFFFFFFB0];
	_ =	sdelay $0x4  }
0x238: {  	v51 =	vshrl.u32 v8, $0x10;
	v52 =	vshll.u32 v8, $0x3  }
0x239: {  	v53 =	vshrl.u32 v8, $0x4;
	v8 =	vand.u32 $0xC07F, v8;
	v10 =	vand.u32 $0x3C00, v52  }
0x23a: {  	vm15 =	veq.s32 v51, v1;
	v54 =	vand.u32 $0x380, v53;
	v8 =	vor.u32 v10, v8  }
0x23b: {  	v55 =	vld [tilespmem:s26+$0xFFFFFFB0];
	v8 =	vor.u32 v54, v8;
	_ =	sdelay $0x4  }
0x23c: {  	[tilespmem:v8+s16+$0x0] =	vst.idx.msk vm15, v55  }
0x23d: {  	v8 =	vld [tilespmem:s28+$0xFFFFFFC0];
	_ =	sdelay $0x4  }
0x23e: {  	v56 =	vshrl.u32 v8, $0x10;
	v57 =	vshll.u32 v8, $0x3  }
0x23f: {  	v58 =	vshrl.u32 v8, $0x4;
	v8 =	vand.u32 $0xC07F, v8;
	v10 =	vand.u32 $0x3C00, v57  }
0x240: {  	vm4 =	veq.s32 v56, v1;
	v59 =	vand.u32 $0x380, v58;
	v8 =	vor.u32 v10, v8  }
0x241: {  	v60 =	vld [tilespmem:s26+$0xFFFFFFC0];
	v8 =	vor.u32 v59, v8;
	_ =	sdelay $0x4  }
0x242: {  	[tilespmem:v8+s16+$0x0] =	vst.idx.msk vm4, v60  }
0x243: {  	v8 =	vld [tilespmem:s28+$0xFFFFFFD0];
	_ =	sdelay $0x4  }
0x244: {  	v61 =	vshrl.u32 v8, $0x10;
	v62 =	vshll.u32 v8, $0x3  }
0x245: {  	v63 =	vshrl.u32 v8, $0x4;
	v8 =	vand.u32 $0xC07F, v8;
	v10 =	vand.u32 $0x3C00, v62  }
0x246: {  	vm5 =	veq.s32 v61, v1;
	v12 =	vand.u32 $0x380, v63;
	v8 =	vor.u32 v10, v8  }
0x247: {  	v13 =	vld [tilespmem:s26+$0xFFFFFFD0];
	v8 =	vor.u32 v12, v8;
	_ =	sdelay $0x4  }
0x248: {  	[tilespmem:v8+s16+$0x0] =	vst.idx.msk vm5, v13  }
0x249: {  	v8 =	vld [tilespmem:s28+$0xFFFFFFE0];
	_ =	sdelay $0x4  }
0x24a: {  	v14 =	vshrl.u32 v8, $0x10;
	v15 =	vshll.u32 v8, $0x3  }
0x24b: {  	v16 =	vshrl.u32 v8, $0x4;
	v8 =	vand.u32 $0xC07F, v8;
	v10 =	vand.u32 $0x3C00, v15  }
0x24c: {  	vm6 =	veq.s32 v14, v1;
	v17 =	vand.u32 $0x380, v16;
	v8 =	vor.u32 v10, v8  }
0x24d: {  	v18 =	vld [tilespmem:s26+$0xFFFFFFE0];
	v8 =	vor.u32 v17, v8;
	_ =	sdelay $0x4  }
0x24e: {  	[tilespmem:v8+s16+$0x0] =	vst.idx.msk vm6, v18  }
0x24f: {  	v8 =	vld [tilespmem:s28+$0xFFFFFFF0];
	_ =	sdelay $0x4  }
0x250: {  	v19 =	vshrl.u32 v8, $0x10;
	v20 =	vshll.u32 v8, $0x3  }
0x251: {  	v21 =	vshrl.u32 v8, $0x4;
	v8 =	vand.u32 $0xC07F, v8;
	v10 =	vand.u32 $0x3C00, v20  }
0x252: {  	vm7 =	veq.s32 v19, v1;
	v22 =	vand.u32 $0x380, v21;
	v8 =	vor.u32 v10, v8  }
0x253: {  	v23 =	vld [tilespmem:s26+$0xFFFFFFF0];
	v8 =	vor.u32 v22, v8;
	_ =	sdelay $0x4  }
0x254: {  	[tilespmem:v8+s16+$0x0] =	vst.idx.msk vm7, v23  }
0x255: {  	v8 =	vld [tilespmem:s28+$0x0];
	_ =	sdelay $0x4  }
0x256: {  	v24 =	vshrl.u32 v8, $0x10;
	v25 =	vshll.u32 v8, $0x3  }
0x257: {  	v26 =	vshrl.u32 v8, $0x4;
	v8 =	vand.u32 $0xC07F, v8;
	v10 =	vand.u32 $0x3C00, v25  }
0x258: {  	vm8 =	veq.s32 v24, v1;
	v27 =	vand.u32 $0x380, v26;
	v8 =	vor.u32 v10, v8  }
0x259: {  	v28 =	vld [tilespmem:s26+$0x0];
	v8 =	vor.u32 v27, v8;
	_ =	sdelay $0x4  }
0x25a: {  	[tilespmem:v8+s16+$0x0] =	vst.idx.msk vm8, v28  }
0x25b: {  	v8 =	vld [tilespmem:s28+$0x10];
	_ =	sdelay $0x4  }
0x25c: {  	v29 =	vshrl.u32 v8, $0x10;
	v30 =	vshll.u32 v8, $0x3  }
0x25d: {  	v31 =	vshrl.u32 v8, $0x4;
	v8 =	vand.u32 $0xC07F, v8;
	v10 =	vand.u32 $0x3C00, v30  }
0x25e: {  	vm9 =	veq.s32 v29, v1;
	v32 =	vand.u32 $0x380, v31;
	v8 =	vor.u32 v10, v8  }
0x25f: {  	v33 =	vld [tilespmem:s26+$0x10];
	v8 =	vor.u32 v32, v8;
	_ =	sdelay $0x4  }
0x260: {  	[tilespmem:v8+s16+$0x0] =	vst.idx.msk vm9, v33  }
0x261: {  	v8 =	vld [tilespmem:s28+$0x20];
	_ =	sdelay $0x4  }
0x262: {  	v34 =	vshrl.u32 v8, $0x10;
	v35 =	vshll.u32 v8, $0x3  }
0x263: {  	v36 =	vshrl.u32 v8, $0x4;
	v8 =	vand.u32 $0xC07F, v8;
	v10 =	vand.u32 $0x3C00, v35  }
0x264: {  	vm10 =	veq.s32 v34, v1;
	v37 =	vand.u32 $0x380, v36;
	v8 =	vor.u32 v10, v8  }
0x265: {  	v38 =	vld [tilespmem:s26+$0x20];
	v8 =	vor.u32 v37, v8;
	_ =	sdelay $0x4  }
0x266: {  	[tilespmem:v8+s16+$0x0] =	vst.idx.msk vm10, v38  }
0x267: {  	v8 =	vld [tilespmem:s28+$0x30];
	_ =	sdelay $0x4  }
0x268: {  	v39 =	vshrl.u32 v8, $0x10;
	v40 =	vshll.u32 v8, $0x3  }
0x269: {  	v41 =	vshrl.u32 v8, $0x4;
	v8 =	vand.u32 $0xC07F, v8;
	v10 =	vand.u32 $0x3C00, v40  }
0x26a: {  	vm11 =	veq.s32 v39, v1;
	v42 =	vand.u32 $0x380, v41;
	v8 =	vor.u32 v10, v8  }
0x26b: {  	v43 =	vld [tilespmem:s26+$0x30];
	v8 =	vor.u32 v42, v8;
	_ =	sdelay $0x4  }
0x26c: {  	[tilespmem:v8+s16+$0x0] =	vst.idx.msk vm11, v43  }
0x26d: {  	v8 =	vld [tilespmem:s28+$0x40];
	_ =	sdelay $0x4  }
0x26e: {  	v44 =	vshrl.u32 v8, $0x10;
	v45 =	vshll.u32 v8, $0x3  }
0x26f: {  	v46 =	vshrl.u32 v8, $0x4;
	v8 =	vand.u32 $0xC07F, v8;
	v10 =	vand.u32 $0x3C00, v45  }
0x270: {  	vm12 =	veq.s32 v44, v1;
	v47 =	vand.u32 $0x380, v46;
	v8 =	vor.u32 v10, v8  }
0x271: {  	v48 =	vld [tilespmem:s26+$0x40];
	v8 =	vor.u32 v47, v8;
	_ =	sdelay $0x4  }
0x272: {  	[tilespmem:v8+s16+$0x0] =	vst.idx.msk vm12, v48  }
0x273: {  	v8 =	vld [tilespmem:s28+$0x50];
	_ =	sdelay $0x4  }
0x274: {  	v49 =	vshrl.u32 v8, $0x10;
	v50 =	vshll.u32 v8, $0x3  }
0x275: {  	v51 =	vshrl.u32 v8, $0x4;
	v8 =	vand.u32 $0xC07F, v8;
	v10 =	vand.u32 $0x3C00, v50  }
0x276: {  	vm13 =	veq.s32 v49, v1;
	v52 =	vand.u32 $0x380, v51;
	v8 =	vor.u32 v10, v8  }
0x277: {  	v53 =	vld [tilespmem:s26+$0x50];
	v8 =	vor.u32 v52, v8;
	_ =	sdelay $0x4  }
0x278: {  	[tilespmem:v8+s16+$0x0] =	vst.idx.msk vm13, v53  }
0x279: {  	v8 =	vld [tilespmem:s28+$0x60];
	_ =	sdelay $0x4  }
0x27a: {  	v54 =	vshrl.u32 v8, $0x10;
	v55 =	vshll.u32 v8, $0x3  }
0x27b: {  	v56 =	vshrl.u32 v8, $0x4;
	v8 =	vand.u32 $0xC07F, v8;
	v10 =	vand.u32 $0x3C00, v55  }
0x27c: {  	vm14 =	veq.s32 v54, v1;
	v57 =	vand.u32 $0x380, v56;
	v8 =	vor.u32 v10, v8  }
0x27d: {  	v58 =	vld [tilespmem:s26+$0x60];
	v8 =	vor.u32 v57, v8;
	_ =	sdelay $0x4  }
0x27e: {  	[tilespmem:v8+s16+$0x0] =	vst.idx.msk vm14, v58  }
0x27f: {  	v8 =	vld [tilespmem:s28+$0x70];
	_ =	sdelay $0x4  }
0x280: {  	v59 =	vshrl.u32 v8, $0x10;
	v60 =	vshll.u32 v8, $0x3  }
0x281: {  	v61 =	vshrl.u32 v8, $0x4;
	v8 =	vand.u32 $0xC07F, v8;
	v10 =	vand.u32 $0x3C00, v60  }
0x282: {  	s25 =	sadd.s32 $0x10, s25;
	vm15 =	veq.s32 v59, v1;
	v62 =	vand.u32 $0x380, v61;
	v8 =	vor.u32 v10, v8  }
0x283: {  	p0 =	slt.u32 s25, $0xF0;
	v63 =	vld [tilespmem:s26+$0x70];
	v8 =	vor.u32 v62, v8  }
.Ltmp3:
0x284: {  	_ = 	snop;
	(pc) =	sbr.rel @p0 .LBB2_8-.Ltmp3, $2  }
0x285: {  	_ =	sdelay $0x2  }
0x286: {  	s26 =	sadd.s32 $0x200, s26;
	s28 =	sadd.s32 $0x200, s28;
	[tilespmem:v8+s16+$0x0] =	vst.idx.msk vm15, v63  }
0x287: {  	s0 =	simm.s32 $0x0;
	s29 =	simm.s32 $0x0  }
0x288: {  	[hbm4b:s7+s0] =	stream.linear.scatter [tilespmem:s16], [sflag:$0x5], $0x10000, $0x38;
	[tilespmem:$0x1D300] =	vst v63  }
0x289: {  	s25 =	sand.u32 $0xC000, s0;
	s0 =	sand.u32 $0x3000, s0;
	_ =	swait.ge [sflag:s15], $0x10000  }
0x28a: {  	s26 =	sand.u32 $0x380, s29;
	s0 =	sor.u32 s0, s25;
	[sflag:s15] =	ssyncset.done $0x0  }
0x28b: {  	s30 =	sor.u32 s26, s0;
	[sflag:s15] =	ssyncadd.s32 $0xFFFF0000  }
0x28c: {  	[tilespmem:s30+$0x7F70] =	vst v3  }
0x28d: {  	[tilespmem:s30+$0x7300] =	vst v3  }
0x28e: {  	[tilespmem:s30+$0x7310] =	vst v3  }
0x28f: {  	[tilespmem:s30+$0x7320] =	vst v3  }
0x290: {  	[tilespmem:s30+$0x7330] =	vst v3  }
0x291: {  	[tilespmem:s30+$0x7340] =	vst v3  }
0x292: {  	[tilespmem:s30+$0x7350] =	vst v3  }
0x293: {  	[tilespmem:s30+$0x7360] =	vst v3  }
0x294: {  	[tilespmem:s30+$0x7370] =	vst v3  }
0x295: {  	[tilespmem:s30+$0x7700] =	vst v3  }
0x296: {  	[tilespmem:s30+$0x7710] =	vst v3  }
0x297: {  	[tilespmem:s30+$0x7720] =	vst v3  }
0x298: {  	[tilespmem:s30+$0x7730] =	vst v3  }
0x299: {  	[tilespmem:s30+$0x7740] =	vst v3  }
0x29a: {  	[tilespmem:s30+$0x7750] =	vst v3  }
0x29b: {  	[tilespmem:s30+$0x7760] =	vst v3  }
0x29c: {  	[tilespmem:s30+$0x7770] =	vst v3  }
0x29d: {  	[tilespmem:s30+$0x7B00] =	vst v3  }
0x29e: {  	[tilespmem:s30+$0x7B10] =	vst v3  }
0x29f: {  	[tilespmem:s30+$0x7B20] =	vst v3  }
0x2a0: {  	[tilespmem:s30+$0x7B30] =	vst v3  }
0x2a1: {  	[tilespmem:s30+$0x7B40] =	vst v3  }
0x2a2: {  	[tilespmem:s30+$0x7B50] =	vst v3  }
0x2a3: {  	[tilespmem:s30+$0x7B60] =	vst v3  }
0x2a4: {  	[tilespmem:s30+$0x7B70] =	vst v3  }
0x2a5: {  	[tilespmem:s30+$0x7F00] =	vst v3  }
0x2a6: {  	[tilespmem:s30+$0x7F10] =	vst v3  }
0x2a7: {  	s31 =	simm.s32 $0x1000;
	[tilespmem:s30+$0x7F20] =	vst v3  }
0x2a8: {  	s25 =	simm.s32 $0x5270;
	s26 =	simm.s32 $0x31F0;
	s0 =	simm.s32 $0x200;
	[tilespmem:s30+$0x7F30] =	vst v3  }
.LBB2_10:
0x2a9: {  	s29 =	sadd.s32 $0x20, s29;
	s28 =	sand.u32 $0xC000, s0;
	s1 =	sand.u32 $0x3000, s31;
	[tilespmem:s30+$0x7F40] =	vst v3  }
0x2aa: {  	s2 =	sand.u32 $0x380, s29;
	s1 =	sor.u32 s1, s28;
	p0 =	slt.u32 s29, $0xFE0;
	[tilespmem:s30+$0x7F50] =	vst v3  }
0x2ab: {  	[tilespmem:s30+$0x7F60] =	vst v3;
	s30 =	sor.u32 s2, s1  }
0x2ac: {  	s28 =	simm.s32 $0xFFFFFFF0;
	[tilespmem:s30+$0x7F70] =	vst v3  }
0x2ad: {  	[tilespmem:s30+$0x7300] =	vst v3  }
0x2ae: {  	[tilespmem:s30+$0x7310] =	vst v3  }
0x2af: {  	[tilespmem:s30+$0x7320] =	vst v3  }
0x2b0: {  	[tilespmem:s30+$0x7330] =	vst v3  }
0x2b1: {  	[tilespmem:s30+$0x7340] =	vst v3  }
0x2b2: {  	[tilespmem:s30+$0x7350] =	vst v3  }
0x2b3: {  	[tilespmem:s30+$0x7360] =	vst v3  }
0x2b4: {  	[tilespmem:s30+$0x7370] =	vst v3  }
0x2b5: {  	[tilespmem:s30+$0x7700] =	vst v3  }
0x2b6: {  	[tilespmem:s30+$0x7710] =	vst v3  }
0x2b7: {  	[tilespmem:s30+$0x7720] =	vst v3  }
0x2b8: {  	[tilespmem:s30+$0x7730] =	vst v3  }
0x2b9: {  	[tilespmem:s30+$0x7740] =	vst v3  }
0x2ba: {  	[tilespmem:s30+$0x7750] =	vst v3  }
0x2bb: {  	[tilespmem:s30+$0x7760] =	vst v3  }
0x2bc: {  	[tilespmem:s30+$0x7770] =	vst v3  }
0x2bd: {  	[tilespmem:s30+$0x7B00] =	vst v3  }
0x2be: {  	[tilespmem:s30+$0x7B10] =	vst v3  }
0x2bf: {  	[tilespmem:s30+$0x7B20] =	vst v3  }
0x2c0: {  	[tilespmem:s30+$0x7B30] =	vst v3  }
0x2c1: {  	[tilespmem:s30+$0x7B40] =	vst v3  }
0x2c2: {  	[tilespmem:s30+$0x7B50] =	vst v3  }
0x2c3: {  	[tilespmem:s30+$0x7B60] =	vst v3  }
.Ltmp4:
0x2c4: {  	[tilespmem:s30+$0x7B70] =	vst v3;
	(pc) =	sbr.rel @p0 .LBB2_10-.Ltmp4, $4  }
0x2c5: {  	[tilespmem:s30+$0x7F00] =	vst v3  }
0x2c6: {  	[tilespmem:s30+$0x7F10] =	vst v3  }
0x2c7: {  	[tilespmem:s30+$0x7F20] =	vst v3  }
0x2c8: {  	s31 =	sadd.s32 $0x1000, s31;
	s0 =	sadd.s32 $0x200, s0;
	[tilespmem:s30+$0x7F30] =	vst v3  }
0x2c9: {  	[tilespmem:s30+$0x7F40] =	vst v3  }
0x2ca: {  	[tilespmem:s30+$0x7F50] =	vst v3  }
0x2cb: {  	[tilespmem:s30+$0x7F60] =	vst v3  }
.LBB2_12:
0x2cc: {  	v8 =	vld [tilespmem:s26+$0xFFFFFF10];
	_ =	sdelay $0x4  }
0x2cd: {  	v9 =	vshrl.u32 v8, $0x10;
	v10 =	vshll.u32 v8, $0x3  }
0x2ce: {  	v11 =	vshrl.u32 v8, $0x4;
	v8 =	vand.u32 $0xC07F, v8;
	v10 =	vand.u32 $0x3C00, v10  }
0x2cf: {  	vm0 =	veq.s32 v9, v2;
	v39 =	vand.u32 $0x380, v11;
	v8 =	vor.u32 v10, v8  }
0x2d0: {  	v40 =	vld [tilespmem:s25+$0xFFFFFF10];
	v8 =	vor.u32 v39, v8;
	_ =	sdelay $0x4  }
0x2d1: {  	[tilespmem:v8+s16+$0x0] =	vst.idx.msk vm0, v40  }
0x2d2: {  	v8 =	vld [tilespmem:s26+$0xFFFFFF20];
	_ =	sdelay $0x4  }
0x2d3: {  	v41 =	vshrl.u32 v8, $0x10;
	v42 =	vshll.u32 v8, $0x3  }
0x2d4: {  	v43 =	vshrl.u32 v8, $0x4;
	v8 =	vand.u32 $0xC07F, v8;
	v10 =	vand.u32 $0x3C00, v42  }
0x2d5: {  	vm13 =	veq.s32 v41, v2;
	v44 =	vand.u32 $0x380, v43;
	v8 =	vor.u32 v10, v8  }
0x2d6: {  	v45 =	vld [tilespmem:s25+$0xFFFFFF20];
	v8 =	vor.u32 v44, v8;
	_ =	sdelay $0x4  }
0x2d7: {  	[tilespmem:v8+s16+$0x0] =	vst.idx.msk vm13, v45  }
0x2d8: {  	v8 =	vld [tilespmem:s26+$0xFFFFFF30];
	_ =	sdelay $0x4  }
0x2d9: {  	v46 =	vshrl.u32 v8, $0x10;
	v47 =	vshll.u32 v8, $0x3  }
0x2da: {  	v48 =	vshrl.u32 v8, $0x4;
	v8 =	vand.u32 $0xC07F, v8;
	v10 =	vand.u32 $0x3C00, v47  }
0x2db: {  	vm14 =	veq.s32 v46, v2;
	v49 =	vand.u32 $0x380, v48;
	v8 =	vor.u32 v10, v8  }
0x2dc: {  	v50 =	vld [tilespmem:s25+$0xFFFFFF30];
	v8 =	vor.u32 v49, v8;
	_ =	sdelay $0x4  }
0x2dd: {  	[tilespmem:v8+s16+$0x0] =	vst.idx.msk vm14, v50  }
0x2de: {  	v8 =	vld [tilespmem:s26+$0xFFFFFF40];
	_ =	sdelay $0x4  }
0x2df: {  	v51 =	vshrl.u32 v8, $0x10;
	v52 =	vshll.u32 v8, $0x3  }
0x2e0: {  	v53 =	vshrl.u32 v8, $0x4;
	v8 =	vand.u32 $0xC07F, v8;
	v10 =	vand.u32 $0x3C00, v52  }
0x2e1: {  	vm15 =	veq.s32 v51, v2;
	v54 =	vand.u32 $0x380, v53;
	v8 =	vor.u32 v10, v8  }
0x2e2: {  	v55 =	vld [tilespmem:s25+$0xFFFFFF40];
	v8 =	vor.u32 v54, v8;
	_ =	sdelay $0x4  }
0x2e3: {  	[tilespmem:v8+s16+$0x0] =	vst.idx.msk vm15, v55  }
0x2e4: {  	v8 =	vld [tilespmem:s26+$0xFFFFFF50];
	_ =	sdelay $0x4  }
0x2e5: {  	v56 =	vshrl.u32 v8, $0x10;
	v57 =	vshll.u32 v8, $0x3  }
0x2e6: {  	v58 =	vshrl.u32 v8, $0x4;
	v8 =	vand.u32 $0xC07F, v8;
	v10 =	vand.u32 $0x3C00, v57  }
0x2e7: {  	vm4 =	veq.s32 v56, v2;
	v59 =	vand.u32 $0x380, v58;
	v8 =	vor.u32 v10, v8  }
0x2e8: {  	v60 =	vld [tilespmem:s25+$0xFFFFFF50];
	v8 =	vor.u32 v59, v8;
	_ =	sdelay $0x4  }
0x2e9: {  	[tilespmem:v8+s16+$0x0] =	vst.idx.msk vm4, v60  }
0x2ea: {  	v8 =	vld [tilespmem:s26+$0xFFFFFF60];
	_ =	sdelay $0x4  }
0x2eb: {  	v61 =	vshrl.u32 v8, $0x10;
	v62 =	vshll.u32 v8, $0x3  }
0x2ec: {  	v63 =	vshrl.u32 v8, $0x4;
	v8 =	vand.u32 $0xC07F, v8;
	v10 =	vand.u32 $0x3C00, v62  }
0x2ed: {  	vm5 =	veq.s32 v61, v2;
	v12 =	vand.u32 $0x380, v63;
	v8 =	vor.u32 v10, v8  }
0x2ee: {  	v13 =	vld [tilespmem:s25+$0xFFFFFF60];
	v8 =	vor.u32 v12, v8;
	_ =	sdelay $0x4  }
0x2ef: {  	[tilespmem:v8+s16+$0x0] =	vst.idx.msk vm5, v13  }
0x2f0: {  	v8 =	vld [tilespmem:s26+$0xFFFFFF70];
	_ =	sdelay $0x4  }
0x2f1: {  	v14 =	vshrl.u32 v8, $0x10;
	v15 =	vshll.u32 v8, $0x3  }
0x2f2: {  	v16 =	vshrl.u32 v8, $0x4;
	v8 =	vand.u32 $0xC07F, v8;
	v10 =	vand.u32 $0x3C00, v15  }
0x2f3: {  	vm6 =	veq.s32 v14, v2;
	v17 =	vand.u32 $0x380, v16;
	v8 =	vor.u32 v10, v8  }
0x2f4: {  	v18 =	vld [tilespmem:s25+$0xFFFFFF70];
	v8 =	vor.u32 v17, v8;
	_ =	sdelay $0x4  }
0x2f5: {  	[tilespmem:v8+s16+$0x0] =	vst.idx.msk vm6, v18  }
0x2f6: {  	v8 =	vld [tilespmem:s26+$0xFFFFFF80];
	_ =	sdelay $0x4  }
0x2f7: {  	v19 =	vshrl.u32 v8, $0x10;
	v20 =	vshll.u32 v8, $0x3  }
0x2f8: {  	v21 =	vshrl.u32 v8, $0x4;
	v8 =	vand.u32 $0xC07F, v8;
	v10 =	vand.u32 $0x3C00, v20  }
0x2f9: {  	vm7 =	veq.s32 v19, v2;
	v22 =	vand.u32 $0x380, v21;
	v8 =	vor.u32 v10, v8  }
0x2fa: {  	v23 =	vld [tilespmem:s25+$0xFFFFFF80];
	v8 =	vor.u32 v22, v8;
	_ =	sdelay $0x4  }
0x2fb: {  	[tilespmem:v8+s16+$0x0] =	vst.idx.msk vm7, v23  }
0x2fc: {  	v8 =	vld [tilespmem:s26+$0xFFFFFF90];
	_ =	sdelay $0x4  }
0x2fd: {  	v24 =	vshrl.u32 v8, $0x10;
	v25 =	vshll.u32 v8, $0x3  }
0x2fe: {  	v26 =	vshrl.u32 v8, $0x4;
	v8 =	vand.u32 $0xC07F, v8;
	v10 =	vand.u32 $0x3C00, v25  }
0x2ff: {  	vm8 =	veq.s32 v24, v2;
	v27 =	vand.u32 $0x380, v26;
	v8 =	vor.u32 v10, v8  }
0x300: {  	v28 =	vld [tilespmem:s25+$0xFFFFFF90];
	v8 =	vor.u32 v27, v8;
	_ =	sdelay $0x4  }
0x301: {  	[tilespmem:v8+s16+$0x0] =	vst.idx.msk vm8, v28  }
0x302: {  	v8 =	vld [tilespmem:s26+$0xFFFFFFA0];
	_ =	sdelay $0x4  }
0x303: {  	v29 =	vshrl.u32 v8, $0x10;
	v30 =	vshll.u32 v8, $0x3  }
0x304: {  	v31 =	vshrl.u32 v8, $0x4;
	v8 =	vand.u32 $0xC07F, v8;
	v10 =	vand.u32 $0x3C00, v30  }
0x305: {  	vm9 =	veq.s32 v29, v2;
	v32 =	vand.u32 $0x380, v31;
	v8 =	vor.u32 v10, v8  }
0x306: {  	v33 =	vld [tilespmem:s25+$0xFFFFFFA0];
	v8 =	vor.u32 v32, v8;
	_ =	sdelay $0x4  }
0x307: {  	[tilespmem:v8+s16+$0x0] =	vst.idx.msk vm9, v33  }
0x308: {  	v8 =	vld [tilespmem:s26+$0xFFFFFFB0];
	_ =	sdelay $0x4  }
0x309: {  	v34 =	vshrl.u32 v8, $0x10;
	v35 =	vshll.u32 v8, $0x3  }
0x30a: {  	v36 =	vshrl.u32 v8, $0x4;
	v8 =	vand.u32 $0xC07F, v8;
	v10 =	vand.u32 $0x3C00, v35  }
0x30b: {  	vm10 =	veq.s32 v34, v2;
	v37 =	vand.u32 $0x380, v36;
	v8 =	vor.u32 v10, v8  }
0x30c: {  	v38 =	vld [tilespmem:s25+$0xFFFFFFB0];
	v8 =	vor.u32 v37, v8;
	_ =	sdelay $0x4  }
0x30d: {  	[tilespmem:v8+s16+$0x0] =	vst.idx.msk vm10, v38  }
0x30e: {  	v8 =	vld [tilespmem:s26+$0xFFFFFFC0];
	_ =	sdelay $0x4  }
0x30f: {  	v39 =	vshrl.u32 v8, $0x10;
	v40 =	vshll.u32 v8, $0x3  }
0x310: {  	v41 =	vshrl.u32 v8, $0x4;
	v8 =	vand.u32 $0xC07F, v8;
	v10 =	vand.u32 $0x3C00, v40  }
0x311: {  	vm11 =	veq.s32 v39, v2;
	v42 =	vand.u32 $0x380, v41;
	v8 =	vor.u32 v10, v8  }
0x312: {  	v43 =	vld [tilespmem:s25+$0xFFFFFFC0];
	v8 =	vor.u32 v42, v8;
	_ =	sdelay $0x4  }
0x313: {  	[tilespmem:v8+s16+$0x0] =	vst.idx.msk vm11, v43  }
0x314: {  	v8 =	vld [tilespmem:s26+$0xFFFFFFD0];
	_ =	sdelay $0x4  }
0x315: {  	v44 =	vshrl.u32 v8, $0x10;
	v45 =	vshll.u32 v8, $0x3  }
0x316: {  	v46 =	vshrl.u32 v8, $0x4;
	v8 =	vand.u32 $0xC07F, v8;
	v10 =	vand.u32 $0x3C00, v45  }
0x317: {  	vm12 =	veq.s32 v44, v2;
	v47 =	vand.u32 $0x380, v46;
	v8 =	vor.u32 v10, v8  }
0x318: {  	v48 =	vld [tilespmem:s25+$0xFFFFFFD0];
	v8 =	vor.u32 v47, v8;
	_ =	sdelay $0x4  }
0x319: {  	[tilespmem:v8+s16+$0x0] =	vst.idx.msk vm12, v48  }
0x31a: {  	v8 =	vld [tilespmem:s26+$0xFFFFFFE0];
	_ =	sdelay $0x4  }
0x31b: {  	v49 =	vshrl.u32 v8, $0x10;
	v50 =	vshll.u32 v8, $0x3  }
0x31c: {  	v51 =	vshrl.u32 v8, $0x4;
	v8 =	vand.u32 $0xC07F, v8;
	v10 =	vand.u32 $0x3C00, v50  }
0x31d: {  	vm13 =	veq.s32 v49, v2;
	v52 =	vand.u32 $0x380, v51;
	v8 =	vor.u32 v10, v8  }
0x31e: {  	v53 =	vld [tilespmem:s25+$0xFFFFFFE0];
	v8 =	vor.u32 v52, v8;
	_ =	sdelay $0x4  }
0x31f: {  	[tilespmem:v8+s16+$0x0] =	vst.idx.msk vm13, v53  }
0x320: {  	v8 =	vld [tilespmem:s26+$0xFFFFFFF0];
	_ =	sdelay $0x4  }
0x321: {  	v54 =	vshrl.u32 v8, $0x10;
	v55 =	vshll.u32 v8, $0x3  }
0x322: {  	v56 =	vshrl.u32 v8, $0x4;
	v8 =	vand.u32 $0xC07F, v8;
	v10 =	vand.u32 $0x3C00, v55  }
0x323: {  	vm14 =	veq.s32 v54, v2;
	v57 =	vand.u32 $0x380, v56;
	v8 =	vor.u32 v10, v8  }
0x324: {  	v58 =	vld [tilespmem:s25+$0xFFFFFFF0];
	v8 =	vor.u32 v57, v8;
	_ =	sdelay $0x4  }
0x325: {  	[tilespmem:v8+s16+$0x0] =	vst.idx.msk vm14, v58  }
0x326: {  	v8 =	vld [tilespmem:s26+$0x0];
	_ =	sdelay $0x4  }
0x327: {  	v59 =	vshrl.u32 v8, $0x10;
	v60 =	vshll.u32 v8, $0x3  }
0x328: {  	v61 =	vshrl.u32 v8, $0x4;
	v8 =	vand.u32 $0xC07F, v8;
	v10 =	vand.u32 $0x3C00, v60  }
0x329: {  	s28 =	sadd.s32 $0x10, s28;
	vm15 =	veq.s32 v59, v2;
	v62 =	vand.u32 $0x380, v61;
	v8 =	vor.u32 v10, v8  }
0x32a: {  	p0 =	slt.u32 s28, $0xF0;
	v63 =	vld [tilespmem:s25+$0x0];
	v8 =	vor.u32 v62, v8  }
.Ltmp5:
0x32b: {  	_ = 	snop;
	(pc) =	sbr.rel @p0 .LBB2_12-.Ltmp5, $2  }
0x32c: {  	_ =	sdelay $0x2  }
0x32d: {  	s25 =	sadd.s32 $0x200, s25;
	s26 =	sadd.s32 $0x200, s26;
	[tilespmem:v8+s16+$0x0] =	vst.idx.msk vm15, v63  }
0x32e: {  	s24 =	sadd.s32 $0x1, s24  }
0x32f: {  	p0 =	sne.s32 s24, s12  }
.Ltmp6:
0x330: {  	_ = 	snop;
	(pc) =	sbr.rel @p0 .LBB2_1-.Ltmp6, $4  }
0x331: {  	[hbm4b:s8+s5] =	stream.linear.scatter [tilespmem:s16], [sflag:$0x5], $0x10000, $0x38;
	[tilespmem:$0x1D300] =	vst v63  }
0x332: {  	_ =	swait.ge [sflag:s15], $0x10000  }
0x333: {  	[sflag:s15] =	ssyncset.done $0x0  }
0x334: {  	[sflag:s15] =	ssyncadd.s32 $0xFFFF0000  }
0x335: {  	_ =	sfence.sel $0x180000  }
0x336: {  	[bflag:$0x0] =	sbarrier.arrive $0xFFFF  }
0x337: {  	_ =	strace $0x90000047  }
0x338: {  	s0 =	stileid.u32;
	[bflag:$0x2] =	sbarrier.arrive $0xFFFF  }
0x339: {  	p0 =	sne.s32 s0, $0x0;
	s0 =	rddreg [dreg:$0x5]  }
0x33a: {  	s0 =	sadd.s32 @!p0 $0x100000, s0  }
0x33b: {  	[sflag:s0] =	ssyncadd.tile.s32 @!p0 $0x1;
	_ =	shalt  }
.Lfunc_end2:
_tile_overlayer_lowered:
.L_overlay_start_2:
0x33c: {  	(tag) =	ssettag $0x2  }
0x33d: {  	s0 =	rddreg [dreg:$0x0];
	s2 =	stileid.u32  }
0x33e: {  	s1 =	rddreg [dreg:$0x1];
	p0 =	sne.s32 s2, $0x0  }
0x33f: {  	s3 =	rddreg [dreg:$0x2];
	[bflag:$0x3] =	sbarrier.arrive $0xFFFF;
	s2 =	simm.s32 @!p0 $0x1C05  }
0x340: {  	[timem:s3], [sflag:s2] =	dma.local @!p0 [hbm:s0], s1  }
0x341: {  	s0 =	simm.s32 @!p0 $0x5  }
0x342: {  	_ =	swait.ge @!p0 [sflag:s0], s1  }
0x343: {  	s1 =	ssub.s32 @!p0 $0x0, s1;
	[sflag:s0] =	ssyncset.done @!p0 $0x0  }
0x344: {  	[sflag:s0] =	ssyncadd.s32 @!p0 s1  }
0x345: {  	[bflag:$0x3] =	sbarrier.arrive $0xFFFF  }
0x346: {  	_ =	shalt  }

</sc_bundles>
